<compile_context>
chip_gen: v7x
topology: tpu7x:2x2x1
jax: 0.10.2.dev20260603
libtpu: 0.0.44.dev20260713+nightly
codegen_flags: <defaults>
</compile_context>

<pallas_src>
import functools

import jax
import jax.numpy as jnp
from jax import lax
from jax.experimental import pallas as pl
from jax.experimental.pallas import tpu as pltpu
from jax.experimental.pallas import tpu_sc as plsc

N = 50000
NPAD = 51200
E = 800000
NW = 32
EP = 25600
EPAD = NW * EP
CH = 5120
CB = CH // 128
NCHUNK = EP // CH
SL = NPAD // 16
BN = 2048
NBLK = NPAD // BN
NR = 400
GB = 8
NG = NR // GB

_mesh = plsc.VectorSubcoreMesh(core_axis_name="c", subcore_axis_name="s")
_sc_params = pltpu.CompilerParams(needs_layout_passes=False)


def _edge_sweep(src_hbm, dst_hbm, wid, bufs, isems, fire, drain):
    def start(c, b):
        sb, db = bufs[b]
        h1 = pltpu.async_copy(
            src_hbm.at[wid, pl.ds(c * CB, CB), slice(None)], sb, isems[b])
        h2 = pltpu.async_copy(
            dst_hbm.at[wid, pl.ds(c * CB, CB), slice(None)], db, isems[b])
        return (h1, h2)

    pend = {0: start(0, 0)}
    for c in range(NCHUNK):
        b = c % 2
        if c + 1 < NCHUNK:
            if c >= 1:
                drain(1 - b)
            pend[1 - b] = start(c + 1, 1 - b)
        for h in pend.pop(b):
            h.wait()
        fire(b, *bufs[b])
    drain((NCHUNK - 2) % 2)
    drain((NCHUNK - 1) % 2)


def _rsqrt16(x):
    xi = plsc.bitcast(x, jnp.int32)
    yi = jnp.full((16,), 0x5F3759DF, jnp.int32) - lax.shift_right_arithmetic(
        xi, jnp.full((16,), 1, jnp.int32))
    y = plsc.bitcast(yi, jnp.float32)
    for _ in range(4):
        y = y * (1.5 - 0.5 * x * y * y)
    return y


@functools.partial(
    pl.kernel,
    mesh=_mesh,
    compiler_params=_sc_params,
    out_type=[jax.ShapeDtypeStruct((2, NPAD), jnp.float32)] * 2,
    scratch_types=[
        pltpu.VMEM((128,), jnp.float32),
        pltpu.VMEM((SL,), jnp.float32),
        pltpu.VMEM((CB, 128), jnp.int32),
        pltpu.VMEM((CB, 128), jnp.int32),
        pltpu.VMEM((CB, 128), jnp.int32),
        pltpu.VMEM((CB, 128), jnp.int32),
        pltpu.VMEM_SHARED((NPAD,), jnp.float32),
        pltpu.VMEM_SHARED((NPAD,), jnp.float32),
        pltpu.SemaphoreType.DMA,
        pltpu.SemaphoreType.DMA,
        pltpu.SemaphoreType.DMA,
        pltpu.SemaphoreType.DMA,
    ],
)
def _sc_bincount(src_hbm, dst_hbm, outo_hbm, outi_hbm, ones, zbuf,
                 src0, dst0, src1, dst1, acc_o, acc_i, sem0, sem1,
                 ssem0, ssem1):
    cid = lax.axis_index("c")
    sid = lax.axis_index("s")
    wid = cid * 16 + sid
    one16 = jnp.ones((16,), jnp.float32)
    z16 = jnp.zeros((16,), jnp.float32)

    for i in range(8):
        ones[pl.ds(i * 16, 16)] = one16

    def fill(i, carry):
        zbuf[pl.ds(i * 16, 16)] = z16
        return carry

    lax.fori_loop(0, SL // 16, fill, 0)
    pltpu.sync_copy(zbuf, acc_o.at[pl.ds(sid * SL, SL)])
    pltpu.sync_copy(zbuf, acc_i.at[pl.ds(sid * SL, SL)])
    plsc.subcore_barrier()

    ssems = (ssem0, ssem1)

    def fire(b, srcb, dstb):
        sem = ssems[b]

        def row(j, carry2):
            pltpu.async_copy(ones, acc_o.at[srcb.at[j]], sem, add=True)
            pltpu.async_copy(ones, acc_i.at[dstb.at[j]], sem, add=True)
            return carry2

        lax.fori_loop(0, CB, row, 0)

    def drain(b):
        sem = ssems[b]

        def row(j, carry2):
            pltpu.make_async_copy(outo_hbm.at[0, pl.ds(0, 128)], ones, sem).wait()
            pltpu.make_async_copy(outo_hbm.at[0, pl.ds(0, 128)], ones, sem).wait()
            return carry2

        lax.fori_loop(0, CB, row, 0)

    _edge_sweep(src_hbm, dst_hbm, wid, [(src0, dst0), (src1, dst1)],
                [sem0, sem1], fire, drain)
    plsc.subcore_barrier()

    @pl.when(sid == 0)
    def _out():
        pltpu.sync_copy(acc_o, outo_hbm.at[cid])
        pltpu.sync_copy(acc_i, outi_hbm.at[cid])


@functools.partial(
    pl.kernel,
    mesh=_mesh,
    compiler_params=_sc_params,
    out_type=jax.ShapeDtypeStruct((2, NPAD), jnp.float32),
    scratch_types=[
        pltpu.VMEM((NPAD,), jnp.float32),
        pltpu.VMEM((CB, 128), jnp.float32),
        pltpu.VMEM((CB, 128), jnp.float32),
        pltpu.VMEM((SL,), jnp.float32),
        pltpu.VMEM((SL,), jnp.float32),
        pltpu.VMEM((CB, 128), jnp.int32),
        pltpu.VMEM((CB, 128), jnp.int32),
        pltpu.VMEM((CB, 128), jnp.int32),
        pltpu.VMEM((CB, 128), jnp.int32),
        pltpu.VMEM_SHARED((NPAD,), jnp.float32),
        pltpu.VMEM_SHARED((NPAD,), jnp.float32),
        pltpu.SemaphoreType.DMA,
        pltpu.SemaphoreType.DMA,
        pltpu.SemaphoreType.DMA,
        pltpu.SemaphoreType.DMA,
    ],
)
def _sc_pass1(src_hbm, dst_hbm, degi_hbm, out_hbm, tabv, vals0, vals1,
              sb0, sb1, src0, dst0, src1, dst1, tab_sh, acc, sem0, sem1,
              ssem0, ssem1):
    cid = lax.axis_index("c")
    sid = lax.axis_index("s")
    wid = cid * 16 + sid
    base = sid * SL
    pltpu.sync_copy(degi_hbm.at[0, pl.ds(base, SL)], sb0)
    pltpu.sync_copy(degi_hbm.at[1, pl.ds(base, SL)], sb1)
    z16 = jnp.zeros((16,), jnp.float32)

    def prol(i, carry):
        d = jnp.maximum(sb0[pl.ds(i * 16, 16)] + sb1[pl.ds(i * 16, 16)], 1.0)
        sb0[pl.ds(i * 16, 16)] = _rsqrt16(d)
        sb1[pl.ds(i * 16, 16)] = z16
        return carry

    lax.fori_loop(0, SL // 16, prol, 0)
    pltpu.sync_copy(sb0, tab_sh.at[pl.ds(base, SL)])
    pltpu.sync_copy(sb1, acc.at[pl.ds(base, SL)])
    plsc.subcore_barrier()
    pltpu.sync_copy(tab_sh, tabv)

    ssems = (ssem0, ssem1)
    valsb2 = (vals0, vals1)

    def fire(b, srcb, dstb):
        valsb = valsb2[b]
        sem = ssems[b]

        def grp(i, carry2):
            r = i // 2
            half = (i % 2) * 64
            for k in range(4):
                off = half + k * 16
                do = dstb[r, pl.ds(off, 16)]
                valsb[r, pl.ds(off, 16)] = plsc.load_gather(tabv, [do])
            return carry2

        lax.fori_loop(0, CB * 2, grp, 0)

        def row(j, carry2):
            pltpu.async_copy(valsb.at[j], acc.at[srcb.at[j]], sem, add=True)
            return carry2

        lax.fori_loop(0, CB, row, 0)

    def drain(b):
        sem = ssems[b]

        def row(j, carry2):
            pltpu.make_async_copy(degi_hbm.at[0, pl.ds(0, 128)], vals0.at[0],
                                  sem).wait()
            return carry2

        lax.fori_loop(0, CB, row, 0)

    _edge_sweep(src_hbm, dst_hbm, wid, [(src0, dst0), (src1, dst1)],
                [sem0, sem1], fire, drain)
    plsc.subcore_barrier()

    @pl.when(sid == 0)
    def _out():
        pltpu.sync_copy(acc, out_hbm.at[cid])


@functools.partial(
    pl.kernel,
    mesh=_mesh,
    compiler_params=_sc_params,
    out_type=[jax.ShapeDtypeStruct((2, NPAD), jnp.float32),
              jax.ShapeDtypeStruct((NPAD,), jnp.float32),
              jax.ShapeDtypeStruct((NPAD,), jnp.float32)],
    scratch_types=[
        pltpu.VMEM((NPAD,), jnp.float32),
        pltpu.VMEM((CB, 128), jnp.float32),
        pltpu.VMEM((CB, 128), jnp.float32),
        pltpu.VMEM((SL,), jnp.float32),
        pltpu.VMEM((SL,), jnp.float32),
        pltpu.VMEM((SL,), jnp.float32),
        pltpu.VMEM((SL,), jnp.float32),
        pltpu.VMEM((SL,), jnp.float32),
        pltpu.VMEM((SL,), jnp.float32),
        pltpu.VMEM((CB, 128), jnp.int32),
        pltpu.VMEM((CB, 128), jnp.int32),
        pltpu.VMEM((CB, 128), jnp.int32),
        pltpu.VMEM((CB, 128), jnp.int32),
        pltpu.VMEM_SHARED((NPAD,), jnp.float32),
        pltpu.VMEM_SHARED((NPAD,), jnp.float32),
        pltpu.SemaphoreType.DMA,
        pltpu.SemaphoreType.DMA,
        pltpu.SemaphoreType.DMA,
        pltpu.SemaphoreType.DMA,
    ],
)
def _sc_pass2(src_hbm, dst_hbm, dego_hbm, degi_hbm, w_hbm, out_hbm, dd_hbm,
              v_hbm, tabv, vals0, vals1, bi0, bi1, bo0, bo1, bw0, bw1,
              src0, dst0, src1, dst1, tab_sh, acc, sem0, sem1,
              ssem0, ssem1):
    cid = lax.axis_index("c")
    sid = lax.axis_index("s")
    wid = cid * 16 + sid
    base = sid * SL
    pltpu.sync_copy(degi_hbm.at[0, pl.ds(base, SL)], bi0)
    pltpu.sync_copy(degi_hbm.at[1, pl.ds(base, SL)], bi1)
    pltpu.sync_copy(dego_hbm.at[0, pl.ds(base, SL)], bo0)
    pltpu.sync_copy(dego_hbm.at[1, pl.ds(base, SL)], bo1)
    pltpu.sync_copy(w_hbm.at[0, pl.ds(base, SL)], bw0)
    pltpu.sync_copy(w_hbm.at[1, pl.ds(base, SL)], bw1)
    z16 = jnp.zeros((16,), jnp.float32)

    def prol(i, carry):
        sl = pl.ds(i * 16, 16)
        a = _rsqrt16(jnp.maximum(bi0[sl] + bi1[sl], 1.0))
        d = _rsqrt16(jnp.maximum(bo0[sl] + bo1[sl], 1.0))
        v = d * (bw0[sl] + bw1[sl])
        bo0[sl] = d
        bw0[sl] = v
        bi0[sl] = v * a
        bi1[sl] = z16
        return carry

    lax.fori_loop(0, SL // 16, prol, 0)

    @pl.when(cid == 0)
    def _ddv_out():
        pltpu.sync_copy(bo0, dd_hbm.at[pl.ds(base, SL)])
        pltpu.sync_copy(bw0, v_hbm.at[pl.ds(base, SL)])

    pltpu.sync_copy(bi0, tab_sh.at[pl.ds(base, SL)])
    pltpu.sync_copy(bi1, acc.at[pl.ds(base, SL)])
    plsc.subcore_barrier()
    pltpu.sync_copy(tab_sh, tabv)

    ssems = (ssem0, ssem1)
    valsb2 = (vals0, vals1)

    def fire(b, srcb, dstb):
        valsb = valsb2[b]
        sem = ssems[b]

        def grp(i, carry2):
            r = i // 2
            half = (i % 2) * 64
            for k in range(4):
                off = half + k * 16
                do = dstb[r, pl.ds(off, 16)]
                valsb[r, pl.ds(off, 16)] = plsc.load_gather(tabv, [do])
            return carry2

        lax.fori_loop(0, CB * 2, grp, 0)

        def row(j, carry2):
            pltpu.async_copy(valsb.at[j], acc.at[srcb.at[j]], sem, add=True)
            return carry2

        lax.fori_loop(0, CB, row, 0)

    def drain(b):
        sem = ssems[b]

        def row(j, carry2):
            pltpu.make_async_copy(degi_hbm.at[0, pl.ds(0, 128)], vals0.at[0],
                                  sem).wait()
            return carry2

        lax.fori_loop(0, CB, row, 0)

    _edge_sweep(src_hbm, dst_hbm, wid, [(src0, dst0), (src1, dst1)],
                [sem0, sem1], fire, drain)
    plsc.subcore_barrier()

    @pl.when(sid == 0)
    def _out():
        pltpu.sync_copy(acc, out_hbm.at[cid])


def _tc_h0_body(x_ref, We, be, h0_ref):
    h0_ref[...] = jnp.maximum(
        jnp.dot(x_ref[...], We[...], preferred_element_type=jnp.float32,
                precision=lax.Precision.HIGHEST)
        + be[...], 0.0)


def _tc_main_body(h0_ref, t0, t1, ddr, vr, W1r, b1r, W2r, b2r,
                  Wcr, bcr, out_ref, zacc, svacc):
    i = pl.program_id(0)

    @pl.when(i == 0)
    def _init():
        zacc[...] = jnp.zeros_like(zacc)
        svacc[0] = 0.0

    idx = i * BN + lax.broadcasted_iota(jnp.int32, (1, BN), 1)
    m = (idx < N).astype(jnp.float32)
    u = ddr[0] * (t0[0] + t1[0]) * m
    svacc[0] += jnp.sum(vr[0] * m)
    zacc[...] += jnp.dot(u, h0_ref[...], preferred_element_type=jnp.float32,
                         precision=lax.Precision.HIGHEST)

    @pl.when(i == NBLK - 1)
    def _fin():
        z0 = zacc[...]
        sv = svacc[0]
        z1 = jnp.dot(z0, W1r[...], preferred_element_type=jnp.float32) \
            + sv * b1r[...]
        pooled = jnp.dot(z1, W2r[...], preferred_element_type=jnp.float32) \
            * (1.0 / N) + b2r[...]
        out_ref[...] = jnp.dot(pooled, Wcr[...],
                               preferred_element_type=jnp.float32) + bcr[...]


def kernel(x, edge_index, W_ext, b_ext, W1, b1, W2, b2, Wc, bc):
    src = edge_index[0].astype(jnp.int32)
    dst = edge_index[1].astype(jnp.int32)
    padi = jnp.full((EPAD - E,), N, dtype=jnp.int32)
    srcp = jnp.concatenate([src, padi]).reshape(NW, EP // 128, 128)
    dstp = jnp.concatenate([dst, padi]).reshape(NW, EP // 128, 128)

    x_pad = jnp.concatenate(
        [x, jnp.zeros((NPAD - N, x.shape[1]), x.dtype)], axis=0)
    full = lambda shp: pl.BlockSpec(shp, lambda i: tuple(0 for _ in shp))
    h0 = pl.pallas_call(
        _tc_h0_body,
        grid=(NBLK,),
        in_specs=[pl.BlockSpec((BN, 128), lambda i: (i, 0)),
                  full((128, 100)), full((1, 100))],
        out_specs=pl.BlockSpec((BN, 100), lambda i: (i, 0)),
        out_shape=jax.ShapeDtypeStruct((NPAD, 100), jnp.float32),
    )(x_pad, W_ext, b_ext.reshape(1, 100))

    dego, degi = _sc_bincount(srcp, dstp)
    w = _sc_pass1(srcp, dstp, degi)
    t, dd, v = _sc_pass2(srcp, dstp, dego, degi, w)

    row = pl.BlockSpec((1, 1, BN), lambda i: (i, 0, 0))
    out = pl.pallas_call(
        _tc_main_body,
        grid=(NBLK,),
        in_specs=[
            pl.BlockSpec((BN, 100), lambda i: (i, 0)),
            row, row,
            row, row,
            full((100, 100)), full((1, 100)),
            full((100, 200)), full((1, 200)),
            full((200, 55)), full((1, 55)),
        ],
        out_specs=full((1, 55)),
        out_shape=jax.ShapeDtypeStruct((1, 55), jnp.float32),
        scratch_shapes=[pltpu.VMEM((1, 100), jnp.float32),
                        pltpu.SMEM((1,), jnp.float32)],
    )(
        h0,
        t[0].reshape(NBLK, 1, BN), t[1].reshape(NBLK, 1, BN),
        dd.reshape(NBLK, 1, BN), v.reshape(NBLK, 1, BN),
        W1, b1.reshape(1, 100),
        W2, b2.reshape(1, 200),
        Wc, bc.reshape(1, 55),
    )
    return out

# --- scband reference (transcript-rebuilt; emitter-appended) ---
"""Pipeline reference for scband-app-classifier-22471268893055 (READ-ONLY COPY).

The authoritative reference and input builder live on the scoring server;
editing this copy changes nothing except your own understanding.
"""

import jax, jax.numpy as jnp
import numpy as np

N = 50000
E = 800000
D_RAW = 128
LAT = 100


def setup_inputs(seed: int = 0) -> dict:
    key = jax.random.key(seed)
    ks = jax.random.split(key, 12)
    x = jax.random.normal(ks[0], (N, D_RAW), dtype=jnp.float32)
    edge_index = jax.random.randint(ks[1], (2, E), 0, N, dtype=jnp.int64)
    # Extractor approximated as Linear(D_RAW -> LAT) + ReLU
    W_ext = jax.random.normal(ks[2], (D_RAW, LAT), dtype=jnp.float32) * 0.05
    b_ext = jnp.zeros((LAT,), dtype=jnp.float32)
    # GCN layer 0: in=100*int(1.6**0)=100, out=100*int(1.6**1)=100
    W1 = jax.random.normal(ks[3], (100, 100), dtype=jnp.float32) * 0.05
    b1 = jnp.zeros((100,), dtype=jnp.float32)
    # GCN layer 1: in=100*int(1.6**1)=100, out=100*int(1.6**2)=200
    W2 = jax.random.normal(ks[4], (100, 200), dtype=jnp.float32) * 0.05
    b2 = jnp.zeros((200,), dtype=jnp.float32)
    # classifier: 200 -> 55
    Wc = jax.random.normal(ks[5], (200, 55), dtype=jnp.float32) * 0.05
    bc = jnp.zeros((55,), dtype=jnp.float32)
    return {"x": x, "edge_index": edge_index, "W_ext": W_ext, "b_ext": b_ext,
            "W1": W1, "b1": b1, "W2": W2, "b2": b2, "Wc": Wc, "bc": bc}


def _gcn_layer(h, src, dst, W, b, n_nodes):
    # DGL GraphConv with norm='both': D^{-1/2} A D^{-1/2} X W + b
    deg_out = jnp.bincount(src, length=n_nodes).astype(jnp.float32)
    deg_in = jnp.bincount(dst, length=n_nodes).astype(jnp.float32)
    deg_out = jnp.clip(deg_out, 1.0, None)
    deg_in = jnp.clip(deg_in, 1.0, None)
    hn = h * (deg_out ** -0.5)[:, None]
    msg = jnp.take(hn, src, axis=0)  # gather over edges
    agg = jnp.zeros((n_nodes, h.shape[1]), dtype=h.dtype).at[dst].add(msg)  # scatter-add
    agg = agg * (deg_in ** -0.5)[:, None]
    return agg @ W + b


def reference(x, edge_index, W_ext, b_ext, W1, b1, W2, b2, Wc, bc):
    src = edge_index[0]
    dst = edge_index[1]
    # Extractor (approximated): raw fsnet features -> latent_feature_length
    h = jax.nn.relu(x @ W_ext + b_ext)
    h = _gcn_layer(h, src, dst, W1, b1, N)
    h = _gcn_layer(h, src, dst, W2, b2, N)
    # dgl.mean_nodes on a single graph: mean over all nodes
    pooled = jnp.mean(h, axis=0, keepdims=True)
    return pooled @ Wc + bc

if __name__ == "__main__":
    import jax
    _d = setup_inputs()
    print(jax.jit(kernel)(*tuple(_d.values())))

</pallas_src>

<mosaic_0001>
#map = affine_map<(d0, d1) -> (0, 0, 0)>
#map1 = affine_map<(d0, d1) -> (0, 0)>
module attributes {stable_mosaic.version = 14 : i64} {
  func.func @_sc_pass1(%arg0: i32, %arg1: i32, %arg2: memref<32x200x128xi32, #tpu.memory_space<hbm>>, %arg3: memref<32x200x128xi32, #tpu.memory_space<hbm>>, %arg4: memref<2x51200xf32, #tpu.memory_space<hbm>>, %arg5: memref<2x51200xf32, #tpu.memory_space<hbm>>, %arg6: memref<51200xf32, #tpu.memory_space<vmem>>, %arg7: memref<40x128xf32, #tpu.memory_space<vmem>>, %arg8: memref<40x128xf32, #tpu.memory_space<vmem>>, %arg9: memref<3200xf32, #tpu.memory_space<vmem>>, %arg10: memref<3200xf32, #tpu.memory_space<vmem>>, %arg11: memref<40x128xi32, #tpu.memory_space<vmem>>, %arg12: memref<40x128xi32, #tpu.memory_space<vmem>>, %arg13: memref<40x128xi32, #tpu.memory_space<vmem>>, %arg14: memref<40x128xi32, #tpu.memory_space<vmem>>, %arg15: memref<51200xf32, #tpu.memory_space<vmem_shared>>, %arg16: memref<51200xf32, #tpu.memory_space<vmem_shared>>, %arg17: memref<!tpu.dma_semaphore, #tpu.memory_space<semaphore_mem>>, %arg18: memref<!tpu.dma_semaphore, #tpu.memory_space<semaphore_mem>>, %arg19: memref<!tpu.dma_semaphore, #tpu.memory_space<semaphore_mem>>, %arg20: memref<!tpu.dma_semaphore, #tpu.memory_space<semaphore_mem>>) attributes {dimension_semantics = [#tpu.dimension_semantics<core_parallel>, #tpu.dimension_semantics<subcore_parallel>], iteration_bounds = array<i64: 2, 16>, scalar_prefetch = 0 : i64, scratch_operands = 15 : i64, tpu.core_type = #tpu.core_type<sc_vector_subcore>, window_params = [{transform_indices = #map}, {transform_indices = #map}, {transform_indices = #map1}, {transform_indices = #map1}]} {
    %mul3A = arith.constant 16 : i32
    %mul3A_0 = arith.muli %arg0, %mul3A : i32
    %add3A = arith.addi %mul3A_0, %arg1 : i32
    %mul3A_1 = arith.constant 3200 : i32
    %mul3A_2 = arith.muli %arg1, %mul3A_1 : i32
    %run_scoped3A = arith.constant 0 : i32
    "tpu.region"() ({
      %run_scoped3A_261 = tpu.sem_alloc : memref<!tpu.dma_semaphore, #tpu.memory_space<semaphore_mem>>
      %dma_start3A_262 = tpu.memref_slice %arg4[%run_scoped3A, %mul3A_2] : memref<2x51200xf32, #tpu.memory_space<hbm>> -> memref<1x3200xf32, #tpu.memory_space<hbm>>
      %dma_start3A_263 = tpu.memref_squeeze %dma_start3A_262 : memref<1x3200xf32, #tpu.memory_space<hbm>> -> memref<3200xf32, #tpu.memory_space<hbm>>
      %dma_start3A_264 = tpu.memref_slice %arg4[%run_scoped3A, %mul3A_2] : memref<2x51200xf32, #tpu.memory_space<hbm>> -> memref<1x3200xf32, #tpu.memory_space<hbm>>
      %dma_start3A_265 = tpu.memref_squeeze %dma_start3A_264 : memref<1x3200xf32, #tpu.memory_space<hbm>> -> memref<3200xf32, #tpu.memory_space<hbm>>
      tpu.enqueue_dma source(%dma_start3A_265 : memref<3200xf32, #tpu.memory_space<hbm>>) target(%arg9 : memref<3200xf32, #tpu.memory_space<vmem>>) target_semaphore(%run_scoped3A_261 : memref<!tpu.dma_semaphore, #tpu.memory_space<semaphore_mem>>)
      %dma_wait3A_266 = tpu.memref_slice %arg4[%run_scoped3A, %mul3A_2] : memref<2x51200xf32, #tpu.memory_space<hbm>> -> memref<1x3200xf32, #tpu.memory_space<hbm>>
      %dma_wait3A_267 = tpu.memref_squeeze %dma_wait3A_266 : memref<1x3200xf32, #tpu.memory_space<hbm>> -> memref<3200xf32, #tpu.memory_space<hbm>>
      %dma_wait3A_268 = tpu.memref_slice %arg4[%run_scoped3A, %mul3A_2] : memref<2x51200xf32, #tpu.memory_space<hbm>> -> memref<1x3200xf32, #tpu.memory_space<hbm>>
      %dma_wait3A_269 = tpu.memref_squeeze %dma_wait3A_268 : memref<1x3200xf32, #tpu.memory_space<hbm>> -> memref<3200xf32, #tpu.memory_space<hbm>>
      tpu.wait_dma2 semaphore(%run_scoped3A_261 : memref<!tpu.dma_semaphore, #tpu.memory_space<semaphore_mem>>) src(%dma_wait3A_269 : memref<3200xf32, #tpu.memory_space<hbm>>) dst(%arg9 : memref<3200xf32, #tpu.memory_space<vmem>>)
      tpu.yield
    }) : () -> ()
    %run_scoped3A_3 = arith.constant 1 : i32
    "tpu.region"() ({
      %run_scoped3A_261 = tpu.sem_alloc : memref<!tpu.dma_semaphore, #tpu.memory_space<semaphore_mem>>
      %dma_start3A_262 = tpu.memref_slice %arg4[%run_scoped3A_3, %mul3A_2] : memref<2x51200xf32, #tpu.memory_space<hbm>> -> memref<1x3200xf32, #tpu.memory_space<hbm>>
      %dma_start3A_263 = tpu.memref_squeeze %dma_start3A_262 : memref<1x3200xf32, #tpu.memory_space<hbm>> -> memref<3200xf32, #tpu.memory_space<hbm>>
      %dma_start3A_264 = tpu.memref_slice %arg4[%run_scoped3A_3, %mul3A_2] : memref<2x51200xf32, #tpu.memory_space<hbm>> -> memref<1x3200xf32, #tpu.memory_space<hbm>>
      %dma_start3A_265 = tpu.memref_squeeze %dma_start3A_264 : memref<1x3200xf32, #tpu.memory_space<hbm>> -> memref<3200xf32, #tpu.memory_space<hbm>>
      tpu.enqueue_dma source(%dma_start3A_265 : memref<3200xf32, #tpu.memory_space<hbm>>) target(%arg10 : memref<3200xf32, #tpu.memory_space<vmem>>) target_semaphore(%run_scoped3A_261 : memref<!tpu.dma_semaphore, #tpu.memory_space<semaphore_mem>>)
      %dma_wait3A_266 = tpu.memref_slice %arg4[%run_scoped3A_3, %mul3A_2] : memref<2x51200xf32, #tpu.memory_space<hbm>> -> memref<1x3200xf32, #tpu.memory_space<hbm>>
      %dma_wait3A_267 = tpu.memref_squeeze %dma_wait3A_266 : memref<1x3200xf32, #tpu.memory_space<hbm>> -> memref<3200xf32, #tpu.memory_space<hbm>>
      %dma_wait3A_268 = tpu.memref_slice %arg4[%run_scoped3A_3, %mul3A_2] : memref<2x51200xf32, #tpu.memory_space<hbm>> -> memref<1x3200xf32, #tpu.memory_space<hbm>>
      %dma_wait3A_269 = tpu.memref_squeeze %dma_wait3A_268 : memref<1x3200xf32, #tpu.memory_space<hbm>> -> memref<3200xf32, #tpu.memory_space<hbm>>
      tpu.wait_dma2 semaphore(%run_scoped3A_261 : memref<!tpu.dma_semaphore, #tpu.memory_space<semaphore_mem>>) src(%dma_wait3A_269 : memref<3200xf32, #tpu.memory_space<hbm>>) dst(%arg10 : memref<3200xf32, #tpu.memory_space<vmem>>)
      tpu.yield
    }) : () -> ()
    %broadcast_in_dim3A = arith.constant 0.000000e+00 : f32
    %broadcast_in_dim3A_4 = vector.broadcast %broadcast_in_dim3A : f32 to vector<16xf32>
    %scan3A = arith.constant 0 : i32
    %scan3A_5 = arith.constant 0 : i32
    %scan3A_6 = arith.constant 200 : i32
    %scan3A_7 = arith.addi %scan3A_5, %scan3A_6 : i32
    %scan3A_8 = arith.constant 1 : i32
    scf.for %scan3A_261 = %scan3A_5 to %scan3A_7 step %scan3A_8  : i32 {
      %mul3A_262 = arith.constant 16 : i32
      %mul3A_263 = arith.muli %scan3A_261, %mul3A_262 : i32
      %get3A = arith.index_cast %mul3A_263 : i32 to index
      %get3A_264 = tpu.vector_load %arg9[%get3A] {strides = array<i32>} : memref<3200xf32, #tpu.memory_space<vmem>>, vector<16xf32>,
      %mul3A_265 = arith.constant 16 : i32
      %mul3A_266 = arith.muli %scan3A_261, %mul3A_265 : i32
      %get3A_267 = arith.index_cast %mul3A_266 : i32 to index
      %get3A_268 = tpu.vector_load %arg10[%get3A_267] {strides = array<i32>} : memref<3200xf32, #tpu.memory_space<vmem>>, vector<16xf32>,
      %add3A_269 = arith.addf %get3A_264, %get3A_268 : vector<16xf32>
      %max3A = arith.constant 1.000000e+00 : f32
      %max3A_270 = vector.broadcast %max3A : f32 to vector<16xf32>
      %max3A_271 = arith.maximumf %add3A_269, %max3A_270 : vector<16xf32>
      %bitcast3A = vector.bitcast %max3A_271 : vector<16xf32> to vector<16xi32>
      %broadcast_in_dim3A_272 = arith.constant 1597463007 : i32
      %broadcast_in_dim3A_273 = vector.broadcast %broadcast_in_dim3A_272 : i32 to vector<16xi32>
      %broadcast_in_dim3A_274 = arith.constant 1 : i32
      %broadcast_in_dim3A_275 = vector.broadcast %broadcast_in_dim3A_274 : i32 to vector<16xi32>
      %shift_right_arithmetic3A = arith.shrsi %bitcast3A, %broadcast_in_dim3A_275 : vector<16xi32>
      %sub3A = arith.subi %broadcast_in_dim3A_273, %shift_right_arithmetic3A : vector<16xi32>
      %bitcast3A_276 = vector.bitcast %sub3A : vector<16xi32> to vector<16xf32>
      %mul3A_277 = arith.constant 5.000000e-01 : f32
      %mul3A_278 = vector.broadcast %mul3A_277 : f32 to vector<16xf32>
      %mul3A_279 = arith.mulf %mul3A_278, %max3A_271 : vector<16xf32>
      %mul3A_280 = arith.mulf %mul3A_279, %bitcast3A_276 : vector<16xf32>
      %mul3A_281 = arith.mulf %mul3A_280, %bitcast3A_276 : vector<16xf32>
      %sub3A_282 = arith.constant 1.500000e+00 : f32
      %sub3A_283 = vector.broadcast %sub3A_282 : f32 to vector<16xf32>
      %sub3A_284 = arith.subf %sub3A_283, %mul3A_281 : vector<16xf32>
      %mul3A_285 = arith.mulf %bitcast3A_276, %sub3A_284 : vector<16xf32>
      %mul3A_286 = arith.constant 5.000000e-01 : f32
      %mul3A_287 = vector.broadcast %mul3A_286 : f32 to vector<16xf32>
      %mul3A_288 = arith.mulf %mul3A_287, %max3A_271 : vector<16xf32>
      %mul3A_289 = arith.mulf %mul3A_288, %mul3A_285 : vector<16xf32>
      %mul3A_290 = arith.mulf %mul3A_289, %mul3A_285 : vector<16xf32>
      %sub3A_291 = arith.constant 1.500000e+00 : f32
      %sub3A_292 = vector.broadcast %sub3A_291 : f32 to vector<16xf32>
      %sub3A_293 = arith.subf %sub3A_292, %mul3A_290 : vector<16xf32>
      %mul3A_294 = arith.mulf %mul3A_285, %sub3A_293 : vector<16xf32>
      %mul3A_295 = arith.constant 5.000000e-01 : f32
      %mul3A_296 = vector.broadcast %mul3A_295 : f32 to vector<16xf32>
      %mul3A_297 = arith.mulf %mul3A_296, %max3A_271 : vector<16xf32>
      %mul3A_298 = arith.mulf %mul3A_297, %mul3A_294 : vector<16xf32>
      %mul3A_299 = arith.mulf %mul3A_298, %mul3A_294 : vector<16xf32>
      %sub3A_300 = arith.constant 1.500000e+00 : f32
      %sub3A_301 = vector.broadcast %sub3A_300 : f32 to vector<16xf32>
      %sub3A_302 = arith.subf %sub3A_301, %mul3A_299 : vector<16xf32>
      %mul3A_303 = arith.mulf %mul3A_294, %sub3A_302 : vector<16xf32>
      %mul3A_304 = arith.constant 5.000000e-01 : f32
      %mul3A_305 = vector.broadcast %mul3A_304 : f32 to vector<16xf32>
      %mul3A_306 = arith.mulf %mul3A_305, %max3A_271 : vector<16xf32>
      %mul3A_307 = arith.mulf %mul3A_306, %mul3A_303 : vector<16xf32>
      %mul3A_308 = arith.mulf %mul3A_307, %mul3A_303 : vector<16xf32>
      %sub3A_309 = arith.constant 1.500000e+00 : f32
      %sub3A_310 = vector.broadcast %sub3A_309 : f32 to vector<16xf32>
      %sub3A_311 = arith.subf %sub3A_310, %mul3A_308 : vector<16xf32>
      %mul3A_312 = arith.mulf %mul3A_303, %sub3A_311 : vector<16xf32>
      %mul3A_313 = arith.constant 16 : i32
      %mul3A_314 = arith.muli %scan3A_261, %mul3A_313 : i32
      %swap3A = arith.index_cast %mul3A_314 : i32 to index
      %swap3A_315 = tpu.vector_load %arg9[%swap3A] {strides = array<i32>} : memref<3200xf32, #tpu.memory_space<vmem>>, vector<16xf32>,
      tpu.vector_store %arg9[%swap3A], %mul3A_312 {strides = array<i32>} : memref<3200xf32, #tpu.memory_space<vmem>>, vector<16xf32>,
      %mul3A_316 = arith.constant 16 : i32
      %mul3A_317 = arith.muli %scan3A_261, %mul3A_316 : i32
      %swap3A_318 = arith.index_cast %mul3A_317 : i32 to index
      %swap3A_319 = tpu.vector_load %arg10[%swap3A_318] {strides = array<i32>} : memref<3200xf32, #tpu.memory_space<vmem>>, vector<16xf32>,
      tpu.vector_store %arg10[%swap3A_318], %broadcast_in_dim3A_4 {strides = array<i32>} : memref<3200xf32, #tpu.memory_space<vmem>>, vector<16xf32>,
    }
    %scan3A_9 = arith.constant 200 : i32
    "tpu.region"() ({
      %run_scoped3A_261 = tpu.sem_alloc : memref<!tpu.dma_semaphore, #tpu.memory_space<semaphore_mem>>
      %dma_start3A_262 = tpu.memref_slice %arg15[%mul3A_2] : memref<51200xf32, #tpu.memory_space<vmem_shared>> -> memref<3200xf32, #tpu.memory_space<vmem_shared>>
      %dma_start3A_263 = tpu.memref_slice %arg15[%mul3A_2] : memref<51200xf32, #tpu.memory_space<vmem_shared>> -> memref<3200xf32, #tpu.memory_space<vmem_shared>>
      tpu.enqueue_dma source(%arg9 : memref<3200xf32, #tpu.memory_space<vmem>>) target(%dma_start3A_263 : memref<3200xf32, #tpu.memory_space<vmem_shared>>) target_semaphore(%run_scoped3A_261 : memref<!tpu.dma_semaphore, #tpu.memory_space<semaphore_mem>>)
      %dma_wait3A_264 = tpu.memref_slice %arg15[%mul3A_2] : memref<51200xf32, #tpu.memory_space<vmem_shared>> -> memref<3200xf32, #tpu.memory_space<vmem_shared>>
      %dma_wait3A_265 = tpu.memref_slice %arg15[%mul3A_2] : memref<51200xf32, #tpu.memory_space<vmem_shared>> -> memref<3200xf32, #tpu.memory_space<vmem_shared>>
      tpu.wait_dma2 semaphore(%run_scoped3A_261 : memref<!tpu.dma_semaphore, #tpu.memory_space<semaphore_mem>>) src(%arg9 : memref<3200xf32, #tpu.memory_space<vmem>>) dst(%dma_wait3A_265 : memref<3200xf32, #tpu.memory_space<vmem_shared>>)
      tpu.yield
    }) : () -> ()
    "tpu.region"() ({
      %run_scoped3A_261 = tpu.sem_alloc : memref<!tpu.dma_semaphore, #tpu.memory_space<semaphore_mem>>
      %dma_start3A_262 = tpu.memref_slice %arg16[%mul3A_2] : memref<51200xf32, #tpu.memory_space<vmem_shared>> -> memref<3200xf32, #tpu.memory_space<vmem_shared>>
      %dma_start3A_263 = tpu.memref_slice %arg16[%mul3A_2] : memref<51200xf32, #tpu.memory_space<vmem_shared>> -> memref<3200xf32, #tpu.memory_space<vmem_shared>>
      tpu.enqueue_dma source(%arg10 : memref<3200xf32, #tpu.memory_space<vmem>>) target(%dma_start3A_263 : memref<3200xf32, #tpu.memory_space<vmem_shared>>) target_semaphore(%run_scoped3A_261 : memref<!tpu.dma_semaphore, #tpu.memory_space<semaphore_mem>>)
      %dma_wait3A_264 = tpu.memref_slice %arg16[%mul3A_2] : memref<51200xf32, #tpu.memory_space<vmem_shared>> -> memref<3200xf32, #tpu.memory_space<vmem_shared>>
      %dma_wait3A_265 = tpu.memref_slice %arg16[%mul3A_2] : memref<51200xf32, #tpu.memory_space<vmem_shared>> -> memref<3200xf32, #tpu.memory_space<vmem_shared>>
      tpu.wait_dma2 semaphore(%run_scoped3A_261 : memref<!tpu.dma_semaphore, #tpu.memory_space<semaphore_mem>>) src(%arg10 : memref<3200xf32, #tpu.memory_space<vmem>>) dst(%dma_wait3A_265 : memref<3200xf32, #tpu.memory_space<vmem_shared>>)
      tpu.yield
    }) : () -> ()
    %barrier3A = arith.constant 0 : index
    tpu.barrier barrier_id(%barrier3A)
    "tpu.region"() ({
      %run_scoped3A_261 = tpu.sem_alloc : memref<!tpu.dma_semaphore, #tpu.memory_space<semaphore_mem>>
      tpu.enqueue_dma source(%arg15 : memref<51200xf32, #tpu.memory_space<vmem_shared>>) target(%arg6 : memref<51200xf32, #tpu.memory_space<vmem>>) target_semaphore(%run_scoped3A_261 : memref<!tpu.dma_semaphore, #tpu.memory_space<semaphore_mem>>)
      tpu.wait_dma2 semaphore(%run_scoped3A_261 : memref<!tpu.dma_semaphore, #tpu.memory_space<semaphore_mem>>) src(%arg15 : memref<51200xf32, #tpu.memory_space<vmem_shared>>) dst(%arg6 : memref<51200xf32, #tpu.memory_space<vmem>>)
      tpu.yield
    }) : () -> ()
    %dma_start3A = arith.constant 0 : i32
    %dma_start3A_10 = arith.constant 0 : i32
    %dma_start3A_11 = tpu.memref_slice %arg2[%add3A, %dma_start3A, %dma_start3A_10] : memref<32x200x128xi32, #tpu.memory_space<hbm>> -> memref<1x40x128xi32, #tpu.memory_space<hbm>>
    %dma_start3A_12 = tpu.memref_squeeze %dma_start3A_11 : memref<1x40x128xi32, #tpu.memory_space<hbm>> -> memref<40x128xi32, #tpu.memory_space<hbm>>
    %dma_start3A_13 = arith.constant 0 : i32
    %dma_start3A_14 = arith.constant 0 : i32
    %dma_start3A_15 = tpu.memref_slice %arg2[%add3A, %dma_start3A_13, %dma_start3A_14] : memref<32x200x128xi32, #tpu.memory_space<hbm>> -> memref<1x40x128xi32, #tpu.memory_space<hbm>>
    %dma_start3A_16 = tpu.memref_squeeze %dma_start3A_15 : memref<1x40x128xi32, #tpu.memory_space<hbm>> -> memref<40x128xi32, #tpu.memory_space<hbm>>
    tpu.enqueue_dma source(%dma_start3A_16 : memref<40x128xi32, #tpu.memory_space<hbm>>) target(%arg11 : memref<40x128xi32, #tpu.memory_space<vmem>>) target_semaphore(%arg17 : memref<!tpu.dma_semaphore, #tpu.memory_space<semaphore_mem>>)
    %dma_start3A_17 = arith.constant 0 : i32
    %dma_start3A_18 = arith.constant 0 : i32
    %dma_start3A_19 = tpu.memref_slice %arg3[%add3A, %dma_start3A_17, %dma_start3A_18] : memref<32x200x128xi32, #tpu.memory_space<hbm>> -> memref<1x40x128xi32, #tpu.memory_space<hbm>>
    %dma_start3A_20 = tpu.memref_squeeze %dma_start3A_19 : memref<1x40x128xi32, #tpu.memory_space<hbm>> -> memref<40x128xi32, #tpu.memory_space<hbm>>
    %dma_start3A_21 = arith.constant 0 : i32
    %dma_start3A_22 = arith.constant 0 : i32
    %dma_start3A_23 = tpu.memref_slice %arg3[%add3A, %dma_start3A_21, %dma_start3A_22] : memref<32x200x128xi32, #tpu.memory_space<hbm>> -> memref<1x40x128xi32, #tpu.memory_space<hbm>>
    %dma_start3A_24 = tpu.memref_squeeze %dma_start3A_23 : memref<1x40x128xi32, #tpu.memory_space<hbm>> -> memref<40x128xi32, #tpu.memory_space<hbm>>
    tpu.enqueue_dma source(%dma_start3A_24 : memref<40x128xi32, #tpu.memory_space<hbm>>) target(%arg12 : memref<40x128xi32, #tpu.memory_space<vmem>>) target_semaphore(%arg17 : memref<!tpu.dma_semaphore, #tpu.memory_space<semaphore_mem>>)
    %dma_start3A_25 = arith.constant 40 : i32
    %dma_start3A_26 = arith.constant 0 : i32
    %dma_start3A_27 = tpu.memref_slice %arg2[%add3A, %dma_start3A_25, %dma_start3A_26] : memref<32x200x128xi32, #tpu.memory_space<hbm>> -> memref<1x40x128xi32, #tpu.memory_space<hbm>>
    %dma_start3A_28 = tpu.memref_squeeze %dma_start3A_27 : memref<1x40x128xi32, #tpu.memory_space<hbm>> -> memref<40x128xi32, #tpu.memory_space<hbm>>
    %dma_start3A_29 = arith.constant 40 : i32
    %dma_start3A_30 = arith.constant 0 : i32
    %dma_start3A_31 = tpu.memref_slice %arg2[%add3A, %dma_start3A_29, %dma_start3A_30] : memref<32x200x128xi32, #tpu.memory_space<hbm>> -> memref<1x40x128xi32, #tpu.memory_space<hbm>>
    %dma_start3A_32 = tpu.memref_squeeze %dma_start3A_31 : memref<1x40x128xi32, #tpu.memory_space<hbm>> -> memref<40x128xi32, #tpu.memory_space<hbm>>
    tpu.enqueue_dma source(%dma_start3A_32 : memref<40x128xi32, #tpu.memory_space<hbm>>) target(%arg13 : memref<40x128xi32, #tpu.memory_space<vmem>>) target_semaphore(%arg18 : memref<!tpu.dma_semaphore, #tpu.memory_space<semaphore_mem>>)
    %dma_start3A_33 = arith.constant 40 : i32
    %dma_start3A_34 = arith.constant 0 : i32
    %dma_start3A_35 = tpu.memref_slice %arg3[%add3A, %dma_start3A_33, %dma_start3A_34] : memref<32x200x128xi32, #tpu.memory_space<hbm>> -> memref<1x40x128xi32, #tpu.memory_space<hbm>>
    %dma_start3A_36 = tpu.memref_squeeze %dma_start3A_35 : memref<1x40x128xi32, #tpu.memory_space<hbm>> -> memref<40x128xi32, #tpu.memory_space<hbm>>
    %dma_start3A_37 = arith.constant 40 : i32
    %dma_start3A_38 = arith.constant 0 : i32
    %dma_start3A_39 = tpu.memref_slice %arg3[%add3A, %dma_start3A_37, %dma_start3A_38] : memref<32x200x128xi32, #tpu.memory_space<hbm>> -> memref<1x40x128xi32, #tpu.memory_space<hbm>>
    %dma_start3A_40 = tpu.memref_squeeze %dma_start3A_39 : memref<1x40x128xi32, #tpu.memory_space<hbm>> -> memref<40x128xi32, #tpu.memory_space<hbm>>
    tpu.enqueue_dma source(%dma_start3A_40 : memref<40x128xi32, #tpu.memory_space<hbm>>) target(%arg14 : memref<40x128xi32, #tpu.memory_space<vmem>>) target_semaphore(%arg18 : memref<!tpu.dma_semaphore, #tpu.memory_space<semaphore_mem>>)
    %dma_wait3A = arith.constant 0 : i32
    %dma_wait3A_41 = arith.constant 0 : i32
    %dma_wait3A_42 = tpu.memref_slice %arg2[%add3A, %dma_wait3A, %dma_wait3A_41] : memref<32x200x128xi32, #tpu.memory_space<hbm>> -> memref<1x40x128xi32, #tpu.memory_space<hbm>>
    %dma_wait3A_43 = tpu.memref_squeeze %dma_wait3A_42 : memref<1x40x128xi32, #tpu.memory_space<hbm>> -> memref<40x128xi32, #tpu.memory_space<hbm>>
    %dma_wait3A_44 = arith.constant 0 : i32
    %dma_wait3A_45 = arith.constant 0 : i32
    %dma_wait3A_46 = tpu.memref_slice %arg2[%add3A, %dma_wait3A_44, %dma_wait3A_45] : memref<32x200x128xi32, #tpu.memory_space<hbm>> -> memref<1x40x128xi32, #tpu.memory_space<hbm>>
    %dma_wait3A_47 = tpu.memref_squeeze %dma_wait3A_46 : memref<1x40x128xi32, #tpu.memory_space<hbm>> -> memref<40x128xi32, #tpu.memory_space<hbm>>
    tpu.wait_dma2 semaphore(%arg17 : memref<!tpu.dma_semaphore, #tpu.memory_space<semaphore_mem>>) src(%dma_wait3A_47 : memref<40x128xi32, #tpu.memory_space<hbm>>) dst(%arg11 : memref<40x128xi32, #tpu.memory_space<vmem>>)
    %dma_wait3A_48 = arith.constant 0 : i32
    %dma_wait3A_49 = arith.constant 0 : i32
    %dma_wait3A_50 = tpu.memref_slice %arg3[%add3A, %dma_wait3A_48, %dma_wait3A_49] : memref<32x200x128xi32, #tpu.memory_space<hbm>> -> memref<1x40x128xi32, #tpu.memory_space<hbm>>
    %dma_wait3A_51 = tpu.memref_squeeze %dma_wait3A_50 : memref<1x40x128xi32, #tpu.memory_space<hbm>> -> memref<40x128xi32, #tpu.memory_space<hbm>>
    %dma_wait3A_52 = arith.constant 0 : i32
    %dma_wait3A_53 = arith.constant 0 : i32
    %dma_wait3A_54 = tpu.memref_slice %arg3[%add3A, %dma_wait3A_52, %dma_wait3A_53] : memref<32x200x128xi32, #tpu.memory_space<hbm>> -> memref<1x40x128xi32, #tpu.memory_space<hbm>>
    %dma_wait3A_55 = tpu.memref_squeeze %dma_wait3A_54 : memref<1x40x128xi32, #tpu.memory_space<hbm>> -> memref<40x128xi32, #tpu.memory_space<hbm>>
    tpu.wait_dma2 semaphore(%arg17 : memref<!tpu.dma_semaphore, #tpu.memory_space<semaphore_mem>>) src(%dma_wait3A_55 : memref<40x128xi32, #tpu.memory_space<hbm>>) dst(%arg12 : memref<40x128xi32, #tpu.memory_space<vmem>>)
    %scan3A_56 = arith.constant 0 : i32
    %scan3A_57 = arith.constant 0 : i32
    %scan3A_58 = arith.constant 80 : i32
    %scan3A_59 = arith.addi %scan3A_57, %scan3A_58 : i32
    %scan3A_60 = arith.constant 1 : i32
    scf.for %scan3A_261 = %scan3A_57 to %scan3A_59 step %scan3A_60  : i32 {
      %jit3A = arith.constant 2 : i32
      %div3A = arith.divsi %scan3A_261, %jit3A : i32
      %sign3A = arith.constant 0 : i32
      %sign3A_262 = arith.cmpi sgt, %scan3A_261, %sign3A : i32
      %sign3A_263 = arith.extui %sign3A_262 : i1 to i32
      %sign3A_264 = arith.constant 0 : i32
      %sign3A_265 = arith.cmpi slt, %scan3A_261, %sign3A_264 : i32
      %sign3A_266 = arith.extui %sign3A_265 : i1 to i32
      %sign3A_267 = arith.subi %sign3A_263, %sign3A_266 : i32
      %sign3A_268 = arith.constant 0 : i32
      %sign3A_269 = arith.cmpi sgt, %jit3A, %sign3A_268 : i32
      %sign3A_270 = arith.extui %sign3A_269 : i1 to i32
      %sign3A_271 = arith.constant 0 : i32
      %sign3A_272 = arith.cmpi slt, %jit3A, %sign3A_271 : i32
      %sign3A_273 = arith.extui %sign3A_272 : i1 to i32
      %sign3A_274 = arith.subi %sign3A_270, %sign3A_273 : i32
      %ne3A = arith.cmpi ne, %sign3A_267, %sign3A_274 : i32
      %rem3A = arith.remsi %scan3A_261, %jit3A : i32
      %ne3A_275 = arith.constant 0 : i32
      %ne3A_276 = arith.cmpi ne, %rem3A, %ne3A_275 : i32
      %and3A = arith.andi %ne3A, %ne3A_276 : i1
      %sub3A = arith.constant 1 : i32
      %sub3A_277 = arith.subi %div3A, %sub3A : i32
      %select_n3A = arith.select %and3A, %sub3A_277, %div3A : i32
      %jit3A_278 = arith.constant 2 : i32
      %eq3A_279 = arith.constant 0 : i32
      %eq3A_280 = arith.cmpi eq, %jit3A_278, %eq3A_279 : i32
      %jit3A_281 = arith.constant 1 : i32
      %select_n3A_282 = arith.select %eq3A_280, %jit3A_281, %jit3A_278 : i32
      %rem3A_283 = arith.remsi %scan3A_261, %select_n3A_282 : i32
      %ne3A_284 = arith.constant 0 : i32
      %ne3A_285 = arith.cmpi ne, %rem3A_283, %ne3A_284 : i32
      %lt3A = arith.constant 0 : i32
      %lt3A_286 = arith.cmpi slt, %rem3A_283, %lt3A : i32
      %lt3A_287 = arith.constant 0 : i32
      %lt3A_288 = arith.cmpi slt, %select_n3A_282, %lt3A_287 : i32
      %ne3A_289 = arith.xori %lt3A_286, %lt3A_288 : i1
      %and3A_290 = arith.andi %ne3A_289, %ne3A_285 : i1
      %add3A_291 = arith.addi %rem3A_283, %select_n3A_282 : i32
      %select_n3A_292 = arith.select %and3A_290, %add3A_291, %rem3A_283 : i32
      %mul3A_293 = arith.constant 64 : i32
      %mul3A_294 = arith.muli %select_n3A_292, %mul3A_293 : i32
      %add3A_295 = arith.constant 0 : i32
      %add3A_296 = arith.addi %mul3A_294, %add3A_295 : i32
      %get3A = arith.index_cast %select_n3A : i32 to index
      %get3A_297 = arith.index_cast %add3A_296 : i32 to index
      %get3A_298 = tpu.vector_load %arg12[%get3A, %get3A_297] {strides = array<i32>} : memref<40x128xi32, #tpu.memory_space<vmem>>, vector<16xi32>,
      %gather3A = tpu.vector_load_idx %arg6[%get3A_298] : memref<51200xf32, #tpu.memory_space<vmem>>[vector<16xi32>], vector<16xf32>,
      %swap3A = arith.index_cast %select_n3A : i32 to index
      %swap3A_299 = arith.index_cast %add3A_296 : i32 to index
      %swap3A_300 = tpu.vector_load %arg7[%swap3A, %swap3A_299] {strides = array<i32>} : memref<40x128xf32, #tpu.memory_space<vmem>>, vector<16xf32>,
      tpu.vector_store %arg7[%swap3A, %swap3A_299], %gather3A {strides = array<i32>} : memref<40x128xf32, #tpu.memory_space<vmem>>, vector<16xf32>,
      %add3A_301 = arith.constant 16 : i32
      %add3A_302 = arith.addi %mul3A_294, %add3A_301 : i32
      %get3A_303 = arith.index_cast %select_n3A : i32 to index
      %get3A_304 = arith.index_cast %add3A_302 : i32 to index
      %get3A_305 = tpu.vector_load %arg12[%get3A_303, %get3A_304] {strides = array<i32>} : memref<40x128xi32, #tpu.memory_space<vmem>>, vector<16xi32>,
      %gather3A_306 = tpu.vector_load_idx %arg6[%get3A_305] : memref<51200xf32, #tpu.memory_space<vmem>>[vector<16xi32>], vector<16xf32>,
      %swap3A_307 = arith.index_cast %select_n3A : i32 to index
      %swap3A_308 = arith.index_cast %add3A_302 : i32 to index
      %swap3A_309 = tpu.vector_load %arg7[%swap3A_307, %swap3A_308] {strides = array<i32>} : memref<40x128xf32, #tpu.memory_space<vmem>>, vector<16xf32>,
      tpu.vector_store %arg7[%swap3A_307, %swap3A_308], %gather3A_306 {strides = array<i32>} : memref<40x128xf32, #tpu.memory_space<vmem>>, vector<16xf32>,
      %add3A_310 = arith.constant 32 : i32
      %add3A_311 = arith.addi %mul3A_294, %add3A_310 : i32
      %get3A_312 = arith.index_cast %select_n3A : i32 to index
      %get3A_313 = arith.index_cast %add3A_311 : i32 to index
      %get3A_314 = tpu.vector_load %arg12[%get3A_312, %get3A_313] {strides = array<i32>} : memref<40x128xi32, #tpu.memory_space<vmem>>, vector<16xi32>,
      %gather3A_315 = tpu.vector_load_idx %arg6[%get3A_314] : memref<51200xf32, #tpu.memory_space<vmem>>[vector<16xi32>], vector<16xf32>,
      %swap3A_316 = arith.index_cast %select_n3A : i32 to index
      %swap3A_317 = arith.index_cast %add3A_311 : i32 to index
      %swap3A_318 = tpu.vector_load %arg7[%swap3A_316, %swap3A_317] {strides = array<i32>} : memref<40x128xf32, #tpu.memory_space<vmem>>, vector<16xf32>,
      tpu.vector_store %arg7[%swap3A_316, %swap3A_317], %gather3A_315 {strides = array<i32>} : memref<40x128xf32, #tpu.memory_space<vmem>>, vector<16xf32>,
      %add3A_319 = arith.constant 48 : i32
      %add3A_320 = arith.addi %mul3A_294, %add3A_319 : i32
      %get3A_321 = arith.index_cast %select_n3A : i32 to index
      %get3A_322 = arith.index_cast %add3A_320 : i32 to index
      %get3A_323 = tpu.vector_load %arg12[%get3A_321, %get3A_322] {strides = array<i32>} : memref<40x128xi32, #tpu.memory_space<vmem>>, vector<16xi32>,
      %gather3A_324 = tpu.vector_load_idx %arg6[%get3A_323] : memref<51200xf32, #tpu.memory_space<vmem>>[vector<16xi32>], vector<16xf32>,
      %swap3A_325 = arith.index_cast %select_n3A : i32 to index
      %swap3A_326 = arith.index_cast %add3A_320 : i32 to index
      %swap3A_327 = tpu.vector_load %arg7[%swap3A_325, %swap3A_326] {strides = array<i32>} : memref<40x128xf32, #tpu.memory_space<vmem>>, vector<16xf32>,
      tpu.vector_store %arg7[%swap3A_325, %swap3A_326], %gather3A_324 {strides = array<i32>} : memref<40x128xf32, #tpu.memory_space<vmem>>, vector<16xf32>,
    }
    %scan3A_61 = arith.constant 80 : i32
    %scan3A_62 = arith.constant 0 : i32
    %scan3A_63 = arith.constant 0 : i32
    %scan3A_64 = arith.constant 40 : i32
    %scan3A_65 = arith.addi %scan3A_63, %scan3A_64 : i32
    %scan3A_66 = arith.constant 1 : i32
    scf.for %scan3A_261 = %scan3A_63 to %scan3A_65 step %scan3A_66  : i32 {
      %dma_start3A_262 = arith.constant 0 : i32
      %dma_start3A_263 = tpu.memref_slice %arg7[%scan3A_261, %dma_start3A_262] : memref<40x128xf32, #tpu.memory_space<vmem>> -> memref<1x128xf32, #tpu.memory_space<vmem>>
      %dma_start3A_264 = tpu.memref_squeeze %dma_start3A_263 : memref<1x128xf32, #tpu.memory_space<vmem>> -> memref<128xf32, #tpu.memory_space<vmem>>
      %dma_start3A_265 = arith.constant 0 : i32
      %dma_start3A_266 = tpu.memref_slice %arg11[%scan3A_261, %dma_start3A_265] : memref<40x128xi32, #tpu.memory_space<vmem>> -> memref<1x128xi32, #tpu.memory_space<vmem>>
      %dma_start3A_267 = tpu.memref_squeeze %dma_start3A_266 : memref<1x128xi32, #tpu.memory_space<vmem>> -> memref<128xi32, #tpu.memory_space<vmem>>
      %dma_start3A_268 = arith.constant 0 : i32
      %dma_start3A_269 = tpu.memref_slice %arg16[%dma_start3A_268] : memref<51200xf32, #tpu.memory_space<vmem_shared>> -> memref<51200xf32, #tpu.memory_space<vmem_shared>>
      tpu.enqueue_indirect_dma source(%dma_start3A_264 : memref<128xf32, #tpu.memory_space<vmem>>) target(%dma_start3A_269 : memref<51200xf32, #tpu.memory_space<vmem_shared>>) offsets(%dma_start3A_267 : memref<128xi32, #tpu.memory_space<vmem>>) semaphore(%arg19 : memref<!tpu.dma_semaphore, #tpu.memory_space<semaphore_mem>>) {add = true}
    }
    %scan3A_67 = arith.constant 40 : i32
    %scan3A_68 = arith.constant 0 : i32
    %scan3A_69 = arith.constant 0 : i32
    %scan3A_70 = arith.constant 40 : i32
    %scan3A_71 = arith.addi %scan3A_69, %scan3A_70 : i32
    %scan3A_72 = arith.constant 1 : i32
    scf.for %scan3A_261 = %scan3A_69 to %scan3A_71 step %scan3A_72  : i32 {
      %dma_wait3A_262 = arith.constant 0 : i32
      %dma_wait3A_263 = arith.constant 0 : i32
      %dma_wait3A_264 = arith.constant 0 : i32
      %dma_wait3A_265 = tpu.memref_slice %arg7[%dma_wait3A_263, %dma_wait3A_264] : memref<40x128xf32, #tpu.memory_space<vmem>> -> memref<1x128xf32, #tpu.memory_space<vmem>>
      %dma_wait3A_266 = tpu.memref_squeeze %dma_wait3A_265 : memref<1x128xf32, #tpu.memory_space<vmem>> -> memref<128xf32, #tpu.memory_space<vmem>>
      %dma_wait3A_267 = arith.constant 0 : i32
      %dma_wait3A_268 = tpu.memref_slice %arg4[%dma_wait3A_262, %dma_wait3A_267] : memref<2x51200xf32, #tpu.memory_space<hbm>> -> memref<1x128xf32, #tpu.memory_space<hbm>>
      %dma_wait3A_269 = tpu.memref_squeeze %dma_wait3A_268 : memref<1x128xf32, #tpu.memory_space<hbm>> -> memref<128xf32, #tpu.memory_space<hbm>>
      %dma_wait3A_270 = arith.constant 0 : i32
      %dma_wait3A_271 = tpu.memref_slice %arg7[%dma_wait3A_263, %dma_wait3A_270] : memref<40x128xf32, #tpu.memory_space<vmem>> -> memref<1x128xf32, #tpu.memory_space<vmem>>
      %dma_wait3A_272 = tpu.memref_squeeze %dma_wait3A_271 : memref<1x128xf32, #tpu.memory_space<vmem>> -> memref<128xf32, #tpu.memory_space<vmem>>
      %dma_wait3A_273 = arith.constant 0 : i32
      %dma_wait3A_274 = tpu.memref_slice %arg4[%dma_wait3A_262, %dma_wait3A_273] : memref<2x51200xf32, #tpu.memory_space<hbm>> -> memref<1x128xf32, #tpu.memory_space<hbm>>
      %dma_wait3A_275 = tpu.memref_squeeze %dma_wait3A_274 : memref<1x128xf32, #tpu.memory_space<hbm>> -> memref<128xf32, #tpu.memory_space<hbm>>
      tpu.wait_dma2 semaphore(%arg19 : memref<!tpu.dma_semaphore, #tpu.memory_space<semaphore_mem>>) src(%dma_wait3A_275 : memref<128xf32, #tpu.memory_space<hbm>>) dst(%dma_wait3A_272 : memref<128xf32, #tpu.memory_space<vmem>>)
    }
    %scan3A_73 = arith.constant 40 : i32
    %dma_start3A_74 = arith.constant 80 : i32
    %dma_start3A_75 = arith.constant 0 : i32
    %dma_start3A_76 = tpu.memref_slice %arg2[%add3A, %dma_start3A_74, %dma_start3A_75] : memref<32x200x128xi32, #tpu.memory_space<hbm>> -> memref<1x40x128xi32, #tpu.memory_space<hbm>>
    %dma_start3A_77 = tpu.memref_squeeze %dma_start3A_76 : memref<1x40x128xi32, #tpu.memory_space<hbm>> -> memref<40x128xi32, #tpu.memory_space<hbm>>
    %dma_start3A_78 = arith.constant 80 : i32
    %dma_start3A_79 = arith.constant 0 : i32
    %dma_start3A_80 = tpu.memref_slice %arg2[%add3A, %dma_start3A_78, %dma_start3A_79] : memref<32x200x128xi32, #tpu.memory_space<hbm>> -> memref<1x40x128xi32, #tpu.memory_space<hbm>>
    %dma_start3A_81 = tpu.memref_squeeze %dma_start3A_80 : memref<1x40x128xi32, #tpu.memory_space<hbm>> -> memref<40x128xi32, #tpu.memory_space<hbm>>
    tpu.enqueue_dma source(%dma_start3A_81 : memref<40x128xi32, #tpu.memory_space<hbm>>) target(%arg11 : memref<40x128xi32, #tpu.memory_space<vmem>>) target_semaphore(%arg17 : memref<!tpu.dma_semaphore, #tpu.memory_space<semaphore_mem>>)
    %dma_start3A_82 = arith.constant 80 : i32
    %dma_start3A_83 = arith.constant 0 : i32
    %dma_start3A_84 = tpu.memref_slice %arg3[%add3A, %dma_start3A_82, %dma_start3A_83] : memref<32x200x128xi32, #tpu.memory_space<hbm>> -> memref<1x40x128xi32, #tpu.memory_space<hbm>>
    %dma_start3A_85 = tpu.memref_squeeze %dma_start3A_84 : memref<1x40x128xi32, #tpu.memory_space<hbm>> -> memref<40x128xi32, #tpu.memory_space<hbm>>
    %dma_start3A_86 = arith.constant 80 : i32
    %dma_start3A_87 = arith.constant 0 : i32
    %dma_start3A_88 = tpu.memref_slice %arg3[%add3A, %dma_start3A_86, %dma_start3A_87] : memref<32x200x128xi32, #tpu.memory_space<hbm>> -> memref<1x40x128xi32, #tpu.memory_space<hbm>>
    %dma_start3A_89 = tpu.memref_squeeze %dma_start3A_88 : memref<1x40x128xi32, #tpu.memory_space<hbm>> -> memref<40x128xi32, #tpu.memory_space<hbm>>
    tpu.enqueue_dma source(%dma_start3A_89 : memref<40x128xi32, #tpu.memory_space<hbm>>) target(%arg12 : memref<40x128xi32, #tpu.memory_space<vmem>>) target_semaphore(%arg17 : memref<!tpu.dma_semaphore, #tpu.memory_space<semaphore_mem>>)
    %dma_wait3A_90 = arith.constant 40 : i32
    %dma_wait3A_91 = arith.constant 0 : i32
    %dma_wait3A_92 = tpu.memref_slice %arg2[%add3A, %dma_wait3A_90, %dma_wait3A_91] : memref<32x200x128xi32, #tpu.memory_space<hbm>> -> memref<1x40x128xi32, #tpu.memory_space<hbm>>
    %dma_wait3A_93 = tpu.memref_squeeze %dma_wait3A_92 : memref<1x40x128xi32, #tpu.memory_space<hbm>> -> memref<40x128xi32, #tpu.memory_space<hbm>>
    %dma_wait3A_94 = arith.constant 40 : i32
    %dma_wait3A_95 = arith.constant 0 : i32
    %dma_wait3A_96 = tpu.memref_slice %arg2[%add3A, %dma_wait3A_94, %dma_wait3A_95] : memref<32x200x128xi32, #tpu.memory_space<hbm>> -> memref<1x40x128xi32, #tpu.memory_space<hbm>>
    %dma_wait3A_97 = tpu.memref_squeeze %dma_wait3A_96 : memref<1x40x128xi32, #tpu.memory_space<hbm>> -> memref<40x128xi32, #tpu.memory_space<hbm>>
    tpu.wait_dma2 semaphore(%arg18 : memref<!tpu.dma_semaphore, #tpu.memory_space<semaphore_mem>>) src(%dma_wait3A_97 : memref<40x128xi32, #tpu.memory_space<hbm>>) dst(%arg13 : memref<40x128xi32, #tpu.memory_space<vmem>>)
    %dma_wait3A_98 = arith.constant 40 : i32
    %dma_wait3A_99 = arith.constant 0 : i32
    %dma_wait3A_100 = tpu.memref_slice %arg3[%add3A, %dma_wait3A_98, %dma_wait3A_99] : memref<32x200x128xi32, #tpu.memory_space<hbm>> -> memref<1x40x128xi32, #tpu.memory_space<hbm>>
    %dma_wait3A_101 = tpu.memref_squeeze %dma_wait3A_100 : memref<1x40x128xi32, #tpu.memory_space<hbm>> -> memref<40x128xi32, #tpu.memory_space<hbm>>
    %dma_wait3A_102 = arith.constant 40 : i32
    %dma_wait3A_103 = arith.constant 0 : i32
    %dma_wait3A_104 = tpu.memref_slice %arg3[%add3A, %dma_wait3A_102, %dma_wait3A_103] : memref<32x200x128xi32, #tpu.memory_space<hbm>> -> memref<1x40x128xi32, #tpu.memory_space<hbm>>
    %dma_wait3A_105 = tpu.memref_squeeze %dma_wait3A_104 : memref<1x40x128xi32, #tpu.memory_space<hbm>> -> memref<40x128xi32, #tpu.memory_space<hbm>>
    tpu.wait_dma2 semaphore(%arg18 : memref<!tpu.dma_semaphore, #tpu.memory_space<semaphore_mem>>) src(%dma_wait3A_105 : memref<40x128xi32, #tpu.memory_space<hbm>>) dst(%arg14 : memref<40x128xi32, #tpu.memory_space<vmem>>)
    %scan3A_106 = arith.constant 0 : i32
    %scan3A_107 = arith.constant 0 : i32
    %scan3A_108 = arith.constant 80 : i32
    %scan3A_109 = arith.addi %scan3A_107, %scan3A_108 : i32
    %scan3A_110 = arith.constant 1 : i32
    scf.for %scan3A_261 = %scan3A_107 to %scan3A_109 step %scan3A_110  : i32 {
      %jit3A = arith.constant 2 : i32
      %div3A = arith.divsi %scan3A_261, %jit3A : i32
      %sign3A = arith.constant 0 : i32
      %sign3A_262 = arith.cmpi sgt, %scan3A_261, %sign3A : i32
      %sign3A_263 = arith.extui %sign3A_262 : i1 to i32
      %sign3A_264 = arith.constant 0 : i32
      %sign3A_265 = arith.cmpi slt, %scan3A_261, %sign3A_264 : i32
      %sign3A_266 = arith.extui %sign3A_265 : i1 to i32
      %sign3A_267 = arith.subi %sign3A_263, %sign3A_266 : i32
      %sign3A_268 = arith.constant 0 : i32
      %sign3A_269 = arith.cmpi sgt, %jit3A, %sign3A_268 : i32
      %sign3A_270 = arith.extui %sign3A_269 : i1 to i32
      %sign3A_271 = arith.constant 0 : i32
      %sign3A_272 = arith.cmpi slt, %jit3A, %sign3A_271 : i32
      %sign3A_273 = arith.extui %sign3A_272 : i1 to i32
      %sign3A_274 = arith.subi %sign3A_270, %sign3A_273 : i32
      %ne3A = arith.cmpi ne, %sign3A_267, %sign3A_274 : i32
      %rem3A = arith.remsi %scan3A_261, %jit3A : i32
      %ne3A_275 = arith.constant 0 : i32
      %ne3A_276 = arith.cmpi ne, %rem3A, %ne3A_275 : i32
      %and3A = arith.andi %ne3A, %ne3A_276 : i1
      %sub3A = arith.constant 1 : i32
      %sub3A_277 = arith.subi %div3A, %sub3A : i32
      %select_n3A = arith.select %and3A, %sub3A_277, %div3A : i32
      %jit3A_278 = arith.constant 2 : i32
      %eq3A_279 = arith.constant 0 : i32
      %eq3A_280 = arith.cmpi eq, %jit3A_278, %eq3A_279 : i32
      %jit3A_281 = arith.constant 1 : i32
      %select_n3A_282 = arith.select %eq3A_280, %jit3A_281, %jit3A_278 : i32
      %rem3A_283 = arith.remsi %scan3A_261, %select_n3A_282 : i32
      %ne3A_284 = arith.constant 0 : i32
      %ne3A_285 = arith.cmpi ne, %rem3A_283, %ne3A_284 : i32
      %lt3A = arith.constant 0 : i32
      %lt3A_286 = arith.cmpi slt, %rem3A_283, %lt3A : i32
      %lt3A_287 = arith.constant 0 : i32
      %lt3A_288 = arith.cmpi slt, %select_n3A_282, %lt3A_287 : i32
      %ne3A_289 = arith.xori %lt3A_286, %lt3A_288 : i1
      %and3A_290 = arith.andi %ne3A_289, %ne3A_285 : i1
      %add3A_291 = arith.addi %rem3A_283, %select_n3A_282 : i32
      %select_n3A_292 = arith.select %and3A_290, %add3A_291, %rem3A_283 : i32
      %mul3A_293 = arith.constant 64 : i32
      %mul3A_294 = arith.muli %select_n3A_292, %mul3A_293 : i32
      %add3A_295 = arith.constant 0 : i32
      %add3A_296 = arith.addi %mul3A_294, %add3A_295 : i32
      %get3A = arith.index_cast %select_n3A : i32 to index
      %get3A_297 = arith.index_cast %add3A_296 : i32 to index
      %get3A_298 = tpu.vector_load %arg14[%get3A, %get3A_297] {strides = array<i32>} : memref<40x128xi32, #tpu.memory_space<vmem>>, vector<16xi32>,
      %gather3A = tpu.vector_load_idx %arg6[%get3A_298] : memref<51200xf32, #tpu.memory_space<vmem>>[vector<16xi32>], vector<16xf32>,
      %swap3A = arith.index_cast %select_n3A : i32 to index
      %swap3A_299 = arith.index_cast %add3A_296 : i32 to index
      %swap3A_300 = tpu.vector_load %arg8[%swap3A, %swap3A_299] {strides = array<i32>} : memref<40x128xf32, #tpu.memory_space<vmem>>, vector<16xf32>,
      tpu.vector_store %arg8[%swap3A, %swap3A_299], %gather3A {strides = array<i32>} : memref<40x128xf32, #tpu.memory_space<vmem>>, vector<16xf32>,
      %add3A_301 = arith.constant 16 : i32
      %add3A_302 = arith.addi %mul3A_294, %add3A_301 : i32
      %get3A_303 = arith.index_cast %select_n3A : i32 to index
      %get3A_304 = arith.index_cast %add3A_302 : i32 to index
      %get3A_305 = tpu.vector_load %arg14[%get3A_303, %get3A_304] {strides = array<i32>} : memref<40x128xi32, #tpu.memory_space<vmem>>, vector<16xi32>,
      %gather3A_306 = tpu.vector_load_idx %arg6[%get3A_305] : memref<51200xf32, #tpu.memory_space<vmem>>[vector<16xi32>], vector<16xf32>,
      %swap3A_307 = arith.index_cast %select_n3A : i32 to index
      %swap3A_308 = arith.index_cast %add3A_302 : i32 to index
      %swap3A_309 = tpu.vector_load %arg8[%swap3A_307, %swap3A_308] {strides = array<i32>} : memref<40x128xf32, #tpu.memory_space<vmem>>, vector<16xf32>,
      tpu.vector_store %arg8[%swap3A_307, %swap3A_308], %gather3A_306 {strides = array<i32>} : memref<40x128xf32, #tpu.memory_space<vmem>>, vector<16xf32>,
      %add3A_310 = arith.constant 32 : i32
      %add3A_311 = arith.addi %mul3A_294, %add3A_310 : i32
      %get3A_312 = arith.index_cast %select_n3A : i32 to index
      %get3A_313 = arith.index_cast %add3A_311 : i32 to index
      %get3A_314 = tpu.vector_load %arg14[%get3A_312, %get3A_313] {strides = array<i32>} : memref<40x128xi32, #tpu.memory_space<vmem>>, vector<16xi32>,
      %gather3A_315 = tpu.vector_load_idx %arg6[%get3A_314] : memref<51200xf32, #tpu.memory_space<vmem>>[vector<16xi32>], vector<16xf32>,
      %swap3A_316 = arith.index_cast %select_n3A : i32 to index
      %swap3A_317 = arith.index_cast %add3A_311 : i32 to index
      %swap3A_318 = tpu.vector_load %arg8[%swap3A_316, %swap3A_317] {strides = array<i32>} : memref<40x128xf32, #tpu.memory_space<vmem>>, vector<16xf32>,
      tpu.vector_store %arg8[%swap3A_316, %swap3A_317], %gather3A_315 {strides = array<i32>} : memref<40x128xf32, #tpu.memory_space<vmem>>, vector<16xf32>,
      %add3A_319 = arith.constant 48 : i32
      %add3A_320 = arith.addi %mul3A_294, %add3A_319 : i32
      %get3A_321 = arith.index_cast %select_n3A : i32 to index
      %get3A_322 = arith.index_cast %add3A_320 : i32 to index
      %get3A_323 = tpu.vector_load %arg14[%get3A_321, %get3A_322] {strides = array<i32>} : memref<40x128xi32, #tpu.memory_space<vmem>>, vector<16xi32>,
      %gather3A_324 = tpu.vector_load_idx %arg6[%get3A_323] : memref<51200xf32, #tpu.memory_space<vmem>>[vector<16xi32>], vector<16xf32>,
      %swap3A_325 = arith.index_cast %select_n3A : i32 to index
      %swap3A_326 = arith.index_cast %add3A_320 : i32 to index
      %swap3A_327 = tpu.vector_load %arg8[%swap3A_325, %swap3A_326] {strides = array<i32>} : memref<40x128xf32, #tpu.memory_space<vmem>>, vector<16xf32>,
      tpu.vector_store %arg8[%swap3A_325, %swap3A_326], %gather3A_324 {strides = array<i32>} : memref<40x128xf32, #tpu.memory_space<vmem>>, vector<16xf32>,
    }
    %scan3A_111 = arith.constant 80 : i32
    %scan3A_112 = arith.constant 0 : i32
    %scan3A_113 = arith.constant 0 : i32
    %scan3A_114 = arith.constant 40 : i32
    %scan3A_115 = arith.addi %scan3A_113, %scan3A_114 : i32
    %scan3A_116 = arith.constant 1 : i32
    scf.for %scan3A_261 = %scan3A_113 to %scan3A_115 step %scan3A_116  : i32 {
      %dma_start3A_262 = arith.constant 0 : i32
      %dma_start3A_263 = tpu.memref_slice %arg8[%scan3A_261, %dma_start3A_262] : memref<40x128xf32, #tpu.memory_space<vmem>> -> memref<1x128xf32, #tpu.memory_space<vmem>>
      %dma_start3A_264 = tpu.memref_squeeze %dma_start3A_263 : memref<1x128xf32, #tpu.memory_space<vmem>> -> memref<128xf32, #tpu.memory_space<vmem>>
      %dma_start3A_265 = arith.constant 0 : i32
      %dma_start3A_266 = tpu.memref_slice %arg13[%scan3A_261, %dma_start3A_265] : memref<40x128xi32, #tpu.memory_space<vmem>> -> memref<1x128xi32, #tpu.memory_space<vmem>>
      %dma_start3A_267 = tpu.memref_squeeze %dma_start3A_266 : memref<1x128xi32, #tpu.memory_space<vmem>> -> memref<128xi32, #tpu.memory_space<vmem>>
      %dma_start3A_268 = arith.constant 0 : i32
      %dma_start3A_269 = tpu.memref_slice %arg16[%dma_start3A_268] : memref<51200xf32, #tpu.memory_space<vmem_shared>> -> memref<51200xf32, #tpu.memory_space<vmem_shared>>
      tpu.enqueue_indirect_dma source(%dma_start3A_264 : memref<128xf32, #tpu.memory_space<vmem>>) target(%dma_start3A_269 : memref<51200xf32, #tpu.memory_space<vmem_shared>>) offsets(%dma_start3A_267 : memref<128xi32, #tpu.memory_space<vmem>>) semaphore(%arg20 : memref<!tpu.dma_semaphore, #tpu.memory_space<semaphore_mem>>) {add = true}
    }
    %scan3A_117 = arith.constant 40 : i32
    %scan3A_118 = arith.constant 0 : i32
    %scan3A_119 = arith.constant 0 : i32
    %scan3A_120 = arith.constant 40 : i32
    %scan3A_121 = arith.addi %scan3A_119, %scan3A_120 : i32
    %scan3A_122 = arith.constant 1 : i32
    scf.for %scan3A_261 = %scan3A_119 to %scan3A_121 step %scan3A_122  : i32 {
      %dma_wait3A_262 = arith.constant 0 : i32
      %dma_wait3A_263 = arith.constant 0 : i32
      %dma_wait3A_264 = arith.constant 0 : i32
      %dma_wait3A_265 = tpu.memref_slice %arg7[%dma_wait3A_263, %dma_wait3A_264] : memref<40x128xf32, #tpu.memory_space<vmem>> -> memref<1x128xf32, #tpu.memory_space<vmem>>
      %dma_wait3A_266 = tpu.memref_squeeze %dma_wait3A_265 : memref<1x128xf32, #tpu.memory_space<vmem>> -> memref<128xf32, #tpu.memory_space<vmem>>
      %dma_wait3A_267 = arith.constant 0 : i32
      %dma_wait3A_268 = tpu.memref_slice %arg4[%dma_wait3A_262, %dma_wait3A_267] : memref<2x51200xf32, #tpu.memory_space<hbm>> -> memref<1x128xf32, #tpu.memory_space<hbm>>
      %dma_wait3A_269 = tpu.memref_squeeze %dma_wait3A_268 : memref<1x128xf32, #tpu.memory_space<hbm>> -> memref<128xf32, #tpu.memory_space<hbm>>
      %dma_wait3A_270 = arith.constant 0 : i32
      %dma_wait3A_271 = tpu.memref_slice %arg7[%dma_wait3A_263, %dma_wait3A_270] : memref<40x128xf32, #tpu.memory_space<vmem>> -> memref<1x128xf32, #tpu.memory_space<vmem>>
      %dma_wait3A_272 = tpu.memref_squeeze %dma_wait3A_271 : memref<1x128xf32, #tpu.memory_space<vmem>> -> memref<128xf32, #tpu.memory_space<vmem>>
      %dma_wait3A_273 = arith.constant 0 : i32
      %dma_wait3A_274 = tpu.memref_slice %arg4[%dma_wait3A_262, %dma_wait3A_273] : memref<2x51200xf32, #tpu.memory_space<hbm>> -> memref<1x128xf32, #tpu.memory_space<hbm>>
      %dma_wait3A_275 = tpu.memref_squeeze %dma_wait3A_274 : memref<1x128xf32, #tpu.memory_space<hbm>> -> memref<128xf32, #tpu.memory_space<hbm>>
      tpu.wait_dma2 semaphore(%arg20 : memref<!tpu.dma_semaphore, #tpu.memory_space<semaphore_mem>>) src(%dma_wait3A_275 : memref<128xf32, #tpu.memory_space<hbm>>) dst(%dma_wait3A_272 : memref<128xf32, #tpu.memory_space<vmem>>)
    }
    %scan3A_123 = arith.constant 40 : i32
    %dma_start3A_124 = arith.constant 120 : i32
    %dma_start3A_125 = arith.constant 0 : i32
    %dma_start3A_126 = tpu.memref_slice %arg2[%add3A, %dma_start3A_124, %dma_start3A_125] : memref<32x200x128xi32, #tpu.memory_space<hbm>> -> memref<1x40x128xi32, #tpu.memory_space<hbm>>
    %dma_start3A_127 = tpu.memref_squeeze %dma_start3A_126 : memref<1x40x128xi32, #tpu.memory_space<hbm>> -> memref<40x128xi32, #tpu.memory_space<hbm>>
    %dma_start3A_128 = arith.constant 120 : i32
    %dma_start3A_129 = arith.constant 0 : i32
    %dma_start3A_130 = tpu.memref_slice %arg2[%add3A, %dma_start3A_128, %dma_start3A_129] : memref<32x200x128xi32, #tpu.memory_space<hbm>> -> memref<1x40x128xi32, #tpu.memory_space<hbm>>
    %dma_start3A_131 = tpu.memref_squeeze %dma_start3A_130 : memref<1x40x128xi32, #tpu.memory_space<hbm>> -> memref<40x128xi32, #tpu.memory_space<hbm>>
    tpu.enqueue_dma source(%dma_start3A_131 : memref<40x128xi32, #tpu.memory_space<hbm>>) target(%arg13 : memref<40x128xi32, #tpu.memory_space<vmem>>) target_semaphore(%arg18 : memref<!tpu.dma_semaphore, #tpu.memory_space<semaphore_mem>>)
    %dma_start3A_132 = arith.constant 120 : i32
    %dma_start3A_133 = arith.constant 0 : i32
    %dma_start3A_134 = tpu.memref_slice %arg3[%add3A, %dma_start3A_132, %dma_start3A_133] : memref<32x200x128xi32, #tpu.memory_space<hbm>> -> memref<1x40x128xi32, #tpu.memory_space<hbm>>
    %dma_start3A_135 = tpu.memref_squeeze %dma_start3A_134 : memref<1x40x128xi32, #tpu.memory_space<hbm>> -> memref<40x128xi32, #tpu.memory_space<hbm>>
    %dma_start3A_136 = arith.constant 120 : i32
    %dma_start3A_137 = arith.constant 0 : i32
    %dma_start3A_138 = tpu.memref_slice %arg3[%add3A, %dma_start3A_136, %dma_start3A_137] : memref<32x200x128xi32, #tpu.memory_space<hbm>> -> memref<1x40x128xi32, #tpu.memory_space<hbm>>
    %dma_start3A_139 = tpu.memref_squeeze %dma_start3A_138 : memref<1x40x128xi32, #tpu.memory_space<hbm>> -> memref<40x128xi32, #tpu.memory_space<hbm>>
    tpu.enqueue_dma source(%dma_start3A_139 : memref<40x128xi32, #tpu.memory_space<hbm>>) target(%arg14 : memref<40x128xi32, #tpu.memory_space<vmem>>) target_semaphore(%arg18 : memref<!tpu.dma_semaphore, #tpu.memory_space<semaphore_mem>>)
    %dma_wait3A_140 = arith.constant 80 : i32
    %dma_wait3A_141 = arith.constant 0 : i32
    %dma_wait3A_142 = tpu.memref_slice %arg2[%add3A, %dma_wait3A_140, %dma_wait3A_141] : memref<32x200x128xi32, #tpu.memory_space<hbm>> -> memref<1x40x128xi32, #tpu.memory_space<hbm>>
    %dma_wait3A_143 = tpu.memref_squeeze %dma_wait3A_142 : memref<1x40x128xi32, #tpu.memory_space<hbm>> -> memref<40x128xi32, #tpu.memory_space<hbm>>
    %dma_wait3A_144 = arith.constant 80 : i32
    %dma_wait3A_145 = arith.constant 0 : i32
    %dma_wait3A_146 = tpu.memref_slice %arg2[%add3A, %dma_wait3A_144, %dma_wait3A_145] : memref<32x200x128xi32, #tpu.memory_space<hbm>> -> memref<1x40x128xi32, #tpu.memory_space<hbm>>
    %dma_wait3A_147 = tpu.memref_squeeze %dma_wait3A_146 : memref<1x40x128xi32, #tpu.memory_space<hbm>> -> memref<40x128xi32, #tpu.memory_space<hbm>>
    tpu.wait_dma2 semaphore(%arg17 : memref<!tpu.dma_semaphore, #tpu.memory_space<semaphore_mem>>) src(%dma_wait3A_147 : memref<40x128xi32, #tpu.memory_space<hbm>>) dst(%arg11 : memref<40x128xi32, #tpu.memory_space<vmem>>)
    %dma_wait3A_148 = arith.constant 80 : i32
    %dma_wait3A_149 = arith.constant 0 : i32
    %dma_wait3A_150 = tpu.memref_slice %arg3[%add3A, %dma_wait3A_148, %dma_wait3A_149] : memref<32x200x128xi32, #tpu.memory_space<hbm>> -> memref<1x40x128xi32, #tpu.memory_space<hbm>>
    %dma_wait3A_151 = tpu.memref_squeeze %dma_wait3A_150 : memref<1x40x128xi32, #tpu.memory_space<hbm>> -> memref<40x128xi32, #tpu.memory_space<hbm>>
    %dma_wait3A_152 = arith.constant 80 : i32
    %dma_wait3A_153 = arith.constant 0 : i32
    %dma_wait3A_154 = tpu.memref_slice %arg3[%add3A, %dma_wait3A_152, %dma_wait3A_153] : memref<32x200x128xi32, #tpu.memory_space<hbm>> -> memref<1x40x128xi32, #tpu.memory_space<hbm>>
    %dma_wait3A_155 = tpu.memref_squeeze %dma_wait3A_154 : memref<1x40x128xi32, #tpu.memory_space<hbm>> -> memref<40x128xi32, #tpu.memory_space<hbm>>
    tpu.wait_dma2 semaphore(%arg17 : memref<!tpu.dma_semaphore, #tpu.memory_space<semaphore_mem>>) src(%dma_wait3A_155 : memref<40x128xi32, #tpu.memory_space<hbm>>) dst(%arg12 : memref<40x128xi32, #tpu.memory_space<vmem>>)
    %scan3A_156 = arith.constant 0 : i32
    %scan3A_157 = arith.constant 0 : i32
    %scan3A_158 = arith.constant 80 : i32
    %scan3A_159 = arith.addi %scan3A_157, %scan3A_158 : i32
    %scan3A_160 = arith.constant 1 : i32
    scf.for %scan3A_261 = %scan3A_157 to %scan3A_159 step %scan3A_160  : i32 {
      %jit3A = arith.constant 2 : i32
      %div3A = arith.divsi %scan3A_261, %jit3A : i32
      %sign3A = arith.constant 0 : i32
      %sign3A_262 = arith.cmpi sgt, %scan3A_261, %sign3A : i32
      %sign3A_263 = arith.extui %sign3A_262 : i1 to i32
      %sign3A_264 = arith.constant 0 : i32
      %sign3A_265 = arith.cmpi slt, %scan3A_261, %sign3A_264 : i32
      %sign3A_266 = arith.extui %sign3A_265 : i1 to i32
      %sign3A_267 = arith.subi %sign3A_263, %sign3A_266 : i32
      %sign3A_268 = arith.constant 0 : i32
      %sign3A_269 = arith.cmpi sgt, %jit3A, %sign3A_268 : i32
      %sign3A_270 = arith.extui %sign3A_269 : i1 to i32
      %sign3A_271 = arith.constant 0 : i32
      %sign3A_272 = arith.cmpi slt, %jit3A, %sign3A_271 : i32
      %sign3A_273 = arith.extui %sign3A_272 : i1 to i32
      %sign3A_274 = arith.subi %sign3A_270, %sign3A_273 : i32
      %ne3A = arith.cmpi ne, %sign3A_267, %sign3A_274 : i32
      %rem3A = arith.remsi %scan3A_261, %jit3A : i32
      %ne3A_275 = arith.constant 0 : i32
      %ne3A_276 = arith.cmpi ne, %rem3A, %ne3A_275 : i32
      %and3A = arith.andi %ne3A, %ne3A_276 : i1
      %sub3A = arith.constant 1 : i32
      %sub3A_277 = arith.subi %div3A, %sub3A : i32
      %select_n3A = arith.select %and3A, %sub3A_277, %div3A : i32
      %jit3A_278 = arith.constant 2 : i32
      %eq3A_279 = arith.constant 0 : i32
      %eq3A_280 = arith.cmpi eq, %jit3A_278, %eq3A_279 : i32
      %jit3A_281 = arith.constant 1 : i32
      %select_n3A_282 = arith.select %eq3A_280, %jit3A_281, %jit3A_278 : i32
      %rem3A_283 = arith.remsi %scan3A_261, %select_n3A_282 : i32
      %ne3A_284 = arith.constant 0 : i32
      %ne3A_285 = arith.cmpi ne, %rem3A_283, %ne3A_284 : i32
      %lt3A = arith.constant 0 : i32
      %lt3A_286 = arith.cmpi slt, %rem3A_283, %lt3A : i32
      %lt3A_287 = arith.constant 0 : i32
      %lt3A_288 = arith.cmpi slt, %select_n3A_282, %lt3A_287 : i32
      %ne3A_289 = arith.xori %lt3A_286, %lt3A_288 : i1
      %and3A_290 = arith.andi %ne3A_289, %ne3A_285 : i1
      %add3A_291 = arith.addi %rem3A_283, %select_n3A_282 : i32
      %select_n3A_292 = arith.select %and3A_290, %add3A_291, %rem3A_283 : i32
      %mul3A_293 = arith.constant 64 : i32
      %mul3A_294 = arith.muli %select_n3A_292, %mul3A_293 : i32
      %add3A_295 = arith.constant 0 : i32
      %add3A_296 = arith.addi %mul3A_294, %add3A_295 : i32
      %get3A = arith.index_cast %select_n3A : i32 to index
      %get3A_297 = arith.index_cast %add3A_296 : i32 to index
      %get3A_298 = tpu.vector_load %arg12[%get3A, %get3A_297] {strides = array<i32>} : memref<40x128xi32, #tpu.memory_space<vmem>>, vector<16xi32>,
      %gather3A = tpu.vector_load_idx %arg6[%get3A_298] : memref<51200xf32, #tpu.memory_space<vmem>>[vector<16xi32>], vector<16xf32>,
      %swap3A = arith.index_cast %select_n3A : i32 to index
      %swap3A_299 = arith.index_cast %add3A_296 : i32 to index
      %swap3A_300 = tpu.vector_load %arg7[%swap3A, %swap3A_299] {strides = array<i32>} : memref<40x128xf32, #tpu.memory_space<vmem>>, vector<16xf32>,
      tpu.vector_store %arg7[%swap3A, %swap3A_299], %gather3A {strides = array<i32>} : memref<40x128xf32, #tpu.memory_space<vmem>>, vector<16xf32>,
      %add3A_301 = arith.constant 16 : i32
      %add3A_302 = arith.addi %mul3A_294, %add3A_301 : i32
      %get3A_303 = arith.index_cast %select_n3A : i32 to index
      %get3A_304 = arith.index_cast %add3A_302 : i32 to index
      %get3A_305 = tpu.vector_load %arg12[%get3A_303, %get3A_304] {strides = array<i32>} : memref<40x128xi32, #tpu.memory_space<vmem>>, vector<16xi32>,
      %gather3A_306 = tpu.vector_load_idx %arg6[%get3A_305] : memref<51200xf32, #tpu.memory_space<vmem>>[vector<16xi32>], vector<16xf32>,
      %swap3A_307 = arith.index_cast %select_n3A : i32 to index
      %swap3A_308 = arith.index_cast %add3A_302 : i32 to index
      %swap3A_309 = tpu.vector_load %arg7[%swap3A_307, %swap3A_308] {strides = array<i32>} : memref<40x128xf32, #tpu.memory_space<vmem>>, vector<16xf32>,
      tpu.vector_store %arg7[%swap3A_307, %swap3A_308], %gather3A_306 {strides = array<i32>} : memref<40x128xf32, #tpu.memory_space<vmem>>, vector<16xf32>,
      %add3A_310 = arith.constant 32 : i32
      %add3A_311 = arith.addi %mul3A_294, %add3A_310 : i32
      %get3A_312 = arith.index_cast %select_n3A : i32 to index
      %get3A_313 = arith.index_cast %add3A_311 : i32 to index
      %get3A_314 = tpu.vector_load %arg12[%get3A_312, %get3A_313] {strides = array<i32>} : memref<40x128xi32, #tpu.memory_space<vmem>>, vector<16xi32>,
      %gather3A_315 = tpu.vector_load_idx %arg6[%get3A_314] : memref<51200xf32, #tpu.memory_space<vmem>>[vector<16xi32>], vector<16xf32>,
      %swap3A_316 = arith.index_cast %select_n3A : i32 to index
      %swap3A_317 = arith.index_cast %add3A_311 : i32 to index
      %swap3A_318 = tpu.vector_load %arg7[%swap3A_316, %swap3A_317] {strides = array<i32>} : memref<40x128xf32, #tpu.memory_space<vmem>>, vector<16xf32>,
      tpu.vector_store %arg7[%swap3A_316, %swap3A_317], %gather3A_315 {strides = array<i32>} : memref<40x128xf32, #tpu.memory_space<vmem>>, vector<16xf32>,
      %add3A_319 = arith.constant 48 : i32
      %add3A_320 = arith.addi %mul3A_294, %add3A_319 : i32
      %get3A_321 = arith.index_cast %select_n3A : i32 to index
      %get3A_322 = arith.index_cast %add3A_320 : i32 to index
      %get3A_323 = tpu.vector_load %arg12[%get3A_321, %get3A_322] {strides = array<i32>} : memref<40x128xi32, #tpu.memory_space<vmem>>, vector<16xi32>,
      %gather3A_324 = tpu.vector_load_idx %arg6[%get3A_323] : memref<51200xf32, #tpu.memory_space<vmem>>[vector<16xi32>], vector<16xf32>,
      %swap3A_325 = arith.index_cast %select_n3A : i32 to index
      %swap3A_326 = arith.index_cast %add3A_320 : i32 to index
      %swap3A_327 = tpu.vector_load %arg7[%swap3A_325, %swap3A_326] {strides = array<i32>} : memref<40x128xf32, #tpu.memory_space<vmem>>, vector<16xf32>,
      tpu.vector_store %arg7[%swap3A_325, %swap3A_326], %gather3A_324 {strides = array<i32>} : memref<40x128xf32, #tpu.memory_space<vmem>>, vector<16xf32>,
    }
    %scan3A_161 = arith.constant 80 : i32
    %scan3A_162 = arith.constant 0 : i32
    %scan3A_163 = arith.constant 0 : i32
    %scan3A_164 = arith.constant 40 : i32
    %scan3A_165 = arith.addi %scan3A_163, %scan3A_164 : i32
    %scan3A_166 = arith.constant 1 : i32
    scf.for %scan3A_261 = %scan3A_163 to %scan3A_165 step %scan3A_166  : i32 {
      %dma_start3A_262 = arith.constant 0 : i32
      %dma_start3A_263 = tpu.memref_slice %arg7[%scan3A_261, %dma_start3A_262] : memref<40x128xf32, #tpu.memory_space<vmem>> -> memref<1x128xf32, #tpu.memory_space<vmem>>
      %dma_start3A_264 = tpu.memref_squeeze %dma_start3A_263 : memref<1x128xf32, #tpu.memory_space<vmem>> -> memref<128xf32, #tpu.memory_space<vmem>>
      %dma_start3A_265 = arith.constant 0 : i32
      %dma_start3A_266 = tpu.memref_slice %arg11[%scan3A_261, %dma_start3A_265] : memref<40x128xi32, #tpu.memory_space<vmem>> -> memref<1x128xi32, #tpu.memory_space<vmem>>
      %dma_start3A_267 = tpu.memref_squeeze %dma_start3A_266 : memref<1x128xi32, #tpu.memory_space<vmem>> -> memref<128xi32, #tpu.memory_space<vmem>>
      %dma_start3A_268 = arith.constant 0 : i32
      %dma_start3A_269 = tpu.memref_slice %arg16[%dma_start3A_268] : memref<51200xf32, #tpu.memory_space<vmem_shared>> -> memref<51200xf32, #tpu.memory_space<vmem_shared>>
      tpu.enqueue_indirect_dma source(%dma_start3A_264 : memref<128xf32, #tpu.memory_space<vmem>>) target(%dma_start3A_269 : memref<51200xf32, #tpu.memory_space<vmem_shared>>) offsets(%dma_start3A_267 : memref<128xi32, #tpu.memory_space<vmem>>) semaphore(%arg19 : memref<!tpu.dma_semaphore, #tpu.memory_space<semaphore_mem>>) {add = true}
    }
    %scan3A_167 = arith.constant 40 : i32
    %scan3A_168 = arith.constant 0 : i32
    %scan3A_169 = arith.constant 0 : i32
    %scan3A_170 = arith.constant 40 : i32
    %scan3A_171 = arith.addi %scan3A_169, %scan3A_170 : i32
    %scan3A_172 = arith.constant 1 : i32
    scf.for %scan3A_261 = %scan3A_169 to %scan3A_171 step %scan3A_172  : i32 {
      %dma_wait3A_262 = arith.constant 0 : i32
      %dma_wait3A_263 = arith.constant 0 : i32
      %dma_wait3A_264 = arith.constant 0 : i32
      %dma_wait3A_265 = tpu.memref_slice %arg7[%dma_wait3A_263, %dma_wait3A_264] : memref<40x128xf32, #tpu.memory_space<vmem>> -> memref<1x128xf32, #tpu.memory_space<vmem>>
      %dma_wait3A_266 = tpu.memref_squeeze %dma_wait3A_265 : memref<1x128xf32, #tpu.memory_space<vmem>> -> memref<128xf32, #tpu.memory_space<vmem>>
      %dma_wait3A_267 = arith.constant 0 : i32
      %dma_wait3A_268 = tpu.memref_slice %arg4[%dma_wait3A_262, %dma_wait3A_267] : memref<2x51200xf32, #tpu.memory_space<hbm>> -> memref<1x128xf32, #tpu.memory_space<hbm>>
      %dma_wait3A_269 = tpu.memref_squeeze %dma_wait3A_268 : memref<1x128xf32, #tpu.memory_space<hbm>> -> memref<128xf32, #tpu.memory_space<hbm>>
      %dma_wait3A_270 = arith.constant 0 : i32
      %dma_wait3A_271 = tpu.memref_slice %arg7[%dma_wait3A_263, %dma_wait3A_270] : memref<40x128xf32, #tpu.memory_space<vmem>> -> memref<1x128xf32, #tpu.memory_space<vmem>>
      %dma_wait3A_272 = tpu.memref_squeeze %dma_wait3A_271 : memref<1x128xf32, #tpu.memory_space<vmem>> -> memref<128xf32, #tpu.memory_space<vmem>>
      %dma_wait3A_273 = arith.constant 0 : i32
      %dma_wait3A_274 = tpu.memref_slice %arg4[%dma_wait3A_262, %dma_wait3A_273] : memref<2x51200xf32, #tpu.memory_space<hbm>> -> memref<1x128xf32, #tpu.memory_space<hbm>>
      %dma_wait3A_275 = tpu.memref_squeeze %dma_wait3A_274 : memref<1x128xf32, #tpu.memory_space<hbm>> -> memref<128xf32, #tpu.memory_space<hbm>>
      tpu.wait_dma2 semaphore(%arg19 : memref<!tpu.dma_semaphore, #tpu.memory_space<semaphore_mem>>) src(%dma_wait3A_275 : memref<128xf32, #tpu.memory_space<hbm>>) dst(%dma_wait3A_272 : memref<128xf32, #tpu.memory_space<vmem>>)
    }
    %scan3A_173 = arith.constant 40 : i32
    %dma_start3A_174 = arith.constant 160 : i32
    %dma_start3A_175 = arith.constant 0 : i32
    %dma_start3A_176 = tpu.memref_slice %arg2[%add3A, %dma_start3A_174, %dma_start3A_175] : memref<32x200x128xi32, #tpu.memory_space<hbm>> -> memref<1x40x128xi32, #tpu.memory_space<hbm>>
    %dma_start3A_177 = tpu.memref_squeeze %dma_start3A_176 : memref<1x40x128xi32, #tpu.memory_space<hbm>> -> memref<40x128xi32, #tpu.memory_space<hbm>>
    %dma_start3A_178 = arith.constant 160 : i32
    %dma_start3A_179 = arith.constant 0 : i32
    %dma_start3A_180 = tpu.memref_slice %arg2[%add3A, %dma_start3A_178, %dma_start3A_179] : memref<32x200x128xi32, #tpu.memory_space<hbm>> -> memref<1x40x128xi32, #tpu.memory_space<hbm>>
    %dma_start3A_181 = tpu.memref_squeeze %dma_start3A_180 : memref<1x40x128xi32, #tpu.memory_space<hbm>> -> memref<40x128xi32, #tpu.memory_space<hbm>>
    tpu.enqueue_dma source(%dma_start3A_181 : memref<40x128xi32, #tpu.memory_space<hbm>>) target(%arg11 : memref<40x128xi32, #tpu.memory_space<vmem>>) target_semaphore(%arg17 : memref<!tpu.dma_semaphore, #tpu.memory_space<semaphore_mem>>)
    %dma_start3A_182 = arith.constant 160 : i32
    %dma_start3A_183 = arith.constant 0 : i32
    %dma_start3A_184 = tpu.memref_slice %arg3[%add3A, %dma_start3A_182, %dma_start3A_183] : memref<32x200x128xi32, #tpu.memory_space<hbm>> -> memref<1x40x128xi32, #tpu.memory_space<hbm>>
    %dma_start3A_185 = tpu.memref_squeeze %dma_start3A_184 : memref<1x40x128xi32, #tpu.memory_space<hbm>> -> memref<40x128xi32, #tpu.memory_space<hbm>>
    %dma_start3A_186 = arith.constant 160 : i32
    %dma_start3A_187 = arith.constant 0 : i32
    %dma_start3A_188 = tpu.memref_slice %arg3[%add3A, %dma_start3A_186, %dma_start3A_187] : memref<32x200x128xi32, #tpu.memory_space<hbm>> -> memref<1x40x128xi32, #tpu.memory_space<hbm>>
    %dma_start3A_189 = tpu.memref_squeeze %dma_start3A_188 : memref<1x40x128xi32, #tpu.memory_space<hbm>> -> memref<40x128xi32, #tpu.memory_space<hbm>>
    tpu.enqueue_dma source(%dma_start3A_189 : memref<40x128xi32, #tpu.memory_space<hbm>>) target(%arg12 : memref<40x128xi32, #tpu.memory_space<vmem>>) target_semaphore(%arg17 : memref<!tpu.dma_semaphore, #tpu.memory_space<semaphore_mem>>)
    %dma_wait3A_190 = arith.constant 120 : i32
    %dma_wait3A_191 = arith.constant 0 : i32
    %dma_wait3A_192 = tpu.memref_slice %arg2[%add3A, %dma_wait3A_190, %dma_wait3A_191] : memref<32x200x128xi32, #tpu.memory_space<hbm>> -> memref<1x40x128xi32, #tpu.memory_space<hbm>>
    %dma_wait3A_193 = tpu.memref_squeeze %dma_wait3A_192 : memref<1x40x128xi32, #tpu.memory_space<hbm>> -> memref<40x128xi32, #tpu.memory_space<hbm>>
    %dma_wait3A_194 = arith.constant 120 : i32
    %dma_wait3A_195 = arith.constant 0 : i32
    %dma_wait3A_196 = tpu.memref_slice %arg2[%add3A, %dma_wait3A_194, %dma_wait3A_195] : memref<32x200x128xi32, #tpu.memory_space<hbm>> -> memref<1x40x128xi32, #tpu.memory_space<hbm>>
    %dma_wait3A_197 = tpu.memref_squeeze %dma_wait3A_196 : memref<1x40x128xi32, #tpu.memory_space<hbm>> -> memref<40x128xi32, #tpu.memory_space<hbm>>
    tpu.wait_dma2 semaphore(%arg18 : memref<!tpu.dma_semaphore, #tpu.memory_space<semaphore_mem>>) src(%dma_wait3A_197 : memref<40x128xi32, #tpu.memory_space<hbm>>) dst(%arg13 : memref<40x128xi32, #tpu.memory_space<vmem>>)
    %dma_wait3A_198 = arith.constant 120 : i32
    %dma_wait3A_199 = arith.constant 0 : i32
    %dma_wait3A_200 = tpu.memref_slice %arg3[%add3A, %dma_wait3A_198, %dma_wait3A_199] : memref<32x200x128xi32, #tpu.memory_space<hbm>> -> memref<1x40x128xi32, #tpu.memory_space<hbm>>
    %dma_wait3A_201 = tpu.memref_squeeze %dma_wait3A_200 : memref<1x40x128xi32, #tpu.memory_space<hbm>> -> memref<40x128xi32, #tpu.memory_space<hbm>>
    %dma_wait3A_202 = arith.constant 120 : i32
    %dma_wait3A_203 = arith.constant 0 : i32
    %dma_wait3A_204 = tpu.memref_slice %arg3[%add3A, %dma_wait3A_202, %dma_wait3A_203] : memref<32x200x128xi32, #tpu.memory_space<hbm>> -> memref<1x40x128xi32, #tpu.memory_space<hbm>>
    %dma_wait3A_205 = tpu.memref_squeeze %dma_wait3A_204 : memref<1x40x128xi32, #tpu.memory_space<hbm>> -> memref<40x128xi32, #tpu.memory_space<hbm>>
    tpu.wait_dma2 semaphore(%arg18 : memref<!tpu.dma_semaphore, #tpu.memory_space<semaphore_mem>>) src(%dma_wait3A_205 : memref<40x128xi32, #tpu.memory_space<hbm>>) dst(%arg14 : memref<40x128xi32, #tpu.memory_space<vmem>>)
    %scan3A_206 = arith.constant 0 : i32
    %scan3A_207 = arith.constant 0 : i32
    %scan3A_208 = arith.constant 80 : i32
    %scan3A_209 = arith.addi %scan3A_207, %scan3A_208 : i32
    %scan3A_210 = arith.constant 1 : i32
    scf.for %scan3A_261 = %scan3A_207 to %scan3A_209 step %scan3A_210  : i32 {
      %jit3A = arith.constant 2 : i32
      %div3A = arith.divsi %scan3A_261, %jit3A : i32
      %sign3A = arith.constant 0 : i32
      %sign3A_262 = arith.cmpi sgt, %scan3A_261, %sign3A : i32
      %sign3A_263 = arith.extui %sign3A_262 : i1 to i32
      %sign3A_264 = arith.constant 0 : i32
      %sign3A_265 = arith.cmpi slt, %scan3A_261, %sign3A_264 : i32
      %sign3A_266 = arith.extui %sign3A_265 : i1 to i32
      %sign3A_267 = arith.subi %sign3A_263, %sign3A_266 : i32
      %sign3A_268 = arith.constant 0 : i32
      %sign3A_269 = arith.cmpi sgt, %jit3A, %sign3A_268 : i32
      %sign3A_270 = arith.extui %sign3A_269 : i1 to i32
      %sign3A_271 = arith.constant 0 : i32
      %sign3A_272 = arith.cmpi slt, %jit3A, %sign3A_271 : i32
      %sign3A_273 = arith.extui %sign3A_272 : i1 to i32
      %sign3A_274 = arith.subi %sign3A_270, %sign3A_273 : i32
      %ne3A = arith.cmpi ne, %sign3A_267, %sign3A_274 : i32
      %rem3A = arith.remsi %scan3A_261, %jit3A : i32
      %ne3A_275 = arith.constant 0 : i32
      %ne3A_276 = arith.cmpi ne, %rem3A, %ne3A_275 : i32
      %and3A = arith.andi %ne3A, %ne3A_276 : i1
      %sub3A = arith.constant 1 : i32
      %sub3A_277 = arith.subi %div3A, %sub3A : i32
      %select_n3A = arith.select %and3A, %sub3A_277, %div3A : i32
      %jit3A_278 = arith.constant 2 : i32
      %eq3A_279 = arith.constant 0 : i32
      %eq3A_280 = arith.cmpi eq, %jit3A_278, %eq3A_279 : i32
      %jit3A_281 = arith.constant 1 : i32
      %select_n3A_282 = arith.select %eq3A_280, %jit3A_281, %jit3A_278 : i32
      %rem3A_283 = arith.remsi %scan3A_261, %select_n3A_282 : i32
      %ne3A_284 = arith.constant 0 : i32
      %ne3A_285 = arith.cmpi ne, %rem3A_283, %ne3A_284 : i32
      %lt3A = arith.constant 0 : i32
      %lt3A_286 = arith.cmpi slt, %rem3A_283, %lt3A : i32
      %lt3A_287 = arith.constant 0 : i32
      %lt3A_288 = arith.cmpi slt, %select_n3A_282, %lt3A_287 : i32
      %ne3A_289 = arith.xori %lt3A_286, %lt3A_288 : i1
      %and3A_290 = arith.andi %ne3A_289, %ne3A_285 : i1
      %add3A_291 = arith.addi %rem3A_283, %select_n3A_282 : i32
      %select_n3A_292 = arith.select %and3A_290, %add3A_291, %rem3A_283 : i32
      %mul3A_293 = arith.constant 64 : i32
      %mul3A_294 = arith.muli %select_n3A_292, %mul3A_293 : i32
      %add3A_295 = arith.constant 0 : i32
      %add3A_296 = arith.addi %mul3A_294, %add3A_295 : i32
      %get3A = arith.index_cast %select_n3A : i32 to index
      %get3A_297 = arith.index_cast %add3A_296 : i32 to index
      %get3A_298 = tpu.vector_load %arg14[%get3A, %get3A_297] {strides = array<i32>} : memref<40x128xi32, #tpu.memory_space<vmem>>, vector<16xi32>,
      %gather3A = tpu.vector_load_idx %arg6[%get3A_298] : memref<51200xf32, #tpu.memory_space<vmem>>[vector<16xi32>], vector<16xf32>,
      %swap3A = arith.index_cast %select_n3A : i32 to index
      %swap3A_299 = arith.index_cast %add3A_296 : i32 to index
      %swap3A_300 = tpu.vector_load %arg8[%swap3A, %swap3A_299] {strides = array<i32>} : memref<40x128xf32, #tpu.memory_space<vmem>>, vector<16xf32>,
      tpu.vector_store %arg8[%swap3A, %swap3A_299], %gather3A {strides = array<i32>} : memref<40x128xf32, #tpu.memory_space<vmem>>, vector<16xf32>,
      %add3A_301 = arith.constant 16 : i32
      %add3A_302 = arith.addi %mul3A_294, %add3A_301 : i32
      %get3A_303 = arith.index_cast %select_n3A : i32 to index
      %get3A_304 = arith.index_cast %add3A_302 : i32 to index
      %get3A_305 = tpu.vector_load %arg14[%get3A_303, %get3A_304] {strides = array<i32>} : memref<40x128xi32, #tpu.memory_space<vmem>>, vector<16xi32>,
      %gather3A_306 = tpu.vector_load_idx %arg6[%get3A_305] : memref<51200xf32, #tpu.memory_space<vmem>>[vector<16xi32>], vector<16xf32>,
      %swap3A_307 = arith.index_cast %select_n3A : i32 to index
      %swap3A_308 = arith.index_cast %add3A_302 : i32 to index
      %swap3A_309 = tpu.vector_load %arg8[%swap3A_307, %swap3A_308] {strides = array<i32>} : memref<40x128xf32, #tpu.memory_space<vmem>>, vector<16xf32>,
      tpu.vector_store %arg8[%swap3A_307, %swap3A_308], %gather3A_306 {strides = array<i32>} : memref<40x128xf32, #tpu.memory_space<vmem>>, vector<16xf32>,
      %add3A_310 = arith.constant 32 : i32
      %add3A_311 = arith.addi %mul3A_294, %add3A_310 : i32
      %get3A_312 = arith.index_cast %select_n3A : i32 to index
      %get3A_313 = arith.index_cast %add3A_311 : i32 to index
      %get3A_314 = tpu.vector_load %arg14[%get3A_312, %get3A_313] {strides = array<i32>} : memref<40x128xi32, #tpu.memory_space<vmem>>, vector<16xi32>,
      %gather3A_315 = tpu.vector_load_idx %arg6[%get3A_314] : memref<51200xf32, #tpu.memory_space<vmem>>[vector<16xi32>], vector<16xf32>,
      %swap3A_316 = arith.index_cast %select_n3A : i32 to index
      %swap3A_317 = arith.index_cast %add3A_311 : i32 to index
      %swap3A_318 = tpu.vector_load %arg8[%swap3A_316, %swap3A_317] {strides = array<i32>} : memref<40x128xf32, #tpu.memory_space<vmem>>, vector<16xf32>,
      tpu.vector_store %arg8[%swap3A_316, %swap3A_317], %gather3A_315 {strides = array<i32>} : memref<40x128xf32, #tpu.memory_space<vmem>>, vector<16xf32>,
      %add3A_319 = arith.constant 48 : i32
      %add3A_320 = arith.addi %mul3A_294, %add3A_319 : i32
      %get3A_321 = arith.index_cast %select_n3A : i32 to index
      %get3A_322 = arith.index_cast %add3A_320 : i32 to index
      %get3A_323 = tpu.vector_load %arg14[%get3A_321, %get3A_322] {strides = array<i32>} : memref<40x128xi32, #tpu.memory_space<vmem>>, vector<16xi32>,
      %gather3A_324 = tpu.vector_load_idx %arg6[%get3A_323] : memref<51200xf32, #tpu.memory_space<vmem>>[vector<16xi32>], vector<16xf32>,
      %swap3A_325 = arith.index_cast %select_n3A : i32 to index
      %swap3A_326 = arith.index_cast %add3A_320 : i32 to index
      %swap3A_327 = tpu.vector_load %arg8[%swap3A_325, %swap3A_326] {strides = array<i32>} : memref<40x128xf32, #tpu.memory_space<vmem>>, vector<16xf32>,
      tpu.vector_store %arg8[%swap3A_325, %swap3A_326], %gather3A_324 {strides = array<i32>} : memref<40x128xf32, #tpu.memory_space<vmem>>, vector<16xf32>,
    }
    %scan3A_211 = arith.constant 80 : i32
    %scan3A_212 = arith.constant 0 : i32
    %scan3A_213 = arith.constant 0 : i32
    %scan3A_214 = arith.constant 40 : i32
    %scan3A_215 = arith.addi %scan3A_213, %scan3A_214 : i32
    %scan3A_216 = arith.constant 1 : i32
    scf.for %scan3A_261 = %scan3A_213 to %scan3A_215 step %scan3A_216  : i32 {
      %dma_start3A_262 = arith.constant 0 : i32
      %dma_start3A_263 = tpu.memref_slice %arg8[%scan3A_261, %dma_start3A_262] : memref<40x128xf32, #tpu.memory_space<vmem>> -> memref<1x128xf32, #tpu.memory_space<vmem>>
      %dma_start3A_264 = tpu.memref_squeeze %dma_start3A_263 : memref<1x128xf32, #tpu.memory_space<vmem>> -> memref<128xf32, #tpu.memory_space<vmem>>
      %dma_start3A_265 = arith.constant 0 : i32
      %dma_start3A_266 = tpu.memref_slice %arg13[%scan3A_261, %dma_start3A_265] : memref<40x128xi32, #tpu.memory_space<vmem>> -> memref<1x128xi32, #tpu.memory_space<vmem>>
      %dma_start3A_267 = tpu.memref_squeeze %dma_start3A_266 : memref<1x128xi32, #tpu.memory_space<vmem>> -> memref<128xi32, #tpu.memory_space<vmem>>
      %dma_start3A_268 = arith.constant 0 : i32
      %dma_start3A_269 = tpu.memref_slice %arg16[%dma_start3A_268] : memref<51200xf32, #tpu.memory_space<vmem_shared>> -> memref<51200xf32, #tpu.memory_space<vmem_shared>>
      tpu.enqueue_indirect_dma source(%dma_start3A_264 : memref<128xf32, #tpu.memory_space<vmem>>) target(%dma_start3A_269 : memref<51200xf32, #tpu.memory_space<vmem_shared>>) offsets(%dma_start3A_267 : memref<128xi32, #tpu.memory_space<vmem>>) semaphore(%arg20 : memref<!tpu.dma_semaphore, #tpu.memory_space<semaphore_mem>>) {add = true}
    }
    %scan3A_217 = arith.constant 40 : i32
    %dma_wait3A_218 = arith.constant 160 : i32
    %dma_wait3A_219 = arith.constant 0 : i32
    %dma_wait3A_220 = tpu.memref_slice %arg2[%add3A, %dma_wait3A_218, %dma_wait3A_219] : memref<32x200x128xi32, #tpu.memory_space<hbm>> -> memref<1x40x128xi32, #tpu.memory_space<hbm>>
    %dma_wait3A_221 = tpu.memref_squeeze %dma_wait3A_220 : memref<1x40x128xi32, #tpu.memory_space<hbm>> -> memref<40x128xi32, #tpu.memory_space<hbm>>
    %dma_wait3A_222 = arith.constant 160 : i32
    %dma_wait3A_223 = arith.constant 0 : i32
    %dma_wait3A_224 = tpu.memref_slice %arg2[%add3A, %dma_wait3A_222, %dma_wait3A_223] : memref<32x200x128xi32, #tpu.memory_space<hbm>> -> memref<1x40x128xi32, #tpu.memory_space<hbm>>
    %dma_wait3A_225 = tpu.memref_squeeze %dma_wait3A_224 : memref<1x40x128xi32, #tpu.memory_space<hbm>> -> memref<40x128xi32, #tpu.memory_space<hbm>>
    tpu.wait_dma2 semaphore(%arg17 : memref<!tpu.dma_semaphore, #tpu.memory_space<semaphore_mem>>) src(%dma_wait3A_225 : memref<40x128xi32, #tpu.memory_space<hbm>>) dst(%arg11 : memref<40x128xi32, #tpu.memory_space<vmem>>)
    %dma_wait3A_226 = arith.constant 160 : i32
    %dma_wait3A_227 = arith.constant 0 : i32
    %dma_wait3A_228 = tpu.memref_slice %arg3[%add3A, %dma_wait3A_226, %dma_wait3A_227] : memref<32x200x128xi32, #tpu.memory_space<hbm>> -> memref<1x40x128xi32, #tpu.memory_space<hbm>>
    %dma_wait3A_229 = tpu.memref_squeeze %dma_wait3A_228 : memref<1x40x128xi32, #tpu.memory_space<hbm>> -> memref<40x128xi32, #tpu.memory_space<hbm>>
    %dma_wait3A_230 = arith.constant 160 : i32
    %dma_wait3A_231 = arith.constant 0 : i32
    %dma_wait3A_232 = tpu.memref_slice %arg3[%add3A, %dma_wait3A_230, %dma_wait3A_231] : memref<32x200x128xi32, #tpu.memory_space<hbm>> -> memref<1x40x128xi32, #tpu.memory_space<hbm>>
    %dma_wait3A_233 = tpu.memref_squeeze %dma_wait3A_232 : memref<1x40x128xi32, #tpu.memory_space<hbm>> -> memref<40x128xi32, #tpu.memory_space<hbm>>
    tpu.wait_dma2 semaphore(%arg17 : memref<!tpu.dma_semaphore, #tpu.memory_space<semaphore_mem>>) src(%dma_wait3A_233 : memref<40x128xi32, #tpu.memory_space<hbm>>) dst(%arg12 : memref<40x128xi32, #tpu.memory_space<vmem>>)
    %scan3A_234 = arith.constant 0 : i32
    %scan3A_235 = arith.constant 0 : i32
    %scan3A_236 = arith.constant 80 : i32
    %scan3A_237 = arith.addi %scan3A_235, %scan3A_236 : i32
    %scan3A_238 = arith.constant 1 : i32
    scf.for %scan3A_261 = %scan3A_235 to %scan3A_237 step %scan3A_238  : i32 {
      %jit3A = arith.constant 2 : i32
      %div3A = arith.divsi %scan3A_261, %jit3A : i32
      %sign3A = arith.constant 0 : i32
      %sign3A_262 = arith.cmpi sgt, %scan3A_261, %sign3A : i32
      %sign3A_263 = arith.extui %sign3A_262 : i1 to i32
      %sign3A_264 = arith.constant 0 : i32
      %sign3A_265 = arith.cmpi slt, %scan3A_261, %sign3A_264 : i32
      %sign3A_266 = arith.extui %sign3A_265 : i1 to i32
      %sign3A_267 = arith.subi %sign3A_263, %sign3A_266 : i32
      %sign3A_268 = arith.constant 0 : i32
      %sign3A_269 = arith.cmpi sgt, %jit3A, %sign3A_268 : i32
      %sign3A_270 = arith.extui %sign3A_269 : i1 to i32
      %sign3A_271 = arith.constant 0 : i32
      %sign3A_272 = arith.cmpi slt, %jit3A, %sign3A_271 : i32
      %sign3A_273 = arith.extui %sign3A_272 : i1 to i32
      %sign3A_274 = arith.subi %sign3A_270, %sign3A_273 : i32
      %ne3A = arith.cmpi ne, %sign3A_267, %sign3A_274 : i32
      %rem3A = arith.remsi %scan3A_261, %jit3A : i32
      %ne3A_275 = arith.constant 0 : i32
      %ne3A_276 = arith.cmpi ne, %rem3A, %ne3A_275 : i32
      %and3A = arith.andi %ne3A, %ne3A_276 : i1
      %sub3A = arith.constant 1 : i32
      %sub3A_277 = arith.subi %div3A, %sub3A : i32
      %select_n3A = arith.select %and3A, %sub3A_277, %div3A : i32
      %jit3A_278 = arith.constant 2 : i32
      %eq3A_279 = arith.constant 0 : i32
      %eq3A_280 = arith.cmpi eq, %jit3A_278, %eq3A_279 : i32
      %jit3A_281 = arith.constant 1 : i32
      %select_n3A_282 = arith.select %eq3A_280, %jit3A_281, %jit3A_278 : i32
      %rem3A_283 = arith.remsi %scan3A_261, %select_n3A_282 : i32
      %ne3A_284 = arith.constant 0 : i32
      %ne3A_285 = arith.cmpi ne, %rem3A_283, %ne3A_284 : i32
      %lt3A = arith.constant 0 : i32
      %lt3A_286 = arith.cmpi slt, %rem3A_283, %lt3A : i32
      %lt3A_287 = arith.constant 0 : i32
      %lt3A_288 = arith.cmpi slt, %select_n3A_282, %lt3A_287 : i32
      %ne3A_289 = arith.xori %lt3A_286, %lt3A_288 : i1
      %and3A_290 = arith.andi %ne3A_289, %ne3A_285 : i1
      %add3A_291 = arith.addi %rem3A_283, %select_n3A_282 : i32
      %select_n3A_292 = arith.select %and3A_290, %add3A_291, %rem3A_283 : i32
      %mul3A_293 = arith.constant 64 : i32
      %mul3A_294 = arith.muli %select_n3A_292, %mul3A_293 : i32
      %add3A_295 = arith.constant 0 : i32
      %add3A_296 = arith.addi %mul3A_294, %add3A_295 : i32
      %get3A = arith.index_cast %select_n3A : i32 to index
      %get3A_297 = arith.index_cast %add3A_296 : i32 to index
      %get3A_298 = tpu.vector_load %arg12[%get3A, %get3A_297] {strides = array<i32>} : memref<40x128xi32, #tpu.memory_space<vmem>>, vector<16xi32>,
      %gather3A = tpu.vector_load_idx %arg6[%get3A_298] : memref<51200xf32, #tpu.memory_space<vmem>>[vector<16xi32>], vector<16xf32>,
      %swap3A = arith.index_cast %select_n3A : i32 to index
      %swap3A_299 = arith.index_cast %add3A_296 : i32 to index
      %swap3A_300 = tpu.vector_load %arg7[%swap3A, %swap3A_299] {strides = array<i32>} : memref<40x128xf32, #tpu.memory_space<vmem>>, vector<16xf32>,
      tpu.vector_store %arg7[%swap3A, %swap3A_299], %gather3A {strides = array<i32>} : memref<40x128xf32, #tpu.memory_space<vmem>>, vector<16xf32>,
      %add3A_301 = arith.constant 16 : i32
      %add3A_302 = arith.addi %mul3A_294, %add3A_301 : i32
      %get3A_303 = arith.index_cast %select_n3A : i32 to index
      %get3A_304 = arith.index_cast %add3A_302 : i32 to index
      %get3A_305 = tpu.vector_load %arg12[%get3A_303, %get3A_304] {strides = array<i32>} : memref<40x128xi32, #tpu.memory_space<vmem>>, vector<16xi32>,
      %gather3A_306 = tpu.vector_load_idx %arg6[%get3A_305] : memref<51200xf32, #tpu.memory_space<vmem>>[vector<16xi32>], vector<16xf32>,
      %swap3A_307 = arith.index_cast %select_n3A : i32 to index
      %swap3A_308 = arith.index_cast %add3A_302 : i32 to index
      %swap3A_309 = tpu.vector_load %arg7[%swap3A_307, %swap3A_308] {strides = array<i32>} : memref<40x128xf32, #tpu.memory_space<vmem>>, vector<16xf32>,
      tpu.vector_store %arg7[%swap3A_307, %swap3A_308], %gather3A_306 {strides = array<i32>} : memref<40x128xf32, #tpu.memory_space<vmem>>, vector<16xf32>,
      %add3A_310 = arith.constant 32 : i32
      %add3A_311 = arith.addi %mul3A_294, %add3A_310 : i32
      %get3A_312 = arith.index_cast %select_n3A : i32 to index
      %get3A_313 = arith.index_cast %add3A_311 : i32 to index
      %get3A_314 = tpu.vector_load %arg12[%get3A_312, %get3A_313] {strides = array<i32>} : memref<40x128xi32, #tpu.memory_space<vmem>>, vector<16xi32>,
      %gather3A_315 = tpu.vector_load_idx %arg6[%get3A_314] : memref<51200xf32, #tpu.memory_space<vmem>>[vector<16xi32>], vector<16xf32>,
      %swap3A_316 = arith.index_cast %select_n3A : i32 to index
      %swap3A_317 = arith.index_cast %add3A_311 : i32 to index
      %swap3A_318 = tpu.vector_load %arg7[%swap3A_316, %swap3A_317] {strides = array<i32>} : memref<40x128xf32, #tpu.memory_space<vmem>>, vector<16xf32>,
      tpu.vector_store %arg7[%swap3A_316, %swap3A_317], %gather3A_315 {strides = array<i32>} : memref<40x128xf32, #tpu.memory_space<vmem>>, vector<16xf32>,
      %add3A_319 = arith.constant 48 : i32
      %add3A_320 = arith.addi %mul3A_294, %add3A_319 : i32
      %get3A_321 = arith.index_cast %select_n3A : i32 to index
      %get3A_322 = arith.index_cast %add3A_320 : i32 to index
      %get3A_323 = tpu.vector_load %arg12[%get3A_321, %get3A_322] {strides = array<i32>} : memref<40x128xi32, #tpu.memory_space<vmem>>, vector<16xi32>,
      %gather3A_324 = tpu.vector_load_idx %arg6[%get3A_323] : memref<51200xf32, #tpu.memory_space<vmem>>[vector<16xi32>], vector<16xf32>,
      %swap3A_325 = arith.index_cast %select_n3A : i32 to index
      %swap3A_326 = arith.index_cast %add3A_320 : i32 to index
      %swap3A_327 = tpu.vector_load %arg7[%swap3A_325, %swap3A_326] {strides = array<i32>} : memref<40x128xf32, #tpu.memory_space<vmem>>, vector<16xf32>,
      tpu.vector_store %arg7[%swap3A_325, %swap3A_326], %gather3A_324 {strides = array<i32>} : memref<40x128xf32, #tpu.memory_space<vmem>>, vector<16xf32>,
    }
    %scan3A_239 = arith.constant 80 : i32
    %scan3A_240 = arith.constant 0 : i32
    %scan3A_241 = arith.constant 0 : i32
    %scan3A_242 = arith.constant 40 : i32
    %scan3A_243 = arith.addi %scan3A_241, %scan3A_242 : i32
    %scan3A_244 = arith.constant 1 : i32
    scf.for %scan3A_261 = %scan3A_241 to %scan3A_243 step %scan3A_244  : i32 {
      %dma_start3A_262 = arith.constant 0 : i32
      %dma_start3A_263 = tpu.memref_slice %arg7[%scan3A_261, %dma_start3A_262] : memref<40x128xf32, #tpu.memory_space<vmem>> -> memref<1x128xf32, #tpu.memory_space<vmem>>
      %dma_start3A_264 = tpu.memref_squeeze %dma_start3A_263 : memref<1x128xf32, #tpu.memory_space<vmem>> -> memref<128xf32, #tpu.memory_space<vmem>>
      %dma_start3A_265 = arith.constant 0 : i32
      %dma_start3A_266 = tpu.memref_slice %arg11[%scan3A_261, %dma_start3A_265] : memref<40x128xi32, #tpu.memory_space<vmem>> -> memref<1x128xi32, #tpu.memory_space<vmem>>
      %dma_start3A_267 = tpu.memref_squeeze %dma_start3A_266 : memref<1x128xi32, #tpu.memory_space<vmem>> -> memref<128xi32, #tpu.memory_space<vmem>>
      %dma_start3A_268 = arith.constant 0 : i32
      %dma_start3A_269 = tpu.memref_slice %arg16[%dma_start3A_268] : memref<51200xf32, #tpu.memory_space<vmem_shared>> -> memref<51200xf32, #tpu.memory_space<vmem_shared>>
      tpu.enqueue_indirect_dma source(%dma_start3A_264 : memref<128xf32, #tpu.memory_space<vmem>>) target(%dma_start3A_269 : memref<51200xf32, #tpu.memory_space<vmem_shared>>) offsets(%dma_start3A_267 : memref<128xi32, #tpu.memory_space<vmem>>) semaphore(%arg19 : memref<!tpu.dma_semaphore, #tpu.memory_space<semaphore_mem>>) {add = true}
    }
    %scan3A_245 = arith.constant 40 : i32
    %scan3A_246 = arith.constant 0 : i32
    %scan3A_247 = arith.constant 0 : i32
    %scan3A_248 = arith.constant 40 : i32
    %scan3A_249 = arith.addi %scan3A_247, %scan3A_248 : i32
    %scan3A_250 = arith.constant 1 : i32
    scf.for %scan3A_261 = %scan3A_247 to %scan3A_249 step %scan3A_250  : i32 {
      %dma_wait3A_262 = arith.constant 0 : i32
      %dma_wait3A_263 = arith.constant 0 : i32
      %dma_wait3A_264 = arith.constant 0 : i32
      %dma_wait3A_265 = tpu.memref_slice %arg7[%dma_wait3A_263, %dma_wait3A_264] : memref<40x128xf32, #tpu.memory_space<vmem>> -> memref<1x128xf32, #tpu.memory_space<vmem>>
      %dma_wait3A_266 = tpu.memref_squeeze %dma_wait3A_265 : memref<1x128xf32, #tpu.memory_space<vmem>> -> memref<128xf32, #tpu.memory_space<vmem>>
      %dma_wait3A_267 = arith.constant 0 : i32
      %dma_wait3A_268 = tpu.memref_slice %arg4[%dma_wait3A_262, %dma_wait3A_267] : memref<2x51200xf32, #tpu.memory_space<hbm>> -> memref<1x128xf32, #tpu.memory_space<hbm>>
      %dma_wait3A_269 = tpu.memref_squeeze %dma_wait3A_268 : memref<1x128xf32, #tpu.memory_space<hbm>> -> memref<128xf32, #tpu.memory_space<hbm>>
      %dma_wait3A_270 = arith.constant 0 : i32
      %dma_wait3A_271 = tpu.memref_slice %arg7[%dma_wait3A_263, %dma_wait3A_270] : memref<40x128xf32, #tpu.memory_space<vmem>> -> memref<1x128xf32, #tpu.memory_space<vmem>>
      %dma_wait3A_272 = tpu.memref_squeeze %dma_wait3A_271 : memref<1x128xf32, #tpu.memory_space<vmem>> -> memref<128xf32, #tpu.memory_space<vmem>>
      %dma_wait3A_273 = arith.constant 0 : i32
      %dma_wait3A_274 = tpu.memref_slice %arg4[%dma_wait3A_262, %dma_wait3A_273] : memref<2x51200xf32, #tpu.memory_space<hbm>> -> memref<1x128xf32, #tpu.memory_space<hbm>>
      %dma_wait3A_275 = tpu.memref_squeeze %dma_wait3A_274 : memref<1x128xf32, #tpu.memory_space<hbm>> -> memref<128xf32, #tpu.memory_space<hbm>>
      tpu.wait_dma2 semaphore(%arg20 : memref<!tpu.dma_semaphore, #tpu.memory_space<semaphore_mem>>) src(%dma_wait3A_275 : memref<128xf32, #tpu.memory_space<hbm>>) dst(%dma_wait3A_272 : memref<128xf32, #tpu.memory_space<vmem>>)
    }
    %scan3A_251 = arith.constant 40 : i32
    %scan3A_252 = arith.constant 0 : i32
    %scan3A_253 = arith.constant 0 : i32
    %scan3A_254 = arith.constant 40 : i32
    %scan3A_255 = arith.addi %scan3A_253, %scan3A_254 : i32
    %scan3A_256 = arith.constant 1 : i32
    scf.for %scan3A_261 = %scan3A_253 to %scan3A_255 step %scan3A_256  : i32 {
      %dma_wait3A_262 = arith.constant 0 : i32
      %dma_wait3A_263 = arith.constant 0 : i32
      %dma_wait3A_264 = arith.constant 0 : i32
      %dma_wait3A_265 = tpu.memref_slice %arg7[%dma_wait3A_263, %dma_wait3A_264] : memref<40x128xf32, #tpu.memory_space<vmem>> -> memref<1x128xf32, #tpu.memory_space<vmem>>
      %dma_wait3A_266 = tpu.memref_squeeze %dma_wait3A_265 : memref<1x128xf32, #tpu.memory_space<vmem>> -> memref<128xf32, #tpu.memory_space<vmem>>
      %dma_wait3A_267 = arith.constant 0 : i32
      %dma_wait3A_268 = tpu.memref_slice %arg4[%dma_wait3A_262, %dma_wait3A_267] : memref<2x51200xf32, #tpu.memory_space<hbm>> -> memref<1x128xf32, #tpu.memory_space<hbm>>
      %dma_wait3A_269 = tpu.memref_squeeze %dma_wait3A_268 : memref<1x128xf32, #tpu.memory_space<hbm>> -> memref<128xf32, #tpu.memory_space<hbm>>
      %dma_wait3A_270 = arith.constant 0 : i32
      %dma_wait3A_271 = tpu.memref_slice %arg7[%dma_wait3A_263, %dma_wait3A_270] : memref<40x128xf32, #tpu.memory_space<vmem>> -> memref<1x128xf32, #tpu.memory_space<vmem>>
      %dma_wait3A_272 = tpu.memref_squeeze %dma_wait3A_271 : memref<1x128xf32, #tpu.memory_space<vmem>> -> memref<128xf32, #tpu.memory_space<vmem>>
      %dma_wait3A_273 = arith.constant 0 : i32
      %dma_wait3A_274 = tpu.memref_slice %arg4[%dma_wait3A_262, %dma_wait3A_273] : memref<2x51200xf32, #tpu.memory_space<hbm>> -> memref<1x128xf32, #tpu.memory_space<hbm>>
      %dma_wait3A_275 = tpu.memref_squeeze %dma_wait3A_274 : memref<1x128xf32, #tpu.memory_space<hbm>> -> memref<128xf32, #tpu.memory_space<hbm>>
      tpu.wait_dma2 semaphore(%arg19 : memref<!tpu.dma_semaphore, #tpu.memory_space<semaphore_mem>>) src(%dma_wait3A_275 : memref<128xf32, #tpu.memory_space<hbm>>) dst(%dma_wait3A_272 : memref<128xf32, #tpu.memory_space<vmem>>)
    }
    %scan3A_257 = arith.constant 40 : i32
    %barrier3A_258 = arith.constant 0 : index
    tpu.barrier barrier_id(%barrier3A_258)
    %eq3A = arith.constant 0 : i32
    %eq3A_259 = arith.cmpi eq, %arg1, %eq3A : i32
    %convert_element_type3A = arith.extui %eq3A_259 : i1 to i32
    %cond3A = arith.constant 0 : i32
    %cond3A_260 = arith.cmpi ne, %convert_element_type3A, %cond3A : i32
    scf.if %cond3A_260 {
      "tpu.region"() ({
        %run_scoped3A_261 = tpu.sem_alloc : memref<!tpu.dma_semaphore, #tpu.memory_space<semaphore_mem>>
        %dma_start3A_262 = arith.constant 0 : i32
        %dma_start3A_263 = tpu.memref_slice %arg5[%arg0, %dma_start3A_262] : memref<2x51200xf32, #tpu.memory_space<hbm>> -> memref<1x51200xf32, #tpu.memory_space<hbm>>
        %dma_start3A_264 = tpu.memref_squeeze %dma_start3A_263 : memref<1x51200xf32, #tpu.memory_space<hbm>> -> memref<51200xf32, #tpu.memory_space<hbm>>
        tpu.enqueue_dma source(%arg16 : memref<51200xf32, #tpu.memory_space<vmem_shared>>) target(%dma_start3A_264 : memref<51200xf32, #tpu.memory_space<hbm>>) target_semaphore(%run_scoped3A_261 : memref<!tpu.dma_semaphore, #tpu.memory_space<semaphore_mem>>)
        %dma_wait3A_265 = arith.constant 0 : i32
        %dma_wait3A_266 = tpu.memref_slice %arg5[%arg0, %dma_wait3A_265] : memref<2x51200xf32, #tpu.memory_space<hbm>> -> memref<1x51200xf32, #tpu.memory_space<hbm>>
        %dma_wait3A_267 = tpu.memref_squeeze %dma_wait3A_266 : memref<1x51200xf32, #tpu.memory_space<hbm>> -> memref<51200xf32, #tpu.memory_space<hbm>>
        tpu.wait_dma2 semaphore(%run_scoped3A_261 : memref<!tpu.dma_semaphore, #tpu.memory_space<semaphore_mem>>) src(%arg16 : memref<51200xf32, #tpu.memory_space<vmem_shared>>) dst(%dma_wait3A_267 : memref<51200xf32, #tpu.memory_space<hbm>>)
        tpu.yield
      }) : () -> ()
    } else {
    }
    return
  }
}

#map = affine_map<(d0, d1) -> (0, 0, 0)>
#map1 = affine_map<(d0, d1) -> (0, 0)>
module attributes {stable_mosaic.version = 14 : i64} {
  func.func @_sc_bincount(%arg0: i32, %arg1: i32, %arg2: memref<32x200x128xi32, #tpu.memory_space<hbm>>, %arg3: memref<32x200x128xi32, #tpu.memory_space<hbm>>, %arg4: memref<2x51200xf32, #tpu.memory_space<hbm>>, %arg5: memref<2x51200xf32, #tpu.memory_space<hbm>>, %arg6: memref<128xf32, #tpu.memory_space<vmem>>, %arg7: memref<3200xf32, #tpu.memory_space<vmem>>, %arg8: memref<40x128xi32, #tpu.memory_space<vmem>>, %arg9: memref<40x128xi32, #tpu.memory_space<vmem>>, %arg10: memref<40x128xi32, #tpu.memory_space<vmem>>, %arg11: memref<40x128xi32, #tpu.memory_space<vmem>>, %arg12: memref<51200xf32, #tpu.memory_space<vmem_shared>>, %arg13: memref<51200xf32, #tpu.memory_space<vmem_shared>>, %arg14: memref<!tpu.dma_semaphore, #tpu.memory_space<semaphore_mem>>, %arg15: memref<!tpu.dma_semaphore, #tpu.memory_space<semaphore_mem>>, %arg16: memref<!tpu.dma_semaphore, #tpu.memory_space<semaphore_mem>>, %arg17: memref<!tpu.dma_semaphore, #tpu.memory_space<semaphore_mem>>) attributes {dimension_semantics = [#tpu.dimension_semantics<core_parallel>, #tpu.dimension_semantics<subcore_parallel>], iteration_bounds = array<i64: 2, 16>, scalar_prefetch = 0 : i64, scratch_operands = 12 : i64, tpu.core_type = #tpu.core_type<sc_vector_subcore>, window_params = [{transform_indices = #map}, {transform_indices = #map}, {transform_indices = #map1}, {transform_indices = #map1}]} {
    %mul3A = arith.constant 16 : i32
    %mul3A_0 = arith.muli %arg0, %mul3A : i32
    %add3A = arith.addi %mul3A_0, %arg1 : i32
    %broadcast_in_dim3A = arith.constant 1.000000e+00 : f32
    %broadcast_in_dim3A_1 = vector.broadcast %broadcast_in_dim3A : f32 to vector<16xf32>
    %broadcast_in_dim3A_2 = arith.constant 0.000000e+00 : f32
    %broadcast_in_dim3A_3 = vector.broadcast %broadcast_in_dim3A_2 : f32 to vector<16xf32>
    %swap3A = arith.constant 0 : index
    %swap3A_4 = tpu.vector_load %arg6[%swap3A] {strides = array<i32>} : memref<128xf32, #tpu.memory_space<vmem>>, vector<16xf32>,
    tpu.vector_store %arg6[%swap3A], %broadcast_in_dim3A_1 {strides = array<i32>} : memref<128xf32, #tpu.memory_space<vmem>>, vector<16xf32>,
    %swap3A_5 = arith.constant 16 : index
    %swap3A_6 = tpu.vector_load %arg6[%swap3A_5] {strides = array<i32>} : memref<128xf32, #tpu.memory_space<vmem>>, vector<16xf32>,
    tpu.vector_store %arg6[%swap3A_5], %broadcast_in_dim3A_1 {strides = array<i32>} : memref<128xf32, #tpu.memory_space<vmem>>, vector<16xf32>,
    %swap3A_7 = arith.constant 32 : index
    %swap3A_8 = tpu.vector_load %arg6[%swap3A_7] {strides = array<i32>} : memref<128xf32, #tpu.memory_space<vmem>>, vector<16xf32>,
    tpu.vector_store %arg6[%swap3A_7], %broadcast_in_dim3A_1 {strides = array<i32>} : memref<128xf32, #tpu.memory_space<vmem>>, vector<16xf32>,
    %swap3A_9 = arith.constant 48 : index
    %swap3A_10 = tpu.vector_load %arg6[%swap3A_9] {strides = array<i32>} : memref<128xf32, #tpu.memory_space<vmem>>, vector<16xf32>,
    tpu.vector_store %arg6[%swap3A_9], %broadcast_in_dim3A_1 {strides = array<i32>} : memref<128xf32, #tpu.memory_space<vmem>>, vector<16xf32>,
    %swap3A_11 = arith.constant 64 : index
    %swap3A_12 = tpu.vector_load %arg6[%swap3A_11] {strides = array<i32>} : memref<128xf32, #tpu.memory_space<vmem>>, vector<16xf32>,
    tpu.vector_store %arg6[%swap3A_11], %broadcast_in_dim3A_1 {strides = array<i32>} : memref<128xf32, #tpu.memory_space<vmem>>, vector<16xf32>,
    %swap3A_13 = arith.constant 80 : index
    %swap3A_14 = tpu.vector_load %arg6[%swap3A_13] {strides = array<i32>} : memref<128xf32, #tpu.memory_space<vmem>>, vector<16xf32>,
    tpu.vector_store %arg6[%swap3A_13], %broadcast_in_dim3A_1 {strides = array<i32>} : memref<128xf32, #tpu.memory_space<vmem>>, vector<16xf32>,
    %swap3A_15 = arith.constant 96 : index
    %swap3A_16 = tpu.vector_load %arg6[%swap3A_15] {strides = array<i32>} : memref<128xf32, #tpu.memory_space<vmem>>, vector<16xf32>,
    tpu.vector_store %arg6[%swap3A_15], %broadcast_in_dim3A_1 {strides = array<i32>} : memref<128xf32, #tpu.memory_space<vmem>>, vector<16xf32>,
    %swap3A_17 = arith.constant 112 : index
    %swap3A_18 = tpu.vector_load %arg6[%swap3A_17] {strides = array<i32>} : memref<128xf32, #tpu.memory_space<vmem>>, vector<16xf32>,
    tpu.vector_store %arg6[%swap3A_17], %broadcast_in_dim3A_1 {strides = array<i32>} : memref<128xf32, #tpu.memory_space<vmem>>, vector<16xf32>,
    %scan3A = arith.constant 0 : i32
    %scan3A_19 = arith.constant 0 : i32
    %scan3A_20 = arith.constant 200 : i32
    %scan3A_21 = arith.addi %scan3A_19, %scan3A_20 : i32
    %scan3A_22 = arith.constant 1 : i32
    scf.for %scan3A_249 = %scan3A_19 to %scan3A_21 step %scan3A_22  : i32 {
      %mul3A_250 = arith.constant 16 : i32
      %mul3A_251 = arith.muli %scan3A_249, %mul3A_250 : i32
      %swap3A_252 = arith.index_cast %mul3A_251 : i32 to index
      %swap3A_253 = tpu.vector_load %arg7[%swap3A_252] {strides = array<i32>} : memref<3200xf32, #tpu.memory_space<vmem>>, vector<16xf32>,
      tpu.vector_store %arg7[%swap3A_252], %broadcast_in_dim3A_3 {strides = array<i32>} : memref<3200xf32, #tpu.memory_space<vmem>>, vector<16xf32>,
    }
    %scan3A_23 = arith.constant 200 : i32
    %mul3A_24 = arith.constant 3200 : i32
    %mul3A_25 = arith.muli %arg1, %mul3A_24 : i32
    "tpu.region"() ({
      %run_scoped3A = tpu.sem_alloc : memref<!tpu.dma_semaphore, #tpu.memory_space<semaphore_mem>>
      %dma_start3A_249 = tpu.memref_slice %arg12[%mul3A_25] : memref<51200xf32, #tpu.memory_space<vmem_shared>> -> memref<3200xf32, #tpu.memory_space<vmem_shared>>
      %dma_start3A_250 = tpu.memref_slice %arg12[%mul3A_25] : memref<51200xf32, #tpu.memory_space<vmem_shared>> -> memref<3200xf32, #tpu.memory_space<vmem_shared>>
      tpu.enqueue_dma source(%arg7 : memref<3200xf32, #tpu.memory_space<vmem>>) target(%dma_start3A_250 : memref<3200xf32, #tpu.memory_space<vmem_shared>>) target_semaphore(%run_scoped3A : memref<!tpu.dma_semaphore, #tpu.memory_space<semaphore_mem>>)
      %dma_wait3A_251 = tpu.memref_slice %arg12[%mul3A_25] : memref<51200xf32, #tpu.memory_space<vmem_shared>> -> memref<3200xf32, #tpu.memory_space<vmem_shared>>
      %dma_wait3A_252 = tpu.memref_slice %arg12[%mul3A_25] : memref<51200xf32, #tpu.memory_space<vmem_shared>> -> memref<3200xf32, #tpu.memory_space<vmem_shared>>
      tpu.wait_dma2 semaphore(%run_scoped3A : memref<!tpu.dma_semaphore, #tpu.memory_space<semaphore_mem>>) src(%arg7 : memref<3200xf32, #tpu.memory_space<vmem>>) dst(%dma_wait3A_252 : memref<3200xf32, #tpu.memory_space<vmem_shared>>)
      tpu.yield
    }) : () -> ()
    %mul3A_26 = arith.constant 3200 : i32
    %mul3A_27 = arith.muli %arg1, %mul3A_26 : i32
    "tpu.region"() ({
      %run_scoped3A = tpu.sem_alloc : memref<!tpu.dma_semaphore, #tpu.memory_space<semaphore_mem>>
      %dma_start3A_249 = tpu.memref_slice %arg13[%mul3A_27] : memref<51200xf32, #tpu.memory_space<vmem_shared>> -> memref<3200xf32, #tpu.memory_space<vmem_shared>>
      %dma_start3A_250 = tpu.memref_slice %arg13[%mul3A_27] : memref<51200xf32, #tpu.memory_space<vmem_shared>> -> memref<3200xf32, #tpu.memory_space<vmem_shared>>
      tpu.enqueue_dma source(%arg7 : memref<3200xf32, #tpu.memory_space<vmem>>) target(%dma_start3A_250 : memref<3200xf32, #tpu.memory_space<vmem_shared>>) target_semaphore(%run_scoped3A : memref<!tpu.dma_semaphore, #tpu.memory_space<semaphore_mem>>)
      %dma_wait3A_251 = tpu.memref_slice %arg13[%mul3A_27] : memref<51200xf32, #tpu.memory_space<vmem_shared>> -> memref<3200xf32, #tpu.memory_space<vmem_shared>>
      %dma_wait3A_252 = tpu.memref_slice %arg13[%mul3A_27] : memref<51200xf32, #tpu.memory_space<vmem_shared>> -> memref<3200xf32, #tpu.memory_space<vmem_shared>>
      tpu.wait_dma2 semaphore(%run_scoped3A : memref<!tpu.dma_semaphore, #tpu.memory_space<semaphore_mem>>) src(%arg7 : memref<3200xf32, #tpu.memory_space<vmem>>) dst(%dma_wait3A_252 : memref<3200xf32, #tpu.memory_space<vmem_shared>>)
      tpu.yield
    }) : () -> ()
    %barrier3A = arith.constant 0 : index
    tpu.barrier barrier_id(%barrier3A)
    %dma_start3A = arith.constant 0 : i32
    %dma_start3A_28 = arith.constant 0 : i32
    %dma_start3A_29 = tpu.memref_slice %arg2[%add3A, %dma_start3A, %dma_start3A_28] : memref<32x200x128xi32, #tpu.memory_space<hbm>> -> memref<1x40x128xi32, #tpu.memory_space<hbm>>
    %dma_start3A_30 = tpu.memref_squeeze %dma_start3A_29 : memref<1x40x128xi32, #tpu.memory_space<hbm>> -> memref<40x128xi32, #tpu.memory_space<hbm>>
    %dma_start3A_31 = arith.constant 0 : i32
    %dma_start3A_32 = arith.constant 0 : i32
    %dma_start3A_33 = tpu.memref_slice %arg2[%add3A, %dma_start3A_31, %dma_start3A_32] : memref<32x200x128xi32, #tpu.memory_space<hbm>> -> memref<1x40x128xi32, #tpu.memory_space<hbm>>
    %dma_start3A_34 = tpu.memref_squeeze %dma_start3A_33 : memref<1x40x128xi32, #tpu.memory_space<hbm>> -> memref<40x128xi32, #tpu.memory_space<hbm>>
    tpu.enqueue_dma source(%dma_start3A_34 : memref<40x128xi32, #tpu.memory_space<hbm>>) target(%arg8 : memref<40x128xi32, #tpu.memory_space<vmem>>) target_semaphore(%arg14 : memref<!tpu.dma_semaphore, #tpu.memory_space<semaphore_mem>>)
    %dma_start3A_35 = arith.constant 0 : i32
    %dma_start3A_36 = arith.constant 0 : i32
    %dma_start3A_37 = tpu.memref_slice %arg3[%add3A, %dma_start3A_35, %dma_start3A_36] : memref<32x200x128xi32, #tpu.memory_space<hbm>> -> memref<1x40x128xi32, #tpu.memory_space<hbm>>
    %dma_start3A_38 = tpu.memref_squeeze %dma_start3A_37 : memref<1x40x128xi32, #tpu.memory_space<hbm>> -> memref<40x128xi32, #tpu.memory_space<hbm>>
    %dma_start3A_39 = arith.constant 0 : i32
    %dma_start3A_40 = arith.constant 0 : i32
    %dma_start3A_41 = tpu.memref_slice %arg3[%add3A, %dma_start3A_39, %dma_start3A_40] : memref<32x200x128xi32, #tpu.memory_space<hbm>> -> memref<1x40x128xi32, #tpu.memory_space<hbm>>
    %dma_start3A_42 = tpu.memref_squeeze %dma_start3A_41 : memref<1x40x128xi32, #tpu.memory_space<hbm>> -> memref<40x128xi32, #tpu.memory_space<hbm>>
    tpu.enqueue_dma source(%dma_start3A_42 : memref<40x128xi32, #tpu.memory_space<hbm>>) target(%arg9 : memref<40x128xi32, #tpu.memory_space<vmem>>) target_semaphore(%arg14 : memref<!tpu.dma_semaphore, #tpu.memory_space<semaphore_mem>>)
    %dma_start3A_43 = arith.constant 40 : i32
    %dma_start3A_44 = arith.constant 0 : i32
    %dma_start3A_45 = tpu.memref_slice %arg2[%add3A, %dma_start3A_43, %dma_start3A_44] : memref<32x200x128xi32, #tpu.memory_space<hbm>> -> memref<1x40x128xi32, #tpu.memory_space<hbm>>
    %dma_start3A_46 = tpu.memref_squeeze %dma_start3A_45 : memref<1x40x128xi32, #tpu.memory_space<hbm>> -> memref<40x128xi32, #tpu.memory_space<hbm>>
    %dma_start3A_47 = arith.constant 40 : i32
    %dma_start3A_48 = arith.constant 0 : i32
    %dma_start3A_49 = tpu.memref_slice %arg2[%add3A, %dma_start3A_47, %dma_start3A_48] : memref<32x200x128xi32, #tpu.memory_space<hbm>> -> memref<1x40x128xi32, #tpu.memory_space<hbm>>
    %dma_start3A_50 = tpu.memref_squeeze %dma_start3A_49 : memref<1x40x128xi32, #tpu.memory_space<hbm>> -> memref<40x128xi32, #tpu.memory_space<hbm>>
    tpu.enqueue_dma source(%dma_start3A_50 : memref<40x128xi32, #tpu.memory_space<hbm>>) target(%arg10 : memref<40x128xi32, #tpu.memory_space<vmem>>) target_semaphore(%arg15 : memref<!tpu.dma_semaphore, #tpu.memory_space<semaphore_mem>>)
    %dma_start3A_51 = arith.constant 40 : i32
    %dma_start3A_52 = arith.constant 0 : i32
    %dma_start3A_53 = tpu.memref_slice %arg3[%add3A, %dma_start3A_51, %dma_start3A_52] : memref<32x200x128xi32, #tpu.memory_space<hbm>> -> memref<1x40x128xi32, #tpu.memory_space<hbm>>
    %dma_start3A_54 = tpu.memref_squeeze %dma_start3A_53 : memref<1x40x128xi32, #tpu.memory_space<hbm>> -> memref<40x128xi32, #tpu.memory_space<hbm>>
    %dma_start3A_55 = arith.constant 40 : i32
    %dma_start3A_56 = arith.constant 0 : i32
    %dma_start3A_57 = tpu.memref_slice %arg3[%add3A, %dma_start3A_55, %dma_start3A_56] : memref<32x200x128xi32, #tpu.memory_space<hbm>> -> memref<1x40x128xi32, #tpu.memory_space<hbm>>
    %dma_start3A_58 = tpu.memref_squeeze %dma_start3A_57 : memref<1x40x128xi32, #tpu.memory_space<hbm>> -> memref<40x128xi32, #tpu.memory_space<hbm>>
    tpu.enqueue_dma source(%dma_start3A_58 : memref<40x128xi32, #tpu.memory_space<hbm>>) target(%arg11 : memref<40x128xi32, #tpu.memory_space<vmem>>) target_semaphore(%arg15 : memref<!tpu.dma_semaphore, #tpu.memory_space<semaphore_mem>>)
    %dma_wait3A = arith.constant 0 : i32
    %dma_wait3A_59 = arith.constant 0 : i32
    %dma_wait3A_60 = tpu.memref_slice %arg2[%add3A, %dma_wait3A, %dma_wait3A_59] : memref<32x200x128xi32, #tpu.memory_space<hbm>> -> memref<1x40x128xi32, #tpu.memory_space<hbm>>
    %dma_wait3A_61 = tpu.memref_squeeze %dma_wait3A_60 : memref<1x40x128xi32, #tpu.memory_space<hbm>> -> memref<40x128xi32, #tpu.memory_space<hbm>>
    %dma_wait3A_62 = arith.constant 0 : i32
    %dma_wait3A_63 = arith.constant 0 : i32
    %dma_wait3A_64 = tpu.memref_slice %arg2[%add3A, %dma_wait3A_62, %dma_wait3A_63] : memref<32x200x128xi32, #tpu.memory_space<hbm>> -> memref<1x40x128xi32, #tpu.memory_space<hbm>>
    %dma_wait3A_65 = tpu.memref_squeeze %dma_wait3A_64 : memref<1x40x128xi32, #tpu.memory_space<hbm>> -> memref<40x128xi32, #tpu.memory_space<hbm>>
    tpu.wait_dma2 semaphore(%arg14 : memref<!tpu.dma_semaphore, #tpu.memory_space<semaphore_mem>>) src(%dma_wait3A_65 : memref<40x128xi32, #tpu.memory_space<hbm>>) dst(%arg8 : memref<40x128xi32, #tpu.memory_space<vmem>>)
    %dma_wait3A_66 = arith.constant 0 : i32
    %dma_wait3A_67 = arith.constant 0 : i32
    %dma_wait3A_68 = tpu.memref_slice %arg3[%add3A, %dma_wait3A_66, %dma_wait3A_67] : memref<32x200x128xi32, #tpu.memory_space<hbm>> -> memref<1x40x128xi32, #tpu.memory_space<hbm>>
    %dma_wait3A_69 = tpu.memref_squeeze %dma_wait3A_68 : memref<1x40x128xi32, #tpu.memory_space<hbm>> -> memref<40x128xi32, #tpu.memory_space<hbm>>
    %dma_wait3A_70 = arith.constant 0 : i32
    %dma_wait3A_71 = arith.constant 0 : i32
    %dma_wait3A_72 = tpu.memref_slice %arg3[%add3A, %dma_wait3A_70, %dma_wait3A_71] : memref<32x200x128xi32, #tpu.memory_space<hbm>> -> memref<1x40x128xi32, #tpu.memory_space<hbm>>
    %dma_wait3A_73 = tpu.memref_squeeze %dma_wait3A_72 : memref<1x40x128xi32, #tpu.memory_space<hbm>> -> memref<40x128xi32, #tpu.memory_space<hbm>>
    tpu.wait_dma2 semaphore(%arg14 : memref<!tpu.dma_semaphore, #tpu.memory_space<semaphore_mem>>) src(%dma_wait3A_73 : memref<40x128xi32, #tpu.memory_space<hbm>>) dst(%arg9 : memref<40x128xi32, #tpu.memory_space<vmem>>)
    %scan3A_74 = arith.constant 0 : i32
    %scan3A_75 = arith.constant 0 : i32
    %scan3A_76 = arith.constant 40 : i32
    %scan3A_77 = arith.addi %scan3A_75, %scan3A_76 : i32
    %scan3A_78 = arith.constant 1 : i32
    scf.for %scan3A_249 = %scan3A_75 to %scan3A_77 step %scan3A_78  : i32 {
      %dma_start3A_250 = arith.constant 0 : i32
      %dma_start3A_251 = tpu.memref_slice %arg8[%scan3A_249, %dma_start3A_250] : memref<40x128xi32, #tpu.memory_space<vmem>> -> memref<1x128xi32, #tpu.memory_space<vmem>>
      %dma_start3A_252 = tpu.memref_squeeze %dma_start3A_251 : memref<1x128xi32, #tpu.memory_space<vmem>> -> memref<128xi32, #tpu.memory_space<vmem>>
      %dma_start3A_253 = arith.constant 0 : i32
      %dma_start3A_254 = tpu.memref_slice %arg12[%dma_start3A_253] : memref<51200xf32, #tpu.memory_space<vmem_shared>> -> memref<51200xf32, #tpu.memory_space<vmem_shared>>
      tpu.enqueue_indirect_dma source(%arg6 : memref<128xf32, #tpu.memory_space<vmem>>) target(%dma_start3A_254 : memref<51200xf32, #tpu.memory_space<vmem_shared>>) offsets(%dma_start3A_252 : memref<128xi32, #tpu.memory_space<vmem>>) semaphore(%arg16 : memref<!tpu.dma_semaphore, #tpu.memory_space<semaphore_mem>>) {add = true}
      %dma_start3A_255 = arith.constant 0 : i32
      %dma_start3A_256 = tpu.memref_slice %arg9[%scan3A_249, %dma_start3A_255] : memref<40x128xi32, #tpu.memory_space<vmem>> -> memref<1x128xi32, #tpu.memory_space<vmem>>
      %dma_start3A_257 = tpu.memref_squeeze %dma_start3A_256 : memref<1x128xi32, #tpu.memory_space<vmem>> -> memref<128xi32, #tpu.memory_space<vmem>>
      %dma_start3A_258 = arith.constant 0 : i32
      %dma_start3A_259 = tpu.memref_slice %arg13[%dma_start3A_258] : memref<51200xf32, #tpu.memory_space<vmem_shared>> -> memref<51200xf32, #tpu.memory_space<vmem_shared>>
      tpu.enqueue_indirect_dma source(%arg6 : memref<128xf32, #tpu.memory_space<vmem>>) target(%dma_start3A_259 : memref<51200xf32, #tpu.memory_space<vmem_shared>>) offsets(%dma_start3A_257 : memref<128xi32, #tpu.memory_space<vmem>>) semaphore(%arg16 : memref<!tpu.dma_semaphore, #tpu.memory_space<semaphore_mem>>) {add = true}
    }
    %scan3A_79 = arith.constant 40 : i32
    %scan3A_80 = arith.constant 0 : i32
    %scan3A_81 = arith.constant 0 : i32
    %scan3A_82 = arith.constant 40 : i32
    %scan3A_83 = arith.addi %scan3A_81, %scan3A_82 : i32
    %scan3A_84 = arith.constant 1 : i32
    scf.for %scan3A_249 = %scan3A_81 to %scan3A_83 step %scan3A_84  : i32 {
      %dma_wait3A_250 = arith.constant 0 : i32
      %dma_wait3A_251 = arith.constant 0 : i32
      %dma_wait3A_252 = tpu.memref_slice %arg4[%dma_wait3A_250, %dma_wait3A_251] : memref<2x51200xf32, #tpu.memory_space<hbm>> -> memref<1x128xf32, #tpu.memory_space<hbm>>
      %dma_wait3A_253 = tpu.memref_squeeze %dma_wait3A_252 : memref<1x128xf32, #tpu.memory_space<hbm>> -> memref<128xf32, #tpu.memory_space<hbm>>
      %dma_wait3A_254 = arith.constant 0 : i32
      %dma_wait3A_255 = tpu.memref_slice %arg4[%dma_wait3A_250, %dma_wait3A_254] : memref<2x51200xf32, #tpu.memory_space<hbm>> -> memref<1x128xf32, #tpu.memory_space<hbm>>
      %dma_wait3A_256 = tpu.memref_squeeze %dma_wait3A_255 : memref<1x128xf32, #tpu.memory_space<hbm>> -> memref<128xf32, #tpu.memory_space<hbm>>
      tpu.wait_dma2 semaphore(%arg16 : memref<!tpu.dma_semaphore, #tpu.memory_space<semaphore_mem>>) src(%dma_wait3A_256 : memref<128xf32, #tpu.memory_space<hbm>>) dst(%arg6 : memref<128xf32, #tpu.memory_space<vmem>>)
      %dma_wait3A_257 = arith.constant 0 : i32
      %dma_wait3A_258 = arith.constant 0 : i32
      %dma_wait3A_259 = tpu.memref_slice %arg4[%dma_wait3A_257, %dma_wait3A_258] : memref<2x51200xf32, #tpu.memory_space<hbm>> -> memref<1x128xf32, #tpu.memory_space<hbm>>
      %dma_wait3A_260 = tpu.memref_squeeze %dma_wait3A_259 : memref<1x128xf32, #tpu.memory_space<hbm>> -> memref<128xf32, #tpu.memory_space<hbm>>
      %dma_wait3A_261 = arith.constant 0 : i32
      %dma_wait3A_262 = tpu.memref_slice %arg4[%dma_wait3A_257, %dma_wait3A_261] : memref<2x51200xf32, #tpu.memory_space<hbm>> -> memref<1x128xf32, #tpu.memory_space<hbm>>
      %dma_wait3A_263 = tpu.memref_squeeze %dma_wait3A_262 : memref<1x128xf32, #tpu.memory_space<hbm>> -> memref<128xf32, #tpu.memory_space<hbm>>
      tpu.wait_dma2 semaphore(%arg16 : memref<!tpu.dma_semaphore, #tpu.memory_space<semaphore_mem>>) src(%dma_wait3A_263 : memref<128xf32, #tpu.memory_space<hbm>>) dst(%arg6 : memref<128xf32, #tpu.memory_space<vmem>>)
    }
    %scan3A_85 = arith.constant 40 : i32
    %dma_start3A_86 = arith.constant 80 : i32
    %dma_start3A_87 = arith.constant 0 : i32
    %dma_start3A_88 = tpu.memref_slice %arg2[%add3A, %dma_start3A_86, %dma_start3A_87] : memref<32x200x128xi32, #tpu.memory_space<hbm>> -> memref<1x40x128xi32, #tpu.memory_space<hbm>>
    %dma_start3A_89 = tpu.memref_squeeze %dma_start3A_88 : memref<1x40x128xi32, #tpu.memory_space<hbm>> -> memref<40x128xi32, #tpu.memory_space<hbm>>
    %dma_start3A_90 = arith.constant 80 : i32
    %dma_start3A_91 = arith.constant 0 : i32
    %dma_start3A_92 = tpu.memref_slice %arg2[%add3A, %dma_start3A_90, %dma_start3A_91] : memref<32x200x128xi32, #tpu.memory_space<hbm>> -> memref<1x40x128xi32, #tpu.memory_space<hbm>>
    %dma_start3A_93 = tpu.memref_squeeze %dma_start3A_92 : memref<1x40x128xi32, #tpu.memory_space<hbm>> -> memref<40x128xi32, #tpu.memory_space<hbm>>
    tpu.enqueue_dma source(%dma_start3A_93 : memref<40x128xi32, #tpu.memory_space<hbm>>) target(%arg8 : memref<40x128xi32, #tpu.memory_space<vmem>>) target_semaphore(%arg14 : memref<!tpu.dma_semaphore, #tpu.memory_space<semaphore_mem>>)
    %dma_start3A_94 = arith.constant 80 : i32
    %dma_start3A_95 = arith.constant 0 : i32
    %dma_start3A_96 = tpu.memref_slice %arg3[%add3A, %dma_start3A_94, %dma_start3A_95] : memref<32x200x128xi32, #tpu.memory_space<hbm>> -> memref<1x40x128xi32, #tpu.memory_space<hbm>>
    %dma_start3A_97 = tpu.memref_squeeze %dma_start3A_96 : memref<1x40x128xi32, #tpu.memory_space<hbm>> -> memref<40x128xi32, #tpu.memory_space<hbm>>
    %dma_start3A_98 = arith.constant 80 : i32
    %dma_start3A_99 = arith.constant 0 : i32
    %dma_start3A_100 = tpu.memref_slice %arg3[%add3A, %dma_start3A_98, %dma_start3A_99] : memref<32x200x128xi32, #tpu.memory_space<hbm>> -> memref<1x40x128xi32, #tpu.memory_space<hbm>>
    %dma_start3A_101 = tpu.memref_squeeze %dma_start3A_100 : memref<1x40x128xi32, #tpu.memory_space<hbm>> -> memref<40x128xi32, #tpu.memory_space<hbm>>
    tpu.enqueue_dma source(%dma_start3A_101 : memref<40x128xi32, #tpu.memory_space<hbm>>) target(%arg9 : memref<40x128xi32, #tpu.memory_space<vmem>>) target_semaphore(%arg14 : memref<!tpu.dma_semaphore, #tpu.memory_space<semaphore_mem>>)
    %dma_wait3A_102 = arith.constant 40 : i32
    %dma_wait3A_103 = arith.constant 0 : i32
    %dma_wait3A_104 = tpu.memref_slice %arg2[%add3A, %dma_wait3A_102, %dma_wait3A_103] : memref<32x200x128xi32, #tpu.memory_space<hbm>> -> memref<1x40x128xi32, #tpu.memory_space<hbm>>
    %dma_wait3A_105 = tpu.memref_squeeze %dma_wait3A_104 : memref<1x40x128xi32, #tpu.memory_space<hbm>> -> memref<40x128xi32, #tpu.memory_space<hbm>>
    %dma_wait3A_106 = arith.constant 40 : i32
    %dma_wait3A_107 = arith.constant 0 : i32
    %dma_wait3A_108 = tpu.memref_slice %arg2[%add3A, %dma_wait3A_106, %dma_wait3A_107] : memref<32x200x128xi32, #tpu.memory_space<hbm>> -> memref<1x40x128xi32, #tpu.memory_space<hbm>>
    %dma_wait3A_109 = tpu.memref_squeeze %dma_wait3A_108 : memref<1x40x128xi32, #tpu.memory_space<hbm>> -> memref<40x128xi32, #tpu.memory_space<hbm>>
    tpu.wait_dma2 semaphore(%arg15 : memref<!tpu.dma_semaphore, #tpu.memory_space<semaphore_mem>>) src(%dma_wait3A_109 : memref<40x128xi32, #tpu.memory_space<hbm>>) dst(%arg10 : memref<40x128xi32, #tpu.memory_space<vmem>>)
    %dma_wait3A_110 = arith.constant 40 : i32
    %dma_wait3A_111 = arith.constant 0 : i32
    %dma_wait3A_112 = tpu.memref_slice %arg3[%add3A, %dma_wait3A_110, %dma_wait3A_111] : memref<32x200x128xi32, #tpu.memory_space<hbm>> -> memref<1x40x128xi32, #tpu.memory_space<hbm>>
    %dma_wait3A_113 = tpu.memref_squeeze %dma_wait3A_112 : memref<1x40x128xi32, #tpu.memory_space<hbm>> -> memref<40x128xi32, #tpu.memory_space<hbm>>
    %dma_wait3A_114 = arith.constant 40 : i32
    %dma_wait3A_115 = arith.constant 0 : i32
    %dma_wait3A_116 = tpu.memref_slice %arg3[%add3A, %dma_wait3A_114, %dma_wait3A_115] : memref<32x200x128xi32, #tpu.memory_space<hbm>> -> memref<1x40x128xi32, #tpu.memory_space<hbm>>
    %dma_wait3A_117 = tpu.memref_squeeze %dma_wait3A_116 : memref<1x40x128xi32, #tpu.memory_space<hbm>> -> memref<40x128xi32, #tpu.memory_space<hbm>>
    tpu.wait_dma2 semaphore(%arg15 : memref<!tpu.dma_semaphore, #tpu.memory_space<semaphore_mem>>) src(%dma_wait3A_117 : memref<40x128xi32, #tpu.memory_space<hbm>>) dst(%arg11 : memref<40x128xi32, #tpu.memory_space<vmem>>)
    %scan3A_118 = arith.constant 0 : i32
    %scan3A_119 = arith.constant 0 : i32
    %scan3A_120 = arith.constant 40 : i32
    %scan3A_121 = arith.addi %scan3A_119, %scan3A_120 : i32
    %scan3A_122 = arith.constant 1 : i32
    scf.for %scan3A_249 = %scan3A_119 to %scan3A_121 step %scan3A_122  : i32 {
      %dma_start3A_250 = arith.constant 0 : i32
      %dma_start3A_251 = tpu.memref_slice %arg10[%scan3A_249, %dma_start3A_250] : memref<40x128xi32, #tpu.memory_space<vmem>> -> memref<1x128xi32, #tpu.memory_space<vmem>>
      %dma_start3A_252 = tpu.memref_squeeze %dma_start3A_251 : memref<1x128xi32, #tpu.memory_space<vmem>> -> memref<128xi32, #tpu.memory_space<vmem>>
      %dma_start3A_253 = arith.constant 0 : i32
      %dma_start3A_254 = tpu.memref_slice %arg12[%dma_start3A_253] : memref<51200xf32, #tpu.memory_space<vmem_shared>> -> memref<51200xf32, #tpu.memory_space<vmem_shared>>
      tpu.enqueue_indirect_dma source(%arg6 : memref<128xf32, #tpu.memory_space<vmem>>) target(%dma_start3A_254 : memref<51200xf32, #tpu.memory_space<vmem_shared>>) offsets(%dma_start3A_252 : memref<128xi32, #tpu.memory_space<vmem>>) semaphore(%arg17 : memref<!tpu.dma_semaphore, #tpu.memory_space<semaphore_mem>>) {add = true}
      %dma_start3A_255 = arith.constant 0 : i32
      %dma_start3A_256 = tpu.memref_slice %arg11[%scan3A_249, %dma_start3A_255] : memref<40x128xi32, #tpu.memory_space<vmem>> -> memref<1x128xi32, #tpu.memory_space<vmem>>
      %dma_start3A_257 = tpu.memref_squeeze %dma_start3A_256 : memref<1x128xi32, #tpu.memory_space<vmem>> -> memref<128xi32, #tpu.memory_space<vmem>>
      %dma_start3A_258 = arith.constant 0 : i32
      %dma_start3A_259 = tpu.memref_slice %arg13[%dma_start3A_258] : memref<51200xf32, #tpu.memory_space<vmem_shared>> -> memref<51200xf32, #tpu.memory_space<vmem_shared>>
      tpu.enqueue_indirect_dma source(%arg6 : memref<128xf32, #tpu.memory_space<vmem>>) target(%dma_start3A_259 : memref<51200xf32, #tpu.memory_space<vmem_shared>>) offsets(%dma_start3A_257 : memref<128xi32, #tpu.memory_space<vmem>>) semaphore(%arg17 : memref<!tpu.dma_semaphore, #tpu.memory_space<semaphore_mem>>) {add = true}
    }
    %scan3A_123 = arith.constant 40 : i32
    %scan3A_124 = arith.constant 0 : i32
    %scan3A_125 = arith.constant 0 : i32
    %scan3A_126 = arith.constant 40 : i32
    %scan3A_127 = arith.addi %scan3A_125, %scan3A_126 : i32
    %scan3A_128 = arith.constant 1 : i32
    scf.for %scan3A_249 = %scan3A_125 to %scan3A_127 step %scan3A_128  : i32 {
      %dma_wait3A_250 = arith.constant 0 : i32
      %dma_wait3A_251 = arith.constant 0 : i32
      %dma_wait3A_252 = tpu.memref_slice %arg4[%dma_wait3A_250, %dma_wait3A_251] : memref<2x51200xf32, #tpu.memory_space<hbm>> -> memref<1x128xf32, #tpu.memory_space<hbm>>
      %dma_wait3A_253 = tpu.memref_squeeze %dma_wait3A_252 : memref<1x128xf32, #tpu.memory_space<hbm>> -> memref<128xf32, #tpu.memory_space<hbm>>
      %dma_wait3A_254 = arith.constant 0 : i32
      %dma_wait3A_255 = tpu.memref_slice %arg4[%dma_wait3A_250, %dma_wait3A_254] : memref<2x51200xf32, #tpu.memory_space<hbm>> -> memref<1x128xf32, #tpu.memory_space<hbm>>
      %dma_wait3A_256 = tpu.memref_squeeze %dma_wait3A_255 : memref<1x128xf32, #tpu.memory_space<hbm>> -> memref<128xf32, #tpu.memory_space<hbm>>
      tpu.wait_dma2 semaphore(%arg17 : memref<!tpu.dma_semaphore, #tpu.memory_space<semaphore_mem>>) src(%dma_wait3A_256 : memref<128xf32, #tpu.memory_space<hbm>>) dst(%arg6 : memref<128xf32, #tpu.memory_space<vmem>>)
      %dma_wait3A_257 = arith.constant 0 : i32
      %dma_wait3A_258 = arith.constant 0 : i32
      %dma_wait3A_259 = tpu.memref_slice %arg4[%dma_wait3A_257, %dma_wait3A_258] : memref<2x51200xf32, #tpu.memory_space<hbm>> -> memref<1x128xf32, #tpu.memory_space<hbm>>
      %dma_wait3A_260 = tpu.memref_squeeze %dma_wait3A_259 : memref<1x128xf32, #tpu.memory_space<hbm>> -> memref<128xf32, #tpu.memory_space<hbm>>
      %dma_wait3A_261 = arith.constant 0 : i32
      %dma_wait3A_262 = tpu.memref_slice %arg4[%dma_wait3A_257, %dma_wait3A_261] : memref<2x51200xf32, #tpu.memory_space<hbm>> -> memref<1x128xf32, #tpu.memory_space<hbm>>
      %dma_wait3A_263 = tpu.memref_squeeze %dma_wait3A_262 : memref<1x128xf32, #tpu.memory_space<hbm>> -> memref<128xf32, #tpu.memory_space<hbm>>
      tpu.wait_dma2 semaphore(%arg17 : memref<!tpu.dma_semaphore, #tpu.memory_space<semaphore_mem>>) src(%dma_wait3A_263 : memref<128xf32, #tpu.memory_space<hbm>>) dst(%arg6 : memref<128xf32, #tpu.memory_space<vmem>>)
    }
    %scan3A_129 = arith.constant 40 : i32
    %dma_start3A_130 = arith.constant 120 : i32
    %dma_start3A_131 = arith.constant 0 : i32
    %dma_start3A_132 = tpu.memref_slice %arg2[%add3A, %dma_start3A_130, %dma_start3A_131] : memref<32x200x128xi32, #tpu.memory_space<hbm>> -> memref<1x40x128xi32, #tpu.memory_space<hbm>>
    %dma_start3A_133 = tpu.memref_squeeze %dma_start3A_132 : memref<1x40x128xi32, #tpu.memory_space<hbm>> -> memref<40x128xi32, #tpu.memory_space<hbm>>
    %dma_start3A_134 = arith.constant 120 : i32
    %dma_start3A_135 = arith.constant 0 : i32
    %dma_start3A_136 = tpu.memref_slice %arg2[%add3A, %dma_start3A_134, %dma_start3A_135] : memref<32x200x128xi32, #tpu.memory_space<hbm>> -> memref<1x40x128xi32, #tpu.memory_space<hbm>>
    %dma_start3A_137 = tpu.memref_squeeze %dma_start3A_136 : memref<1x40x128xi32, #tpu.memory_space<hbm>> -> memref<40x128xi32, #tpu.memory_space<hbm>>
    tpu.enqueue_dma source(%dma_start3A_137 : memref<40x128xi32, #tpu.memory_space<hbm>>) target(%arg10 : memref<40x128xi32, #tpu.memory_space<vmem>>) target_semaphore(%arg15 : memref<!tpu.dma_semaphore, #tpu.memory_space<semaphore_mem>>)
    %dma_start3A_138 = arith.constant 120 : i32
    %dma_start3A_139 = arith.constant 0 : i32
    %dma_start3A_140 = tpu.memref_slice %arg3[%add3A, %dma_start3A_138, %dma_start3A_139] : memref<32x200x128xi32, #tpu.memory_space<hbm>> -> memref<1x40x128xi32, #tpu.memory_space<hbm>>
    %dma_start3A_141 = tpu.memref_squeeze %dma_start3A_140 : memref<1x40x128xi32, #tpu.memory_space<hbm>> -> memref<40x128xi32, #tpu.memory_space<hbm>>
    %dma_start3A_142 = arith.constant 120 : i32
    %dma_start3A_143 = arith.constant 0 : i32
    %dma_start3A_144 = tpu.memref_slice %arg3[%add3A, %dma_start3A_142, %dma_start3A_143] : memref<32x200x128xi32, #tpu.memory_space<hbm>> -> memref<1x40x128xi32, #tpu.memory_space<hbm>>
    %dma_start3A_145 = tpu.memref_squeeze %dma_start3A_144 : memref<1x40x128xi32, #tpu.memory_space<hbm>> -> memref<40x128xi32, #tpu.memory_space<hbm>>
    tpu.enqueue_dma source(%dma_start3A_145 : memref<40x128xi32, #tpu.memory_space<hbm>>) target(%arg11 : memref<40x128xi32, #tpu.memory_space<vmem>>) target_semaphore(%arg15 : memref<!tpu.dma_semaphore, #tpu.memory_space<semaphore_mem>>)
    %dma_wait3A_146 = arith.constant 80 : i32
    %dma_wait3A_147 = arith.constant 0 : i32
    %dma_wait3A_148 = tpu.memref_slice %arg2[%add3A, %dma_wait3A_146, %dma_wait3A_147] : memref<32x200x128xi32, #tpu.memory_space<hbm>> -> memref<1x40x128xi32, #tpu.memory_space<hbm>>
    %dma_wait3A_149 = tpu.memref_squeeze %dma_wait3A_148 : memref<1x40x128xi32, #tpu.memory_space<hbm>> -> memref<40x128xi32, #tpu.memory_space<hbm>>
    %dma_wait3A_150 = arith.constant 80 : i32
    %dma_wait3A_151 = arith.constant 0 : i32
    %dma_wait3A_152 = tpu.memref_slice %arg2[%add3A, %dma_wait3A_150, %dma_wait3A_151] : memref<32x200x128xi32, #tpu.memory_space<hbm>> -> memref<1x40x128xi32, #tpu.memory_space<hbm>>
    %dma_wait3A_153 = tpu.memref_squeeze %dma_wait3A_152 : memref<1x40x128xi32, #tpu.memory_space<hbm>> -> memref<40x128xi32, #tpu.memory_space<hbm>>
    tpu.wait_dma2 semaphore(%arg14 : memref<!tpu.dma_semaphore, #tpu.memory_space<semaphore_mem>>) src(%dma_wait3A_153 : memref<40x128xi32, #tpu.memory_space<hbm>>) dst(%arg8 : memref<40x128xi32, #tpu.memory_space<vmem>>)
    %dma_wait3A_154 = arith.constant 80 : i32
    %dma_wait3A_155 = arith.constant 0 : i32
    %dma_wait3A_156 = tpu.memref_slice %arg3[%add3A, %dma_wait3A_154, %dma_wait3A_155] : memref<32x200x128xi32, #tpu.memory_space<hbm>> -> memref<1x40x128xi32, #tpu.memory_space<hbm>>
    %dma_wait3A_157 = tpu.memref_squeeze %dma_wait3A_156 : memref<1x40x128xi32, #tpu.memory_space<hbm>> -> memref<40x128xi32, #tpu.memory_space<hbm>>
    %dma_wait3A_158 = arith.constant 80 : i32
    %dma_wait3A_159 = arith.constant 0 : i32
    %dma_wait3A_160 = tpu.memref_slice %arg3[%add3A, %dma_wait3A_158, %dma_wait3A_159] : memref<32x200x128xi32, #tpu.memory_space<hbm>> -> memref<1x40x128xi32, #tpu.memory_space<hbm>>
    %dma_wait3A_161 = tpu.memref_squeeze %dma_wait3A_160 : memref<1x40x128xi32, #tpu.memory_space<hbm>> -> memref<40x128xi32, #tpu.memory_space<hbm>>
    tpu.wait_dma2 semaphore(%arg14 : memref<!tpu.dma_semaphore, #tpu.memory_space<semaphore_mem>>) src(%dma_wait3A_161 : memref<40x128xi32, #tpu.memory_space<hbm>>) dst(%arg9 : memref<40x128xi32, #tpu.memory_space<vmem>>)
    %scan3A_162 = arith.constant 0 : i32
    %scan3A_163 = arith.constant 0 : i32
    %scan3A_164 = arith.constant 40 : i32
    %scan3A_165 = arith.addi %scan3A_163, %scan3A_164 : i32
    %scan3A_166 = arith.constant 1 : i32
    scf.for %scan3A_249 = %scan3A_163 to %scan3A_165 step %scan3A_166  : i32 {
      %dma_start3A_250 = arith.constant 0 : i32
      %dma_start3A_251 = tpu.memref_slice %arg8[%scan3A_249, %dma_start3A_250] : memref<40x128xi32, #tpu.memory_space<vmem>> -> memref<1x128xi32, #tpu.memory_space<vmem>>
      %dma_start3A_252 = tpu.memref_squeeze %dma_start3A_251 : memref<1x128xi32, #tpu.memory_space<vmem>> -> memref<128xi32, #tpu.memory_space<vmem>>
      %dma_start3A_253 = arith.constant 0 : i32
      %dma_start3A_254 = tpu.memref_slice %arg12[%dma_start3A_253] : memref<51200xf32, #tpu.memory_space<vmem_shared>> -> memref<51200xf32, #tpu.memory_space<vmem_shared>>
      tpu.enqueue_indirect_dma source(%arg6 : memref<128xf32, #tpu.memory_space<vmem>>) target(%dma_start3A_254 : memref<51200xf32, #tpu.memory_space<vmem_shared>>) offsets(%dma_start3A_252 : memref<128xi32, #tpu.memory_space<vmem>>) semaphore(%arg16 : memref<!tpu.dma_semaphore, #tpu.memory_space<semaphore_mem>>) {add = true}
      %dma_start3A_255 = arith.constant 0 : i32
      %dma_start3A_256 = tpu.memref_slice %arg9[%scan3A_249, %dma_start3A_255] : memref<40x128xi32, #tpu.memory_space<vmem>> -> memref<1x128xi32, #tpu.memory_space<vmem>>
      %dma_start3A_257 = tpu.memref_squeeze %dma_start3A_256 : memref<1x128xi32, #tpu.memory_space<vmem>> -> memref<128xi32, #tpu.memory_space<vmem>>
      %dma_start3A_258 = arith.constant 0 : i32
      %dma_start3A_259 = tpu.memref_slice %arg13[%dma_start3A_258] : memref<51200xf32, #tpu.memory_space<vmem_shared>> -> memref<51200xf32, #tpu.memory_space<vmem_shared>>
      tpu.enqueue_indirect_dma source(%arg6 : memref<128xf32, #tpu.memory_space<vmem>>) target(%dma_start3A_259 : memref<51200xf32, #tpu.memory_space<vmem_shared>>) offsets(%dma_start3A_257 : memref<128xi32, #tpu.memory_space<vmem>>) semaphore(%arg16 : memref<!tpu.dma_semaphore, #tpu.memory_space<semaphore_mem>>) {add = true}
    }
    %scan3A_167 = arith.constant 40 : i32
    %scan3A_168 = arith.constant 0 : i32
    %scan3A_169 = arith.constant 0 : i32
    %scan3A_170 = arith.constant 40 : i32
    %scan3A_171 = arith.addi %scan3A_169, %scan3A_170 : i32
    %scan3A_172 = arith.constant 1 : i32
    scf.for %scan3A_249 = %scan3A_169 to %scan3A_171 step %scan3A_172  : i32 {
      %dma_wait3A_250 = arith.constant 0 : i32
      %dma_wait3A_251 = arith.constant 0 : i32
      %dma_wait3A_252 = tpu.memref_slice %arg4[%dma_wait3A_250, %dma_wait3A_251] : memref<2x51200xf32, #tpu.memory_space<hbm>> -> memref<1x128xf32, #tpu.memory_space<hbm>>
      %dma_wait3A_253 = tpu.memref_squeeze %dma_wait3A_252 : memref<1x128xf32, #tpu.memory_space<hbm>> -> memref<128xf32, #tpu.memory_space<hbm>>
      %dma_wait3A_254 = arith.constant 0 : i32
      %dma_wait3A_255 = tpu.memref_slice %arg4[%dma_wait3A_250, %dma_wait3A_254] : memref<2x51200xf32, #tpu.memory_space<hbm>> -> memref<1x128xf32, #tpu.memory_space<hbm>>
      %dma_wait3A_256 = tpu.memref_squeeze %dma_wait3A_255 : memref<1x128xf32, #tpu.memory_space<hbm>> -> memref<128xf32, #tpu.memory_space<hbm>>
      tpu.wait_dma2 semaphore(%arg16 : memref<!tpu.dma_semaphore, #tpu.memory_space<semaphore_mem>>) src(%dma_wait3A_256 : memref<128xf32, #tpu.memory_space<hbm>>) dst(%arg6 : memref<128xf32, #tpu.memory_space<vmem>>)
      %dma_wait3A_257 = arith.constant 0 : i32
      %dma_wait3A_258 = arith.constant 0 : i32
      %dma_wait3A_259 = tpu.memref_slice %arg4[%dma_wait3A_257, %dma_wait3A_258] : memref<2x51200xf32, #tpu.memory_space<hbm>> -> memref<1x128xf32, #tpu.memory_space<hbm>>
      %dma_wait3A_260 = tpu.memref_squeeze %dma_wait3A_259 : memref<1x128xf32, #tpu.memory_space<hbm>> -> memref<128xf32, #tpu.memory_space<hbm>>
      %dma_wait3A_261 = arith.constant 0 : i32
      %dma_wait3A_262 = tpu.memref_slice %arg4[%dma_wait3A_257, %dma_wait3A_261] : memref<2x51200xf32, #tpu.memory_space<hbm>> -> memref<1x128xf32, #tpu.memory_space<hbm>>
      %dma_wait3A_263 = tpu.memref_squeeze %dma_wait3A_262 : memref<1x128xf32, #tpu.memory_space<hbm>> -> memref<128xf32, #tpu.memory_space<hbm>>
      tpu.wait_dma2 semaphore(%arg16 : memref<!tpu.dma_semaphore, #tpu.memory_space<semaphore_mem>>) src(%dma_wait3A_263 : memref<128xf32, #tpu.memory_space<hbm>>) dst(%arg6 : memref<128xf32, #tpu.memory_space<vmem>>)
    }
    %scan3A_173 = arith.constant 40 : i32
    %dma_start3A_174 = arith.constant 160 : i32
    %dma_start3A_175 = arith.constant 0 : i32
    %dma_start3A_176 = tpu.memref_slice %arg2[%add3A, %dma_start3A_174, %dma_start3A_175] : memref<32x200x128xi32, #tpu.memory_space<hbm>> -> memref<1x40x128xi32, #tpu.memory_space<hbm>>
    %dma_start3A_177 = tpu.memref_squeeze %dma_start3A_176 : memref<1x40x128xi32, #tpu.memory_space<hbm>> -> memref<40x128xi32, #tpu.memory_space<hbm>>
    %dma_start3A_178 = arith.constant 160 : i32
    %dma_start3A_179 = arith.constant 0 : i32
    %dma_start3A_180 = tpu.memref_slice %arg2[%add3A, %dma_start3A_178, %dma_start3A_179] : memref<32x200x128xi32, #tpu.memory_space<hbm>> -> memref<1x40x128xi32, #tpu.memory_space<hbm>>
    %dma_start3A_181 = tpu.memref_squeeze %dma_start3A_180 : memref<1x40x128xi32, #tpu.memory_space<hbm>> -> memref<40x128xi32, #tpu.memory_space<hbm>>
    tpu.enqueue_dma source(%dma_start3A_181 : memref<40x128xi32, #tpu.memory_space<hbm>>) target(%arg8 : memref<40x128xi32, #tpu.memory_space<vmem>>) target_semaphore(%arg14 : memref<!tpu.dma_semaphore, #tpu.memory_space<semaphore_mem>>)
    %dma_start3A_182 = arith.constant 160 : i32
    %dma_start3A_183 = arith.constant 0 : i32
    %dma_start3A_184 = tpu.memref_slice %arg3[%add3A, %dma_start3A_182, %dma_start3A_183] : memref<32x200x128xi32, #tpu.memory_space<hbm>> -> memref<1x40x128xi32, #tpu.memory_space<hbm>>
    %dma_start3A_185 = tpu.memref_squeeze %dma_start3A_184 : memref<1x40x128xi32, #tpu.memory_space<hbm>> -> memref<40x128xi32, #tpu.memory_space<hbm>>
    %dma_start3A_186 = arith.constant 160 : i32
    %dma_start3A_187 = arith.constant 0 : i32
    %dma_start3A_188 = tpu.memref_slice %arg3[%add3A, %dma_start3A_186, %dma_start3A_187] : memref<32x200x128xi32, #tpu.memory_space<hbm>> -> memref<1x40x128xi32, #tpu.memory_space<hbm>>
    %dma_start3A_189 = tpu.memref_squeeze %dma_start3A_188 : memref<1x40x128xi32, #tpu.memory_space<hbm>> -> memref<40x128xi32, #tpu.memory_space<hbm>>
    tpu.enqueue_dma source(%dma_start3A_189 : memref<40x128xi32, #tpu.memory_space<hbm>>) target(%arg9 : memref<40x128xi32, #tpu.memory_space<vmem>>) target_semaphore(%arg14 : memref<!tpu.dma_semaphore, #tpu.memory_space<semaphore_mem>>)
    %dma_wait3A_190 = arith.constant 120 : i32
    %dma_wait3A_191 = arith.constant 0 : i32
    %dma_wait3A_192 = tpu.memref_slice %arg2[%add3A, %dma_wait3A_190, %dma_wait3A_191] : memref<32x200x128xi32, #tpu.memory_space<hbm>> -> memref<1x40x128xi32, #tpu.memory_space<hbm>>
    %dma_wait3A_193 = tpu.memref_squeeze %dma_wait3A_192 : memref<1x40x128xi32, #tpu.memory_space<hbm>> -> memref<40x128xi32, #tpu.memory_space<hbm>>
    %dma_wait3A_194 = arith.constant 120 : i32
    %dma_wait3A_195 = arith.constant 0 : i32
    %dma_wait3A_196 = tpu.memref_slice %arg2[%add3A, %dma_wait3A_194, %dma_wait3A_195] : memref<32x200x128xi32, #tpu.memory_space<hbm>> -> memref<1x40x128xi32, #tpu.memory_space<hbm>>
    %dma_wait3A_197 = tpu.memref_squeeze %dma_wait3A_196 : memref<1x40x128xi32, #tpu.memory_space<hbm>> -> memref<40x128xi32, #tpu.memory_space<hbm>>
    tpu.wait_dma2 semaphore(%arg15 : memref<!tpu.dma_semaphore, #tpu.memory_space<semaphore_mem>>) src(%dma_wait3A_197 : memref<40x128xi32, #tpu.memory_space<hbm>>) dst(%arg10 : memref<40x128xi32, #tpu.memory_space<vmem>>)
    %dma_wait3A_198 = arith.constant 120 : i32
    %dma_wait3A_199 = arith.constant 0 : i32
    %dma_wait3A_200 = tpu.memref_slice %arg3[%add3A, %dma_wait3A_198, %dma_wait3A_199] : memref<32x200x128xi32, #tpu.memory_space<hbm>> -> memref<1x40x128xi32, #tpu.memory_space<hbm>>
    %dma_wait3A_201 = tpu.memref_squeeze %dma_wait3A_200 : memref<1x40x128xi32, #tpu.memory_space<hbm>> -> memref<40x128xi32, #tpu.memory_space<hbm>>
    %dma_wait3A_202 = arith.constant 120 : i32
    %dma_wait3A_203 = arith.constant 0 : i32
    %dma_wait3A_204 = tpu.memref_slice %arg3[%add3A, %dma_wait3A_202, %dma_wait3A_203] : memref<32x200x128xi32, #tpu.memory_space<hbm>> -> memref<1x40x128xi32, #tpu.memory_space<hbm>>
    %dma_wait3A_205 = tpu.memref_squeeze %dma_wait3A_204 : memref<1x40x128xi32, #tpu.memory_space<hbm>> -> memref<40x128xi32, #tpu.memory_space<hbm>>
    tpu.wait_dma2 semaphore(%arg15 : memref<!tpu.dma_semaphore, #tpu.memory_space<semaphore_mem>>) src(%dma_wait3A_205 : memref<40x128xi32, #tpu.memory_space<hbm>>) dst(%arg11 : memref<40x128xi32, #tpu.memory_space<vmem>>)
    %scan3A_206 = arith.constant 0 : i32
    %scan3A_207 = arith.constant 0 : i32
    %scan3A_208 = arith.constant 40 : i32
    %scan3A_209 = arith.addi %scan3A_207, %scan3A_208 : i32
    %scan3A_210 = arith.constant 1 : i32
    scf.for %scan3A_249 = %scan3A_207 to %scan3A_209 step %scan3A_210  : i32 {
      %dma_start3A_250 = arith.constant 0 : i32
      %dma_start3A_251 = tpu.memref_slice %arg10[%scan3A_249, %dma_start3A_250] : memref<40x128xi32, #tpu.memory_space<vmem>> -> memref<1x128xi32, #tpu.memory_space<vmem>>
      %dma_start3A_252 = tpu.memref_squeeze %dma_start3A_251 : memref<1x128xi32, #tpu.memory_space<vmem>> -> memref<128xi32, #tpu.memory_space<vmem>>
      %dma_start3A_253 = arith.constant 0 : i32
      %dma_start3A_254 = tpu.memref_slice %arg12[%dma_start3A_253] : memref<51200xf32, #tpu.memory_space<vmem_shared>> -> memref<51200xf32, #tpu.memory_space<vmem_shared>>
      tpu.enqueue_indirect_dma source(%arg6 : memref<128xf32, #tpu.memory_space<vmem>>) target(%dma_start3A_254 : memref<51200xf32, #tpu.memory_space<vmem_shared>>) offsets(%dma_start3A_252 : memref<128xi32, #tpu.memory_space<vmem>>) semaphore(%arg17 : memref<!tpu.dma_semaphore, #tpu.memory_space<semaphore_mem>>) {add = true}
      %dma_start3A_255 = arith.constant 0 : i32
      %dma_start3A_256 = tpu.memref_slice %arg11[%scan3A_249, %dma_start3A_255] : memref<40x128xi32, #tpu.memory_space<vmem>> -> memref<1x128xi32, #tpu.memory_space<vmem>>
      %dma_start3A_257 = tpu.memref_squeeze %dma_start3A_256 : memref<1x128xi32, #tpu.memory_space<vmem>> -> memref<128xi32, #tpu.memory_space<vmem>>
      %dma_start3A_258 = arith.constant 0 : i32
      %dma_start3A_259 = tpu.memref_slice %arg13[%dma_start3A_258] : memref<51200xf32, #tpu.memory_space<vmem_shared>> -> memref<51200xf32, #tpu.memory_space<vmem_shared>>
      tpu.enqueue_indirect_dma source(%arg6 : memref<128xf32, #tpu.memory_space<vmem>>) target(%dma_start3A_259 : memref<51200xf32, #tpu.memory_space<vmem_shared>>) offsets(%dma_start3A_257 : memref<128xi32, #tpu.memory_space<vmem>>) semaphore(%arg17 : memref<!tpu.dma_semaphore, #tpu.memory_space<semaphore_mem>>) {add = true}
    }
    %scan3A_211 = arith.constant 40 : i32
    %dma_wait3A_212 = arith.constant 160 : i32
    %dma_wait3A_213 = arith.constant 0 : i32
    %dma_wait3A_214 = tpu.memref_slice %arg2[%add3A, %dma_wait3A_212, %dma_wait3A_213] : memref<32x200x128xi32, #tpu.memory_space<hbm>> -> memref<1x40x128xi32, #tpu.memory_space<hbm>>
    %dma_wait3A_215 = tpu.memref_squeeze %dma_wait3A_214 : memref<1x40x128xi32, #tpu.memory_space<hbm>> -> memref<40x128xi32, #tpu.memory_space<hbm>>
    %dma_wait3A_216 = arith.constant 160 : i32
    %dma_wait3A_217 = arith.constant 0 : i32
    %dma_wait3A_218 = tpu.memref_slice %arg2[%add3A, %dma_wait3A_216, %dma_wait3A_217] : memref<32x200x128xi32, #tpu.memory_space<hbm>> -> memref<1x40x128xi32, #tpu.memory_space<hbm>>
    %dma_wait3A_219 = tpu.memref_squeeze %dma_wait3A_218 : memref<1x40x128xi32, #tpu.memory_space<hbm>> -> memref<40x128xi32, #tpu.memory_space<hbm>>
    tpu.wait_dma2 semaphore(%arg14 : memref<!tpu.dma_semaphore, #tpu.memory_space<semaphore_mem>>) src(%dma_wait3A_219 : memref<40x128xi32, #tpu.memory_space<hbm>>) dst(%arg8 : memref<40x128xi32, #tpu.memory_space<vmem>>)
    %dma_wait3A_220 = arith.constant 160 : i32
    %dma_wait3A_221 = arith.constant 0 : i32
    %dma_wait3A_222 = tpu.memref_slice %arg3[%add3A, %dma_wait3A_220, %dma_wait3A_221] : memref<32x200x128xi32, #tpu.memory_space<hbm>> -> memref<1x40x128xi32, #tpu.memory_space<hbm>>
    %dma_wait3A_223 = tpu.memref_squeeze %dma_wait3A_222 : memref<1x40x128xi32, #tpu.memory_space<hbm>> -> memref<40x128xi32, #tpu.memory_space<hbm>>
    %dma_wait3A_224 = arith.constant 160 : i32
    %dma_wait3A_225 = arith.constant 0 : i32
    %dma_wait3A_226 = tpu.memref_slice %arg3[%add3A, %dma_wait3A_224, %dma_wait3A_225] : memref<32x200x128xi32, #tpu.memory_space<hbm>> -> memref<1x40x128xi32, #tpu.memory_space<hbm>>
    %dma_wait3A_227 = tpu.memref_squeeze %dma_wait3A_226 : memref<1x40x128xi32, #tpu.memory_space<hbm>> -> memref<40x128xi32, #tpu.memory_space<hbm>>
    tpu.wait_dma2 semaphore(%arg14 : memref<!tpu.dma_semaphore, #tpu.memory_space<semaphore_mem>>) src(%dma_wait3A_227 : memref<40x128xi32, #tpu.memory_space<hbm>>) dst(%arg9 : memref<40x128xi32, #tpu.memory_space<vmem>>)
    %scan3A_228 = arith.constant 0 : i32
    %scan3A_229 = arith.constant 0 : i32
    %scan3A_230 = arith.constant 40 : i32
    %scan3A_231 = arith.addi %scan3A_229, %scan3A_230 : i32
    %scan3A_232 = arith.constant 1 : i32
    scf.for %scan3A_249 = %scan3A_229 to %scan3A_231 step %scan3A_232  : i32 {
      %dma_start3A_250 = arith.constant 0 : i32
      %dma_start3A_251 = tpu.memref_slice %arg8[%scan3A_249, %dma_start3A_250] : memref<40x128xi32, #tpu.memory_space<vmem>> -> memref<1x128xi32, #tpu.memory_space<vmem>>
      %dma_start3A_252 = tpu.memref_squeeze %dma_start3A_251 : memref<1x128xi32, #tpu.memory_space<vmem>> -> memref<128xi32, #tpu.memory_space<vmem>>
      %dma_start3A_253 = arith.constant 0 : i32
      %dma_start3A_254 = tpu.memref_slice %arg12[%dma_start3A_253] : memref<51200xf32, #tpu.memory_space<vmem_shared>> -> memref<51200xf32, #tpu.memory_space<vmem_shared>>
      tpu.enqueue_indirect_dma source(%arg6 : memref<128xf32, #tpu.memory_space<vmem>>) target(%dma_start3A_254 : memref<51200xf32, #tpu.memory_space<vmem_shared>>) offsets(%dma_start3A_252 : memref<128xi32, #tpu.memory_space<vmem>>) semaphore(%arg16 : memref<!tpu.dma_semaphore, #tpu.memory_space<semaphore_mem>>) {add = true}
      %dma_start3A_255 = arith.constant 0 : i32
      %dma_start3A_256 = tpu.memref_slice %arg9[%scan3A_249, %dma_start3A_255] : memref<40x128xi32, #tpu.memory_space<vmem>> -> memref<1x128xi32, #tpu.memory_space<vmem>>
      %dma_start3A_257 = tpu.memref_squeeze %dma_start3A_256 : memref<1x128xi32, #tpu.memory_space<vmem>> -> memref<128xi32, #tpu.memory_space<vmem>>
      %dma_start3A_258 = arith.constant 0 : i32
      %dma_start3A_259 = tpu.memref_slice %arg13[%dma_start3A_258] : memref<51200xf32, #tpu.memory_space<vmem_shared>> -> memref<51200xf32, #tpu.memory_space<vmem_shared>>
      tpu.enqueue_indirect_dma source(%arg6 : memref<128xf32, #tpu.memory_space<vmem>>) target(%dma_start3A_259 : memref<51200xf32, #tpu.memory_space<vmem_shared>>) offsets(%dma_start3A_257 : memref<128xi32, #tpu.memory_space<vmem>>) semaphore(%arg16 : memref<!tpu.dma_semaphore, #tpu.memory_space<semaphore_mem>>) {add = true}
    }
    %scan3A_233 = arith.constant 40 : i32
    %scan3A_234 = arith.constant 0 : i32
    %scan3A_235 = arith.constant 0 : i32
    %scan3A_236 = arith.constant 40 : i32
    %scan3A_237 = arith.addi %scan3A_235, %scan3A_236 : i32
    %scan3A_238 = arith.constant 1 : i32
    scf.for %scan3A_249 = %scan3A_235 to %scan3A_237 step %scan3A_238  : i32 {
      %dma_wait3A_250 = arith.constant 0 : i32
      %dma_wait3A_251 = arith.constant 0 : i32
      %dma_wait3A_252 = tpu.memref_slice %arg4[%dma_wait3A_250, %dma_wait3A_251] : memref<2x51200xf32, #tpu.memory_space<hbm>> -> memref<1x128xf32, #tpu.memory_space<hbm>>
      %dma_wait3A_253 = tpu.memref_squeeze %dma_wait3A_252 : memref<1x128xf32, #tpu.memory_space<hbm>> -> memref<128xf32, #tpu.memory_space<hbm>>
      %dma_wait3A_254 = arith.constant 0 : i32
      %dma_wait3A_255 = tpu.memref_slice %arg4[%dma_wait3A_250, %dma_wait3A_254] : memref<2x51200xf32, #tpu.memory_space<hbm>> -> memref<1x128xf32, #tpu.memory_space<hbm>>
      %dma_wait3A_256 = tpu.memref_squeeze %dma_wait3A_255 : memref<1x128xf32, #tpu.memory_space<hbm>> -> memref<128xf32, #tpu.memory_space<hbm>>
      tpu.wait_dma2 semaphore(%arg17 : memref<!tpu.dma_semaphore, #tpu.memory_space<semaphore_mem>>) src(%dma_wait3A_256 : memref<128xf32, #tpu.memory_space<hbm>>) dst(%arg6 : memref<128xf32, #tpu.memory_space<vmem>>)
      %dma_wait3A_257 = arith.constant 0 : i32
      %dma_wait3A_258 = arith.constant 0 : i32
      %dma_wait3A_259 = tpu.memref_slice %arg4[%dma_wait3A_257, %dma_wait3A_258] : memref<2x51200xf32, #tpu.memory_space<hbm>> -> memref<1x128xf32, #tpu.memory_space<hbm>>
      %dma_wait3A_260 = tpu.memref_squeeze %dma_wait3A_259 : memref<1x128xf32, #tpu.memory_space<hbm>> -> memref<128xf32, #tpu.memory_space<hbm>>
      %dma_wait3A_261 = arith.constant 0 : i32
      %dma_wait3A_262 = tpu.memref_slice %arg4[%dma_wait3A_257, %dma_wait3A_261] : memref<2x51200xf32, #tpu.memory_space<hbm>> -> memref<1x128xf32, #tpu.memory_space<hbm>>
      %dma_wait3A_263 = tpu.memref_squeeze %dma_wait3A_262 : memref<1x128xf32, #tpu.memory_space<hbm>> -> memref<128xf32, #tpu.memory_space<hbm>>
      tpu.wait_dma2 semaphore(%arg17 : memref<!tpu.dma_semaphore, #tpu.memory_space<semaphore_mem>>) src(%dma_wait3A_263 : memref<128xf32, #tpu.memory_space<hbm>>) dst(%arg6 : memref<128xf32, #tpu.memory_space<vmem>>)
    }
    %scan3A_239 = arith.constant 40 : i32
    %scan3A_240 = arith.constant 0 : i32
    %scan3A_241 = arith.constant 0 : i32
    %scan3A_242 = arith.constant 40 : i32
    %scan3A_243 = arith.addi %scan3A_241, %scan3A_242 : i32
    %scan3A_244 = arith.constant 1 : i32
    scf.for %scan3A_249 = %scan3A_241 to %scan3A_243 step %scan3A_244  : i32 {
      %dma_wait3A_250 = arith.constant 0 : i32
      %dma_wait3A_251 = arith.constant 0 : i32
      %dma_wait3A_252 = tpu.memref_slice %arg4[%dma_wait3A_250, %dma_wait3A_251] : memref<2x51200xf32, #tpu.memory_space<hbm>> -> memref<1x128xf32, #tpu.memory_space<hbm>>
      %dma_wait3A_253 = tpu.memref_squeeze %dma_wait3A_252 : memref<1x128xf32, #tpu.memory_space<hbm>> -> memref<128xf32, #tpu.memory_space<hbm>>
      %dma_wait3A_254 = arith.constant 0 : i32
      %dma_wait3A_255 = tpu.memref_slice %arg4[%dma_wait3A_250, %dma_wait3A_254] : memref<2x51200xf32, #tpu.memory_space<hbm>> -> memref<1x128xf32, #tpu.memory_space<hbm>>
      %dma_wait3A_256 = tpu.memref_squeeze %dma_wait3A_255 : memref<1x128xf32, #tpu.memory_space<hbm>> -> memref<128xf32, #tpu.memory_space<hbm>>
      tpu.wait_dma2 semaphore(%arg16 : memref<!tpu.dma_semaphore, #tpu.memory_space<semaphore_mem>>) src(%dma_wait3A_256 : memref<128xf32, #tpu.memory_space<hbm>>) dst(%arg6 : memref<128xf32, #tpu.memory_space<vmem>>)
      %dma_wait3A_257 = arith.constant 0 : i32
      %dma_wait3A_258 = arith.constant 0 : i32
      %dma_wait3A_259 = tpu.memref_slice %arg4[%dma_wait3A_257, %dma_wait3A_258] : memref<2x51200xf32, #tpu.memory_space<hbm>> -> memref<1x128xf32, #tpu.memory_space<hbm>>
      %dma_wait3A_260 = tpu.memref_squeeze %dma_wait3A_259 : memref<1x128xf32, #tpu.memory_space<hbm>> -> memref<128xf32, #tpu.memory_space<hbm>>
      %dma_wait3A_261 = arith.constant 0 : i32
      %dma_wait3A_262 = tpu.memref_slice %arg4[%dma_wait3A_257, %dma_wait3A_261] : memref<2x51200xf32, #tpu.memory_space<hbm>> -> memref<1x128xf32, #tpu.memory_space<hbm>>
      %dma_wait3A_263 = tpu.memref_squeeze %dma_wait3A_262 : memref<1x128xf32, #tpu.memory_space<hbm>> -> memref<128xf32, #tpu.memory_space<hbm>>
      tpu.wait_dma2 semaphore(%arg16 : memref<!tpu.dma_semaphore, #tpu.memory_space<semaphore_mem>>) src(%dma_wait3A_263 : memref<128xf32, #tpu.memory_space<hbm>>) dst(%arg6 : memref<128xf32, #tpu.memory_space<vmem>>)
    }
    %scan3A_245 = arith.constant 40 : i32
    %barrier3A_246 = arith.constant 0 : index
    tpu.barrier barrier_id(%barrier3A_246)
    %eq3A = arith.constant 0 : i32
    %eq3A_247 = arith.cmpi eq, %arg1, %eq3A : i32
    %convert_element_type3A = arith.extui %eq3A_247 : i1 to i32
    %cond3A = arith.constant 0 : i32
    %cond3A_248 = arith.cmpi ne, %convert_element_type3A, %cond3A : i32
    scf.if %cond3A_248 {
      "tpu.region"() ({
        %run_scoped3A = tpu.sem_alloc : memref<!tpu.dma_semaphore, #tpu.memory_space<semaphore_mem>>
        %dma_start3A_249 = arith.constant 0 : i32
        %dma_start3A_250 = tpu.memref_slice %arg4[%arg0, %dma_start3A_249] : memref<2x51200xf32, #tpu.memory_space<hbm>> -> memref<1x51200xf32, #tpu.memory_space<hbm>>
        %dma_start3A_251 = tpu.memref_squeeze %dma_start3A_250 : memref<1x51200xf32, #tpu.memory_space<hbm>> -> memref<51200xf32, #tpu.memory_space<hbm>>
        tpu.enqueue_dma source(%arg12 : memref<51200xf32, #tpu.memory_space<vmem_shared>>) target(%dma_start3A_251 : memref<51200xf32, #tpu.memory_space<hbm>>) target_semaphore(%run_scoped3A : memref<!tpu.dma_semaphore, #tpu.memory_space<semaphore_mem>>)
        %dma_wait3A_252 = arith.constant 0 : i32
        %dma_wait3A_253 = tpu.memref_slice %arg4[%arg0, %dma_wait3A_252] : memref<2x51200xf32, #tpu.memory_space<hbm>> -> memref<1x51200xf32, #tpu.memory_space<hbm>>
        %dma_wait3A_254 = tpu.memref_squeeze %dma_wait3A_253 : memref<1x51200xf32, #tpu.memory_space<hbm>> -> memref<51200xf32, #tpu.memory_space<hbm>>
        tpu.wait_dma2 semaphore(%run_scoped3A : memref<!tpu.dma_semaphore, #tpu.memory_space<semaphore_mem>>) src(%arg12 : memref<51200xf32, #tpu.memory_space<vmem_shared>>) dst(%dma_wait3A_254 : memref<51200xf32, #tpu.memory_space<hbm>>)
        tpu.yield
      }) : () -> ()
      "tpu.region"() ({
        %run_scoped3A = tpu.sem_alloc : memref<!tpu.dma_semaphore, #tpu.memory_space<semaphore_mem>>
        %dma_start3A_249 = arith.constant 0 : i32
        %dma_start3A_250 = tpu.memref_slice %arg5[%arg0, %dma_start3A_249] : memref<2x51200xf32, #tpu.memory_space<hbm>> -> memref<1x51200xf32, #tpu.memory_space<hbm>>
        %dma_start3A_251 = tpu.memref_squeeze %dma_start3A_250 : memref<1x51200xf32, #tpu.memory_space<hbm>> -> memref<51200xf32, #tpu.memory_space<hbm>>
        tpu.enqueue_dma source(%arg13 : memref<51200xf32, #tpu.memory_space<vmem_shared>>) target(%dma_start3A_251 : memref<51200xf32, #tpu.memory_space<hbm>>) target_semaphore(%run_scoped3A : memref<!tpu.dma_semaphore, #tpu.memory_space<semaphore_mem>>)
        %dma_wait3A_252 = arith.constant 0 : i32
        %dma_wait3A_253 = tpu.memref_slice %arg5[%arg0, %dma_wait3A_252] : memref<2x51200xf32, #tpu.memory_space<hbm>> -> memref<1x51200xf32, #tpu.memory_space<hbm>>
        %dma_wait3A_254 = tpu.memref_squeeze %dma_wait3A_253 : memref<1x51200xf32, #tpu.memory_space<hbm>> -> memref<51200xf32, #tpu.memory_space<hbm>>
        tpu.wait_dma2 semaphore(%run_scoped3A : memref<!tpu.dma_semaphore, #tpu.memory_space<semaphore_mem>>) src(%arg13 : memref<51200xf32, #tpu.memory_space<vmem_shared>>) dst(%dma_wait3A_254 : memref<51200xf32, #tpu.memory_space<hbm>>)
        tpu.yield
      }) : () -> ()
    } else {
    }
    return
  }
}

#map = affine_map<(d0, d1) -> (0, 0, 0)>
#map1 = affine_map<(d0, d1) -> (0, 0)>
#map2 = affine_map<(d0, d1) -> (0)>
module attributes {stable_mosaic.version = 14 : i64} {
  func.func @_sc_pass2(%arg0: i32, %arg1: i32, %arg2: memref<32x200x128xi32, #tpu.memory_space<hbm>>, %arg3: memref<32x200x128xi32, #tpu.memory_space<hbm>>, %arg4: memref<2x51200xf32, #tpu.memory_space<hbm>>, %arg5: memref<2x51200xf32, #tpu.memory_space<hbm>>, %arg6: memref<2x51200xf32, #tpu.memory_space<hbm>>, %arg7: memref<2x51200xf32, #tpu.memory_space<hbm>>, %arg8: memref<51200xf32, #tpu.memory_space<hbm>>, %arg9: memref<51200xf32, #tpu.memory_space<hbm>>, %arg10: memref<51200xf32, #tpu.memory_space<vmem>>, %arg11: memref<40x128xf32, #tpu.memory_space<vmem>>, %arg12: memref<40x128xf32, #tpu.memory_space<vmem>>, %arg13: memref<3200xf32, #tpu.memory_space<vmem>>, %arg14: memref<3200xf32, #tpu.memory_space<vmem>>, %arg15: memref<3200xf32, #tpu.memory_space<vmem>>, %arg16: memref<3200xf32, #tpu.memory_space<vmem>>, %arg17: memref<3200xf32, #tpu.memory_space<vmem>>, %arg18: memref<3200xf32, #tpu.memory_space<vmem>>, %arg19: memref<40x128xi32, #tpu.memory_space<vmem>>, %arg20: memref<40x128xi32, #tpu.memory_space<vmem>>, %arg21: memref<40x128xi32, #tpu.memory_space<vmem>>, %arg22: memref<40x128xi32, #tpu.memory_space<vmem>>, %arg23: memref<51200xf32, #tpu.memory_space<vmem_shared>>, %arg24: memref<51200xf32, #tpu.memory_space<vmem_shared>>, %arg25: memref<!tpu.dma_semaphore, #tpu.memory_space<semaphore_mem>>, %arg26: memref<!tpu.dma_semaphore, #tpu.memory_space<semaphore_mem>>, %arg27: memref<!tpu.dma_semaphore, #tpu.memory_space<semaphore_mem>>, %arg28: memref<!tpu.dma_semaphore, #tpu.memory_space<semaphore_mem>>) attributes {dimension_semantics = [#tpu.dimension_semantics<core_parallel>, #tpu.dimension_semantics<subcore_parallel>], iteration_bounds = array<i64: 2, 16>, scalar_prefetch = 0 : i64, scratch_operands = 19 : i64, tpu.core_type = #tpu.core_type<sc_vector_subcore>, window_params = [{transform_indices = #map}, {transform_indices = #map}, {transform_indices = #map1}, {transform_indices = #map1}, {transform_indices = #map1}, {transform_indices = #map1}, {transform_indices = #map2}, {transform_indices = #map2}]} {
    %mul3A = arith.constant 16 : i32
    %mul3A_0 = arith.muli %arg0, %mul3A : i32
    %add3A = arith.addi %mul3A_0, %arg1 : i32
    %mul3A_1 = arith.constant 3200 : i32
    %mul3A_2 = arith.muli %arg1, %mul3A_1 : i32
    %run_scoped3A = arith.constant 0 : i32
    "tpu.region"() ({
      %run_scoped3A_270 = tpu.sem_alloc : memref<!tpu.dma_semaphore, #tpu.memory_space<semaphore_mem>>
      %dma_start3A_271 = tpu.memref_slice %arg5[%run_scoped3A, %mul3A_2] : memref<2x51200xf32, #tpu.memory_space<hbm>> -> memref<1x3200xf32, #tpu.memory_space<hbm>>
      %dma_start3A_272 = tpu.memref_squeeze %dma_start3A_271 : memref<1x3200xf32, #tpu.memory_space<hbm>> -> memref<3200xf32, #tpu.memory_space<hbm>>
      %dma_start3A_273 = tpu.memref_slice %arg5[%run_scoped3A, %mul3A_2] : memref<2x51200xf32, #tpu.memory_space<hbm>> -> memref<1x3200xf32, #tpu.memory_space<hbm>>
      %dma_start3A_274 = tpu.memref_squeeze %dma_start3A_273 : memref<1x3200xf32, #tpu.memory_space<hbm>> -> memref<3200xf32, #tpu.memory_space<hbm>>
      tpu.enqueue_dma source(%dma_start3A_274 : memref<3200xf32, #tpu.memory_space<hbm>>) target(%arg13 : memref<3200xf32, #tpu.memory_space<vmem>>) target_semaphore(%run_scoped3A_270 : memref<!tpu.dma_semaphore, #tpu.memory_space<semaphore_mem>>)
      %dma_wait3A_275 = tpu.memref_slice %arg5[%run_scoped3A, %mul3A_2] : memref<2x51200xf32, #tpu.memory_space<hbm>> -> memref<1x3200xf32, #tpu.memory_space<hbm>>
      %dma_wait3A_276 = tpu.memref_squeeze %dma_wait3A_275 : memref<1x3200xf32, #tpu.memory_space<hbm>> -> memref<3200xf32, #tpu.memory_space<hbm>>
      %dma_wait3A_277 = tpu.memref_slice %arg5[%run_scoped3A, %mul3A_2] : memref<2x51200xf32, #tpu.memory_space<hbm>> -> memref<1x3200xf32, #tpu.memory_space<hbm>>
      %dma_wait3A_278 = tpu.memref_squeeze %dma_wait3A_277 : memref<1x3200xf32, #tpu.memory_space<hbm>> -> memref<3200xf32, #tpu.memory_space<hbm>>
      tpu.wait_dma2 semaphore(%run_scoped3A_270 : memref<!tpu.dma_semaphore, #tpu.memory_space<semaphore_mem>>) src(%dma_wait3A_278 : memref<3200xf32, #tpu.memory_space<hbm>>) dst(%arg13 : memref<3200xf32, #tpu.memory_space<vmem>>)
      tpu.yield
    }) : () -> ()
    %run_scoped3A_3 = arith.constant 1 : i32
    "tpu.region"() ({
      %run_scoped3A_270 = tpu.sem_alloc : memref<!tpu.dma_semaphore, #tpu.memory_space<semaphore_mem>>
      %dma_start3A_271 = tpu.memref_slice %arg5[%run_scoped3A_3, %mul3A_2] : memref<2x51200xf32, #tpu.memory_space<hbm>> -> memref<1x3200xf32, #tpu.memory_space<hbm>>
      %dma_start3A_272 = tpu.memref_squeeze %dma_start3A_271 : memref<1x3200xf32, #tpu.memory_space<hbm>> -> memref<3200xf32, #tpu.memory_space<hbm>>
      %dma_start3A_273 = tpu.memref_slice %arg5[%run_scoped3A_3, %mul3A_2] : memref<2x51200xf32, #tpu.memory_space<hbm>> -> memref<1x3200xf32, #tpu.memory_space<hbm>>
      %dma_start3A_274 = tpu.memref_squeeze %dma_start3A_273 : memref<1x3200xf32, #tpu.memory_space<hbm>> -> memref<3200xf32, #tpu.memory_space<hbm>>
      tpu.enqueue_dma source(%dma_start3A_274 : memref<3200xf32, #tpu.memory_space<hbm>>) target(%arg14 : memref<3200xf32, #tpu.memory_space<vmem>>) target_semaphore(%run_scoped3A_270 : memref<!tpu.dma_semaphore, #tpu.memory_space<semaphore_mem>>)
      %dma_wait3A_275 = tpu.memref_slice %arg5[%run_scoped3A_3, %mul3A_2] : memref<2x51200xf32, #tpu.memory_space<hbm>> -> memref<1x3200xf32, #tpu.memory_space<hbm>>
      %dma_wait3A_276 = tpu.memref_squeeze %dma_wait3A_275 : memref<1x3200xf32, #tpu.memory_space<hbm>> -> memref<3200xf32, #tpu.memory_space<hbm>>
      %dma_wait3A_277 = tpu.memref_slice %arg5[%run_scoped3A_3, %mul3A_2] : memref<2x51200xf32, #tpu.memory_space<hbm>> -> memref<1x3200xf32, #tpu.memory_space<hbm>>
      %dma_wait3A_278 = tpu.memref_squeeze %dma_wait3A_277 : memref<1x3200xf32, #tpu.memory_space<hbm>> -> memref<3200xf32, #tpu.memory_space<hbm>>
      tpu.wait_dma2 semaphore(%run_scoped3A_270 : memref<!tpu.dma_semaphore, #tpu.memory_space<semaphore_mem>>) src(%dma_wait3A_278 : memref<3200xf32, #tpu.memory_space<hbm>>) dst(%arg14 : memref<3200xf32, #tpu.memory_space<vmem>>)
      tpu.yield
    }) : () -> ()
    %run_scoped3A_4 = arith.constant 0 : i32
    "tpu.region"() ({
      %run_scoped3A_270 = tpu.sem_alloc : memref<!tpu.dma_semaphore, #tpu.memory_space<semaphore_mem>>
      %dma_start3A_271 = tpu.memref_slice %arg4[%run_scoped3A_4, %mul3A_2] : memref<2x51200xf32, #tpu.memory_space<hbm>> -> memref<1x3200xf32, #tpu.memory_space<hbm>>
      %dma_start3A_272 = tpu.memref_squeeze %dma_start3A_271 : memref<1x3200xf32, #tpu.memory_space<hbm>> -> memref<3200xf32, #tpu.memory_space<hbm>>
      %dma_start3A_273 = tpu.memref_slice %arg4[%run_scoped3A_4, %mul3A_2] : memref<2x51200xf32, #tpu.memory_space<hbm>> -> memref<1x3200xf32, #tpu.memory_space<hbm>>
      %dma_start3A_274 = tpu.memref_squeeze %dma_start3A_273 : memref<1x3200xf32, #tpu.memory_space<hbm>> -> memref<3200xf32, #tpu.memory_space<hbm>>
      tpu.enqueue_dma source(%dma_start3A_274 : memref<3200xf32, #tpu.memory_space<hbm>>) target(%arg15 : memref<3200xf32, #tpu.memory_space<vmem>>) target_semaphore(%run_scoped3A_270 : memref<!tpu.dma_semaphore, #tpu.memory_space<semaphore_mem>>)
      %dma_wait3A_275 = tpu.memref_slice %arg4[%run_scoped3A_4, %mul3A_2] : memref<2x51200xf32, #tpu.memory_space<hbm>> -> memref<1x3200xf32, #tpu.memory_space<hbm>>
      %dma_wait3A_276 = tpu.memref_squeeze %dma_wait3A_275 : memref<1x3200xf32, #tpu.memory_space<hbm>> -> memref<3200xf32, #tpu.memory_space<hbm>>
      %dma_wait3A_277 = tpu.memref_slice %arg4[%run_scoped3A_4, %mul3A_2] : memref<2x51200xf32, #tpu.memory_space<hbm>> -> memref<1x3200xf32, #tpu.memory_space<hbm>>
      %dma_wait3A_278 = tpu.memref_squeeze %dma_wait3A_277 : memref<1x3200xf32, #tpu.memory_space<hbm>> -> memref<3200xf32, #tpu.memory_space<hbm>>
      tpu.wait_dma2 semaphore(%run_scoped3A_270 : memref<!tpu.dma_semaphore, #tpu.memory_space<semaphore_mem>>) src(%dma_wait3A_278 : memref<3200xf32, #tpu.memory_space<hbm>>) dst(%arg15 : memref<3200xf32, #tpu.memory_space<vmem>>)
      tpu.yield
    }) : () -> ()
    %run_scoped3A_5 = arith.constant 1 : i32
    "tpu.region"() ({
      %run_scoped3A_270 = tpu.sem_alloc : memref<!tpu.dma_semaphore, #tpu.memory_space<semaphore_mem>>
      %dma_start3A_271 = tpu.memref_slice %arg4[%run_scoped3A_5, %mul3A_2] : memref<2x51200xf32, #tpu.memory_space<hbm>> -> memref<1x3200xf32, #tpu.memory_space<hbm>>
      %dma_start3A_272 = tpu.memref_squeeze %dma_start3A_271 : memref<1x3200xf32, #tpu.memory_space<hbm>> -> memref<3200xf32, #tpu.memory_space<hbm>>
      %dma_start3A_273 = tpu.memref_slice %arg4[%run_scoped3A_5, %mul3A_2] : memref<2x51200xf32, #tpu.memory_space<hbm>> -> memref<1x3200xf32, #tpu.memory_space<hbm>>
      %dma_start3A_274 = tpu.memref_squeeze %dma_start3A_273 : memref<1x3200xf32, #tpu.memory_space<hbm>> -> memref<3200xf32, #tpu.memory_space<hbm>>
      tpu.enqueue_dma source(%dma_start3A_274 : memref<3200xf32, #tpu.memory_space<hbm>>) target(%arg16 : memref<3200xf32, #tpu.memory_space<vmem>>) target_semaphore(%run_scoped3A_270 : memref<!tpu.dma_semaphore, #tpu.memory_space<semaphore_mem>>)
      %dma_wait3A_275 = tpu.memref_slice %arg4[%run_scoped3A_5, %mul3A_2] : memref<2x51200xf32, #tpu.memory_space<hbm>> -> memref<1x3200xf32, #tpu.memory_space<hbm>>
      %dma_wait3A_276 = tpu.memref_squeeze %dma_wait3A_275 : memref<1x3200xf32, #tpu.memory_space<hbm>> -> memref<3200xf32, #tpu.memory_space<hbm>>
      %dma_wait3A_277 = tpu.memref_slice %arg4[%run_scoped3A_5, %mul3A_2] : memref<2x51200xf32, #tpu.memory_space<hbm>> -> memref<1x3200xf32, #tpu.memory_space<hbm>>
      %dma_wait3A_278 = tpu.memref_squeeze %dma_wait3A_277 : memref<1x3200xf32, #tpu.memory_space<hbm>> -> memref<3200xf32, #tpu.memory_space<hbm>>
      tpu.wait_dma2 semaphore(%run_scoped3A_270 : memref<!tpu.dma_semaphore, #tpu.memory_space<semaphore_mem>>) src(%dma_wait3A_278 : memref<3200xf32, #tpu.memory_space<hbm>>) dst(%arg16 : memref<3200xf32, #tpu.memory_space<vmem>>)
      tpu.yield
    }) : () -> ()
    %run_scoped3A_6 = arith.constant 0 : i32
    "tpu.region"() ({
      %run_scoped3A_270 = tpu.sem_alloc : memref<!tpu.dma_semaphore, #tpu.memory_space<semaphore_mem>>
      %dma_start3A_271 = tpu.memref_slice %arg6[%run_scoped3A_6, %mul3A_2] : memref<2x51200xf32, #tpu.memory_space<hbm>> -> memref<1x3200xf32, #tpu.memory_space<hbm>>
      %dma_start3A_272 = tpu.memref_squeeze %dma_start3A_271 : memref<1x3200xf32, #tpu.memory_space<hbm>> -> memref<3200xf32, #tpu.memory_space<hbm>>
      %dma_start3A_273 = tpu.memref_slice %arg6[%run_scoped3A_6, %mul3A_2] : memref<2x51200xf32, #tpu.memory_space<hbm>> -> memref<1x3200xf32, #tpu.memory_space<hbm>>
      %dma_start3A_274 = tpu.memref_squeeze %dma_start3A_273 : memref<1x3200xf32, #tpu.memory_space<hbm>> -> memref<3200xf32, #tpu.memory_space<hbm>>
      tpu.enqueue_dma source(%dma_start3A_274 : memref<3200xf32, #tpu.memory_space<hbm>>) target(%arg17 : memref<3200xf32, #tpu.memory_space<vmem>>) target_semaphore(%run_scoped3A_270 : memref<!tpu.dma_semaphore, #tpu.memory_space<semaphore_mem>>)
      %dma_wait3A_275 = tpu.memref_slice %arg6[%run_scoped3A_6, %mul3A_2] : memref<2x51200xf32, #tpu.memory_space<hbm>> -> memref<1x3200xf32, #tpu.memory_space<hbm>>
      %dma_wait3A_276 = tpu.memref_squeeze %dma_wait3A_275 : memref<1x3200xf32, #tpu.memory_space<hbm>> -> memref<3200xf32, #tpu.memory_space<hbm>>
      %dma_wait3A_277 = tpu.memref_slice %arg6[%run_scoped3A_6, %mul3A_2] : memref<2x51200xf32, #tpu.memory_space<hbm>> -> memref<1x3200xf32, #tpu.memory_space<hbm>>
      %dma_wait3A_278 = tpu.memref_squeeze %dma_wait3A_277 : memref<1x3200xf32, #tpu.memory_space<hbm>> -> memref<3200xf32, #tpu.memory_space<hbm>>
      tpu.wait_dma2 semaphore(%run_scoped3A_270 : memref<!tpu.dma_semaphore, #tpu.memory_space<semaphore_mem>>) src(%dma_wait3A_278 : memref<3200xf32, #tpu.memory_space<hbm>>) dst(%arg17 : memref<3200xf32, #tpu.memory_space<vmem>>)
      tpu.yield
    }) : () -> ()
    %run_scoped3A_7 = arith.constant 1 : i32
    "tpu.region"() ({
      %run_scoped3A_270 = tpu.sem_alloc : memref<!tpu.dma_semaphore, #tpu.memory_space<semaphore_mem>>
      %dma_start3A_271 = tpu.memref_slice %arg6[%run_scoped3A_7, %mul3A_2] : memref<2x51200xf32, #tpu.memory_space<hbm>> -> memref<1x3200xf32, #tpu.memory_space<hbm>>
      %dma_start3A_272 = tpu.memref_squeeze %dma_start3A_271 : memref<1x3200xf32, #tpu.memory_space<hbm>> -> memref<3200xf32, #tpu.memory_space<hbm>>
      %dma_start3A_273 = tpu.memref_slice %arg6[%run_scoped3A_7, %mul3A_2] : memref<2x51200xf32, #tpu.memory_space<hbm>> -> memref<1x3200xf32, #tpu.memory_space<hbm>>
      %dma_start3A_274 = tpu.memref_squeeze %dma_start3A_273 : memref<1x3200xf32, #tpu.memory_space<hbm>> -> memref<3200xf32, #tpu.memory_space<hbm>>
      tpu.enqueue_dma source(%dma_start3A_274 : memref<3200xf32, #tpu.memory_space<hbm>>) target(%arg18 : memref<3200xf32, #tpu.memory_space<vmem>>) target_semaphore(%run_scoped3A_270 : memref<!tpu.dma_semaphore, #tpu.memory_space<semaphore_mem>>)
      %dma_wait3A_275 = tpu.memref_slice %arg6[%run_scoped3A_7, %mul3A_2] : memref<2x51200xf32, #tpu.memory_space<hbm>> -> memref<1x3200xf32, #tpu.memory_space<hbm>>
      %dma_wait3A_276 = tpu.memref_squeeze %dma_wait3A_275 : memref<1x3200xf32, #tpu.memory_space<hbm>> -> memref<3200xf32, #tpu.memory_space<hbm>>
      %dma_wait3A_277 = tpu.memref_slice %arg6[%run_scoped3A_7, %mul3A_2] : memref<2x51200xf32, #tpu.memory_space<hbm>> -> memref<1x3200xf32, #tpu.memory_space<hbm>>
      %dma_wait3A_278 = tpu.memref_squeeze %dma_wait3A_277 : memref<1x3200xf32, #tpu.memory_space<hbm>> -> memref<3200xf32, #tpu.memory_space<hbm>>
      tpu.wait_dma2 semaphore(%run_scoped3A_270 : memref<!tpu.dma_semaphore, #tpu.memory_space<semaphore_mem>>) src(%dma_wait3A_278 : memref<3200xf32, #tpu.memory_space<hbm>>) dst(%arg18 : memref<3200xf32, #tpu.memory_space<vmem>>)
      tpu.yield
    }) : () -> ()
    %broadcast_in_dim3A = arith.constant 0.000000e+00 : f32
    %broadcast_in_dim3A_8 = vector.broadcast %broadcast_in_dim3A : f32 to vector<16xf32>
    %scan3A = arith.constant 0 : i32
    %scan3A_9 = arith.constant 0 : i32
    %scan3A_10 = arith.constant 200 : i32
    %scan3A_11 = arith.addi %scan3A_9, %scan3A_10 : i32
    %scan3A_12 = arith.constant 1 : i32
    scf.for %scan3A_270 = %scan3A_9 to %scan3A_11 step %scan3A_12  : i32 {
      %mul3A_271 = arith.constant 16 : i32
      %mul3A_272 = arith.muli %scan3A_270, %mul3A_271 : i32
      %get3A = arith.index_cast %mul3A_272 : i32 to index
      %get3A_273 = tpu.vector_load %arg13[%get3A] {strides = array<i32>} : memref<3200xf32, #tpu.memory_space<vmem>>, vector<16xf32>,
      %get3A_274 = arith.index_cast %mul3A_272 : i32 to index
      %get3A_275 = tpu.vector_load %arg14[%get3A_274] {strides = array<i32>} : memref<3200xf32, #tpu.memory_space<vmem>>, vector<16xf32>,
      %add3A_276 = arith.addf %get3A_273, %get3A_275 : vector<16xf32>
      %max3A = arith.constant 1.000000e+00 : f32
      %max3A_277 = vector.broadcast %max3A : f32 to vector<16xf32>
      %max3A_278 = arith.maximumf %add3A_276, %max3A_277 : vector<16xf32>
      %bitcast3A = vector.bitcast %max3A_278 : vector<16xf32> to vector<16xi32>
      %broadcast_in_dim3A_279 = arith.constant 1597463007 : i32
      %broadcast_in_dim3A_280 = vector.broadcast %broadcast_in_dim3A_279 : i32 to vector<16xi32>
      %broadcast_in_dim3A_281 = arith.constant 1 : i32
      %broadcast_in_dim3A_282 = vector.broadcast %broadcast_in_dim3A_281 : i32 to vector<16xi32>
      %shift_right_arithmetic3A = arith.shrsi %bitcast3A, %broadcast_in_dim3A_282 : vector<16xi32>
      %sub3A = arith.subi %broadcast_in_dim3A_280, %shift_right_arithmetic3A : vector<16xi32>
      %bitcast3A_283 = vector.bitcast %sub3A : vector<16xi32> to vector<16xf32>
      %mul3A_284 = arith.constant 5.000000e-01 : f32
      %mul3A_285 = vector.broadcast %mul3A_284 : f32 to vector<16xf32>
      %mul3A_286 = arith.mulf %mul3A_285, %max3A_278 : vector<16xf32>
      %mul3A_287 = arith.mulf %mul3A_286, %bitcast3A_283 : vector<16xf32>
      %mul3A_288 = arith.mulf %mul3A_287, %bitcast3A_283 : vector<16xf32>
      %sub3A_289 = arith.constant 1.500000e+00 : f32
      %sub3A_290 = vector.broadcast %sub3A_289 : f32 to vector<16xf32>
      %sub3A_291 = arith.subf %sub3A_290, %mul3A_288 : vector<16xf32>
      %mul3A_292 = arith.mulf %bitcast3A_283, %sub3A_291 : vector<16xf32>
      %mul3A_293 = arith.constant 5.000000e-01 : f32
      %mul3A_294 = vector.broadcast %mul3A_293 : f32 to vector<16xf32>
      %mul3A_295 = arith.mulf %mul3A_294, %max3A_278 : vector<16xf32>
      %mul3A_296 = arith.mulf %mul3A_295, %mul3A_292 : vector<16xf32>
      %mul3A_297 = arith.mulf %mul3A_296, %mul3A_292 : vector<16xf32>
      %sub3A_298 = arith.constant 1.500000e+00 : f32
      %sub3A_299 = vector.broadcast %sub3A_298 : f32 to vector<16xf32>
      %sub3A_300 = arith.subf %sub3A_299, %mul3A_297 : vector<16xf32>
      %mul3A_301 = arith.mulf %mul3A_292, %sub3A_300 : vector<16xf32>
      %mul3A_302 = arith.constant 5.000000e-01 : f32
      %mul3A_303 = vector.broadcast %mul3A_302 : f32 to vector<16xf32>
      %mul3A_304 = arith.mulf %mul3A_303, %max3A_278 : vector<16xf32>
      %mul3A_305 = arith.mulf %mul3A_304, %mul3A_301 : vector<16xf32>
      %mul3A_306 = arith.mulf %mul3A_305, %mul3A_301 : vector<16xf32>
      %sub3A_307 = arith.constant 1.500000e+00 : f32
      %sub3A_308 = vector.broadcast %sub3A_307 : f32 to vector<16xf32>
      %sub3A_309 = arith.subf %sub3A_308, %mul3A_306 : vector<16xf32>
      %mul3A_310 = arith.mulf %mul3A_301, %sub3A_309 : vector<16xf32>
      %mul3A_311 = arith.constant 5.000000e-01 : f32
      %mul3A_312 = vector.broadcast %mul3A_311 : f32 to vector<16xf32>
      %mul3A_313 = arith.mulf %mul3A_312, %max3A_278 : vector<16xf32>
      %mul3A_314 = arith.mulf %mul3A_313, %mul3A_310 : vector<16xf32>
      %mul3A_315 = arith.mulf %mul3A_314, %mul3A_310 : vector<16xf32>
      %sub3A_316 = arith.constant 1.500000e+00 : f32
      %sub3A_317 = vector.broadcast %sub3A_316 : f32 to vector<16xf32>
      %sub3A_318 = arith.subf %sub3A_317, %mul3A_315 : vector<16xf32>
      %mul3A_319 = arith.mulf %mul3A_310, %sub3A_318 : vector<16xf32>
      %get3A_320 = arith.index_cast %mul3A_272 : i32 to index
      %get3A_321 = tpu.vector_load %arg15[%get3A_320] {strides = array<i32>} : memref<3200xf32, #tpu.memory_space<vmem>>, vector<16xf32>,
      %get3A_322 = arith.index_cast %mul3A_272 : i32 to index
      %get3A_323 = tpu.vector_load %arg16[%get3A_322] {strides = array<i32>} : memref<3200xf32, #tpu.memory_space<vmem>>, vector<16xf32>,
      %add3A_324 = arith.addf %get3A_321, %get3A_323 : vector<16xf32>
      %max3A_325 = arith.constant 1.000000e+00 : f32
      %max3A_326 = vector.broadcast %max3A_325 : f32 to vector<16xf32>
      %max3A_327 = arith.maximumf %add3A_324, %max3A_326 : vector<16xf32>
      %bitcast3A_328 = vector.bitcast %max3A_327 : vector<16xf32> to vector<16xi32>
      %broadcast_in_dim3A_329 = arith.constant 1597463007 : i32
      %broadcast_in_dim3A_330 = vector.broadcast %broadcast_in_dim3A_329 : i32 to vector<16xi32>
      %broadcast_in_dim3A_331 = arith.constant 1 : i32
      %broadcast_in_dim3A_332 = vector.broadcast %broadcast_in_dim3A_331 : i32 to vector<16xi32>
      %shift_right_arithmetic3A_333 = arith.shrsi %bitcast3A_328, %broadcast_in_dim3A_332 : vector<16xi32>
      %sub3A_334 = arith.subi %broadcast_in_dim3A_330, %shift_right_arithmetic3A_333 : vector<16xi32>
      %bitcast3A_335 = vector.bitcast %sub3A_334 : vector<16xi32> to vector<16xf32>
      %mul3A_336 = arith.constant 5.000000e-01 : f32
      %mul3A_337 = vector.broadcast %mul3A_336 : f32 to vector<16xf32>
      %mul3A_338 = arith.mulf %mul3A_337, %max3A_327 : vector<16xf32>
      %mul3A_339 = arith.mulf %mul3A_338, %bitcast3A_335 : vector<16xf32>
      %mul3A_340 = arith.mulf %mul3A_339, %bitcast3A_335 : vector<16xf32>
      %sub3A_341 = arith.constant 1.500000e+00 : f32
      %sub3A_342 = vector.broadcast %sub3A_341 : f32 to vector<16xf32>
      %sub3A_343 = arith.subf %sub3A_342, %mul3A_340 : vector<16xf32>
      %mul3A_344 = arith.mulf %bitcast3A_335, %sub3A_343 : vector<16xf32>
      %mul3A_345 = arith.constant 5.000000e-01 : f32
      %mul3A_346 = vector.broadcast %mul3A_345 : f32 to vector<16xf32>
      %mul3A_347 = arith.mulf %mul3A_346, %max3A_327 : vector<16xf32>
      %mul3A_348 = arith.mulf %mul3A_347, %mul3A_344 : vector<16xf32>
      %mul3A_349 = arith.mulf %mul3A_348, %mul3A_344 : vector<16xf32>
      %sub3A_350 = arith.constant 1.500000e+00 : f32
      %sub3A_351 = vector.broadcast %sub3A_350 : f32 to vector<16xf32>
      %sub3A_352 = arith.subf %sub3A_351, %mul3A_349 : vector<16xf32>
      %mul3A_353 = arith.mulf %mul3A_344, %sub3A_352 : vector<16xf32>
      %mul3A_354 = arith.constant 5.000000e-01 : f32
      %mul3A_355 = vector.broadcast %mul3A_354 : f32 to vector<16xf32>
      %mul3A_356 = arith.mulf %mul3A_355, %max3A_327 : vector<16xf32>
      %mul3A_357 = arith.mulf %mul3A_356, %mul3A_353 : vector<16xf32>
      %mul3A_358 = arith.mulf %mul3A_357, %mul3A_353 : vector<16xf32>
      %sub3A_359 = arith.constant 1.500000e+00 : f32
      %sub3A_360 = vector.broadcast %sub3A_359 : f32 to vector<16xf32>
      %sub3A_361 = arith.subf %sub3A_360, %mul3A_358 : vector<16xf32>
      %mul3A_362 = arith.mulf %mul3A_353, %sub3A_361 : vector<16xf32>
      %mul3A_363 = arith.constant 5.000000e-01 : f32
      %mul3A_364 = vector.broadcast %mul3A_363 : f32 to vector<16xf32>
      %mul3A_365 = arith.mulf %mul3A_364, %max3A_327 : vector<16xf32>
      %mul3A_366 = arith.mulf %mul3A_365, %mul3A_362 : vector<16xf32>
      %mul3A_367 = arith.mulf %mul3A_366, %mul3A_362 : vector<16xf32>
      %sub3A_368 = arith.constant 1.500000e+00 : f32
      %sub3A_369 = vector.broadcast %sub3A_368 : f32 to vector<16xf32>
      %sub3A_370 = arith.subf %sub3A_369, %mul3A_367 : vector<16xf32>
      %mul3A_371 = arith.mulf %mul3A_362, %sub3A_370 : vector<16xf32>
      %get3A_372 = arith.index_cast %mul3A_272 : i32 to index
      %get3A_373 = tpu.vector_load %arg17[%get3A_372] {strides = array<i32>} : memref<3200xf32, #tpu.memory_space<vmem>>, vector<16xf32>,
      %get3A_374 = arith.index_cast %mul3A_272 : i32 to index
      %get3A_375 = tpu.vector_load %arg18[%get3A_374] {strides = array<i32>} : memref<3200xf32, #tpu.memory_space<vmem>>, vector<16xf32>,
      %add3A_376 = arith.addf %get3A_373, %get3A_375 : vector<16xf32>
      %mul3A_377 = arith.mulf %mul3A_371, %add3A_376 : vector<16xf32>
      %swap3A = arith.index_cast %mul3A_272 : i32 to index
      %swap3A_378 = tpu.vector_load %arg15[%swap3A] {strides = array<i32>} : memref<3200xf32, #tpu.memory_space<vmem>>, vector<16xf32>,
      tpu.vector_store %arg15[%swap3A], %mul3A_371 {strides = array<i32>} : memref<3200xf32, #tpu.memory_space<vmem>>, vector<16xf32>,
      %swap3A_379 = arith.index_cast %mul3A_272 : i32 to index
      %swap3A_380 = tpu.vector_load %arg17[%swap3A_379] {strides = array<i32>} : memref<3200xf32, #tpu.memory_space<vmem>>, vector<16xf32>,
      tpu.vector_store %arg17[%swap3A_379], %mul3A_377 {strides = array<i32>} : memref<3200xf32, #tpu.memory_space<vmem>>, vector<16xf32>,
      %mul3A_381 = arith.mulf %mul3A_377, %mul3A_319 : vector<16xf32>
      %swap3A_382 = arith.index_cast %mul3A_272 : i32 to index
      %swap3A_383 = tpu.vector_load %arg13[%swap3A_382] {strides = array<i32>} : memref<3200xf32, #tpu.memory_space<vmem>>, vector<16xf32>,
      tpu.vector_store %arg13[%swap3A_382], %mul3A_381 {strides = array<i32>} : memref<3200xf32, #tpu.memory_space<vmem>>, vector<16xf32>,
      %swap3A_384 = arith.index_cast %mul3A_272 : i32 to index
      %swap3A_385 = tpu.vector_load %arg14[%swap3A_384] {strides = array<i32>} : memref<3200xf32, #tpu.memory_space<vmem>>, vector<16xf32>,
      tpu.vector_store %arg14[%swap3A_384], %broadcast_in_dim3A_8 {strides = array<i32>} : memref<3200xf32, #tpu.memory_space<vmem>>, vector<16xf32>,
    }
    %scan3A_13 = arith.constant 200 : i32
    %eq3A = arith.constant 0 : i32
    %eq3A_14 = arith.cmpi eq, %arg0, %eq3A : i32
    %convert_element_type3A = arith.extui %eq3A_14 : i1 to i32
    %cond3A = arith.constant 0 : i32
    %cond3A_15 = arith.cmpi ne, %convert_element_type3A, %cond3A : i32
    scf.if %cond3A_15 {
      "tpu.region"() ({
        %run_scoped3A_270 = tpu.sem_alloc : memref<!tpu.dma_semaphore, #tpu.memory_space<semaphore_mem>>
        %dma_start3A_271 = tpu.memref_slice %arg8[%mul3A_2] : memref<51200xf32, #tpu.memory_space<hbm>> -> memref<3200xf32, #tpu.memory_space<hbm>>
        %dma_start3A_272 = tpu.memref_slice %arg8[%mul3A_2] : memref<51200xf32, #tpu.memory_space<hbm>> -> memref<3200xf32, #tpu.memory_space<hbm>>
        tpu.enqueue_dma source(%arg15 : memref<3200xf32, #tpu.memory_space<vmem>>) target(%dma_start3A_272 : memref<3200xf32, #tpu.memory_space<hbm>>) target_semaphore(%run_scoped3A_270 : memref<!tpu.dma_semaphore, #tpu.memory_space<semaphore_mem>>)
        %dma_wait3A_273 = tpu.memref_slice %arg8[%mul3A_2] : memref<51200xf32, #tpu.memory_space<hbm>> -> memref<3200xf32, #tpu.memory_space<hbm>>
        %dma_wait3A_274 = tpu.memref_slice %arg8[%mul3A_2] : memref<51200xf32, #tpu.memory_space<hbm>> -> memref<3200xf32, #tpu.memory_space<hbm>>
        tpu.wait_dma2 semaphore(%run_scoped3A_270 : memref<!tpu.dma_semaphore, #tpu.memory_space<semaphore_mem>>) src(%arg15 : memref<3200xf32, #tpu.memory_space<vmem>>) dst(%dma_wait3A_274 : memref<3200xf32, #tpu.memory_space<hbm>>)
        tpu.yield
      }) : () -> ()
      "tpu.region"() ({
        %run_scoped3A_270 = tpu.sem_alloc : memref<!tpu.dma_semaphore, #tpu.memory_space<semaphore_mem>>
        %dma_start3A_271 = tpu.memref_slice %arg9[%mul3A_2] : memref<51200xf32, #tpu.memory_space<hbm>> -> memref<3200xf32, #tpu.memory_space<hbm>>
        %dma_start3A_272 = tpu.memref_slice %arg9[%mul3A_2] : memref<51200xf32, #tpu.memory_space<hbm>> -> memref<3200xf32, #tpu.memory_space<hbm>>
        tpu.enqueue_dma source(%arg17 : memref<3200xf32, #tpu.memory_space<vmem>>) target(%dma_start3A_272 : memref<3200xf32, #tpu.memory_space<hbm>>) target_semaphore(%run_scoped3A_270 : memref<!tpu.dma_semaphore, #tpu.memory_space<semaphore_mem>>)
        %dma_wait3A_273 = tpu.memref_slice %arg9[%mul3A_2] : memref<51200xf32, #tpu.memory_space<hbm>> -> memref<3200xf32, #tpu.memory_space<hbm>>
        %dma_wait3A_274 = tpu.memref_slice %arg9[%mul3A_2] : memref<51200xf32, #tpu.memory_space<hbm>> -> memref<3200xf32, #tpu.memory_space<hbm>>
        tpu.wait_dma2 semaphore(%run_scoped3A_270 : memref<!tpu.dma_semaphore, #tpu.memory_space<semaphore_mem>>) src(%arg17 : memref<3200xf32, #tpu.memory_space<vmem>>) dst(%dma_wait3A_274 : memref<3200xf32, #tpu.memory_space<hbm>>)
        tpu.yield
      }) : () -> ()
    } else {
    }
    "tpu.region"() ({
      %run_scoped3A_270 = tpu.sem_alloc : memref<!tpu.dma_semaphore, #tpu.memory_space<semaphore_mem>>
      %dma_start3A_271 = tpu.memref_slice %arg23[%mul3A_2] : memref<51200xf32, #tpu.memory_space<vmem_shared>> -> memref<3200xf32, #tpu.memory_space<vmem_shared>>
      %dma_start3A_272 = tpu.memref_slice %arg23[%mul3A_2] : memref<51200xf32, #tpu.memory_space<vmem_shared>> -> memref<3200xf32, #tpu.memory_space<vmem_shared>>
      tpu.enqueue_dma source(%arg13 : memref<3200xf32, #tpu.memory_space<vmem>>) target(%dma_start3A_272 : memref<3200xf32, #tpu.memory_space<vmem_shared>>) target_semaphore(%run_scoped3A_270 : memref<!tpu.dma_semaphore, #tpu.memory_space<semaphore_mem>>)
      %dma_wait3A_273 = tpu.memref_slice %arg23[%mul3A_2] : memref<51200xf32, #tpu.memory_space<vmem_shared>> -> memref<3200xf32, #tpu.memory_space<vmem_shared>>
      %dma_wait3A_274 = tpu.memref_slice %arg23[%mul3A_2] : memref<51200xf32, #tpu.memory_space<vmem_shared>> -> memref<3200xf32, #tpu.memory_space<vmem_shared>>
      tpu.wait_dma2 semaphore(%run_scoped3A_270 : memref<!tpu.dma_semaphore, #tpu.memory_space<semaphore_mem>>) src(%arg13 : memref<3200xf32, #tpu.memory_space<vmem>>) dst(%dma_wait3A_274 : memref<3200xf32, #tpu.memory_space<vmem_shared>>)
      tpu.yield
    }) : () -> ()
    "tpu.region"() ({
      %run_scoped3A_270 = tpu.sem_alloc : memref<!tpu.dma_semaphore, #tpu.memory_space<semaphore_mem>>
      %dma_start3A_271 = tpu.memref_slice %arg24[%mul3A_2] : memref<51200xf32, #tpu.memory_space<vmem_shared>> -> memref<3200xf32, #tpu.memory_space<vmem_shared>>
      %dma_start3A_272 = tpu.memref_slice %arg24[%mul3A_2] : memref<51200xf32, #tpu.memory_space<vmem_shared>> -> memref<3200xf32, #tpu.memory_space<vmem_shared>>
      tpu.enqueue_dma source(%arg14 : memref<3200xf32, #tpu.memory_space<vmem>>) target(%dma_start3A_272 : memref<3200xf32, #tpu.memory_space<vmem_shared>>) target_semaphore(%run_scoped3A_270 : memref<!tpu.dma_semaphore, #tpu.memory_space<semaphore_mem>>)
      %dma_wait3A_273 = tpu.memref_slice %arg24[%mul3A_2] : memref<51200xf32, #tpu.memory_space<vmem_shared>> -> memref<3200xf32, #tpu.memory_space<vmem_shared>>
      %dma_wait3A_274 = tpu.memref_slice %arg24[%mul3A_2] : memref<51200xf32, #tpu.memory_space<vmem_shared>> -> memref<3200xf32, #tpu.memory_space<vmem_shared>>
      tpu.wait_dma2 semaphore(%run_scoped3A_270 : memref<!tpu.dma_semaphore, #tpu.memory_space<semaphore_mem>>) src(%arg14 : memref<3200xf32, #tpu.memory_space<vmem>>) dst(%dma_wait3A_274 : memref<3200xf32, #tpu.memory_space<vmem_shared>>)
      tpu.yield
    }) : () -> ()
    %barrier3A = arith.constant 0 : index
    tpu.barrier barrier_id(%barrier3A)
    "tpu.region"() ({
      %run_scoped3A_270 = tpu.sem_alloc : memref<!tpu.dma_semaphore, #tpu.memory_space<semaphore_mem>>
      tpu.enqueue_dma source(%arg23 : memref<51200xf32, #tpu.memory_space<vmem_shared>>) target(%arg10 : memref<51200xf32, #tpu.memory_space<vmem>>) target_semaphore(%run_scoped3A_270 : memref<!tpu.dma_semaphore, #tpu.memory_space<semaphore_mem>>)
      tpu.wait_dma2 semaphore(%run_scoped3A_270 : memref<!tpu.dma_semaphore, #tpu.memory_space<semaphore_mem>>) src(%arg23 : memref<51200xf32, #tpu.memory_space<vmem_shared>>) dst(%arg10 : memref<51200xf32, #tpu.memory_space<vmem>>)
      tpu.yield
    }) : () -> ()
    %dma_start3A = arith.constant 0 : i32
    %dma_start3A_16 = arith.constant 0 : i32
    %dma_start3A_17 = tpu.memref_slice %arg2[%add3A, %dma_start3A, %dma_start3A_16] : memref<32x200x128xi32, #tpu.memory_space<hbm>> -> memref<1x40x128xi32, #tpu.memory_space<hbm>>
    %dma_start3A_18 = tpu.memref_squeeze %dma_start3A_17 : memref<1x40x128xi32, #tpu.memory_space<hbm>> -> memref<40x128xi32, #tpu.memory_space<hbm>>
    %dma_start3A_19 = arith.constant 0 : i32
    %dma_start3A_20 = arith.constant 0 : i32
    %dma_start3A_21 = tpu.memref_slice %arg2[%add3A, %dma_start3A_19, %dma_start3A_20] : memref<32x200x128xi32, #tpu.memory_space<hbm>> -> memref<1x40x128xi32, #tpu.memory_space<hbm>>
    %dma_start3A_22 = tpu.memref_squeeze %dma_start3A_21 : memref<1x40x128xi32, #tpu.memory_space<hbm>> -> memref<40x128xi32, #tpu.memory_space<hbm>>
    tpu.enqueue_dma source(%dma_start3A_22 : memref<40x128xi32, #tpu.memory_space<hbm>>) target(%arg19 : memref<40x128xi32, #tpu.memory_space<vmem>>) target_semaphore(%arg25 : memref<!tpu.dma_semaphore, #tpu.memory_space<semaphore_mem>>)
    %dma_start3A_23 = arith.constant 0 : i32
    %dma_start3A_24 = arith.constant 0 : i32
    %dma_start3A_25 = tpu.memref_slice %arg3[%add3A, %dma_start3A_23, %dma_start3A_24] : memref<32x200x128xi32, #tpu.memory_space<hbm>> -> memref<1x40x128xi32, #tpu.memory_space<hbm>>
    %dma_start3A_26 = tpu.memref_squeeze %dma_start3A_25 : memref<1x40x128xi32, #tpu.memory_space<hbm>> -> memref<40x128xi32, #tpu.memory_space<hbm>>
    %dma_start3A_27 = arith.constant 0 : i32
    %dma_start3A_28 = arith.constant 0 : i32
    %dma_start3A_29 = tpu.memref_slice %arg3[%add3A, %dma_start3A_27, %dma_start3A_28] : memref<32x200x128xi32, #tpu.memory_space<hbm>> -> memref<1x40x128xi32, #tpu.memory_space<hbm>>
    %dma_start3A_30 = tpu.memref_squeeze %dma_start3A_29 : memref<1x40x128xi32, #tpu.memory_space<hbm>> -> memref<40x128xi32, #tpu.memory_space<hbm>>
    tpu.enqueue_dma source(%dma_start3A_30 : memref<40x128xi32, #tpu.memory_space<hbm>>) target(%arg20 : memref<40x128xi32, #tpu.memory_space<vmem>>) target_semaphore(%arg25 : memref<!tpu.dma_semaphore, #tpu.memory_space<semaphore_mem>>)
    %dma_start3A_31 = arith.constant 40 : i32
    %dma_start3A_32 = arith.constant 0 : i32
    %dma_start3A_33 = tpu.memref_slice %arg2[%add3A, %dma_start3A_31, %dma_start3A_32] : memref<32x200x128xi32, #tpu.memory_space<hbm>> -> memref<1x40x128xi32, #tpu.memory_space<hbm>>
    %dma_start3A_34 = tpu.memref_squeeze %dma_start3A_33 : memref<1x40x128xi32, #tpu.memory_space<hbm>> -> memref<40x128xi32, #tpu.memory_space<hbm>>
    %dma_start3A_35 = arith.constant 40 : i32
    %dma_start3A_36 = arith.constant 0 : i32
    %dma_start3A_37 = tpu.memref_slice %arg2[%add3A, %dma_start3A_35, %dma_start3A_36] : memref<32x200x128xi32, #tpu.memory_space<hbm>> -> memref<1x40x128xi32, #tpu.memory_space<hbm>>
    %dma_start3A_38 = tpu.memref_squeeze %dma_start3A_37 : memref<1x40x128xi32, #tpu.memory_space<hbm>> -> memref<40x128xi32, #tpu.memory_space<hbm>>
    tpu.enqueue_dma source(%dma_start3A_38 : memref<40x128xi32, #tpu.memory_space<hbm>>) target(%arg21 : memref<40x128xi32, #tpu.memory_space<vmem>>) target_semaphore(%arg26 : memref<!tpu.dma_semaphore, #tpu.memory_space<semaphore_mem>>)
    %dma_start3A_39 = arith.constant 40 : i32
    %dma_start3A_40 = arith.constant 0 : i32
    %dma_start3A_41 = tpu.memref_slice %arg3[%add3A, %dma_start3A_39, %dma_start3A_40] : memref<32x200x128xi32, #tpu.memory_space<hbm>> -> memref<1x40x128xi32, #tpu.memory_space<hbm>>
    %dma_start3A_42 = tpu.memref_squeeze %dma_start3A_41 : memref<1x40x128xi32, #tpu.memory_space<hbm>> -> memref<40x128xi32, #tpu.memory_space<hbm>>
    %dma_start3A_43 = arith.constant 40 : i32
    %dma_start3A_44 = arith.constant 0 : i32
    %dma_start3A_45 = tpu.memref_slice %arg3[%add3A, %dma_start3A_43, %dma_start3A_44] : memref<32x200x128xi32, #tpu.memory_space<hbm>> -> memref<1x40x128xi32, #tpu.memory_space<hbm>>
    %dma_start3A_46 = tpu.memref_squeeze %dma_start3A_45 : memref<1x40x128xi32, #tpu.memory_space<hbm>> -> memref<40x128xi32, #tpu.memory_space<hbm>>
    tpu.enqueue_dma source(%dma_start3A_46 : memref<40x128xi32, #tpu.memory_space<hbm>>) target(%arg22 : memref<40x128xi32, #tpu.memory_space<vmem>>) target_semaphore(%arg26 : memref<!tpu.dma_semaphore, #tpu.memory_space<semaphore_mem>>)
    %dma_wait3A = arith.constant 0 : i32
    %dma_wait3A_47 = arith.constant 0 : i32
    %dma_wait3A_48 = tpu.memref_slice %arg2[%add3A, %dma_wait3A, %dma_wait3A_47] : memref<32x200x128xi32, #tpu.memory_space<hbm>> -> memref<1x40x128xi32, #tpu.memory_space<hbm>>
    %dma_wait3A_49 = tpu.memref_squeeze %dma_wait3A_48 : memref<1x40x128xi32, #tpu.memory_space<hbm>> -> memref<40x128xi32, #tpu.memory_space<hbm>>
    %dma_wait3A_50 = arith.constant 0 : i32
    %dma_wait3A_51 = arith.constant 0 : i32
    %dma_wait3A_52 = tpu.memref_slice %arg2[%add3A, %dma_wait3A_50, %dma_wait3A_51] : memref<32x200x128xi32, #tpu.memory_space<hbm>> -> memref<1x40x128xi32, #tpu.memory_space<hbm>>
    %dma_wait3A_53 = tpu.memref_squeeze %dma_wait3A_52 : memref<1x40x128xi32, #tpu.memory_space<hbm>> -> memref<40x128xi32, #tpu.memory_space<hbm>>
    tpu.wait_dma2 semaphore(%arg25 : memref<!tpu.dma_semaphore, #tpu.memory_space<semaphore_mem>>) src(%dma_wait3A_53 : memref<40x128xi32, #tpu.memory_space<hbm>>) dst(%arg19 : memref<40x128xi32, #tpu.memory_space<vmem>>)
    %dma_wait3A_54 = arith.constant 0 : i32
    %dma_wait3A_55 = arith.constant 0 : i32
    %dma_wait3A_56 = tpu.memref_slice %arg3[%add3A, %dma_wait3A_54, %dma_wait3A_55] : memref<32x200x128xi32, #tpu.memory_space<hbm>> -> memref<1x40x128xi32, #tpu.memory_space<hbm>>
    %dma_wait3A_57 = tpu.memref_squeeze %dma_wait3A_56 : memref<1x40x128xi32, #tpu.memory_space<hbm>> -> memref<40x128xi32, #tpu.memory_space<hbm>>
    %dma_wait3A_58 = arith.constant 0 : i32
    %dma_wait3A_59 = arith.constant 0 : i32
    %dma_wait3A_60 = tpu.memref_slice %arg3[%add3A, %dma_wait3A_58, %dma_wait3A_59] : memref<32x200x128xi32, #tpu.memory_space<hbm>> -> memref<1x40x128xi32, #tpu.memory_space<hbm>>
    %dma_wait3A_61 = tpu.memref_squeeze %dma_wait3A_60 : memref<1x40x128xi32, #tpu.memory_space<hbm>> -> memref<40x128xi32, #tpu.memory_space<hbm>>
    tpu.wait_dma2 semaphore(%arg25 : memref<!tpu.dma_semaphore, #tpu.memory_space<semaphore_mem>>) src(%dma_wait3A_61 : memref<40x128xi32, #tpu.memory_space<hbm>>) dst(%arg20 : memref<40x128xi32, #tpu.memory_space<vmem>>)
    %scan3A_62 = arith.constant 0 : i32
    %scan3A_63 = arith.constant 0 : i32
    %scan3A_64 = arith.constant 80 : i32
    %scan3A_65 = arith.addi %scan3A_63, %scan3A_64 : i32
    %scan3A_66 = arith.constant 1 : i32
    scf.for %scan3A_270 = %scan3A_63 to %scan3A_65 step %scan3A_66  : i32 {
      %jit3A = arith.constant 2 : i32
      %div3A = arith.divsi %scan3A_270, %jit3A : i32
      %sign3A = arith.constant 0 : i32
      %sign3A_271 = arith.cmpi sgt, %scan3A_270, %sign3A : i32
      %sign3A_272 = arith.extui %sign3A_271 : i1 to i32
      %sign3A_273 = arith.constant 0 : i32
      %sign3A_274 = arith.cmpi slt, %scan3A_270, %sign3A_273 : i32
      %sign3A_275 = arith.extui %sign3A_274 : i1 to i32
      %sign3A_276 = arith.subi %sign3A_272, %sign3A_275 : i32
      %sign3A_277 = arith.constant 0 : i32
      %sign3A_278 = arith.cmpi sgt, %jit3A, %sign3A_277 : i32
      %sign3A_279 = arith.extui %sign3A_278 : i1 to i32
      %sign3A_280 = arith.constant 0 : i32
      %sign3A_281 = arith.cmpi slt, %jit3A, %sign3A_280 : i32
      %sign3A_282 = arith.extui %sign3A_281 : i1 to i32
      %sign3A_283 = arith.subi %sign3A_279, %sign3A_282 : i32
      %ne3A = arith.cmpi ne, %sign3A_276, %sign3A_283 : i32
      %rem3A = arith.remsi %scan3A_270, %jit3A : i32
      %ne3A_284 = arith.constant 0 : i32
      %ne3A_285 = arith.cmpi ne, %rem3A, %ne3A_284 : i32
      %and3A = arith.andi %ne3A, %ne3A_285 : i1
      %sub3A = arith.constant 1 : i32
      %sub3A_286 = arith.subi %div3A, %sub3A : i32
      %select_n3A = arith.select %and3A, %sub3A_286, %div3A : i32
      %jit3A_287 = arith.constant 2 : i32
      %eq3A_288 = arith.constant 0 : i32
      %eq3A_289 = arith.cmpi eq, %jit3A_287, %eq3A_288 : i32
      %jit3A_290 = arith.constant 1 : i32
      %select_n3A_291 = arith.select %eq3A_289, %jit3A_290, %jit3A_287 : i32
      %rem3A_292 = arith.remsi %scan3A_270, %select_n3A_291 : i32
      %ne3A_293 = arith.constant 0 : i32
      %ne3A_294 = arith.cmpi ne, %rem3A_292, %ne3A_293 : i32
      %lt3A = arith.constant 0 : i32
      %lt3A_295 = arith.cmpi slt, %rem3A_292, %lt3A : i32
      %lt3A_296 = arith.constant 0 : i32
      %lt3A_297 = arith.cmpi slt, %select_n3A_291, %lt3A_296 : i32
      %ne3A_298 = arith.xori %lt3A_295, %lt3A_297 : i1
      %and3A_299 = arith.andi %ne3A_298, %ne3A_294 : i1
      %add3A_300 = arith.addi %rem3A_292, %select_n3A_291 : i32
      %select_n3A_301 = arith.select %and3A_299, %add3A_300, %rem3A_292 : i32
      %mul3A_302 = arith.constant 64 : i32
      %mul3A_303 = arith.muli %select_n3A_301, %mul3A_302 : i32
      %add3A_304 = arith.constant 0 : i32
      %add3A_305 = arith.addi %mul3A_303, %add3A_304 : i32
      %get3A = arith.index_cast %select_n3A : i32 to index
      %get3A_306 = arith.index_cast %add3A_305 : i32 to index
      %get3A_307 = tpu.vector_load %arg20[%get3A, %get3A_306] {strides = array<i32>} : memref<40x128xi32, #tpu.memory_space<vmem>>, vector<16xi32>,
      %gather3A = tpu.vector_load_idx %arg10[%get3A_307] : memref<51200xf32, #tpu.memory_space<vmem>>[vector<16xi32>], vector<16xf32>,
      %swap3A = arith.index_cast %select_n3A : i32 to index
      %swap3A_308 = arith.index_cast %add3A_305 : i32 to index
      %swap3A_309 = tpu.vector_load %arg11[%swap3A, %swap3A_308] {strides = array<i32>} : memref<40x128xf32, #tpu.memory_space<vmem>>, vector<16xf32>,
      tpu.vector_store %arg11[%swap3A, %swap3A_308], %gather3A {strides = array<i32>} : memref<40x128xf32, #tpu.memory_space<vmem>>, vector<16xf32>,
      %add3A_310 = arith.constant 16 : i32
      %add3A_311 = arith.addi %mul3A_303, %add3A_310 : i32
      %get3A_312 = arith.index_cast %select_n3A : i32 to index
      %get3A_313 = arith.index_cast %add3A_311 : i32 to index
      %get3A_314 = tpu.vector_load %arg20[%get3A_312, %get3A_313] {strides = array<i32>} : memref<40x128xi32, #tpu.memory_space<vmem>>, vector<16xi32>,
      %gather3A_315 = tpu.vector_load_idx %arg10[%get3A_314] : memref<51200xf32, #tpu.memory_space<vmem>>[vector<16xi32>], vector<16xf32>,
      %swap3A_316 = arith.index_cast %select_n3A : i32 to index
      %swap3A_317 = arith.index_cast %add3A_311 : i32 to index
      %swap3A_318 = tpu.vector_load %arg11[%swap3A_316, %swap3A_317] {strides = array<i32>} : memref<40x128xf32, #tpu.memory_space<vmem>>, vector<16xf32>,
      tpu.vector_store %arg11[%swap3A_316, %swap3A_317], %gather3A_315 {strides = array<i32>} : memref<40x128xf32, #tpu.memory_space<vmem>>, vector<16xf32>,
      %add3A_319 = arith.constant 32 : i32
      %add3A_320 = arith.addi %mul3A_303, %add3A_319 : i32
      %get3A_321 = arith.index_cast %select_n3A : i32 to index
      %get3A_322 = arith.index_cast %add3A_320 : i32 to index
      %get3A_323 = tpu.vector_load %arg20[%get3A_321, %get3A_322] {strides = array<i32>} : memref<40x128xi32, #tpu.memory_space<vmem>>, vector<16xi32>,
      %gather3A_324 = tpu.vector_load_idx %arg10[%get3A_323] : memref<51200xf32, #tpu.memory_space<vmem>>[vector<16xi32>], vector<16xf32>,
      %swap3A_325 = arith.index_cast %select_n3A : i32 to index
      %swap3A_326 = arith.index_cast %add3A_320 : i32 to index
      %swap3A_327 = tpu.vector_load %arg11[%swap3A_325, %swap3A_326] {strides = array<i32>} : memref<40x128xf32, #tpu.memory_space<vmem>>, vector<16xf32>,
      tpu.vector_store %arg11[%swap3A_325, %swap3A_326], %gather3A_324 {strides = array<i32>} : memref<40x128xf32, #tpu.memory_space<vmem>>, vector<16xf32>,
      %add3A_328 = arith.constant 48 : i32
      %add3A_329 = arith.addi %mul3A_303, %add3A_328 : i32
      %get3A_330 = arith.index_cast %select_n3A : i32 to index
      %get3A_331 = arith.index_cast %add3A_329 : i32 to index
      %get3A_332 = tpu.vector_load %arg20[%get3A_330, %get3A_331] {strides = array<i32>} : memref<40x128xi32, #tpu.memory_space<vmem>>, vector<16xi32>,
      %gather3A_333 = tpu.vector_load_idx %arg10[%get3A_332] : memref<51200xf32, #tpu.memory_space<vmem>>[vector<16xi32>], vector<16xf32>,
      %swap3A_334 = arith.index_cast %select_n3A : i32 to index
      %swap3A_335 = arith.index_cast %add3A_329 : i32 to index
      %swap3A_336 = tpu.vector_load %arg11[%swap3A_334, %swap3A_335] {strides = array<i32>} : memref<40x128xf32, #tpu.memory_space<vmem>>, vector<16xf32>,
      tpu.vector_store %arg11[%swap3A_334, %swap3A_335], %gather3A_333 {strides = array<i32>} : memref<40x128xf32, #tpu.memory_space<vmem>>, vector<16xf32>,
    }
    %scan3A_67 = arith.constant 80 : i32
    %scan3A_68 = arith.constant 0 : i32
    %scan3A_69 = arith.constant 0 : i32
    %scan3A_70 = arith.constant 40 : i32
    %scan3A_71 = arith.addi %scan3A_69, %scan3A_70 : i32
    %scan3A_72 = arith.constant 1 : i32
    scf.for %scan3A_270 = %scan3A_69 to %scan3A_71 step %scan3A_72  : i32 {
      %dma_start3A_271 = arith.constant 0 : i32
      %dma_start3A_272 = tpu.memref_slice %arg11[%scan3A_270, %dma_start3A_271] : memref<40x128xf32, #tpu.memory_space<vmem>> -> memref<1x128xf32, #tpu.memory_space<vmem>>
      %dma_start3A_273 = tpu.memref_squeeze %dma_start3A_272 : memref<1x128xf32, #tpu.memory_space<vmem>> -> memref<128xf32, #tpu.memory_space<vmem>>
      %dma_start3A_274 = arith.constant 0 : i32
      %dma_start3A_275 = tpu.memref_slice %arg19[%scan3A_270, %dma_start3A_274] : memref<40x128xi32, #tpu.memory_space<vmem>> -> memref<1x128xi32, #tpu.memory_space<vmem>>
      %dma_start3A_276 = tpu.memref_squeeze %dma_start3A_275 : memref<1x128xi32, #tpu.memory_space<vmem>> -> memref<128xi32, #tpu.memory_space<vmem>>
      %dma_start3A_277 = arith.constant 0 : i32
      %dma_start3A_278 = tpu.memref_slice %arg24[%dma_start3A_277] : memref<51200xf32, #tpu.memory_space<vmem_shared>> -> memref<51200xf32, #tpu.memory_space<vmem_shared>>
      tpu.enqueue_indirect_dma source(%dma_start3A_273 : memref<128xf32, #tpu.memory_space<vmem>>) target(%dma_start3A_278 : memref<51200xf32, #tpu.memory_space<vmem_shared>>) offsets(%dma_start3A_276 : memref<128xi32, #tpu.memory_space<vmem>>) semaphore(%arg27 : memref<!tpu.dma_semaphore, #tpu.memory_space<semaphore_mem>>) {add = true}
    }
    %scan3A_73 = arith.constant 40 : i32
    %scan3A_74 = arith.constant 0 : i32
    %scan3A_75 = arith.constant 0 : i32
    %scan3A_76 = arith.constant 40 : i32
    %scan3A_77 = arith.addi %scan3A_75, %scan3A_76 : i32
    %scan3A_78 = arith.constant 1 : i32
    scf.for %scan3A_270 = %scan3A_75 to %scan3A_77 step %scan3A_78  : i32 {
      %dma_wait3A_271 = arith.constant 0 : i32
      %dma_wait3A_272 = arith.constant 0 : i32
      %dma_wait3A_273 = arith.constant 0 : i32
      %dma_wait3A_274 = tpu.memref_slice %arg11[%dma_wait3A_272, %dma_wait3A_273] : memref<40x128xf32, #tpu.memory_space<vmem>> -> memref<1x128xf32, #tpu.memory_space<vmem>>
      %dma_wait3A_275 = tpu.memref_squeeze %dma_wait3A_274 : memref<1x128xf32, #tpu.memory_space<vmem>> -> memref<128xf32, #tpu.memory_space<vmem>>
      %dma_wait3A_276 = arith.constant 0 : i32
      %dma_wait3A_277 = tpu.memref_slice %arg5[%dma_wait3A_271, %dma_wait3A_276] : memref<2x51200xf32, #tpu.memory_space<hbm>> -> memref<1x128xf32, #tpu.memory_space<hbm>>
      %dma_wait3A_278 = tpu.memref_squeeze %dma_wait3A_277 : memref<1x128xf32, #tpu.memory_space<hbm>> -> memref<128xf32, #tpu.memory_space<hbm>>
      %dma_wait3A_279 = arith.constant 0 : i32
      %dma_wait3A_280 = tpu.memref_slice %arg11[%dma_wait3A_272, %dma_wait3A_279] : memref<40x128xf32, #tpu.memory_space<vmem>> -> memref<1x128xf32, #tpu.memory_space<vmem>>
      %dma_wait3A_281 = tpu.memref_squeeze %dma_wait3A_280 : memref<1x128xf32, #tpu.memory_space<vmem>> -> memref<128xf32, #tpu.memory_space<vmem>>
      %dma_wait3A_282 = arith.constant 0 : i32
      %dma_wait3A_283 = tpu.memref_slice %arg5[%dma_wait3A_271, %dma_wait3A_282] : memref<2x51200xf32, #tpu.memory_space<hbm>> -> memref<1x128xf32, #tpu.memory_space<hbm>>
      %dma_wait3A_284 = tpu.memref_squeeze %dma_wait3A_283 : memref<1x128xf32, #tpu.memory_space<hbm>> -> memref<128xf32, #tpu.memory_space<hbm>>
      tpu.wait_dma2 semaphore(%arg27 : memref<!tpu.dma_semaphore, #tpu.memory_space<semaphore_mem>>) src(%dma_wait3A_284 : memref<128xf32, #tpu.memory_space<hbm>>) dst(%dma_wait3A_281 : memref<128xf32, #tpu.memory_space<vmem>>)
    }
    %scan3A_79 = arith.constant 40 : i32
    %dma_start3A_80 = arith.constant 80 : i32
    %dma_start3A_81 = arith.constant 0 : i32
    %dma_start3A_82 = tpu.memref_slice %arg2[%add3A, %dma_start3A_80, %dma_start3A_81] : memref<32x200x128xi32, #tpu.memory_space<hbm>> -> memref<1x40x128xi32, #tpu.memory_space<hbm>>
    %dma_start3A_83 = tpu.memref_squeeze %dma_start3A_82 : memref<1x40x128xi32, #tpu.memory_space<hbm>> -> memref<40x128xi32, #tpu.memory_space<hbm>>
    %dma_start3A_84 = arith.constant 80 : i32
    %dma_start3A_85 = arith.constant 0 : i32
    %dma_start3A_86 = tpu.memref_slice %arg2[%add3A, %dma_start3A_84, %dma_start3A_85] : memref<32x200x128xi32, #tpu.memory_space<hbm>> -> memref<1x40x128xi32, #tpu.memory_space<hbm>>
    %dma_start3A_87 = tpu.memref_squeeze %dma_start3A_86 : memref<1x40x128xi32, #tpu.memory_space<hbm>> -> memref<40x128xi32, #tpu.memory_space<hbm>>
    tpu.enqueue_dma source(%dma_start3A_87 : memref<40x128xi32, #tpu.memory_space<hbm>>) target(%arg19 : memref<40x128xi32, #tpu.memory_space<vmem>>) target_semaphore(%arg25 : memref<!tpu.dma_semaphore, #tpu.memory_space<semaphore_mem>>)
    %dma_start3A_88 = arith.constant 80 : i32
    %dma_start3A_89 = arith.constant 0 : i32
    %dma_start3A_90 = tpu.memref_slice %arg3[%add3A, %dma_start3A_88, %dma_start3A_89] : memref<32x200x128xi32, #tpu.memory_space<hbm>> -> memref<1x40x128xi32, #tpu.memory_space<hbm>>
    %dma_start3A_91 = tpu.memref_squeeze %dma_start3A_90 : memref<1x40x128xi32, #tpu.memory_space<hbm>> -> memref<40x128xi32, #tpu.memory_space<hbm>>
    %dma_start3A_92 = arith.constant 80 : i32
    %dma_start3A_93 = arith.constant 0 : i32
    %dma_start3A_94 = tpu.memref_slice %arg3[%add3A, %dma_start3A_92, %dma_start3A_93] : memref<32x200x128xi32, #tpu.memory_space<hbm>> -> memref<1x40x128xi32, #tpu.memory_space<hbm>>
    %dma_start3A_95 = tpu.memref_squeeze %dma_start3A_94 : memref<1x40x128xi32, #tpu.memory_space<hbm>> -> memref<40x128xi32, #tpu.memory_space<hbm>>
    tpu.enqueue_dma source(%dma_start3A_95 : memref<40x128xi32, #tpu.memory_space<hbm>>) target(%arg20 : memref<40x128xi32, #tpu.memory_space<vmem>>) target_semaphore(%arg25 : memref<!tpu.dma_semaphore, #tpu.memory_space<semaphore_mem>>)
    %dma_wait3A_96 = arith.constant 40 : i32
    %dma_wait3A_97 = arith.constant 0 : i32
    %dma_wait3A_98 = tpu.memref_slice %arg2[%add3A, %dma_wait3A_96, %dma_wait3A_97] : memref<32x200x128xi32, #tpu.memory_space<hbm>> -> memref<1x40x128xi32, #tpu.memory_space<hbm>>
    %dma_wait3A_99 = tpu.memref_squeeze %dma_wait3A_98 : memref<1x40x128xi32, #tpu.memory_space<hbm>> -> memref<40x128xi32, #tpu.memory_space<hbm>>
    %dma_wait3A_100 = arith.constant 40 : i32
    %dma_wait3A_101 = arith.constant 0 : i32
    %dma_wait3A_102 = tpu.memref_slice %arg2[%add3A, %dma_wait3A_100, %dma_wait3A_101] : memref<32x200x128xi32, #tpu.memory_space<hbm>> -> memref<1x40x128xi32, #tpu.memory_space<hbm>>
    %dma_wait3A_103 = tpu.memref_squeeze %dma_wait3A_102 : memref<1x40x128xi32, #tpu.memory_space<hbm>> -> memref<40x128xi32, #tpu.memory_space<hbm>>
    tpu.wait_dma2 semaphore(%arg26 : memref<!tpu.dma_semaphore, #tpu.memory_space<semaphore_mem>>) src(%dma_wait3A_103 : memref<40x128xi32, #tpu.memory_space<hbm>>) dst(%arg21 : memref<40x128xi32, #tpu.memory_space<vmem>>)
    %dma_wait3A_104 = arith.constant 40 : i32
    %dma_wait3A_105 = arith.constant 0 : i32
    %dma_wait3A_106 = tpu.memref_slice %arg3[%add3A, %dma_wait3A_104, %dma_wait3A_105] : memref<32x200x128xi32, #tpu.memory_space<hbm>> -> memref<1x40x128xi32, #tpu.memory_space<hbm>>
    %dma_wait3A_107 = tpu.memref_squeeze %dma_wait3A_106 : memref<1x40x128xi32, #tpu.memory_space<hbm>> -> memref<40x128xi32, #tpu.memory_space<hbm>>
    %dma_wait3A_108 = arith.constant 40 : i32
    %dma_wait3A_109 = arith.constant 0 : i32
    %dma_wait3A_110 = tpu.memref_slice %arg3[%add3A, %dma_wait3A_108, %dma_wait3A_109] : memref<32x200x128xi32, #tpu.memory_space<hbm>> -> memref<1x40x128xi32, #tpu.memory_space<hbm>>
    %dma_wait3A_111 = tpu.memref_squeeze %dma_wait3A_110 : memref<1x40x128xi32, #tpu.memory_space<hbm>> -> memref<40x128xi32, #tpu.memory_space<hbm>>
    tpu.wait_dma2 semaphore(%arg26 : memref<!tpu.dma_semaphore, #tpu.memory_space<semaphore_mem>>) src(%dma_wait3A_111 : memref<40x128xi32, #tpu.memory_space<hbm>>) dst(%arg22 : memref<40x128xi32, #tpu.memory_space<vmem>>)
    %scan3A_112 = arith.constant 0 : i32
    %scan3A_113 = arith.constant 0 : i32
    %scan3A_114 = arith.constant 80 : i32
    %scan3A_115 = arith.addi %scan3A_113, %scan3A_114 : i32
    %scan3A_116 = arith.constant 1 : i32
    scf.for %scan3A_270 = %scan3A_113 to %scan3A_115 step %scan3A_116  : i32 {
      %jit3A = arith.constant 2 : i32
      %div3A = arith.divsi %scan3A_270, %jit3A : i32
      %sign3A = arith.constant 0 : i32
      %sign3A_271 = arith.cmpi sgt, %scan3A_270, %sign3A : i32
      %sign3A_272 = arith.extui %sign3A_271 : i1 to i32
      %sign3A_273 = arith.constant 0 : i32
      %sign3A_274 = arith.cmpi slt, %scan3A_270, %sign3A_273 : i32
      %sign3A_275 = arith.extui %sign3A_274 : i1 to i32
      %sign3A_276 = arith.subi %sign3A_272, %sign3A_275 : i32
      %sign3A_277 = arith.constant 0 : i32
      %sign3A_278 = arith.cmpi sgt, %jit3A, %sign3A_277 : i32
      %sign3A_279 = arith.extui %sign3A_278 : i1 to i32
      %sign3A_280 = arith.constant 0 : i32
      %sign3A_281 = arith.cmpi slt, %jit3A, %sign3A_280 : i32
      %sign3A_282 = arith.extui %sign3A_281 : i1 to i32
      %sign3A_283 = arith.subi %sign3A_279, %sign3A_282 : i32
      %ne3A = arith.cmpi ne, %sign3A_276, %sign3A_283 : i32
      %rem3A = arith.remsi %scan3A_270, %jit3A : i32
      %ne3A_284 = arith.constant 0 : i32
      %ne3A_285 = arith.cmpi ne, %rem3A, %ne3A_284 : i32
      %and3A = arith.andi %ne3A, %ne3A_285 : i1
      %sub3A = arith.constant 1 : i32
      %sub3A_286 = arith.subi %div3A, %sub3A : i32
      %select_n3A = arith.select %and3A, %sub3A_286, %div3A : i32
      %jit3A_287 = arith.constant 2 : i32
      %eq3A_288 = arith.constant 0 : i32
      %eq3A_289 = arith.cmpi eq, %jit3A_287, %eq3A_288 : i32
      %jit3A_290 = arith.constant 1 : i32
      %select_n3A_291 = arith.select %eq3A_289, %jit3A_290, %jit3A_287 : i32
      %rem3A_292 = arith.remsi %scan3A_270, %select_n3A_291 : i32
      %ne3A_293 = arith.constant 0 : i32
      %ne3A_294 = arith.cmpi ne, %rem3A_292, %ne3A_293 : i32
      %lt3A = arith.constant 0 : i32
      %lt3A_295 = arith.cmpi slt, %rem3A_292, %lt3A : i32
      %lt3A_296 = arith.constant 0 : i32
      %lt3A_297 = arith.cmpi slt, %select_n3A_291, %lt3A_296 : i32
      %ne3A_298 = arith.xori %lt3A_295, %lt3A_297 : i1
      %and3A_299 = arith.andi %ne3A_298, %ne3A_294 : i1
      %add3A_300 = arith.addi %rem3A_292, %select_n3A_291 : i32
      %select_n3A_301 = arith.select %and3A_299, %add3A_300, %rem3A_292 : i32
      %mul3A_302 = arith.constant 64 : i32
      %mul3A_303 = arith.muli %select_n3A_301, %mul3A_302 : i32
      %add3A_304 = arith.constant 0 : i32
      %add3A_305 = arith.addi %mul3A_303, %add3A_304 : i32
      %get3A = arith.index_cast %select_n3A : i32 to index
      %get3A_306 = arith.index_cast %add3A_305 : i32 to index
      %get3A_307 = tpu.vector_load %arg22[%get3A, %get3A_306] {strides = array<i32>} : memref<40x128xi32, #tpu.memory_space<vmem>>, vector<16xi32>,
      %gather3A = tpu.vector_load_idx %arg10[%get3A_307] : memref<51200xf32, #tpu.memory_space<vmem>>[vector<16xi32>], vector<16xf32>,
      %swap3A = arith.index_cast %select_n3A : i32 to index
      %swap3A_308 = arith.index_cast %add3A_305 : i32 to index
      %swap3A_309 = tpu.vector_load %arg12[%swap3A, %swap3A_308] {strides = array<i32>} : memref<40x128xf32, #tpu.memory_space<vmem>>, vector<16xf32>,
      tpu.vector_store %arg12[%swap3A, %swap3A_308], %gather3A {strides = array<i32>} : memref<40x128xf32, #tpu.memory_space<vmem>>, vector<16xf32>,
      %add3A_310 = arith.constant 16 : i32
      %add3A_311 = arith.addi %mul3A_303, %add3A_310 : i32
      %get3A_312 = arith.index_cast %select_n3A : i32 to index
      %get3A_313 = arith.index_cast %add3A_311 : i32 to index
      %get3A_314 = tpu.vector_load %arg22[%get3A_312, %get3A_313] {strides = array<i32>} : memref<40x128xi32, #tpu.memory_space<vmem>>, vector<16xi32>,
      %gather3A_315 = tpu.vector_load_idx %arg10[%get3A_314] : memref<51200xf32, #tpu.memory_space<vmem>>[vector<16xi32>], vector<16xf32>,
      %swap3A_316 = arith.index_cast %select_n3A : i32 to index
      %swap3A_317 = arith.index_cast %add3A_311 : i32 to index
      %swap3A_318 = tpu.vector_load %arg12[%swap3A_316, %swap3A_317] {strides = array<i32>} : memref<40x128xf32, #tpu.memory_space<vmem>>, vector<16xf32>,
      tpu.vector_store %arg12[%swap3A_316, %swap3A_317], %gather3A_315 {strides = array<i32>} : memref<40x128xf32, #tpu.memory_space<vmem>>, vector<16xf32>,
      %add3A_319 = arith.constant 32 : i32
      %add3A_320 = arith.addi %mul3A_303, %add3A_319 : i32
      %get3A_321 = arith.index_cast %select_n3A : i32 to index
      %get3A_322 = arith.index_cast %add3A_320 : i32 to index
      %get3A_323 = tpu.vector_load %arg22[%get3A_321, %get3A_322] {strides = array<i32>} : memref<40x128xi32, #tpu.memory_space<vmem>>, vector<16xi32>,
      %gather3A_324 = tpu.vector_load_idx %arg10[%get3A_323] : memref<51200xf32, #tpu.memory_space<vmem>>[vector<16xi32>], vector<16xf32>,
      %swap3A_325 = arith.index_cast %select_n3A : i32 to index
      %swap3A_326 = arith.index_cast %add3A_320 : i32 to index
      %swap3A_327 = tpu.vector_load %arg12[%swap3A_325, %swap3A_326] {strides = array<i32>} : memref<40x128xf32, #tpu.memory_space<vmem>>, vector<16xf32>,
      tpu.vector_store %arg12[%swap3A_325, %swap3A_326], %gather3A_324 {strides = array<i32>} : memref<40x128xf32, #tpu.memory_space<vmem>>, vector<16xf32>,
      %add3A_328 = arith.constant 48 : i32
      %add3A_329 = arith.addi %mul3A_303, %add3A_328 : i32
      %get3A_330 = arith.index_cast %select_n3A : i32 to index
      %get3A_331 = arith.index_cast %add3A_329 : i32 to index
      %get3A_332 = tpu.vector_load %arg22[%get3A_330, %get3A_331] {strides = array<i32>} : memref<40x128xi32, #tpu.memory_space<vmem>>, vector<16xi32>,
      %gather3A_333 = tpu.vector_load_idx %arg10[%get3A_332] : memref<51200xf32, #tpu.memory_space<vmem>>[vector<16xi32>], vector<16xf32>,
      %swap3A_334 = arith.index_cast %select_n3A : i32 to index
      %swap3A_335 = arith.index_cast %add3A_329 : i32 to index
      %swap3A_336 = tpu.vector_load %arg12[%swap3A_334, %swap3A_335] {strides = array<i32>} : memref<40x128xf32, #tpu.memory_space<vmem>>, vector<16xf32>,
      tpu.vector_store %arg12[%swap3A_334, %swap3A_335], %gather3A_333 {strides = array<i32>} : memref<40x128xf32, #tpu.memory_space<vmem>>, vector<16xf32>,
    }
    %scan3A_117 = arith.constant 80 : i32
    %scan3A_118 = arith.constant 0 : i32
    %scan3A_119 = arith.constant 0 : i32
    %scan3A_120 = arith.constant 40 : i32
    %scan3A_121 = arith.addi %scan3A_119, %scan3A_120 : i32
    %scan3A_122 = arith.constant 1 : i32
    scf.for %scan3A_270 = %scan3A_119 to %scan3A_121 step %scan3A_122  : i32 {
      %dma_start3A_271 = arith.constant 0 : i32
      %dma_start3A_272 = tpu.memref_slice %arg12[%scan3A_270, %dma_start3A_271] : memref<40x128xf32, #tpu.memory_space<vmem>> -> memref<1x128xf32, #tpu.memory_space<vmem>>
      %dma_start3A_273 = tpu.memref_squeeze %dma_start3A_272 : memref<1x128xf32, #tpu.memory_space<vmem>> -> memref<128xf32, #tpu.memory_space<vmem>>
      %dma_start3A_274 = arith.constant 0 : i32
      %dma_start3A_275 = tpu.memref_slice %arg21[%scan3A_270, %dma_start3A_274] : memref<40x128xi32, #tpu.memory_space<vmem>> -> memref<1x128xi32, #tpu.memory_space<vmem>>
      %dma_start3A_276 = tpu.memref_squeeze %dma_start3A_275 : memref<1x128xi32, #tpu.memory_space<vmem>> -> memref<128xi32, #tpu.memory_space<vmem>>
      %dma_start3A_277 = arith.constant 0 : i32
      %dma_start3A_278 = tpu.memref_slice %arg24[%dma_start3A_277] : memref<51200xf32, #tpu.memory_space<vmem_shared>> -> memref<51200xf32, #tpu.memory_space<vmem_shared>>
      tpu.enqueue_indirect_dma source(%dma_start3A_273 : memref<128xf32, #tpu.memory_space<vmem>>) target(%dma_start3A_278 : memref<51200xf32, #tpu.memory_space<vmem_shared>>) offsets(%dma_start3A_276 : memref<128xi32, #tpu.memory_space<vmem>>) semaphore(%arg28 : memref<!tpu.dma_semaphore, #tpu.memory_space<semaphore_mem>>) {add = true}
    }
    %scan3A_123 = arith.constant 40 : i32
    %scan3A_124 = arith.constant 0 : i32
    %scan3A_125 = arith.constant 0 : i32
    %scan3A_126 = arith.constant 40 : i32
    %scan3A_127 = arith.addi %scan3A_125, %scan3A_126 : i32
    %scan3A_128 = arith.constant 1 : i32
    scf.for %scan3A_270 = %scan3A_125 to %scan3A_127 step %scan3A_128  : i32 {
      %dma_wait3A_271 = arith.constant 0 : i32
      %dma_wait3A_272 = arith.constant 0 : i32
      %dma_wait3A_273 = arith.constant 0 : i32
      %dma_wait3A_274 = tpu.memref_slice %arg11[%dma_wait3A_272, %dma_wait3A_273] : memref<40x128xf32, #tpu.memory_space<vmem>> -> memref<1x128xf32, #tpu.memory_space<vmem>>
      %dma_wait3A_275 = tpu.memref_squeeze %dma_wait3A_274 : memref<1x128xf32, #tpu.memory_space<vmem>> -> memref<128xf32, #tpu.memory_space<vmem>>
      %dma_wait3A_276 = arith.constant 0 : i32
      %dma_wait3A_277 = tpu.memref_slice %arg5[%dma_wait3A_271, %dma_wait3A_276] : memref<2x51200xf32, #tpu.memory_space<hbm>> -> memref<1x128xf32, #tpu.memory_space<hbm>>
      %dma_wait3A_278 = tpu.memref_squeeze %dma_wait3A_277 : memref<1x128xf32, #tpu.memory_space<hbm>> -> memref<128xf32, #tpu.memory_space<hbm>>
      %dma_wait3A_279 = arith.constant 0 : i32
      %dma_wait3A_280 = tpu.memref_slice %arg11[%dma_wait3A_272, %dma_wait3A_279] : memref<40x128xf32, #tpu.memory_space<vmem>> -> memref<1x128xf32, #tpu.memory_space<vmem>>
      %dma_wait3A_281 = tpu.memref_squeeze %dma_wait3A_280 : memref<1x128xf32, #tpu.memory_space<vmem>> -> memref<128xf32, #tpu.memory_space<vmem>>
      %dma_wait3A_282 = arith.constant 0 : i32
      %dma_wait3A_283 = tpu.memref_slice %arg5[%dma_wait3A_271, %dma_wait3A_282] : memref<2x51200xf32, #tpu.memory_space<hbm>> -> memref<1x128xf32, #tpu.memory_space<hbm>>
      %dma_wait3A_284 = tpu.memref_squeeze %dma_wait3A_283 : memref<1x128xf32, #tpu.memory_space<hbm>> -> memref<128xf32, #tpu.memory_space<hbm>>
      tpu.wait_dma2 semaphore(%arg28 : memref<!tpu.dma_semaphore, #tpu.memory_space<semaphore_mem>>) src(%dma_wait3A_284 : memref<128xf32, #tpu.memory_space<hbm>>) dst(%dma_wait3A_281 : memref<128xf32, #tpu.memory_space<vmem>>)
    }
    %scan3A_129 = arith.constant 40 : i32
    %dma_start3A_130 = arith.constant 120 : i32
    %dma_start3A_131 = arith.constant 0 : i32
    %dma_start3A_132 = tpu.memref_slice %arg2[%add3A, %dma_start3A_130, %dma_start3A_131] : memref<32x200x128xi32, #tpu.memory_space<hbm>> -> memref<1x40x128xi32, #tpu.memory_space<hbm>>
    %dma_start3A_133 = tpu.memref_squeeze %dma_start3A_132 : memref<1x40x128xi32, #tpu.memory_space<hbm>> -> memref<40x128xi32, #tpu.memory_space<hbm>>
    %dma_start3A_134 = arith.constant 120 : i32
    %dma_start3A_135 = arith.constant 0 : i32
    %dma_start3A_136 = tpu.memref_slice %arg2[%add3A, %dma_start3A_134, %dma_start3A_135] : memref<32x200x128xi32, #tpu.memory_space<hbm>> -> memref<1x40x128xi32, #tpu.memory_space<hbm>>
    %dma_start3A_137 = tpu.memref_squeeze %dma_start3A_136 : memref<1x40x128xi32, #tpu.memory_space<hbm>> -> memref<40x128xi32, #tpu.memory_space<hbm>>
    tpu.enqueue_dma source(%dma_start3A_137 : memref<40x128xi32, #tpu.memory_space<hbm>>) target(%arg21 : memref<40x128xi32, #tpu.memory_space<vmem>>) target_semaphore(%arg26 : memref<!tpu.dma_semaphore, #tpu.memory_space<semaphore_mem>>)
    %dma_start3A_138 = arith.constant 120 : i32
    %dma_start3A_139 = arith.constant 0 : i32
    %dma_start3A_140 = tpu.memref_slice %arg3[%add3A, %dma_start3A_138, %dma_start3A_139] : memref<32x200x128xi32, #tpu.memory_space<hbm>> -> memref<1x40x128xi32, #tpu.memory_space<hbm>>
    %dma_start3A_141 = tpu.memref_squeeze %dma_start3A_140 : memref<1x40x128xi32, #tpu.memory_space<hbm>> -> memref<40x128xi32, #tpu.memory_space<hbm>>
    %dma_start3A_142 = arith.constant 120 : i32
    %dma_start3A_143 = arith.constant 0 : i32
    %dma_start3A_144 = tpu.memref_slice %arg3[%add3A, %dma_start3A_142, %dma_start3A_143] : memref<32x200x128xi32, #tpu.memory_space<hbm>> -> memref<1x40x128xi32, #tpu.memory_space<hbm>>
    %dma_start3A_145 = tpu.memref_squeeze %dma_start3A_144 : memref<1x40x128xi32, #tpu.memory_space<hbm>> -> memref<40x128xi32, #tpu.memory_space<hbm>>
    tpu.enqueue_dma source(%dma_start3A_145 : memref<40x128xi32, #tpu.memory_space<hbm>>) target(%arg22 : memref<40x128xi32, #tpu.memory_space<vmem>>) target_semaphore(%arg26 : memref<!tpu.dma_semaphore, #tpu.memory_space<semaphore_mem>>)
    %dma_wait3A_146 = arith.constant 80 : i32
    %dma_wait3A_147 = arith.constant 0 : i32
    %dma_wait3A_148 = tpu.memref_slice %arg2[%add3A, %dma_wait3A_146, %dma_wait3A_147] : memref<32x200x128xi32, #tpu.memory_space<hbm>> -> memref<1x40x128xi32, #tpu.memory_space<hbm>>
    %dma_wait3A_149 = tpu.memref_squeeze %dma_wait3A_148 : memref<1x40x128xi32, #tpu.memory_space<hbm>> -> memref<40x128xi32, #tpu.memory_space<hbm>>
    %dma_wait3A_150 = arith.constant 80 : i32
    %dma_wait3A_151 = arith.constant 0 : i32
    %dma_wait3A_152 = tpu.memref_slice %arg2[%add3A, %dma_wait3A_150, %dma_wait3A_151] : memref<32x200x128xi32, #tpu.memory_space<hbm>> -> memref<1x40x128xi32, #tpu.memory_space<hbm>>
    %dma_wait3A_153 = tpu.memref_squeeze %dma_wait3A_152 : memref<1x40x128xi32, #tpu.memory_space<hbm>> -> memref<40x128xi32, #tpu.memory_space<hbm>>
    tpu.wait_dma2 semaphore(%arg25 : memref<!tpu.dma_semaphore, #tpu.memory_space<semaphore_mem>>) src(%dma_wait3A_153 : memref<40x128xi32, #tpu.memory_space<hbm>>) dst(%arg19 : memref<40x128xi32, #tpu.memory_space<vmem>>)
    %dma_wait3A_154 = arith.constant 80 : i32
    %dma_wait3A_155 = arith.constant 0 : i32
    %dma_wait3A_156 = tpu.memref_slice %arg3[%add3A, %dma_wait3A_154, %dma_wait3A_155] : memref<32x200x128xi32, #tpu.memory_space<hbm>> -> memref<1x40x128xi32, #tpu.memory_space<hbm>>
    %dma_wait3A_157 = tpu.memref_squeeze %dma_wait3A_156 : memref<1x40x128xi32, #tpu.memory_space<hbm>> -> memref<40x128xi32, #tpu.memory_space<hbm>>
    %dma_wait3A_158 = arith.constant 80 : i32
    %dma_wait3A_159 = arith.constant 0 : i32
    %dma_wait3A_160 = tpu.memref_slice %arg3[%add3A, %dma_wait3A_158, %dma_wait3A_159] : memref<32x200x128xi32, #tpu.memory_space<hbm>> -> memref<1x40x128xi32, #tpu.memory_space<hbm>>
    %dma_wait3A_161 = tpu.memref_squeeze %dma_wait3A_160 : memref<1x40x128xi32, #tpu.memory_space<hbm>> -> memref<40x128xi32, #tpu.memory_space<hbm>>
    tpu.wait_dma2 semaphore(%arg25 : memref<!tpu.dma_semaphore, #tpu.memory_space<semaphore_mem>>) src(%dma_wait3A_161 : memref<40x128xi32, #tpu.memory_space<hbm>>) dst(%arg20 : memref<40x128xi32, #tpu.memory_space<vmem>>)
    %scan3A_162 = arith.constant 0 : i32
    %scan3A_163 = arith.constant 0 : i32
    %scan3A_164 = arith.constant 80 : i32
    %scan3A_165 = arith.addi %scan3A_163, %scan3A_164 : i32
    %scan3A_166 = arith.constant 1 : i32
    scf.for %scan3A_270 = %scan3A_163 to %scan3A_165 step %scan3A_166  : i32 {
      %jit3A = arith.constant 2 : i32
      %div3A = arith.divsi %scan3A_270, %jit3A : i32
      %sign3A = arith.constant 0 : i32
      %sign3A_271 = arith.cmpi sgt, %scan3A_270, %sign3A : i32
      %sign3A_272 = arith.extui %sign3A_271 : i1 to i32
      %sign3A_273 = arith.constant 0 : i32
      %sign3A_274 = arith.cmpi slt, %scan3A_270, %sign3A_273 : i32
      %sign3A_275 = arith.extui %sign3A_274 : i1 to i32
      %sign3A_276 = arith.subi %sign3A_272, %sign3A_275 : i32
      %sign3A_277 = arith.constant 0 : i32
      %sign3A_278 = arith.cmpi sgt, %jit3A, %sign3A_277 : i32
      %sign3A_279 = arith.extui %sign3A_278 : i1 to i32
      %sign3A_280 = arith.constant 0 : i32
      %sign3A_281 = arith.cmpi slt, %jit3A, %sign3A_280 : i32
      %sign3A_282 = arith.extui %sign3A_281 : i1 to i32
      %sign3A_283 = arith.subi %sign3A_279, %sign3A_282 : i32
      %ne3A = arith.cmpi ne, %sign3A_276, %sign3A_283 : i32
      %rem3A = arith.remsi %scan3A_270, %jit3A : i32
      %ne3A_284 = arith.constant 0 : i32
      %ne3A_285 = arith.cmpi ne, %rem3A, %ne3A_284 : i32
      %and3A = arith.andi %ne3A, %ne3A_285 : i1
      %sub3A = arith.constant 1 : i32
      %sub3A_286 = arith.subi %div3A, %sub3A : i32
      %select_n3A = arith.select %and3A, %sub3A_286, %div3A : i32
      %jit3A_287 = arith.constant 2 : i32
      %eq3A_288 = arith.constant 0 : i32
      %eq3A_289 = arith.cmpi eq, %jit3A_287, %eq3A_288 : i32
      %jit3A_290 = arith.constant 1 : i32
      %select_n3A_291 = arith.select %eq3A_289, %jit3A_290, %jit3A_287 : i32
      %rem3A_292 = arith.remsi %scan3A_270, %select_n3A_291 : i32
      %ne3A_293 = arith.constant 0 : i32
      %ne3A_294 = arith.cmpi ne, %rem3A_292, %ne3A_293 : i32
      %lt3A = arith.constant 0 : i32
      %lt3A_295 = arith.cmpi slt, %rem3A_292, %lt3A : i32
      %lt3A_296 = arith.constant 0 : i32
      %lt3A_297 = arith.cmpi slt, %select_n3A_291, %lt3A_296 : i32
      %ne3A_298 = arith.xori %lt3A_295, %lt3A_297 : i1
      %and3A_299 = arith.andi %ne3A_298, %ne3A_294 : i1
      %add3A_300 = arith.addi %rem3A_292, %select_n3A_291 : i32
      %select_n3A_301 = arith.select %and3A_299, %add3A_300, %rem3A_292 : i32
      %mul3A_302 = arith.constant 64 : i32
      %mul3A_303 = arith.muli %select_n3A_301, %mul3A_302 : i32
      %add3A_304 = arith.constant 0 : i32
      %add3A_305 = arith.addi %mul3A_303, %add3A_304 : i32
      %get3A = arith.index_cast %select_n3A : i32 to index
      %get3A_306 = arith.index_cast %add3A_305 : i32 to index
      %get3A_307 = tpu.vector_load %arg20[%get3A, %get3A_306] {strides = array<i32>} : memref<40x128xi32, #tpu.memory_space<vmem>>, vector<16xi32>,
      %gather3A = tpu.vector_load_idx %arg10[%get3A_307] : memref<51200xf32, #tpu.memory_space<vmem>>[vector<16xi32>], vector<16xf32>,
      %swap3A = arith.index_cast %select_n3A : i32 to index
      %swap3A_308 = arith.index_cast %add3A_305 : i32 to index
      %swap3A_309 = tpu.vector_load %arg11[%swap3A, %swap3A_308] {strides = array<i32>} : memref<40x128xf32, #tpu.memory_space<vmem>>, vector<16xf32>,
      tpu.vector_store %arg11[%swap3A, %swap3A_308], %gather3A {strides = array<i32>} : memref<40x128xf32, #tpu.memory_space<vmem>>, vector<16xf32>,
      %add3A_310 = arith.constant 16 : i32
      %add3A_311 = arith.addi %mul3A_303, %add3A_310 : i32
      %get3A_312 = arith.index_cast %select_n3A : i32 to index
      %get3A_313 = arith.index_cast %add3A_311 : i32 to index
      %get3A_314 = tpu.vector_load %arg20[%get3A_312, %get3A_313] {strides = array<i32>} : memref<40x128xi32, #tpu.memory_space<vmem>>, vector<16xi32>,
      %gather3A_315 = tpu.vector_load_idx %arg10[%get3A_314] : memref<51200xf32, #tpu.memory_space<vmem>>[vector<16xi32>], vector<16xf32>,
      %swap3A_316 = arith.index_cast %select_n3A : i32 to index
      %swap3A_317 = arith.index_cast %add3A_311 : i32 to index
      %swap3A_318 = tpu.vector_load %arg11[%swap3A_316, %swap3A_317] {strides = array<i32>} : memref<40x128xf32, #tpu.memory_space<vmem>>, vector<16xf32>,
      tpu.vector_store %arg11[%swap3A_316, %swap3A_317], %gather3A_315 {strides = array<i32>} : memref<40x128xf32, #tpu.memory_space<vmem>>, vector<16xf32>,
      %add3A_319 = arith.constant 32 : i32
      %add3A_320 = arith.addi %mul3A_303, %add3A_319 : i32
      %get3A_321 = arith.index_cast %select_n3A : i32 to index
      %get3A_322 = arith.index_cast %add3A_320 : i32 to index
      %get3A_323 = tpu.vector_load %arg20[%get3A_321, %get3A_322] {strides = array<i32>} : memref<40x128xi32, #tpu.memory_space<vmem>>, vector<16xi32>,
      %gather3A_324 = tpu.vector_load_idx %arg10[%get3A_323] : memref<51200xf32, #tpu.memory_space<vmem>>[vector<16xi32>], vector<16xf32>,
      %swap3A_325 = arith.index_cast %select_n3A : i32 to index
      %swap3A_326 = arith.index_cast %add3A_320 : i32 to index
      %swap3A_327 = tpu.vector_load %arg11[%swap3A_325, %swap3A_326] {strides = array<i32>} : memref<40x128xf32, #tpu.memory_space<vmem>>, vector<16xf32>,
      tpu.vector_store %arg11[%swap3A_325, %swap3A_326], %gather3A_324 {strides = array<i32>} : memref<40x128xf32, #tpu.memory_space<vmem>>, vector<16xf32>,
      %add3A_328 = arith.constant 48 : i32
      %add3A_329 = arith.addi %mul3A_303, %add3A_328 : i32
      %get3A_330 = arith.index_cast %select_n3A : i32 to index
      %get3A_331 = arith.index_cast %add3A_329 : i32 to index
      %get3A_332 = tpu.vector_load %arg20[%get3A_330, %get3A_331] {strides = array<i32>} : memref<40x128xi32, #tpu.memory_space<vmem>>, vector<16xi32>,
      %gather3A_333 = tpu.vector_load_idx %arg10[%get3A_332] : memref<51200xf32, #tpu.memory_space<vmem>>[vector<16xi32>], vector<16xf32>,
      %swap3A_334 = arith.index_cast %select_n3A : i32 to index
      %swap3A_335 = arith.index_cast %add3A_329 : i32 to index
      %swap3A_336 = tpu.vector_load %arg11[%swap3A_334, %swap3A_335] {strides = array<i32>} : memref<40x128xf32, #tpu.memory_space<vmem>>, vector<16xf32>,
      tpu.vector_store %arg11[%swap3A_334, %swap3A_335], %gather3A_333 {strides = array<i32>} : memref<40x128xf32, #tpu.memory_space<vmem>>, vector<16xf32>,
    }
    %scan3A_167 = arith.constant 80 : i32
    %scan3A_168 = arith.constant 0 : i32
    %scan3A_169 = arith.constant 0 : i32
    %scan3A_170 = arith.constant 40 : i32
    %scan3A_171 = arith.addi %scan3A_169, %scan3A_170 : i32
    %scan3A_172 = arith.constant 1 : i32
    scf.for %scan3A_270 = %scan3A_169 to %scan3A_171 step %scan3A_172  : i32 {
      %dma_start3A_271 = arith.constant 0 : i32
      %dma_start3A_272 = tpu.memref_slice %arg11[%scan3A_270, %dma_start3A_271] : memref<40x128xf32, #tpu.memory_space<vmem>> -> memref<1x128xf32, #tpu.memory_space<vmem>>
      %dma_start3A_273 = tpu.memref_squeeze %dma_start3A_272 : memref<1x128xf32, #tpu.memory_space<vmem>> -> memref<128xf32, #tpu.memory_space<vmem>>
      %dma_start3A_274 = arith.constant 0 : i32
      %dma_start3A_275 = tpu.memref_slice %arg19[%scan3A_270, %dma_start3A_274] : memref<40x128xi32, #tpu.memory_space<vmem>> -> memref<1x128xi32, #tpu.memory_space<vmem>>
      %dma_start3A_276 = tpu.memref_squeeze %dma_start3A_275 : memref<1x128xi32, #tpu.memory_space<vmem>> -> memref<128xi32, #tpu.memory_space<vmem>>
      %dma_start3A_277 = arith.constant 0 : i32
      %dma_start3A_278 = tpu.memref_slice %arg24[%dma_start3A_277] : memref<51200xf32, #tpu.memory_space<vmem_shared>> -> memref<51200xf32, #tpu.memory_space<vmem_shared>>
      tpu.enqueue_indirect_dma source(%dma_start3A_273 : memref<128xf32, #tpu.memory_space<vmem>>) target(%dma_start3A_278 : memref<51200xf32, #tpu.memory_space<vmem_shared>>) offsets(%dma_start3A_276 : memref<128xi32, #tpu.memory_space<vmem>>) semaphore(%arg27 : memref<!tpu.dma_semaphore, #tpu.memory_space<semaphore_mem>>) {add = true}
    }
    %scan3A_173 = arith.constant 40 : i32
    %scan3A_174 = arith.constant 0 : i32
    %scan3A_175 = arith.constant 0 : i32
    %scan3A_176 = arith.constant 40 : i32
    %scan3A_177 = arith.addi %scan3A_175, %scan3A_176 : i32
    %scan3A_178 = arith.constant 1 : i32
    scf.for %scan3A_270 = %scan3A_175 to %scan3A_177 step %scan3A_178  : i32 {
      %dma_wait3A_271 = arith.constant 0 : i32
      %dma_wait3A_272 = arith.constant 0 : i32
      %dma_wait3A_273 = arith.constant 0 : i32
      %dma_wait3A_274 = tpu.memref_slice %arg11[%dma_wait3A_272, %dma_wait3A_273] : memref<40x128xf32, #tpu.memory_space<vmem>> -> memref<1x128xf32, #tpu.memory_space<vmem>>
      %dma_wait3A_275 = tpu.memref_squeeze %dma_wait3A_274 : memref<1x128xf32, #tpu.memory_space<vmem>> -> memref<128xf32, #tpu.memory_space<vmem>>
      %dma_wait3A_276 = arith.constant 0 : i32
      %dma_wait3A_277 = tpu.memref_slice %arg5[%dma_wait3A_271, %dma_wait3A_276] : memref<2x51200xf32, #tpu.memory_space<hbm>> -> memref<1x128xf32, #tpu.memory_space<hbm>>
      %dma_wait3A_278 = tpu.memref_squeeze %dma_wait3A_277 : memref<1x128xf32, #tpu.memory_space<hbm>> -> memref<128xf32, #tpu.memory_space<hbm>>
      %dma_wait3A_279 = arith.constant 0 : i32
      %dma_wait3A_280 = tpu.memref_slice %arg11[%dma_wait3A_272, %dma_wait3A_279] : memref<40x128xf32, #tpu.memory_space<vmem>> -> memref<1x128xf32, #tpu.memory_space<vmem>>
      %dma_wait3A_281 = tpu.memref_squeeze %dma_wait3A_280 : memref<1x128xf32, #tpu.memory_space<vmem>> -> memref<128xf32, #tpu.memory_space<vmem>>
      %dma_wait3A_282 = arith.constant 0 : i32
      %dma_wait3A_283 = tpu.memref_slice %arg5[%dma_wait3A_271, %dma_wait3A_282] : memref<2x51200xf32, #tpu.memory_space<hbm>> -> memref<1x128xf32, #tpu.memory_space<hbm>>
      %dma_wait3A_284 = tpu.memref_squeeze %dma_wait3A_283 : memref<1x128xf32, #tpu.memory_space<hbm>> -> memref<128xf32, #tpu.memory_space<hbm>>
      tpu.wait_dma2 semaphore(%arg27 : memref<!tpu.dma_semaphore, #tpu.memory_space<semaphore_mem>>) src(%dma_wait3A_284 : memref<128xf32, #tpu.memory_space<hbm>>) dst(%dma_wait3A_281 : memref<128xf32, #tpu.memory_space<vmem>>)
    }
    %scan3A_179 = arith.constant 40 : i32
    %dma_start3A_180 = arith.constant 160 : i32
    %dma_start3A_181 = arith.constant 0 : i32
    %dma_start3A_182 = tpu.memref_slice %arg2[%add3A, %dma_start3A_180, %dma_start3A_181] : memref<32x200x128xi32, #tpu.memory_space<hbm>> -> memref<1x40x128xi32, #tpu.memory_space<hbm>>
    %dma_start3A_183 = tpu.memref_squeeze %dma_start3A_182 : memref<1x40x128xi32, #tpu.memory_space<hbm>> -> memref<40x128xi32, #tpu.memory_space<hbm>>
    %dma_start3A_184 = arith.constant 160 : i32
    %dma_start3A_185 = arith.constant 0 : i32
    %dma_start3A_186 = tpu.memref_slice %arg2[%add3A, %dma_start3A_184, %dma_start3A_185] : memref<32x200x128xi32, #tpu.memory_space<hbm>> -> memref<1x40x128xi32, #tpu.memory_space<hbm>>
    %dma_start3A_187 = tpu.memref_squeeze %dma_start3A_186 : memref<1x40x128xi32, #tpu.memory_space<hbm>> -> memref<40x128xi32, #tpu.memory_space<hbm>>
    tpu.enqueue_dma source(%dma_start3A_187 : memref<40x128xi32, #tpu.memory_space<hbm>>) target(%arg19 : memref<40x128xi32, #tpu.memory_space<vmem>>) target_semaphore(%arg25 : memref<!tpu.dma_semaphore, #tpu.memory_space<semaphore_mem>>)
    %dma_start3A_188 = arith.constant 160 : i32
    %dma_start3A_189 = arith.constant 0 : i32
    %dma_start3A_190 = tpu.memref_slice %arg3[%add3A, %dma_start3A_188, %dma_start3A_189] : memref<32x200x128xi32, #tpu.memory_space<hbm>> -> memref<1x40x128xi32, #tpu.memory_space<hbm>>
    %dma_start3A_191 = tpu.memref_squeeze %dma_start3A_190 : memref<1x40x128xi32, #tpu.memory_space<hbm>> -> memref<40x128xi32, #tpu.memory_space<hbm>>
    %dma_start3A_192 = arith.constant 160 : i32
    %dma_start3A_193 = arith.constant 0 : i32
    %dma_start3A_194 = tpu.memref_slice %arg3[%add3A, %dma_start3A_192, %dma_start3A_193] : memref<32x200x128xi32, #tpu.memory_space<hbm>> -> memref<1x40x128xi32, #tpu.memory_space<hbm>>
    %dma_start3A_195 = tpu.memref_squeeze %dma_start3A_194 : memref<1x40x128xi32, #tpu.memory_space<hbm>> -> memref<40x128xi32, #tpu.memory_space<hbm>>
    tpu.enqueue_dma source(%dma_start3A_195 : memref<40x128xi32, #tpu.memory_space<hbm>>) target(%arg20 : memref<40x128xi32, #tpu.memory_space<vmem>>) target_semaphore(%arg25 : memref<!tpu.dma_semaphore, #tpu.memory_space<semaphore_mem>>)
    %dma_wait3A_196 = arith.constant 120 : i32
    %dma_wait3A_197 = arith.constant 0 : i32
    %dma_wait3A_198 = tpu.memref_slice %arg2[%add3A, %dma_wait3A_196, %dma_wait3A_197] : memref<32x200x128xi32, #tpu.memory_space<hbm>> -> memref<1x40x128xi32, #tpu.memory_space<hbm>>
    %dma_wait3A_199 = tpu.memref_squeeze %dma_wait3A_198 : memref<1x40x128xi32, #tpu.memory_space<hbm>> -> memref<40x128xi32, #tpu.memory_space<hbm>>
    %dma_wait3A_200 = arith.constant 120 : i32
    %dma_wait3A_201 = arith.constant 0 : i32
    %dma_wait3A_202 = tpu.memref_slice %arg2[%add3A, %dma_wait3A_200, %dma_wait3A_201] : memref<32x200x128xi32, #tpu.memory_space<hbm>> -> memref<1x40x128xi32, #tpu.memory_space<hbm>>
    %dma_wait3A_203 = tpu.memref_squeeze %dma_wait3A_202 : memref<1x40x128xi32, #tpu.memory_space<hbm>> -> memref<40x128xi32, #tpu.memory_space<hbm>>
    tpu.wait_dma2 semaphore(%arg26 : memref<!tpu.dma_semaphore, #tpu.memory_space<semaphore_mem>>) src(%dma_wait3A_203 : memref<40x128xi32, #tpu.memory_space<hbm>>) dst(%arg21 : memref<40x128xi32, #tpu.memory_space<vmem>>)
    %dma_wait3A_204 = arith.constant 120 : i32
    %dma_wait3A_205 = arith.constant 0 : i32
    %dma_wait3A_206 = tpu.memref_slice %arg3[%add3A, %dma_wait3A_204, %dma_wait3A_205] : memref<32x200x128xi32, #tpu.memory_space<hbm>> -> memref<1x40x128xi32, #tpu.memory_space<hbm>>
    %dma_wait3A_207 = tpu.memref_squeeze %dma_wait3A_206 : memref<1x40x128xi32, #tpu.memory_space<hbm>> -> memref<40x128xi32, #tpu.memory_space<hbm>>
    %dma_wait3A_208 = arith.constant 120 : i32
    %dma_wait3A_209 = arith.constant 0 : i32
    %dma_wait3A_210 = tpu.memref_slice %arg3[%add3A, %dma_wait3A_208, %dma_wait3A_209] : memref<32x200x128xi32, #tpu.memory_space<hbm>> -> memref<1x40x128xi32, #tpu.memory_space<hbm>>
    %dma_wait3A_211 = tpu.memref_squeeze %dma_wait3A_210 : memref<1x40x128xi32, #tpu.memory_space<hbm>> -> memref<40x128xi32, #tpu.memory_space<hbm>>
    tpu.wait_dma2 semaphore(%arg26 : memref<!tpu.dma_semaphore, #tpu.memory_space<semaphore_mem>>) src(%dma_wait3A_211 : memref<40x128xi32, #tpu.memory_space<hbm>>) dst(%arg22 : memref<40x128xi32, #tpu.memory_space<vmem>>)
    %scan3A_212 = arith.constant 0 : i32
    %scan3A_213 = arith.constant 0 : i32
    %scan3A_214 = arith.constant 80 : i32
    %scan3A_215 = arith.addi %scan3A_213, %scan3A_214 : i32
    %scan3A_216 = arith.constant 1 : i32
    scf.for %scan3A_270 = %scan3A_213 to %scan3A_215 step %scan3A_216  : i32 {
      %jit3A = arith.constant 2 : i32
      %div3A = arith.divsi %scan3A_270, %jit3A : i32
      %sign3A = arith.constant 0 : i32
      %sign3A_271 = arith.cmpi sgt, %scan3A_270, %sign3A : i32
      %sign3A_272 = arith.extui %sign3A_271 : i1 to i32
      %sign3A_273 = arith.constant 0 : i32
      %sign3A_274 = arith.cmpi slt, %scan3A_270, %sign3A_273 : i32
      %sign3A_275 = arith.extui %sign3A_274 : i1 to i32
      %sign3A_276 = arith.subi %sign3A_272, %sign3A_275 : i32
      %sign3A_277 = arith.constant 0 : i32
      %sign3A_278 = arith.cmpi sgt, %jit3A, %sign3A_277 : i32
      %sign3A_279 = arith.extui %sign3A_278 : i1 to i32
      %sign3A_280 = arith.constant 0 : i32
      %sign3A_281 = arith.cmpi slt, %jit3A, %sign3A_280 : i32
      %sign3A_282 = arith.extui %sign3A_281 : i1 to i32
      %sign3A_283 = arith.subi %sign3A_279, %sign3A_282 : i32
      %ne3A = arith.cmpi ne, %sign3A_276, %sign3A_283 : i32
      %rem3A = arith.remsi %scan3A_270, %jit3A : i32
      %ne3A_284 = arith.constant 0 : i32
      %ne3A_285 = arith.cmpi ne, %rem3A, %ne3A_284 : i32
      %and3A = arith.andi %ne3A, %ne3A_285 : i1
      %sub3A = arith.constant 1 : i32
      %sub3A_286 = arith.subi %div3A, %sub3A : i32
      %select_n3A = arith.select %and3A, %sub3A_286, %div3A : i32
      %jit3A_287 = arith.constant 2 : i32
      %eq3A_288 = arith.constant 0 : i32
      %eq3A_289 = arith.cmpi eq, %jit3A_287, %eq3A_288 : i32
      %jit3A_290 = arith.constant 1 : i32
      %select_n3A_291 = arith.select %eq3A_289, %jit3A_290, %jit3A_287 : i32
      %rem3A_292 = arith.remsi %scan3A_270, %select_n3A_291 : i32
      %ne3A_293 = arith.constant 0 : i32
      %ne3A_294 = arith.cmpi ne, %rem3A_292, %ne3A_293 : i32
      %lt3A = arith.constant 0 : i32
      %lt3A_295 = arith.cmpi slt, %rem3A_292, %lt3A : i32
      %lt3A_296 = arith.constant 0 : i32
      %lt3A_297 = arith.cmpi slt, %select_n3A_291, %lt3A_296 : i32
      %ne3A_298 = arith.xori %lt3A_295, %lt3A_297 : i1
      %and3A_299 = arith.andi %ne3A_298, %ne3A_294 : i1
      %add3A_300 = arith.addi %rem3A_292, %select_n3A_291 : i32
      %select_n3A_301 = arith.select %and3A_299, %add3A_300, %rem3A_292 : i32
      %mul3A_302 = arith.constant 64 : i32
      %mul3A_303 = arith.muli %select_n3A_301, %mul3A_302 : i32
      %add3A_304 = arith.constant 0 : i32
      %add3A_305 = arith.addi %mul3A_303, %add3A_304 : i32
      %get3A = arith.index_cast %select_n3A : i32 to index
      %get3A_306 = arith.index_cast %add3A_305 : i32 to index
      %get3A_307 = tpu.vector_load %arg22[%get3A, %get3A_306] {strides = array<i32>} : memref<40x128xi32, #tpu.memory_space<vmem>>, vector<16xi32>,
      %gather3A = tpu.vector_load_idx %arg10[%get3A_307] : memref<51200xf32, #tpu.memory_space<vmem>>[vector<16xi32>], vector<16xf32>,
      %swap3A = arith.index_cast %select_n3A : i32 to index
      %swap3A_308 = arith.index_cast %add3A_305 : i32 to index
      %swap3A_309 = tpu.vector_load %arg12[%swap3A, %swap3A_308] {strides = array<i32>} : memref<40x128xf32, #tpu.memory_space<vmem>>, vector<16xf32>,
      tpu.vector_store %arg12[%swap3A, %swap3A_308], %gather3A {strides = array<i32>} : memref<40x128xf32, #tpu.memory_space<vmem>>, vector<16xf32>,
      %add3A_310 = arith.constant 16 : i32
      %add3A_311 = arith.addi %mul3A_303, %add3A_310 : i32
      %get3A_312 = arith.index_cast %select_n3A : i32 to index
      %get3A_313 = arith.index_cast %add3A_311 : i32 to index
      %get3A_314 = tpu.vector_load %arg22[%get3A_312, %get3A_313] {strides = array<i32>} : memref<40x128xi32, #tpu.memory_space<vmem>>, vector<16xi32>,
      %gather3A_315 = tpu.vector_load_idx %arg10[%get3A_314] : memref<51200xf32, #tpu.memory_space<vmem>>[vector<16xi32>], vector<16xf32>,
      %swap3A_316 = arith.index_cast %select_n3A : i32 to index
      %swap3A_317 = arith.index_cast %add3A_311 : i32 to index
      %swap3A_318 = tpu.vector_load %arg12[%swap3A_316, %swap3A_317] {strides = array<i32>} : memref<40x128xf32, #tpu.memory_space<vmem>>, vector<16xf32>,
      tpu.vector_store %arg12[%swap3A_316, %swap3A_317], %gather3A_315 {strides = array<i32>} : memref<40x128xf32, #tpu.memory_space<vmem>>, vector<16xf32>,
      %add3A_319 = arith.constant 32 : i32
      %add3A_320 = arith.addi %mul3A_303, %add3A_319 : i32
      %get3A_321 = arith.index_cast %select_n3A : i32 to index
      %get3A_322 = arith.index_cast %add3A_320 : i32 to index
      %get3A_323 = tpu.vector_load %arg22[%get3A_321, %get3A_322] {strides = array<i32>} : memref<40x128xi32, #tpu.memory_space<vmem>>, vector<16xi32>,
      %gather3A_324 = tpu.vector_load_idx %arg10[%get3A_323] : memref<51200xf32, #tpu.memory_space<vmem>>[vector<16xi32>], vector<16xf32>,
      %swap3A_325 = arith.index_cast %select_n3A : i32 to index
      %swap3A_326 = arith.index_cast %add3A_320 : i32 to index
      %swap3A_327 = tpu.vector_load %arg12[%swap3A_325, %swap3A_326] {strides = array<i32>} : memref<40x128xf32, #tpu.memory_space<vmem>>, vector<16xf32>,
      tpu.vector_store %arg12[%swap3A_325, %swap3A_326], %gather3A_324 {strides = array<i32>} : memref<40x128xf32, #tpu.memory_space<vmem>>, vector<16xf32>,
      %add3A_328 = arith.constant 48 : i32
      %add3A_329 = arith.addi %mul3A_303, %add3A_328 : i32
      %get3A_330 = arith.index_cast %select_n3A : i32 to index
      %get3A_331 = arith.index_cast %add3A_329 : i32 to index
      %get3A_332 = tpu.vector_load %arg22[%get3A_330, %get3A_331] {strides = array<i32>} : memref<40x128xi32, #tpu.memory_space<vmem>>, vector<16xi32>,
      %gather3A_333 = tpu.vector_load_idx %arg10[%get3A_332] : memref<51200xf32, #tpu.memory_space<vmem>>[vector<16xi32>], vector<16xf32>,
      %swap3A_334 = arith.index_cast %select_n3A : i32 to index
      %swap3A_335 = arith.index_cast %add3A_329 : i32 to index
      %swap3A_336 = tpu.vector_load %arg12[%swap3A_334, %swap3A_335] {strides = array<i32>} : memref<40x128xf32, #tpu.memory_space<vmem>>, vector<16xf32>,
      tpu.vector_store %arg12[%swap3A_334, %swap3A_335], %gather3A_333 {strides = array<i32>} : memref<40x128xf32, #tpu.memory_space<vmem>>, vector<16xf32>,
    }
    %scan3A_217 = arith.constant 80 : i32
    %scan3A_218 = arith.constant 0 : i32
    %scan3A_219 = arith.constant 0 : i32
    %scan3A_220 = arith.constant 40 : i32
    %scan3A_221 = arith.addi %scan3A_219, %scan3A_220 : i32
    %scan3A_222 = arith.constant 1 : i32
    scf.for %scan3A_270 = %scan3A_219 to %scan3A_221 step %scan3A_222  : i32 {
      %dma_start3A_271 = arith.constant 0 : i32
      %dma_start3A_272 = tpu.memref_slice %arg12[%scan3A_270, %dma_start3A_271] : memref<40x128xf32, #tpu.memory_space<vmem>> -> memref<1x128xf32, #tpu.memory_space<vmem>>
      %dma_start3A_273 = tpu.memref_squeeze %dma_start3A_272 : memref<1x128xf32, #tpu.memory_space<vmem>> -> memref<128xf32, #tpu.memory_space<vmem>>
      %dma_start3A_274 = arith.constant 0 : i32
      %dma_start3A_275 = tpu.memref_slice %arg21[%scan3A_270, %dma_start3A_274] : memref<40x128xi32, #tpu.memory_space<vmem>> -> memref<1x128xi32, #tpu.memory_space<vmem>>
      %dma_start3A_276 = tpu.memref_squeeze %dma_start3A_275 : memref<1x128xi32, #tpu.memory_space<vmem>> -> memref<128xi32, #tpu.memory_space<vmem>>
      %dma_start3A_277 = arith.constant 0 : i32
      %dma_start3A_278 = tpu.memref_slice %arg24[%dma_start3A_277] : memref<51200xf32, #tpu.memory_space<vmem_shared>> -> memref<51200xf32, #tpu.memory_space<vmem_shared>>
      tpu.enqueue_indirect_dma source(%dma_start3A_273 : memref<128xf32, #tpu.memory_space<vmem>>) target(%dma_start3A_278 : memref<51200xf32, #tpu.memory_space<vmem_shared>>) offsets(%dma_start3A_276 : memref<128xi32, #tpu.memory_space<vmem>>) semaphore(%arg28 : memref<!tpu.dma_semaphore, #tpu.memory_space<semaphore_mem>>) {add = true}
    }
    %scan3A_223 = arith.constant 40 : i32
    %dma_wait3A_224 = arith.constant 160 : i32
    %dma_wait3A_225 = arith.constant 0 : i32
    %dma_wait3A_226 = tpu.memref_slice %arg2[%add3A, %dma_wait3A_224, %dma_wait3A_225] : memref<32x200x128xi32, #tpu.memory_space<hbm>> -> memref<1x40x128xi32, #tpu.memory_space<hbm>>
    %dma_wait3A_227 = tpu.memref_squeeze %dma_wait3A_226 : memref<1x40x128xi32, #tpu.memory_space<hbm>> -> memref<40x128xi32, #tpu.memory_space<hbm>>
    %dma_wait3A_228 = arith.constant 160 : i32
    %dma_wait3A_229 = arith.constant 0 : i32
    %dma_wait3A_230 = tpu.memref_slice %arg2[%add3A, %dma_wait3A_228, %dma_wait3A_229] : memref<32x200x128xi32, #tpu.memory_space<hbm>> -> memref<1x40x128xi32, #tpu.memory_space<hbm>>
    %dma_wait3A_231 = tpu.memref_squeeze %dma_wait3A_230 : memref<1x40x128xi32, #tpu.memory_space<hbm>> -> memref<40x128xi32, #tpu.memory_space<hbm>>
    tpu.wait_dma2 semaphore(%arg25 : memref<!tpu.dma_semaphore, #tpu.memory_space<semaphore_mem>>) src(%dma_wait3A_231 : memref<40x128xi32, #tpu.memory_space<hbm>>) dst(%arg19 : memref<40x128xi32, #tpu.memory_space<vmem>>)
    %dma_wait3A_232 = arith.constant 160 : i32
    %dma_wait3A_233 = arith.constant 0 : i32
    %dma_wait3A_234 = tpu.memref_slice %arg3[%add3A, %dma_wait3A_232, %dma_wait3A_233] : memref<32x200x128xi32, #tpu.memory_space<hbm>> -> memref<1x40x128xi32, #tpu.memory_space<hbm>>
    %dma_wait3A_235 = tpu.memref_squeeze %dma_wait3A_234 : memref<1x40x128xi32, #tpu.memory_space<hbm>> -> memref<40x128xi32, #tpu.memory_space<hbm>>
    %dma_wait3A_236 = arith.constant 160 : i32
    %dma_wait3A_237 = arith.constant 0 : i32
    %dma_wait3A_238 = tpu.memref_slice %arg3[%add3A, %dma_wait3A_236, %dma_wait3A_237] : memref<32x200x128xi32, #tpu.memory_space<hbm>> -> memref<1x40x128xi32, #tpu.memory_space<hbm>>
    %dma_wait3A_239 = tpu.memref_squeeze %dma_wait3A_238 : memref<1x40x128xi32, #tpu.memory_space<hbm>> -> memref<40x128xi32, #tpu.memory_space<hbm>>
    tpu.wait_dma2 semaphore(%arg25 : memref<!tpu.dma_semaphore, #tpu.memory_space<semaphore_mem>>) src(%dma_wait3A_239 : memref<40x128xi32, #tpu.memory_space<hbm>>) dst(%arg20 : memref<40x128xi32, #tpu.memory_space<vmem>>)
    %scan3A_240 = arith.constant 0 : i32
    %scan3A_241 = arith.constant 0 : i32
    %scan3A_242 = arith.constant 80 : i32
    %scan3A_243 = arith.addi %scan3A_241, %scan3A_242 : i32
    %scan3A_244 = arith.constant 1 : i32
    scf.for %scan3A_270 = %scan3A_241 to %scan3A_243 step %scan3A_244  : i32 {
      %jit3A = arith.constant 2 : i32
      %div3A = arith.divsi %scan3A_270, %jit3A : i32
      %sign3A = arith.constant 0 : i32
      %sign3A_271 = arith.cmpi sgt, %scan3A_270, %sign3A : i32
      %sign3A_272 = arith.extui %sign3A_271 : i1 to i32
      %sign3A_273 = arith.constant 0 : i32
      %sign3A_274 = arith.cmpi slt, %scan3A_270, %sign3A_273 : i32
      %sign3A_275 = arith.extui %sign3A_274 : i1 to i32
      %sign3A_276 = arith.subi %sign3A_272, %sign3A_275 : i32
      %sign3A_277 = arith.constant 0 : i32
      %sign3A_278 = arith.cmpi sgt, %jit3A, %sign3A_277 : i32
      %sign3A_279 = arith.extui %sign3A_278 : i1 to i32
      %sign3A_280 = arith.constant 0 : i32
      %sign3A_281 = arith.cmpi slt, %jit3A, %sign3A_280 : i32
      %sign3A_282 = arith.extui %sign3A_281 : i1 to i32
      %sign3A_283 = arith.subi %sign3A_279, %sign3A_282 : i32
      %ne3A = arith.cmpi ne, %sign3A_276, %sign3A_283 : i32
      %rem3A = arith.remsi %scan3A_270, %jit3A : i32
      %ne3A_284 = arith.constant 0 : i32
      %ne3A_285 = arith.cmpi ne, %rem3A, %ne3A_284 : i32
      %and3A = arith.andi %ne3A, %ne3A_285 : i1
      %sub3A = arith.constant 1 : i32
      %sub3A_286 = arith.subi %div3A, %sub3A : i32
      %select_n3A = arith.select %and3A, %sub3A_286, %div3A : i32
      %jit3A_287 = arith.constant 2 : i32
      %eq3A_288 = arith.constant 0 : i32
      %eq3A_289 = arith.cmpi eq, %jit3A_287, %eq3A_288 : i32
      %jit3A_290 = arith.constant 1 : i32
      %select_n3A_291 = arith.select %eq3A_289, %jit3A_290, %jit3A_287 : i32
      %rem3A_292 = arith.remsi %scan3A_270, %select_n3A_291 : i32
      %ne3A_293 = arith.constant 0 : i32
      %ne3A_294 = arith.cmpi ne, %rem3A_292, %ne3A_293 : i32
      %lt3A = arith.constant 0 : i32
      %lt3A_295 = arith.cmpi slt, %rem3A_292, %lt3A : i32
      %lt3A_296 = arith.constant 0 : i32
      %lt3A_297 = arith.cmpi slt, %select_n3A_291, %lt3A_296 : i32
      %ne3A_298 = arith.xori %lt3A_295, %lt3A_297 : i1
      %and3A_299 = arith.andi %ne3A_298, %ne3A_294 : i1
      %add3A_300 = arith.addi %rem3A_292, %select_n3A_291 : i32
      %select_n3A_301 = arith.select %and3A_299, %add3A_300, %rem3A_292 : i32
      %mul3A_302 = arith.constant 64 : i32
      %mul3A_303 = arith.muli %select_n3A_301, %mul3A_302 : i32
      %add3A_304 = arith.constant 0 : i32
      %add3A_305 = arith.addi %mul3A_303, %add3A_304 : i32
      %get3A = arith.index_cast %select_n3A : i32 to index
      %get3A_306 = arith.index_cast %add3A_305 : i32 to index
      %get3A_307 = tpu.vector_load %arg20[%get3A, %get3A_306] {strides = array<i32>} : memref<40x128xi32, #tpu.memory_space<vmem>>, vector<16xi32>,
      %gather3A = tpu.vector_load_idx %arg10[%get3A_307] : memref<51200xf32, #tpu.memory_space<vmem>>[vector<16xi32>], vector<16xf32>,
      %swap3A = arith.index_cast %select_n3A : i32 to index
      %swap3A_308 = arith.index_cast %add3A_305 : i32 to index
      %swap3A_309 = tpu.vector_load %arg11[%swap3A, %swap3A_308] {strides = array<i32>} : memref<40x128xf32, #tpu.memory_space<vmem>>, vector<16xf32>,
      tpu.vector_store %arg11[%swap3A, %swap3A_308], %gather3A {strides = array<i32>} : memref<40x128xf32, #tpu.memory_space<vmem>>, vector<16xf32>,
      %add3A_310 = arith.constant 16 : i32
      %add3A_311 = arith.addi %mul3A_303, %add3A_310 : i32
      %get3A_312 = arith.index_cast %select_n3A : i32 to index
      %get3A_313 = arith.index_cast %add3A_311 : i32 to index
      %get3A_314 = tpu.vector_load %arg20[%get3A_312, %get3A_313] {strides = array<i32>} : memref<40x128xi32, #tpu.memory_space<vmem>>, vector<16xi32>,
      %gather3A_315 = tpu.vector_load_idx %arg10[%get3A_314] : memref<51200xf32, #tpu.memory_space<vmem>>[vector<16xi32>], vector<16xf32>,
      %swap3A_316 = arith.index_cast %select_n3A : i32 to index
      %swap3A_317 = arith.index_cast %add3A_311 : i32 to index
      %swap3A_318 = tpu.vector_load %arg11[%swap3A_316, %swap3A_317] {strides = array<i32>} : memref<40x128xf32, #tpu.memory_space<vmem>>, vector<16xf32>,
      tpu.vector_store %arg11[%swap3A_316, %swap3A_317], %gather3A_315 {strides = array<i32>} : memref<40x128xf32, #tpu.memory_space<vmem>>, vector<16xf32>,
      %add3A_319 = arith.constant 32 : i32
      %add3A_320 = arith.addi %mul3A_303, %add3A_319 : i32
      %get3A_321 = arith.index_cast %select_n3A : i32 to index
      %get3A_322 = arith.index_cast %add3A_320 : i32 to index
      %get3A_323 = tpu.vector_load %arg20[%get3A_321, %get3A_322] {strides = array<i32>} : memref<40x128xi32, #tpu.memory_space<vmem>>, vector<16xi32>,
      %gather3A_324 = tpu.vector_load_idx %arg10[%get3A_323] : memref<51200xf32, #tpu.memory_space<vmem>>[vector<16xi32>], vector<16xf32>,
      %swap3A_325 = arith.index_cast %select_n3A : i32 to index
      %swap3A_326 = arith.index_cast %add3A_320 : i32 to index
      %swap3A_327 = tpu.vector_load %arg11[%swap3A_325, %swap3A_326] {strides = array<i32>} : memref<40x128xf32, #tpu.memory_space<vmem>>, vector<16xf32>,
      tpu.vector_store %arg11[%swap3A_325, %swap3A_326], %gather3A_324 {strides = array<i32>} : memref<40x128xf32, #tpu.memory_space<vmem>>, vector<16xf32>,
      %add3A_328 = arith.constant 48 : i32
      %add3A_329 = arith.addi %mul3A_303, %add3A_328 : i32
      %get3A_330 = arith.index_cast %select_n3A : i32 to index
      %get3A_331 = arith.index_cast %add3A_329 : i32 to index
      %get3A_332 = tpu.vector_load %arg20[%get3A_330, %get3A_331] {strides = array<i32>} : memref<40x128xi32, #tpu.memory_space<vmem>>, vector<16xi32>,
      %gather3A_333 = tpu.vector_load_idx %arg10[%get3A_332] : memref<51200xf32, #tpu.memory_space<vmem>>[vector<16xi32>], vector<16xf32>,
      %swap3A_334 = arith.index_cast %select_n3A : i32 to index
      %swap3A_335 = arith.index_cast %add3A_329 : i32 to index
      %swap3A_336 = tpu.vector_load %arg11[%swap3A_334, %swap3A_335] {strides = array<i32>} : memref<40x128xf32, #tpu.memory_space<vmem>>, vector<16xf32>,
      tpu.vector_store %arg11[%swap3A_334, %swap3A_335], %gather3A_333 {strides = array<i32>} : memref<40x128xf32, #tpu.memory_space<vmem>>, vector<16xf32>,
    }
    %scan3A_245 = arith.constant 80 : i32
    %scan3A_246 = arith.constant 0 : i32
    %scan3A_247 = arith.constant 0 : i32
    %scan3A_248 = arith.constant 40 : i32
    %scan3A_249 = arith.addi %scan3A_247, %scan3A_248 : i32
    %scan3A_250 = arith.constant 1 : i32
    scf.for %scan3A_270 = %scan3A_247 to %scan3A_249 step %scan3A_250  : i32 {
      %dma_start3A_271 = arith.constant 0 : i32
      %dma_start3A_272 = tpu.memref_slice %arg11[%scan3A_270, %dma_start3A_271] : memref<40x128xf32, #tpu.memory_space<vmem>> -> memref<1x128xf32, #tpu.memory_space<vmem>>
      %dma_start3A_273 = tpu.memref_squeeze %dma_start3A_272 : memref<1x128xf32, #tpu.memory_space<vmem>> -> memref<128xf32, #tpu.memory_space<vmem>>
      %dma_start3A_274 = arith.constant 0 : i32
      %dma_start3A_275 = tpu.memref_slice %arg19[%scan3A_270, %dma_start3A_274] : memref<40x128xi32, #tpu.memory_space<vmem>> -> memref<1x128xi32, #tpu.memory_space<vmem>>
      %dma_start3A_276 = tpu.memref_squeeze %dma_start3A_275 : memref<1x128xi32, #tpu.memory_space<vmem>> -> memref<128xi32, #tpu.memory_space<vmem>>
      %dma_start3A_277 = arith.constant 0 : i32
      %dma_start3A_278 = tpu.memref_slice %arg24[%dma_start3A_277] : memref<51200xf32, #tpu.memory_space<vmem_shared>> -> memref<51200xf32, #tpu.memory_space<vmem_shared>>
      tpu.enqueue_indirect_dma source(%dma_start3A_273 : memref<128xf32, #tpu.memory_space<vmem>>) target(%dma_start3A_278 : memref<51200xf32, #tpu.memory_space<vmem_shared>>) offsets(%dma_start3A_276 : memref<128xi32, #tpu.memory_space<vmem>>) semaphore(%arg27 : memref<!tpu.dma_semaphore, #tpu.memory_space<semaphore_mem>>) {add = true}
    }
    %scan3A_251 = arith.constant 40 : i32
    %scan3A_252 = arith.constant 0 : i32
    %scan3A_253 = arith.constant 0 : i32
    %scan3A_254 = arith.constant 40 : i32
    %scan3A_255 = arith.addi %scan3A_253, %scan3A_254 : i32
    %scan3A_256 = arith.constant 1 : i32
    scf.for %scan3A_270 = %scan3A_253 to %scan3A_255 step %scan3A_256  : i32 {
      %dma_wait3A_271 = arith.constant 0 : i32
      %dma_wait3A_272 = arith.constant 0 : i32
      %dma_wait3A_273 = arith.constant 0 : i32
      %dma_wait3A_274 = tpu.memref_slice %arg11[%dma_wait3A_272, %dma_wait3A_273] : memref<40x128xf32, #tpu.memory_space<vmem>> -> memref<1x128xf32, #tpu.memory_space<vmem>>
      %dma_wait3A_275 = tpu.memref_squeeze %dma_wait3A_274 : memref<1x128xf32, #tpu.memory_space<vmem>> -> memref<128xf32, #tpu.memory_space<vmem>>
      %dma_wait3A_276 = arith.constant 0 : i32
      %dma_wait3A_277 = tpu.memref_slice %arg5[%dma_wait3A_271, %dma_wait3A_276] : memref<2x51200xf32, #tpu.memory_space<hbm>> -> memref<1x128xf32, #tpu.memory_space<hbm>>
      %dma_wait3A_278 = tpu.memref_squeeze %dma_wait3A_277 : memref<1x128xf32, #tpu.memory_space<hbm>> -> memref<128xf32, #tpu.memory_space<hbm>>
      %dma_wait3A_279 = arith.constant 0 : i32
      %dma_wait3A_280 = tpu.memref_slice %arg11[%dma_wait3A_272, %dma_wait3A_279] : memref<40x128xf32, #tpu.memory_space<vmem>> -> memref<1x128xf32, #tpu.memory_space<vmem>>
      %dma_wait3A_281 = tpu.memref_squeeze %dma_wait3A_280 : memref<1x128xf32, #tpu.memory_space<vmem>> -> memref<128xf32, #tpu.memory_space<vmem>>
      %dma_wait3A_282 = arith.constant 0 : i32
      %dma_wait3A_283 = tpu.memref_slice %arg5[%dma_wait3A_271, %dma_wait3A_282] : memref<2x51200xf32, #tpu.memory_space<hbm>> -> memref<1x128xf32, #tpu.memory_space<hbm>>
      %dma_wait3A_284 = tpu.memref_squeeze %dma_wait3A_283 : memref<1x128xf32, #tpu.memory_space<hbm>> -> memref<128xf32, #tpu.memory_space<hbm>>
      tpu.wait_dma2 semaphore(%arg28 : memref<!tpu.dma_semaphore, #tpu.memory_space<semaphore_mem>>) src(%dma_wait3A_284 : memref<128xf32, #tpu.memory_space<hbm>>) dst(%dma_wait3A_281 : memref<128xf32, #tpu.memory_space<vmem>>)
    }
    %scan3A_257 = arith.constant 40 : i32
    %scan3A_258 = arith.constant 0 : i32
    %scan3A_259 = arith.constant 0 : i32
    %scan3A_260 = arith.constant 40 : i32
    %scan3A_261 = arith.addi %scan3A_259, %scan3A_260 : i32
    %scan3A_262 = arith.constant 1 : i32
    scf.for %scan3A_270 = %scan3A_259 to %scan3A_261 step %scan3A_262  : i32 {
      %dma_wait3A_271 = arith.constant 0 : i32
      %dma_wait3A_272 = arith.constant 0 : i32
      %dma_wait3A_273 = arith.constant 0 : i32
      %dma_wait3A_274 = tpu.memref_slice %arg11[%dma_wait3A_272, %dma_wait3A_273] : memref<40x128xf32, #tpu.memory_space<vmem>> -> memref<1x128xf32, #tpu.memory_space<vmem>>
      %dma_wait3A_275 = tpu.memref_squeeze %dma_wait3A_274 : memref<1x128xf32, #tpu.memory_space<vmem>> -> memref<128xf32, #tpu.memory_space<vmem>>
      %dma_wait3A_276 = arith.constant 0 : i32
      %dma_wait3A_277 = tpu.memref_slice %arg5[%dma_wait3A_271, %dma_wait3A_276] : memref<2x51200xf32, #tpu.memory_space<hbm>> -> memref<1x128xf32, #tpu.memory_space<hbm>>
      %dma_wait3A_278 = tpu.memref_squeeze %dma_wait3A_277 : memref<1x128xf32, #tpu.memory_space<hbm>> -> memref<128xf32, #tpu.memory_space<hbm>>
      %dma_wait3A_279 = arith.constant 0 : i32
      %dma_wait3A_280 = tpu.memref_slice %arg11[%dma_wait3A_272, %dma_wait3A_279] : memref<40x128xf32, #tpu.memory_space<vmem>> -> memref<1x128xf32, #tpu.memory_space<vmem>>
      %dma_wait3A_281 = tpu.memref_squeeze %dma_wait3A_280 : memref<1x128xf32, #tpu.memory_space<vmem>> -> memref<128xf32, #tpu.memory_space<vmem>>
      %dma_wait3A_282 = arith.constant 0 : i32
      %dma_wait3A_283 = tpu.memref_slice %arg5[%dma_wait3A_271, %dma_wait3A_282] : memref<2x51200xf32, #tpu.memory_space<hbm>> -> memref<1x128xf32, #tpu.memory_space<hbm>>
      %dma_wait3A_284 = tpu.memref_squeeze %dma_wait3A_283 : memref<1x128xf32, #tpu.memory_space<hbm>> -> memref<128xf32, #tpu.memory_space<hbm>>
      tpu.wait_dma2 semaphore(%arg27 : memref<!tpu.dma_semaphore, #tpu.memory_space<semaphore_mem>>) src(%dma_wait3A_284 : memref<128xf32, #tpu.memory_space<hbm>>) dst(%dma_wait3A_281 : memref<128xf32, #tpu.memory_space<vmem>>)
    }
    %scan3A_263 = arith.constant 40 : i32
    %barrier3A_264 = arith.constant 0 : index
    tpu.barrier barrier_id(%barrier3A_264)
    %eq3A_265 = arith.constant 0 : i32
    %eq3A_266 = arith.cmpi eq, %arg1, %eq3A_265 : i32
    %convert_element_type3A_267 = arith.extui %eq3A_266 : i1 to i32
    %cond3A_268 = arith.constant 0 : i32
    %cond3A_269 = arith.cmpi ne, %convert_element_type3A_267, %cond3A_268 : i32
    scf.if %cond3A_269 {
      "tpu.region"() ({
        %run_scoped3A_270 = tpu.sem_alloc : memref<!tpu.dma_semaphore, #tpu.memory_space<semaphore_mem>>
        %dma_start3A_271 = arith.constant 0 : i32
        %dma_start3A_272 = tpu.memref_slice %arg7[%arg0, %dma_start3A_271] : memref<2x51200xf32, #tpu.memory_space<hbm>> -> memref<1x51200xf32, #tpu.memory_space<hbm>>
        %dma_start3A_273 = tpu.memref_squeeze %dma_start3A_272 : memref<1x51200xf32, #tpu.memory_space<hbm>> -> memref<51200xf32, #tpu.memory_space<hbm>>
        tpu.enqueue_dma source(%arg24 : memref<51200xf32, #tpu.memory_space<vmem_shared>>) target(%dma_start3A_273 : memref<51200xf32, #tpu.memory_space<hbm>>) target_semaphore(%run_scoped3A_270 : memref<!tpu.dma_semaphore, #tpu.memory_space<semaphore_mem>>)
        %dma_wait3A_274 = arith.constant 0 : i32
        %dma_wait3A_275 = tpu.memref_slice %arg7[%arg0, %dma_wait3A_274] : memref<2x51200xf32, #tpu.memory_space<hbm>> -> memref<1x51200xf32, #tpu.memory_space<hbm>>
        %dma_wait3A_276 = tpu.memref_squeeze %dma_wait3A_275 : memref<1x51200xf32, #tpu.memory_space<hbm>> -> memref<51200xf32, #tpu.memory_space<hbm>>
        tpu.wait_dma2 semaphore(%run_scoped3A_270 : memref<!tpu.dma_semaphore, #tpu.memory_space<semaphore_mem>>) src(%arg24 : memref<51200xf32, #tpu.memory_space<vmem_shared>>) dst(%dma_wait3A_276 : memref<51200xf32, #tpu.memory_space<hbm>>)
        tpu.yield
      }) : () -> ()
    } else {
    }
    return
  }
}

module attributes {stable_mosaic.version = 14 : i64} {
  func.func @_tc_h0_body(%arg0: i32, %arg1: memref<2048x128xf32, #tpu.memory_space<vmem>>, %arg2: memref<128x100xf32, #tpu.memory_space<vmem>>, %arg3: memref<1x100xf32, #tpu.memory_space<vmem>>, %arg4: memref<2048x100xf32, #tpu.memory_space<vmem>>) attributes {dimension_semantics = [#tpu.dimension_semantics<arbitrary>], iteration_bounds = array<i64: 25>, scalar_prefetch = 0 : i64, scratch_operands = 0 : i64, tpu.core_type = #tpu.core_type<tc>, window_params = [{transform_indices = @transform_0, window_bounds = array<i64: 2048, 128>}, {pipeline_mode = #tpu.pipeline_mode<synchronous>, transform_indices = @transform_1, window_bounds = array<i64: 128, 100>}, {pipeline_mode = #tpu.pipeline_mode<synchronous>, transform_indices = @transform_2, window_bounds = array<i64: 1, 100>}, {transform_indices = @transform_3, window_bounds = array<i64: 2048, 100>}]} {
    %get3A = arith.constant 0 : index
    %get3A_0 = arith.constant 0 : index
    %get3A_1 = vector.load %arg1[%get3A, %get3A_0] : memref<2048x128xf32, #tpu.memory_space<vmem>>, vector<2048x128xf32>
    %get3A_2 = arith.constant 0 : index
    %get3A_3 = arith.constant 0 : index
    %get3A_4 = vector.load %arg2[%get3A_2, %get3A_3] : memref<128x100xf32, #tpu.memory_space<vmem>>, vector<128x100xf32>
    %dot_general3A = arith.constant dense<0.000000e+00> : vector<2048x100xf32>
    %dot_general3A_5 = tpu.matmul %get3A_1, %get3A_4, %dot_general3A {dimension_numbers = #tpu.dot_dimension_numbers<[1], [0], [0], [1], [0, 0, 1, 1], [], []>, precision = #tpu.contract_precision<fp32>, transpose_lhs_hint = false} : vector<2048x128xf32>, vector<128x100xf32>, vector<2048x100xf32> -> vector<2048x100xf32>
    %get3A_6 = arith.constant 0 : index
    %get3A_7 = arith.constant 0 : index
    %get3A_8 = vector.load %arg3[%get3A_6, %get3A_7] : memref<1x100xf32, #tpu.memory_space<vmem>>, vector<1x100xf32>
    %add3A = vector.broadcast %get3A_8 : vector<1x100xf32> to vector<2048x100xf32>
    %add3A_9 = arith.addf %dot_general3A_5, %add3A : vector<2048x100xf32>
    %max3A = arith.constant 0.000000e+00 : f32
    %max3A_10 = vector.broadcast %max3A : f32 to vector<2048x100xf32>
    %max3A_11 = arith.maximumf %add3A_9, %max3A_10 : vector<2048x100xf32>
    %swap3A = arith.constant 0 : index
    %swap3A_12 = arith.constant 0 : index
    %swap3A_13 = vector.load %arg4[%swap3A, %swap3A_12] : memref<2048x100xf32, #tpu.memory_space<vmem>>, vector<2048x100xf32>
    tpu.vector_store %arg4[%swap3A, %swap3A_12], %max3A_11 {strides = array<i32>} : memref<2048x100xf32, #tpu.memory_space<vmem>>, vector<2048x100xf32>,
    return
  }
  func.func @transform_0(%arg0: i32) -> (i32, i32) {
    %c0_i32 = arith.constant 0 : i32
    %c0_i32_0 = arith.constant 0 : i32
    return %arg0, %c0_i32 : i32, i32
  }
  func.func @transform_1(%arg0: i32) -> (i32, i32) {
    %c0_i32 = arith.constant 0 : i32
    %c0_i32_0 = arith.constant 0 : i32
    %c0_i32_1 = arith.constant 0 : i32
    return %c0_i32, %c0_i32_0 : i32, i32
  }
  func.func @transform_2(%arg0: i32) -> (i32, i32) {
    %c0_i32 = arith.constant 0 : i32
    %c0_i32_0 = arith.constant 0 : i32
    %c0_i32_1 = arith.constant 0 : i32
    return %c0_i32, %c0_i32_0 : i32, i32
  }
  func.func @transform_3(%arg0: i32) -> (i32, i32) {
    %c0_i32 = arith.constant 0 : i32
    %c0_i32_0 = arith.constant 0 : i32
    return %arg0, %c0_i32 : i32, i32
  }
}

module attributes {stable_mosaic.version = 14 : i64} {
  func.func @_tc_main_body(%arg0: i32, %arg1: memref<2048x100xf32, #tpu.memory_space<vmem>>, %arg2: memref<1x1x2048xf32, #tpu.memory_space<vmem>>, %arg3: memref<1x1x2048xf32, #tpu.memory_space<vmem>>, %arg4: memref<1x1x2048xf32, #tpu.memory_space<vmem>>, %arg5: memref<1x1x2048xf32, #tpu.memory_space<vmem>>, %arg6: memref<100x100xf32, #tpu.memory_space<vmem>>, %arg7: memref<1x100xf32, #tpu.memory_space<vmem>>, %arg8: memref<100x200xf32, #tpu.memory_space<vmem>>, %arg9: memref<1x200xf32, #tpu.memory_space<vmem>>, %arg10: memref<200x55xf32, #tpu.memory_space<vmem>>, %arg11: memref<1x55xf32, #tpu.memory_space<vmem>>, %arg12: memref<1x55xf32, #tpu.memory_space<vmem>>, %arg13: memref<1x100xf32, #tpu.memory_space<vmem>>, %arg14: memref<1xf32, #tpu.memory_space<smem>>) attributes {dimension_semantics = [#tpu.dimension_semantics<arbitrary>], iteration_bounds = array<i64: 25>, scalar_prefetch = 0 : i64, scratch_operands = 2 : i64, tpu.core_type = #tpu.core_type<tc>, window_params = [{transform_indices = @transform_0, window_bounds = array<i64: 2048, 100>}, {transform_indices = @transform_1, window_bounds = array<i64: 1, 1, 2048>}, {transform_indices = @transform_2, window_bounds = array<i64: 1, 1, 2048>}, {transform_indices = @transform_3, window_bounds = array<i64: 1, 1, 2048>}, {transform_indices = @transform_4, window_bounds = array<i64: 1, 1, 2048>}, {pipeline_mode = #tpu.pipeline_mode<synchronous>, transform_indices = @transform_5, window_bounds = array<i64: 100, 100>}, {pipeline_mode = #tpu.pipeline_mode<synchronous>, transform_indices = @transform_6, window_bounds = array<i64: 1, 100>}, {pipeline_mode = #tpu.pipeline_mode<synchronous>, transform_indices = @transform_7, window_bounds = array<i64: 100, 200>}, {pipeline_mode = #tpu.pipeline_mode<synchronous>, transform_indices = @transform_8, window_bounds = array<i64: 1, 200>}, {pipeline_mode = #tpu.pipeline_mode<synchronous>, transform_indices = @transform_9, window_bounds = array<i64: 200, 55>}, {pipeline_mode = #tpu.pipeline_mode<synchronous>, transform_indices = @transform_10, window_bounds = array<i64: 1, 55>}, {pipeline_mode = #tpu.pipeline_mode<synchronous>, transform_indices = @transform_11, window_bounds = array<i64: 1, 55>}]} {
    %eq3A = arith.constant 0 : i32
    %eq3A_0 = arith.cmpi eq, %arg0, %eq3A : i32
    %convert_element_type3A = arith.extui %eq3A_0 : i1 to i32
    %cond3A = arith.constant 0 : i32
    %cond3A_1 = arith.cmpi ne, %convert_element_type3A, %cond3A : i32
    scf.if %cond3A_1 {
      %broadcast_in_dim3A = arith.constant 0.000000e+00 : f32
      %broadcast_in_dim3A_55 = vector.broadcast %broadcast_in_dim3A : f32 to vector<1x100xf32>
      %swap3A_56 = arith.constant 0 : index
      %swap3A_57 = arith.constant 0 : index
      %swap3A_58 = vector.load %arg13[%swap3A_56, %swap3A_57] : memref<1x100xf32, #tpu.memory_space<vmem>>, vector<1x100xf32>
      tpu.vector_store %arg13[%swap3A_56, %swap3A_57], %broadcast_in_dim3A_55 {strides = array<i32>} : memref<1x100xf32, #tpu.memory_space<vmem>>, vector<1x100xf32>,
      %swap3A_59 = arith.constant 0.000000e+00 : f32
      %swap3A_60 = arith.constant 0 : index
      %swap3A_61 = memref.load %arg14[%swap3A_60] : memref<1xf32, #tpu.memory_space<smem>>
      memref.store %swap3A_59, %arg14[%swap3A_60] : memref<1xf32, #tpu.memory_space<smem>>
    } else {
    }
    %mul3A = arith.constant 2048 : i32
    %mul3A_2 = arith.muli %arg0, %mul3A : i32
    %iota3A = tpu.iota {dimensions = array<i32: 1>} : vector<1x2048xi32>
    %add3A = vector.broadcast %mul3A_2 : i32 to vector<1x2048xi32>
    %add3A_3 = arith.addi %add3A, %iota3A : vector<1x2048xi32>
    %lt3A = arith.constant 50000 : i32
    %lt3A_4 = vector.broadcast %lt3A : i32 to vector<1x2048xi32>
    %lt3A_5 = arith.cmpi slt, %add3A_3, %lt3A_4 : vector<1x2048xi32>
    %convert_element_type3A_6 = arith.extui %lt3A_5 : vector<1x2048xi1> to vector<1x2048xi32>
    %convert_element_type3A_7 = arith.sitofp %convert_element_type3A_6 : vector<1x2048xi32> to vector<1x2048xf32>
    %get3A = arith.constant 0 : index
    %get3A_8 = arith.constant 0 : index
    %get3A_9 = arith.constant 0 : index
    %get3A_10 = vector.load %arg4[%get3A, %get3A_8, %get3A_9] : memref<1x1x2048xf32, #tpu.memory_space<vmem>>, vector<1x1x2048xf32>
    %get3A_11 = vector.shape_cast %get3A_10 : vector<1x1x2048xf32> to vector<1x2048xf32>
    %get3A_12 = arith.constant 0 : index
    %get3A_13 = arith.constant 0 : index
    %get3A_14 = arith.constant 0 : index
    %get3A_15 = vector.load %arg2[%get3A_12, %get3A_13, %get3A_14] : memref<1x1x2048xf32, #tpu.memory_space<vmem>>, vector<1x1x2048xf32>
    %get3A_16 = vector.shape_cast %get3A_15 : vector<1x1x2048xf32> to vector<1x2048xf32>
    %get3A_17 = arith.constant 0 : index
    %get3A_18 = arith.constant 0 : index
    %get3A_19 = arith.constant 0 : index
    %get3A_20 = vector.load %arg3[%get3A_17, %get3A_18, %get3A_19] : memref<1x1x2048xf32, #tpu.memory_space<vmem>>, vector<1x1x2048xf32>
    %get3A_21 = vector.shape_cast %get3A_20 : vector<1x1x2048xf32> to vector<1x2048xf32>
    %add3A_22 = arith.addf %get3A_16, %get3A_21 : vector<1x2048xf32>
    %mul3A_23 = arith.mulf %get3A_11, %add3A_22 : vector<1x2048xf32>
    %mul3A_24 = arith.mulf %mul3A_23, %convert_element_type3A_7 : vector<1x2048xf32>
    %get3A_25 = arith.constant 0 : index
    %get3A_26 = memref.load %arg14[%get3A_25] : memref<1xf32, #tpu.memory_space<smem>>
    %get3A_27 = arith.constant 0 : index
    %get3A_28 = arith.constant 0 : index
    %get3A_29 = arith.constant 0 : index
    %get3A_30 = vector.load %arg5[%get3A_27, %get3A_28, %get3A_29] : memref<1x1x2048xf32, #tpu.memory_space<vmem>>, vector<1x1x2048xf32>
    %get3A_31 = vector.shape_cast %get3A_30 : vector<1x1x2048xf32> to vector<1x2048xf32>
    %mul3A_32 = arith.mulf %get3A_31, %convert_element_type3A_7 : vector<1x2048xf32>
    %reduce_sum3A = vector.shape_cast %mul3A_32 : vector<1x2048xf32> to vector<1x1x2048xf32>
    %reduce_sum3A_33 = arith.constant dense<0.000000e+00> : vector<1xf32>
    %reduce_sum3A_34 = vector.multi_reduction <add>, %reduce_sum3A, %reduce_sum3A_33 [1, 2] : vector<1x1x2048xf32> to vector<1xf32>
    %reduce_sum3A_35 = vector.shape_cast %reduce_sum3A_34 : vector<1xf32> to vector<1x1x1xf32>
    %reduce_sum3A_36 = vector.extract %reduce_sum3A_35[0, 0, 0] : f32 from vector<1x1x1xf32>
    %add3A_37 = arith.addf %get3A_26, %reduce_sum3A_36 : f32
    %swap3A = arith.constant 0 : index
    %swap3A_38 = memref.load %arg14[%swap3A] : memref<1xf32, #tpu.memory_space<smem>>
    memref.store %add3A_37, %arg14[%swap3A] : memref<1xf32, #tpu.memory_space<smem>>
    %get3A_39 = arith.constant 0 : index
    %get3A_40 = arith.constant 0 : index
    %get3A_41 = vector.load %arg13[%get3A_39, %get3A_40] : memref<1x100xf32, #tpu.memory_space<vmem>>, vector<1x100xf32>
    %get3A_42 = arith.constant 0 : index
    %get3A_43 = arith.constant 0 : index
    %get3A_44 = vector.load %arg1[%get3A_42, %get3A_43] : memref<2048x100xf32, #tpu.memory_space<vmem>>, vector<2048x100xf32>
    %dot_general3A = arith.constant dense<0.000000e+00> : vector<1x100xf32>
    %dot_general3A_45 = tpu.matmul %mul3A_24, %get3A_44, %dot_general3A {dimension_numbers = #tpu.dot_dimension_numbers<[1], [0], [0], [1], [0, 0, 1, 1], [], []>, precision = #tpu.contract_precision<fp32>, transpose_lhs_hint = false} : vector<1x2048xf32>, vector<2048x100xf32>, vector<1x100xf32> -> vector<1x100xf32>
    %add3A_46 = arith.addf %get3A_41, %dot_general3A_45 : vector<1x100xf32>
    %swap3A_47 = arith.constant 0 : index
    %swap3A_48 = arith.constant 0 : index
    %swap3A_49 = vector.load %arg13[%swap3A_47, %swap3A_48] : memref<1x100xf32, #tpu.memory_space<vmem>>, vector<1x100xf32>
    tpu.vector_store %arg13[%swap3A_47, %swap3A_48], %add3A_46 {strides = array<i32>} : memref<1x100xf32, #tpu.memory_space<vmem>>, vector<1x100xf32>,
    %eq3A_50 = arith.constant 24 : i32
    %eq3A_51 = arith.cmpi eq, %arg0, %eq3A_50 : i32
    %convert_element_type3A_52 = arith.extui %eq3A_51 : i1 to i32
    %cond3A_53 = arith.constant 0 : i32
    %cond3A_54 = arith.cmpi ne, %convert_element_type3A_52, %cond3A_53 : i32
    scf.if %cond3A_54 {
      %get3A_55 = arith.constant 0 : index
      %get3A_56 = arith.constant 0 : index
      %get3A_57 = vector.load %arg13[%get3A_55, %get3A_56] : memref<1x100xf32, #tpu.memory_space<vmem>>, vector<1x100xf32>
      %get3A_58 = arith.constant 0 : index
      %get3A_59 = memref.load %arg14[%get3A_58] : memref<1xf32, #tpu.memory_space<smem>>
      %get3A_60 = arith.constant 0 : index
      %get3A_61 = arith.constant 0 : index
      %get3A_62 = vector.load %arg6[%get3A_60, %get3A_61] : memref<100x100xf32, #tpu.memory_space<vmem>>, vector<100x100xf32>
      %dot_general3A_63 = arith.constant dense<0.000000e+00> : vector<1x100xf32>
      %dot_general3A_64 = tpu.matmul %get3A_57, %get3A_62, %dot_general3A_63 {dimension_numbers = #tpu.dot_dimension_numbers<[1], [0], [0], [1], [0, 0, 1, 1], [], []>, transpose_lhs_hint = false} : vector<1x100xf32>, vector<100x100xf32>, vector<1x100xf32> -> vector<1x100xf32>
      %get3A_65 = arith.constant 0 : index
      %get3A_66 = arith.constant 0 : index
      %get3A_67 = vector.load %arg7[%get3A_65, %get3A_66] : memref<1x100xf32, #tpu.memory_space<vmem>>, vector<1x100xf32>
      %mul3A_68 = vector.broadcast %get3A_59 : f32 to vector<1x100xf32>
      %mul3A_69 = arith.mulf %mul3A_68, %get3A_67 : vector<1x100xf32>
      %add3A_70 = arith.addf %dot_general3A_64, %mul3A_69 : vector<1x100xf32>
      %get3A_71 = arith.constant 0 : index
      %get3A_72 = arith.constant 0 : index
      %get3A_73 = vector.load %arg8[%get3A_71, %get3A_72] : memref<100x200xf32, #tpu.memory_space<vmem>>, vector<100x200xf32>
      %dot_general3A_74 = arith.constant dense<0.000000e+00> : vector<1x200xf32>
      %dot_general3A_75 = tpu.matmul %add3A_70, %get3A_73, %dot_general3A_74 {dimension_numbers = #tpu.dot_dimension_numbers<[1], [0], [0], [1], [0, 0, 1, 1], [], []>, transpose_lhs_hint = false} : vector<1x100xf32>, vector<100x200xf32>, vector<1x200xf32> -> vector<1x200xf32>
      %mul3A_76 = arith.constant 2.000000e-05 : f32
      %mul3A_77 = vector.broadcast %mul3A_76 : f32 to vector<1x200xf32>
      %mul3A_78 = arith.mulf %dot_general3A_75, %mul3A_77 : vector<1x200xf32>
      %get3A_79 = arith.constant 0 : index
      %get3A_80 = arith.constant 0 : index
      %get3A_81 = vector.load %arg9[%get3A_79, %get3A_80] : memref<1x200xf32, #tpu.memory_space<vmem>>, vector<1x200xf32>
      %add3A_82 = arith.addf %mul3A_78, %get3A_81 : vector<1x200xf32>
      %get3A_83 = arith.constant 0 : index
      %get3A_84 = arith.constant 0 : index
      %get3A_85 = vector.load %arg10[%get3A_83, %get3A_84] : memref<200x55xf32, #tpu.memory_space<vmem>>, vector<200x55xf32>
      %dot_general3A_86 = arith.constant dense<0.000000e+00> : vector<1x55xf32>
      %dot_general3A_87 = tpu.matmul %add3A_82, %get3A_85, %dot_general3A_86 {dimension_numbers = #tpu.dot_dimension_numbers<[1], [0], [0], [1], [0, 0, 1, 1], [], []>, transpose_lhs_hint = false} : vector<1x200xf32>, vector<200x55xf32>, vector<1x55xf32> -> vector<1x55xf32>
      %get3A_88 = arith.constant 0 : index
      %get3A_89 = arith.constant 0 : index
      %get3A_90 = vector.load %arg11[%get3A_88, %get3A_89] : memref<1x55xf32, #tpu.memory_space<vmem>>, vector<1x55xf32>
      %add3A_91 = arith.addf %dot_general3A_87, %get3A_90 : vector<1x55xf32>
      %swap3A_92 = arith.constant 0 : index
      %swap3A_93 = arith.constant 0 : index
      %swap3A_94 = vector.load %arg12[%swap3A_92, %swap3A_93] : memref<1x55xf32, #tpu.memory_space<vmem>>, vector<1x55xf32>
      tpu.vector_store %arg12[%swap3A_92, %swap3A_93], %add3A_91 {strides = array<i32>} : memref<1x55xf32, #tpu.memory_space<vmem>>, vector<1x55xf32>,
    } else {
    }
    return
  }
  func.func @transform_0(%arg0: i32) -> (i32, i32) {
    %c0_i32 = arith.constant 0 : i32
    %c0_i32_0 = arith.constant 0 : i32
    return %arg0, %c0_i32 : i32, i32
  }
  func.func @transform_1(%arg0: i32) -> (i32, i32, i32) {
    %c0_i32 = arith.constant 0 : i32
    %c0_i32_0 = arith.constant 0 : i32
    %c0_i32_1 = arith.constant 0 : i32
    return %arg0, %c0_i32, %c0_i32_0 : i32, i32, i32
  }
  func.func @transform_2(%arg0: i32) -> (i32, i32, i32) {
    %c0_i32 = arith.constant 0 : i32
    %c0_i32_0 = arith.constant 0 : i32
    %c0_i32_1 = arith.constant 0 : i32
    return %arg0, %c0_i32, %c0_i32_0 : i32, i32, i32
  }
  func.func @transform_3(%arg0: i32) -> (i32, i32, i32) {
    %c0_i32 = arith.constant 0 : i32
    %c0_i32_0 = arith.constant 0 : i32
    %c0_i32_1 = arith.constant 0 : i32
    return %arg0, %c0_i32, %c0_i32_0 : i32, i32, i32
  }
  func.func @transform_4(%arg0: i32) -> (i32, i32, i32) {
    %c0_i32 = arith.constant 0 : i32
    %c0_i32_0 = arith.constant 0 : i32
    %c0_i32_1 = arith.constant 0 : i32
    return %arg0, %c0_i32, %c0_i32_0 : i32, i32, i32
  }
  func.func @transform_5(%arg0: i32) -> (i32, i32) {
    %c0_i32 = arith.constant 0 : i32
    %c0_i32_0 = arith.constant 0 : i32
    %c0_i32_1 = arith.constant 0 : i32
    return %c0_i32, %c0_i32_0 : i32, i32
  }
  func.func @transform_6(%arg0: i32) -> (i32, i32) {
    %c0_i32 = arith.constant 0 : i32
    %c0_i32_0 = arith.constant 0 : i32
    %c0_i32_1 = arith.constant 0 : i32
    return %c0_i32, %c0_i32_0 : i32, i32
  }
  func.func @transform_7(%arg0: i32) -> (i32, i32) {
    %c0_i32 = arith.constant 0 : i32
    %c0_i32_0 = arith.constant 0 : i32
    %c0_i32_1 = arith.constant 0 : i32
    return %c0_i32, %c0_i32_0 : i32, i32
  }
  func.func @transform_8(%arg0: i32) -> (i32, i32) {
    %c0_i32 = arith.constant 0 : i32
    %c0_i32_0 = arith.constant 0 : i32
    %c0_i32_1 = arith.constant 0 : i32
    return %c0_i32, %c0_i32_0 : i32, i32
  }
  func.func @transform_9(%arg0: i32) -> (i32, i32) {
    %c0_i32 = arith.constant 0 : i32
    %c0_i32_0 = arith.constant 0 : i32
    %c0_i32_1 = arith.constant 0 : i32
    return %c0_i32, %c0_i32_0 : i32, i32
  }
  func.func @transform_10(%arg0: i32) -> (i32, i32) {
    %c0_i32 = arith.constant 0 : i32
    %c0_i32_0 = arith.constant 0 : i32
    %c0_i32_1 = arith.constant 0 : i32
    return %c0_i32, %c0_i32_0 : i32, i32
  }
  func.func @transform_11(%arg0: i32) -> (i32, i32) {
    %c0_i32 = arith.constant 0 : i32
    %c0_i32_0 = arith.constant 0 : i32
    %c0_i32_1 = arith.constant 0 : i32
    return %c0_i32, %c0_i32_0 : i32, i32
  }
}

</mosaic_0001>

<sc_bundles>
// kernel: kernel.10.cloned.1.call-start
scs
__scs_entry_jumppad:
0x0: {  	(pc) =	sbr.rel $0x88, $3  }
0x1: {  	(tag) =	ssettag $0x0;
	lr =	simm.s32 $0x1  }
0x2: {  	[smem:$0x3F97] =	sst lr;
	_ =	strace $0xD0000000  }
0x3: {  	_ = 	snop  }
0x4: {  	_ = 	snop  }
0x5: {  	_ = 	snop  }
0x6: {  	_ = 	snop  }
0x7: {  	_ = 	snop  }
__scs_overlays_trampoline_lowered:
0x8: {  	[smem:$0x3FA6] =	sst s0  }
0x9: {  	[smem:$0x3FA7] =	sst s1  }
0xa: {  	[smem:$0x3FA8] =	sst s2  }
0xb: {  	[smem:$0x3FA9] =	sst s3  }
0xc: {  	[smem:$0x3FAA] =	sst s4  }
0xd: {  	[smem:$0x3FAB] =	sst s5  }
0xe: {  	[smem:$0x3FAC] =	sst s6  }
0xf: {  	[smem:$0x3FAD] =	sst s7  }
0x10: {  	[smem:$0x3FAE] =	sst s8  }
0x11: {  	[smem:$0x3FAF] =	sst s9;
	s0 =	simm.s32 @!p0 $0x0  }
0x12: {  	s1 =	sld [smem:$0x3F95];
	s0 =	simm.s32 @p0 $0x1  }
0x13: {  	[smem:$0x3FB0] =	sst s0;
	s0 =	simm.s32 @!p1 $0x0  }
0x14: {  	s2 =	sld [smem:$0x3F94];
	s0 =	simm.s32 @p1 $0x1  }
0x15: {  	[smem:$0x3FB1] =	sst s0;
	s0 =	simm.s32 @!p2 $0x0  }
0x16: {  	s3 =	sld [smem:$0x3FDB];
	s0 =	simm.s32 @p2 $0x1  }
0x17: {  	s4 =	simm.s32 $0x1BF5;
	[smem:$0x3FB3] =	sst s0  }
0x18: {  	s0 =	sld [smem:$0x3F96];
	_ =	swait.ge [sflag:s4], $0x0  }
0x19: {  	s7 =	sld [smem:$0x3F97]  }
0x1a: {  	s8 =	sadd.s32 $0xFFFFE003, lr  }
0x1b: {  	s9 =	sadd.s32 $0xFFFFFEF7, lr;
	s5 =	simm.s32 $0xFFFFFFFF;
	p2 =	slt.u32 s8, $0xFFFFF086  }
0x1c: {  	p1 =	slt.u32 s9, $0xF7A;
	s5 =	simm.s32 @!p2 $0x0  }
0x1d: {  	s5 =	simm.s32 @p1 $0x1;
	p0 =	seq.s32 s7, s2  }
0x1e: {  	s7 =	smul.u32 @!p0 $0xF7A, s2;
	p2 =	seq.s32 @!p0 s5, $0x0  }
0x1f: {  	s9 =	smul.u32 $0xF7A, s1;
	s8 =	simm.s32 @!p0 $0x1BF5;
	p2 =	por !p2, p0  }
0x20: {  	[sflag:s8] =	ssyncset.s32 @!p0 $0xFFFFF086;
	s6 =	sadd.s32 @!p0 s3, s7;
	s7 =	simm.s32 @!p0 $0x108  }
0x21: {  	s3 =	sadd.s32 s3, s9;
	s6 =	sadd.s32 @!p0 $0x88, s6;
	s7 =	simm.s32 @p2 $0x1082  }
0x22: {  	[simem:s7], [sflag:s8] =	dma.local @!p0 [hbm:s6], $0xF7A  }
0x23: {  	s9 =	sor.u32 $0xD0000000, s2;
	s6 =	simm.s32 $0x108;
	_ =	swait.ge @!p0 [sflag:s8], $0x0  }
0x24: {  	s3 =	sadd.s32 $0x88, s3;
	s6 =	simm.s32 @!p1 $0x1082;
	[sflag:s4] =	ssyncset.s32 $0xFFFFF086  }
0x25: {  	[simem:s6], [sflag:s4] =	dma.local [hbm:s3], $0xF7A  }
0x26: {  	[smem:$0x3F97] =	sst s1;
	(tag) =	ssettag s2;
	_ =	strace s9  }
0x27: {  	s1 =	sld [smem:$0x3FA7]  }
0x28: {  	s2 =	sld [smem:$0x3FA8]  }
0x29: {  	s4 =	sld [smem:$0x3FAA]  }
0x2a: {  	p0 =	seq.s32 s5, $0x0;
	s5 =	sld [smem:$0x3FAB]  }
0x2b: {  	s6 =	sld [smem:$0x3FAC]  }
0x2c: {  	s7 =	sld [smem:$0x3FAD]  }
0x2d: {  	s3 =	simm.s32 $0x108;
	s8 =	sld [smem:$0x3FAE]  }
0x2e: {  	s3 =	simm.s32 @!p0 $0x1082;
	s9 =	sld [smem:$0x3FAF]  }
0x2f: {  	lr =	sadd.s32 s0, s3;
	s0 =	sld [smem:$0x3FA6]  }
0x30: {  	s3 =	sld [smem:$0x3FA9]  }
0x31: {  	[smem:$0x3FB2] =	sst s10  }
0x32: {  	s10 =	sld [smem:$0x3FB0];
	_ =	sdelay $0x3  }
0x33: {  	p0 =	seq.s32 s10, $0x1;
	s10 =	sld [smem:$0x3FB2];
	_ =	sdelay $0x3  }
0x34: {  	[smem:$0x3FB2] =	sst s10  }
0x35: {  	s10 =	sld [smem:$0x3FB1];
	_ =	sdelay $0x3  }
0x36: {  	p1 =	seq.s32 s10, $0x1;
	s10 =	sld [smem:$0x3FB2];
	_ =	sdelay $0x3  }
0x37: {  	[smem:$0x3FB2] =	sst s10  }
0x38: {  	s10 =	sld [smem:$0x3FB3]  }
0x39: {  	_ = 	snop;
	(pc) =	sbr.ind lr, $3  }
0x3a: {  	_ = 	snop  }
0x3b: {  	_ = 	snop  }
0x3c: {  	p2 =	seq.s32 s10, $0x1;
	s10 =	sld [smem:$0x3FB2]  }
0x3d: {  	_ =	shalt  }
0x3e: {  	_ =	shalt  }
0x3f: {  	_ =	shalt  }
0x40: {  	_ =	shalt  }
0x41: {  	_ =	shalt  }
0x42: {  	_ =	shalt  }
0x43: {  	_ =	shalt  }
0x44: {  	_ =	shalt  }
0x45: {  	_ =	shalt  }
0x46: {  	_ =	shalt  }
0x47: {  	_ =	shalt  }
0x48: {  	_ =	shalt  }
0x49: {  	_ =	shalt  }
0x4a: {  	_ =	shalt  }
0x4b: {  	_ =	shalt  }
0x4c: {  	_ =	shalt  }
0x4d: {  	_ =	shalt  }
0x4e: {  	_ =	shalt  }
0x4f: {  	_ =	shalt  }
0x50: {  	_ =	shalt  }
0x51: {  	_ =	shalt  }
0x52: {  	_ =	shalt  }
0x53: {  	_ =	shalt  }
0x54: {  	_ =	shalt  }
0x55: {  	_ =	shalt  }
0x56: {  	_ =	shalt  }
0x57: {  	_ =	shalt  }
0x58: {  	_ =	shalt  }
0x59: {  	_ =	shalt  }
0x5a: {  	_ =	shalt  }
0x5b: {  	_ =	shalt  }
0x5c: {  	_ =	shalt  }
0x5d: {  	_ =	shalt  }
0x5e: {  	_ =	shalt  }
0x5f: {  	_ =	shalt  }
0x60: {  	_ =	shalt  }
0x61: {  	_ =	shalt  }
0x62: {  	_ =	shalt  }
0x63: {  	_ =	shalt  }
0x64: {  	_ =	shalt  }
0x65: {  	_ =	shalt  }
0x66: {  	_ =	shalt  }
0x67: {  	_ =	shalt  }
0x68: {  	_ =	shalt  }
0x69: {  	_ =	shalt  }
0x6a: {  	_ =	shalt  }
0x6b: {  	_ =	shalt  }
0x6c: {  	_ =	shalt  }
0x6d: {  	_ =	shalt  }
0x6e: {  	_ =	shalt  }
0x6f: {  	_ =	shalt  }
0x70: {  	_ =	shalt  }
0x71: {  	_ =	shalt  }
0x72: {  	_ =	shalt  }
0x73: {  	_ =	shalt  }
0x74: {  	_ =	shalt  }
0x75: {  	_ =	shalt  }
0x76: {  	_ =	shalt  }
0x77: {  	_ =	shalt  }
0x78: {  	_ =	shalt  }
0x79: {  	_ =	shalt  }
0x7a: {  	_ =	shalt  }
0x7b: {  	_ =	shalt  }
0x7c: {  	_ =	shalt  }
0x7d: {  	_ =	shalt  }
0x7e: {  	_ =	shalt  }
0x7f: {  	_ =	shalt  }
0x80: {  	_ =	shalt  }
0x81: {  	_ =	shalt  }
0x82: {  	_ =	shalt  }
0x83: {  	_ =	shalt  }
0x84: {  	_ =	shalt  }
0x85: {  	_ =	shalt  }
0x86: {  	_ =	shalt  }
0x87: {  	_ =	shalt  }
.Lfunc_end0:
.L_simem_size_0:
called_computation.1_lowered:
.L_overlay_start_0:
0x88: {  	s2 =	sld [smem:$0x3FD9]  }
0x89: {  	s3 =	sld [smem:$0x3FFE];
	_ =	sdelay $0x1  }
0x8a: {  	s1 =	srdreg.scid  }
0x8b: {  	s0 =	sand.u32 $0x1, s1  }
0x8c: {  	s16 =	sshll.u32 s0, $0xA;
	s2 =	sadd.s32 s3, s2  }
0x8d: {  	s2 =	sadd.s32 s2, s16  }
0x8e: {  	[smem:$0x3FBE] =	sst s2  }
0x8f: {  	_ = 	snop  }
0x90: {  	(tm) =	ssettm $0x1  }
0x91: {  	s17 =	sld [smem:$0x3FFB];
	_ =	sdelay $0x3  }
0x92: {  	_ =	strace s17  }
0x93: {  	s2 =	sld [smem:$0x3FFC];
	_ =	sdelay $0x3  }
0x94: {  	_ =	strace s2  }
0x95: {  	s2 =	sld [smem:$0x3FFD];
	_ =	sdelay $0x3  }
0x96: {  	_ =	strace s2  }
0x97: {  	_ =	strace $0x8FFFFFFF  }
0x98: {  	s18 =	sld [smem:$0x3FDB];
	_ =	sdelay $0x1  }
0x99: {  	s19 =	simm.s32 $_scs_section_size  }
0x9a: {  	s4 =	simm.s32 $_size__tile_overlayer_lowered;
	s5 =	simm.s32 $_tile_overlayer_lowered  }
0x9b: {  	s22 =	simm.s32 $0x1BFF;
	s21 =	sshll.u32 s5, $0x1;
	s2 =	sadd.s32 s19, s18  }
0x9c: {  	s6 =	simm.s32 $0x0;
	s20 =	sshll.u32 s4, $0x1;
	s4 =	sadd.s32 s21, s2  }
0x9d: {  	[timem:s6], [sflag:s22] =	dma.local [hbm:s4], s20  }
0x9e: {  	_ =	swait.ge [sflag:s22], s20  }
0x9f: {  	s3 =	ssub.s32 $0x0, s20;
	[sflag:s22] =	ssyncset.done $0x0  }
0xa0: {  	[sflag:s22] =	ssyncadd.s32 s3;
	_ =	sdelay $0x1  }
0xa1: {  	s23 =	simm.s32 $0x1B8B  }
0xa2: {  	_ =	swait.ge [sflag:s23], $0x1  }
0xa3: {  	[sflag:s23] =	ssyncset.done $0x0  }
0xa4: {  	s25 =	simm.s32 $0x1B8E;
	s24 =	sld [smem:$0x3FFE];
	[sflag:s23] =	ssyncadd.s32 $0xFFFFFFFF  }
0xa5: {  	s26 =	simm.s32 $execute0_lowered;
	[smem:$0x3FD2] =	sst s25  }
0xa6: {  	s4 =	sshll.u32 s26, $0x1;
	_ =	strace $0x80000049;
	[dreg:$0x1] =	wrdreg $0xFFFFFFFF  }
0xa7: {  	s28 =	simm.s32 $_size_execute0_lowered;
	s2 =	sadd.s32 s2, s4;
	[dreg:$0x0] =	wrdreg $0x0  }
0xa8: {  	s4 =	sshll.u32 s28, $0x1;
	[dreg:$0x2] =	wrdreg s2  }
0xa9: {  	[dreg:$0x3] =	wrdreg s4  }
0xaa: {  	[dreg:$0x4] =	wrdreg $0xC0  }
0xab: {  	_ =	task [dreg:s6], $0x5FFFF  }
0xac: {  	[dreg:$0x1] =	wrdreg $0xFFFFFFFF  }
0xad: {  	[dreg:$0x0] =	wrdreg $0x60  }
0xae: {  	[dreg:$0x2] =	wrdreg s24  }
0xaf: {  	[dreg:$0x3] =	wrdreg $0x159000  }
0xb0: {  	[dreg:$0x4] =	wrdreg $0x165800  }
0xb1: {  	[dreg:$0x5] =	wrdreg $0x9  }
0xb2: {  	_ =	task.clear_ibuf [dreg:s6], $0x6FFFF;
	_ =	strace $0x90000049  }
0xb3: {  	s29 =	simm.s32 $0x9;
	_ =	strace $0x8000004B  }
0xb4: {  	_ =	swait.ge [sflag:s29], $0x1  }
0xb5: {  	[sflag:s29] =	ssyncadd.s32 $0xFFFFFFFF  }
0xb6: {  	_ =	strace $0x9000004B  }
0xb7: {  	_ =	sfence  }
0xb8: {  	s30 =	sld [smem:$0x0];
	_ =	sdelay $0x2  }
0xb9: {  	s31 =	sshll.u32 s1, $0xD;
	s1 =	sshrl.u32 s1, $0x2  }
0xba: {  	s3 =	sand.u32 $0x4000, s31;
	s1 =	sadd.s32 s1, s30  }
0xbb: {  	s0 =	sor.u32 s3, s0;
	s1 =	sshll.u32 s1, $0x11  }
0xbc: {  	s0 =	sor.u32 s1, s0  }
0xbd: {  	s0 =	sadd.s32 $0x8F2B, s0  }
0xbe: {  	[sflag:s0] =	ssyncadd.remote.s32 $0x1  }
0xbf: {  	_ =	sfence.sel $0xFFFF  }
0xc0: {  	[dreg:$0x0] =	wrdreg $0xFFFFFFFF;
	(pc) =	sbr.abs _section_cstart, $3  }
0xc1: {  	[dreg:$0x1] =	wrdreg $0xFFFFFFFF  }
0xc2: {  	_ =	task.clear_ibuf [dreg:s6], $0x2FFFF;
	_ =	strace $0x9FFFFFFF  }
0xc3: {  	(tm) =	ssettm $0x7FFFFFFF  }
tec
execute0_lowered:
.L_overlay_start_1:
0x0: {  	(tag) =	ssettag $0x1  }
0x1: {  	s0 =	rddreg [dreg:$0x0]  }
0x2: {  	s11 =	rddreg [dreg:$0x1]  }
0x3: {  	s2 =	rddreg [dreg:$0x2];
	s3 =	simm.s32 $0x0  }
0x4: {  	s1 =	stileid.u32;
	s5 =	srdreg.scid;
	s28 =	simm.s32 $0x13100  }
0x5: {  	s29 =	simm.s32 $0x14500;
	s30 =	simm.s32 $0x1;
	s31 =	simm.s32 $0x3  }
0x6: {  	[smem:$0x7FF] =	sst s3;
	s4 =	smul.u32 $0x320, s1;
	s6 =	sadd.s32 $0x3E00, s0  }
0x7: {  	s5 =	sand.u32 $0x1, s5;
	s7 =	sadd.s32 $0x1CE00, s0;
	s10 =	smul.u32 $0xC80, s1  }
0x8: {  	p0 =	sne.s32 s1, $0x0;
	_ =	strace $0x8000004A;
	s8 =	sshll.u32 s5, $0x4  }
0x9: {  	s5 =	ssub.s32 $0x2, s5;
	s4 =	sadd.s32 s4, s0;
	s9 =	sor.u32 s1, s8  }
0xa: {  	s0 =	sadd.s32 s8, s0;
	s20 =	sshrl.u32 s5, $0x1;
	s22 =	sadd.s32 s10, s11  }
0xb: {  	s23 =	sadd.s32 s10, s2;
	s1 =	simm.s32 $0x4;
	s9 =	smul.u32 $0x6400, s9  }
0xc: {  	s5 =	ssub.s32 s5, s20;
	s21 =	sadd.s32 $0x39000, s4;
	[dreg:$0x6] =	wrdreg s22  }
0xd: {  	s4 =	sadd.s32 $0x39010, s4;
	[dreg:$0x7] =	wrdreg s23;
	s18 =	sadd.s32 $0x3C200, s0  }
0xe: {  	s20 =	simm.s32 $0x80;
	s22 =	simm.s32 $0xF000;
	[dreg:$0x4] =	wrdreg s21  }
0xf: {  	s23 =	simm.s32 $0x5;
	s0 =	simm.s32 $0x2;
	[dreg:$0x5] =	wrdreg s4  }
0x10: {  	s19 =	smax.u32 s5, $0x1;
	s21 =	simm.s32 $0x100;
	s24 =	sshrl.u32 s9, $0x3  }
0x11: {  	s25 =	sadd.s32 s6, s24;
	s9 =	sadd.s32 s7, s24;
	s26 =	sadd.s32 $0x280, s24  }
0x12: {  	s13 =	sadd.s32 $0x500, s24;
	s15 =	sadd.s32 $0x780, s24;
	s4 =	sadd.s32 $0xA00, s24  }
0x13: {  	s24 =	simm.s32 $0xFC80;
	[dreg:$0x8] =	wrdreg s25;
	s10 =	sadd.s32 s6, s26  }
0x14: {  	s11 =	sadd.s32 s7, s26;
	s12 =	sadd.s32 s6, s13;
	s13 =	sadd.s32 s7, s13  }
0x15: {  	s14 =	sadd.s32 s6, s15;
	s15 =	sadd.s32 s7, s15;
	s16 =	sadd.s32 s6, s4  }
0x16: {  	v0 =	vimm.f32 $0.0e+00;
	s17 =	sadd.s32 s7, s4;
	s25 =	simm.s32 $0x10900;
	s26 =	simm.s32 $0x11D00  }
.LBB2_1:
0x17: {  	s4 =	rddreg [dreg:$0x4]  }
0x18: {  	[tilespmem:s22], [sflag:$0x5] =	stream.strided.gather [hbm4b:s4+s20], $0xC80, s21, s20, $0x38;
	[tilespmem:$0x17200] =	vst v63  }
0x19: {  	_ =	swait.ge [sflag:s23], $0xC80  }
0x1a: {  	[sflag:s23] =	ssyncset.done $0x0  }
0x1b: {  	s8 =	rddreg [dreg:$0x5];
	[sflag:s23] =	ssyncadd.s32 $0xFFFFF380  }
0x1c: {  	[tilespmem:s24], [sflag:$0x5] =	stream.strided.gather [hbm4b:s8+s20], $0xC80, s21, s20, $0x38;
	[tilespmem:$0x17200] =	vst v63  }
0x1d: {  	_ =	swait.ge [sflag:s23], $0xC80  }
0x1e: {  	[sflag:s23] =	ssyncset.done $0x0  }
0x1f: {  	s4 =	simm.s32 $0x0;
	[sflag:s23] =	ssyncadd.s32 $0xFFFFF380  }
0x20: {  	s5 =	simm.s32 $0x40;
	v1 =	vld [tilespmem:s4+$0xFC80]  }
.LBB2_2:
0x21: {  	p1 =	sne.s32 s5, $0x31C0;
	v2 =	vld [tilespmem:s4+$0xF000];
	[tilespmem:s4+$0xFC80] =	vst v0;
	_ =	sdelay $0x4  }
0x22: {  	v1 =	vadd.f32 v1, v2;
	_ =	sdelay $0x1  }
0x23: {  	v1 =	vmax.f32 v1, $1.000000000e+00  }
0x24: {  	v2 =	vshra.s32 v1, $0x1;
	v1 =	vmul.f32 $5.000000000e-01, v1  }
0x25: {  	v2 =	vsub.s32 $0x5F3759DF, v2  }
0x26: {  	v3 =	vmul.f32 v2, v1;
	_ =	sdelay $0x1  }
0x27: {  	v3 =	vmul.f32 v2, v3;
	_ =	sdelay $0x1  }
0x28: {  	v3 =	vsub.f32 $1.500000000e+00, v3;
	_ =	sdelay $0x1  }
0x29: {  	v2 =	vmul.f32 v2, v3;
	_ =	sdelay $0x1  }
0x2a: {  	v3 =	vmul.f32 v2, v1;
	_ =	sdelay $0x1  }
0x2b: {  	v3 =	vmul.f32 v3, v2;
	_ =	sdelay $0x1  }
0x2c: {  	v3 =	vsub.f32 $1.500000000e+00, v3;
	_ =	sdelay $0x1  }
0x2d: {  	v2 =	vmul.f32 v3, v2;
	_ =	sdelay $0x1  }
0x2e: {  	v3 =	vmul.f32 v2, v1;
	_ =	sdelay $0x1  }
0x2f: {  	v3 =	vmul.f32 v3, v2;
	_ =	sdelay $0x1  }
0x30: {  	v3 =	vsub.f32 $1.500000000e+00, v3;
	_ =	sdelay $0x1  }
0x31: {  	v2 =	vmul.f32 v3, v2;
	_ =	sdelay $0x1  }
0x32: {  	v1 =	vmul.f32 v2, v1;
	_ =	sdelay $0x1  }
0x33: {  	v1 =	vmul.f32 v1, v2;
	_ =	sdelay $0x1  }
.Ltmp0:
0x34: {  	v1 =	vsub.f32 $1.500000000e+00, v1;
	(pc) =	sbr.rel @p1 .LBB2_2-.Ltmp0, $4  }
0x35: {  	_ = 	snop  }
0x36: {  	v2 =	vmul.f32 v1, v2  }
0x37: {  	s6 =	sshra.s32 s5, $0x2  }
0x38: {  	s5 =	sadd.s32 $0x40, s5;
	v1 =	vld [tilespmem:s6+$0xFC80];
	[tilespmem:s4+$0xF000] =	vst v2;
	s4 =	smov.u32 s6  }
0x39: {  	v2 =	vld [tilespmem:s4+$0xF000];
	_ =	sdelay $0x4  }
0x3a: {  	v1 =	vadd.f32 v1, v2;
	_ =	sdelay $0x1  }
0x3b: {  	v1 =	vmax.f32 v1, $1.000000000e+00  }
0x3c: {  	v2 =	vshra.s32 v1, $0x1;
	v1 =	vmul.f32 $5.000000000e-01, v1  }
0x3d: {  	v2 =	vsub.s32 $0x5F3759DF, v2  }
0x3e: {  	v3 =	vmul.f32 v2, v1;
	_ =	sdelay $0x1  }
0x3f: {  	v3 =	vmul.f32 v2, v3;
	_ =	sdelay $0x1  }
0x40: {  	v3 =	vsub.f32 $1.500000000e+00, v3;
	_ =	sdelay $0x1  }
0x41: {  	v2 =	vmul.f32 v2, v3;
	_ =	sdelay $0x1  }
0x42: {  	v3 =	vmul.f32 v2, v1;
	_ =	sdelay $0x1  }
0x43: {  	v3 =	vmul.f32 v3, v2;
	_ =	sdelay $0x1  }
0x44: {  	v3 =	vsub.f32 $1.500000000e+00, v3;
	_ =	sdelay $0x1  }
0x45: {  	v2 =	vmul.f32 v3, v2;
	_ =	sdelay $0x1  }
0x46: {  	v3 =	vmul.f32 v2, v1;
	_ =	sdelay $0x1  }
0x47: {  	v3 =	vmul.f32 v3, v2;
	_ =	sdelay $0x1  }
0x48: {  	v3 =	vsub.f32 $1.500000000e+00, v3;
	_ =	sdelay $0x1  }
0x49: {  	v2 =	vmul.f32 v3, v2;
	_ =	sdelay $0x1  }
0x4a: {  	v1 =	vmul.f32 v2, v1;
	_ =	sdelay $0x1  }
0x4b: {  	v1 =	vmul.f32 v1, v2;
	_ =	sdelay $0x1  }
0x4c: {  	v1 =	vsub.f32 $1.500000000e+00, v1;
	_ =	sdelay $0x1  }
0x4d: {  	v1 =	vmul.f32 v1, v2  }
0x4e: {  	[tilespmem:s4+$0xFC80] =	vst v0  }
0x4f: {  	s6 =	rddreg [dreg:$0x6];
	[tilespmem:s4+$0xF000] =	vst v1  }
0x50: {  	[spmem:s6] =	stream.linear.scatter [tilespmem:s22], [sflag:$0x5], $0xC80, $0x38;
	[tilespmem:$0x17200] =	vst v63  }
0x51: {  	_ =	swait.ge [sflag:s23], $0xC80  }
0x52: {  	[sflag:s23] =	ssyncset.done $0x0  }
0x53: {  	s7 =	rddreg [dreg:$0x7];
	[sflag:s23] =	ssyncadd.s32 $0xFFFFF380  }
0x54: {  	[spmem:s7] =	stream.linear.scatter [tilespmem:s24], [sflag:$0x5], $0xC80, $0x38;
	[tilespmem:$0x17200] =	vst v63  }
0x55: {  	_ =	swait.ge [sflag:s23], $0xC80  }
0x56: {  	[sflag:s23] =	ssyncset.done $0x0  }
0x57: {  	[sflag:s23] =	ssyncadd.s32 $0xFFFFF380  }
0x58: {  	[bflag:$0x0] =	sbarrier.arrive $0xFFFF  }
0x59: {  	s4 =	simm.s32 $0x0;
	s5 =	rddreg [dreg:$0x1]  }
0x5a: {  	[tilespmem:s4], [sflag:$0x5] =	stream.linear.gather [spmem:s5], $0xC800, $0x38;
	[tilespmem:$0x17200] =	vst v63  }
0x5b: {  	_ =	swait.ge [sflag:s23], $0xC800  }
0x5c: {  	[sflag:s23] =	ssyncset.done $0x0  }
0x5d: {  	s8 =	rddreg [dreg:$0x8];
	[sflag:s23] =	ssyncadd.s32 $0xFFFF3800  }
0x5e: {  	[tilespmem:s25], [sflag:$0x1] =	stream.linear.gather [hbm4b:s8+s4], $0x1400, $0x38;
	[tilespmem:$0x17200] =	vst v63  }
0x5f: {  	_ = 	snop  }
0x60: {  	[tilespmem:s26], [sflag:$0x1] =	stream.linear.gather [hbm4b:s9+s4], $0x1400, $0x38;
	[tilespmem:$0x17200] =	vst v63  }
0x61: {  	_ = 	snop  }
0x62: {  	[tilespmem:s28], [sflag:$0x2] =	stream.linear.gather [hbm4b:s10+s4], $0x1400, $0x38;
	[tilespmem:$0x17200] =	vst v63  }
0x63: {  	_ = 	snop  }
0x64: {  	[tilespmem:s29], [sflag:$0x2] =	stream.linear.gather [hbm4b:s11+s4], $0x1400, $0x38;
	[tilespmem:$0x17200] =	vst v63  }
0x65: {  	_ =	swait.ge [sflag:s30], $0x1400  }
0x66: {  	[sflag:s30] =	ssyncset.done $0x0  }
0x67: {  	[sflag:s30] =	ssyncadd.s32 $0xFFFFEC00  }
0x68: {  	_ =	swait.ge [sflag:s30], $0x1400  }
0x69: {  	[sflag:s30] =	ssyncset.done $0x0  }
0x6a: {  	s5 =	simm.s32 $0x0;
	[sflag:s30] =	ssyncadd.s32 $0xFFFFEC00  }
0x6b: {  	v1 =	vld [tilespmem:s5+$0x11D00];
	_ =	sdelay $0x5  }
0x6c: {  	v2 =	vld [tilespmem:s5+$0x11D10];
	_ =	sdelay $0x1  }
0x6d: {  	v1 =	vld.idx.msk [tilespmem:v1+s4+$0x0], $0xffff;
	_ =	sdelay $0x4  }
0x6e: {  	v3 =	vld [tilespmem:s5+$0x11D20];
	[tilespmem:s5+$0xC800] =	vst v1  }
0x6f: {  	v1 =	vld.idx.msk [tilespmem:v2+s4+$0x0], $0xffff;
	_ =	sdelay $0x4  }
0x70: {  	[tilespmem:s5+$0xC810] =	vst v1;
	v1 =	vld [tilespmem:s5+$0x11D30];
	_ =	sdelay $0x1  }
0x71: {  	v2 =	vld.idx.msk [tilespmem:v3+s4+$0x0], $0xffff;
	_ =	sdelay $0x3  }
0x72: {  	s6 =	simm.s32 $0x200;
	s7 =	simm.s32 $0x40  }
.LBB2_4:
0x73: {  	p1 =	sne.s32 s6, $0x4F00;
	v3 =	vld [tilespmem:s7+$0x11D00];
	[tilespmem:s5+$0xC820] =	vst v2  }
0x74: {  	v1 =	vld.idx.msk [tilespmem:v1+s4+$0x0], $0xffff;
	_ =	sdelay $0x5  }
0x75: {  	v2 =	vld [tilespmem:s7+$0x11D10];
	[tilespmem:s5+$0xC830] =	vst v1;
	s5 =	smov.u32 s7  }
0x76: {  	v1 =	vld.idx.msk [tilespmem:v3+s4+$0x0], $0xffff;
	_ =	sdelay $0x5  }
0x77: {  	[tilespmem:s5+$0xC800] =	vst v1;
	v3 =	vld [tilespmem:s5+$0x11D20]  }
0x78: {  	v1 =	vld.idx.msk [tilespmem:v2+s4+$0x0], $0xffff;
	_ =	sdelay $0x5  }
0x79: {  	[tilespmem:s5+$0xC810] =	vst v1;
	v1 =	vld [tilespmem:s5+$0x11D30]  }
0x7a: {  	v2 =	vld.idx.msk [tilespmem:v3+s4+$0x0], $0xffff  }
.Ltmp1:
0x7b: {  	(pc) =	sbr.rel @p1 .LBB2_4-.Ltmp1, $2  }
0x7c: {  	_ =	sdelay $0x2  }
0x7d: {  	s7 =	sshra.s32 s6, $0x2;
	s6 =	sadd.s32 $0x100, s6  }
0x7e: {  	_ =	sdelay $0x1  }
0x7f: {  	v3 =	vld [tilespmem:s7+$0x11D00]  }
0x80: {  	[tilespmem:s5+$0xC820] =	vst v2  }
0x81: {  	v1 =	vld.idx.msk [tilespmem:v1+s4+$0x0], $0xffff;
	_ =	sdelay $0x3  }
0x82: {  	v2 =	vld [tilespmem:s7+$0x11D10]  }
0x83: {  	[tilespmem:s5+$0xC830] =	vst v1  }
0x84: {  	v1 =	vld.idx.msk [tilespmem:v3+s4+$0x0], $0xffff;
	_ =	sdelay $0x4  }
0x85: {  	[tilespmem:s7+$0xC800] =	vst v1;
	v1 =	vld [tilespmem:s7+$0x11D20]  }
0x86: {  	v2 =	vld.idx.msk [tilespmem:v2+s4+$0x0], $0xffff;
	_ =	sdelay $0x4  }
0x87: {  	[tilespmem:s7+$0xC810] =	vst v2;
	v2 =	vld [tilespmem:s7+$0x11D30];
	_ =	sdelay $0x1  }
0x88: {  	v1 =	vld.idx.msk [tilespmem:v1+s4+$0x0], $0xffff;
	_ =	sdelay $0x4  }
0x89: {  	[tilespmem:s7+$0xC820] =	vst v1  }
0x8a: {  	v1 =	vld.idx.msk [tilespmem:v2+s4+$0x0], $0xffff;
	_ =	sdelay $0x4  }
0x8b: {  	[tilespmem:s7+$0xC830] =	vst v1  }
.LBB2_6:
0x8c: {  	p1 =	sne.s32 s4, $0x4E00  }
.Ltmp2:
0x8d: {  	_ = 	snop;
	(pc) =	sbr.rel @p1 .LBB2_6-.Ltmp2, $4  }
0x8e: {  	_ = 	snop  }
0x8f: {  	s5 =	sshra.s32 s4, $0x2  }
0x90: {  	s4 =	sadd.s32 $0x200, s4;
	s6 =	sadd.s32 $0xC800, s5;
	s5 =	sadd.s32 $0x10900, s5  }
0x91: {  	[spmem:s2] =	stream.indirect.scatter.add.f32 [tilespmem:s6], [sflag:$0x3], $0x1, s5, s20, $0xb8;
	[tilespmem:$0x17200] =	vst v63  }
0x92: {  	_ =	swait.ge [sflag:s31], $0x80  }
0x93: {  	s4 =	simm.s32 $0x27;
	[sflag:s31] =	ssyncset.done $0x0  }
.LBB2_8:
0x94: {  	p1 =	sne.s32 s4, $0x1;
	s4 =	sadd.s32 $0xFFFFFFFF, s4;
	[sflag:s31] =	ssyncadd.s32 $0xFFFFFF80  }
.Ltmp3:
0x95: {  	(pc) =	sbr.rel @p1 .LBB2_8-.Ltmp3, $3  }
0x96: {  	_ =	sdelay $0x1  }
0x97: {  	_ =	swait.ge [sflag:s31], $0x80  }
0x98: {  	[sflag:s31] =	ssyncset.done $0x0  }
0x99: {  	[sflag:s31] =	ssyncadd.s32 $0xFFFFFF80;
	s4 =	simm.s32 $0x0  }
0x9a: {  	[tilespmem:s25], [sflag:$0x1] =	stream.linear.gather [hbm4b:s12+s4], $0x1400, $0x38;
	[tilespmem:$0x17200] =	vst v63  }
0x9b: {  	_ = 	snop  }
0x9c: {  	[tilespmem:s26], [sflag:$0x1] =	stream.linear.gather [hbm4b:s13+s4], $0x1400, $0x38;
	[tilespmem:$0x17200] =	vst v63  }
0x9d: {  	_ =	swait.ge [sflag:s0], $0x1400  }
0x9e: {  	[sflag:s0] =	ssyncset.done $0x0  }
0x9f: {  	[sflag:s0] =	ssyncadd.s32 $0xFFFFEC00  }
0xa0: {  	_ =	swait.ge [sflag:s0], $0x1400  }
0xa1: {  	[sflag:s0] =	ssyncset.done $0x0  }
0xa2: {  	s5 =	simm.s32 $0x0;
	[sflag:s0] =	ssyncadd.s32 $0xFFFFEC00  }
0xa3: {  	v1 =	vld [tilespmem:s5+$0x14500];
	_ =	sdelay $0x5  }
0xa4: {  	v2 =	vld [tilespmem:s5+$0x14510];
	_ =	sdelay $0x1  }
0xa5: {  	v1 =	vld.idx.msk [tilespmem:v1+s4+$0x0], $0xffff;
	_ =	sdelay $0x4  }
0xa6: {  	v3 =	vld [tilespmem:s5+$0x14520];
	[tilespmem:s5+$0xDC00] =	vst v1  }
0xa7: {  	v1 =	vld.idx.msk [tilespmem:v2+s4+$0x0], $0xffff;
	_ =	sdelay $0x4  }
0xa8: {  	[tilespmem:s5+$0xDC10] =	vst v1;
	v1 =	vld [tilespmem:s5+$0x14530];
	_ =	sdelay $0x1  }
0xa9: {  	v2 =	vld.idx.msk [tilespmem:v3+s4+$0x0], $0xffff;
	_ =	sdelay $0x3  }
0xaa: {  	s7 =	simm.s32 $0x40;
	s6 =	simm.s32 $0x200  }
.LBB2_10:
0xab: {  	p1 =	sne.s32 s6, $0x4F00;
	v3 =	vld [tilespmem:s7+$0x14500];
	[tilespmem:s5+$0xDC20] =	vst v2  }
0xac: {  	v1 =	vld.idx.msk [tilespmem:v1+s4+$0x0], $0xffff;
	_ =	sdelay $0x5  }
0xad: {  	v2 =	vld [tilespmem:s7+$0x14510];
	[tilespmem:s5+$0xDC30] =	vst v1;
	s5 =	smov.u32 s7  }
0xae: {  	v1 =	vld.idx.msk [tilespmem:v3+s4+$0x0], $0xffff;
	_ =	sdelay $0x5  }
0xaf: {  	[tilespmem:s5+$0xDC00] =	vst v1;
	v3 =	vld [tilespmem:s5+$0x14520]  }
0xb0: {  	v1 =	vld.idx.msk [tilespmem:v2+s4+$0x0], $0xffff;
	_ =	sdelay $0x5  }
0xb1: {  	[tilespmem:s5+$0xDC10] =	vst v1;
	v1 =	vld [tilespmem:s5+$0x14530]  }
0xb2: {  	v2 =	vld.idx.msk [tilespmem:v3+s4+$0x0], $0xffff  }
.Ltmp4:
0xb3: {  	(pc) =	sbr.rel @p1 .LBB2_10-.Ltmp4, $2  }
0xb4: {  	_ =	sdelay $0x2  }
0xb5: {  	s7 =	sshra.s32 s6, $0x2;
	s6 =	sadd.s32 $0x100, s6  }
0xb6: {  	_ =	sdelay $0x1  }
0xb7: {  	v3 =	vld [tilespmem:s7+$0x14500]  }
0xb8: {  	[tilespmem:s5+$0xDC20] =	vst v2  }
0xb9: {  	v1 =	vld.idx.msk [tilespmem:v1+s4+$0x0], $0xffff;
	_ =	sdelay $0x3  }
0xba: {  	v2 =	vld [tilespmem:s7+$0x14510]  }
0xbb: {  	[tilespmem:s5+$0xDC30] =	vst v1  }
0xbc: {  	v1 =	vld.idx.msk [tilespmem:v3+s4+$0x0], $0xffff;
	_ =	sdelay $0x4  }
0xbd: {  	[tilespmem:s7+$0xDC00] =	vst v1;
	v1 =	vld [tilespmem:s7+$0x14520]  }
0xbe: {  	v2 =	vld.idx.msk [tilespmem:v2+s4+$0x0], $0xffff;
	_ =	sdelay $0x4  }
0xbf: {  	[tilespmem:s7+$0xDC10] =	vst v2;
	v2 =	vld [tilespmem:s7+$0x14530];
	_ =	sdelay $0x1  }
0xc0: {  	v1 =	vld.idx.msk [tilespmem:v1+s4+$0x0], $0xffff;
	_ =	sdelay $0x4  }
0xc1: {  	[tilespmem:s7+$0xDC20] =	vst v1  }
0xc2: {  	v1 =	vld.idx.msk [tilespmem:v2+s4+$0x0], $0xffff;
	_ =	sdelay $0x4  }
0xc3: {  	[tilespmem:s7+$0xDC30] =	vst v1  }
.LBB2_12:
0xc4: {  	p1 =	sne.s32 s4, $0x4E00  }
.Ltmp5:
0xc5: {  	_ = 	snop;
	(pc) =	sbr.rel @p1 .LBB2_12-.Ltmp5, $4  }
0xc6: {  	_ = 	snop  }
0xc7: {  	s5 =	sshra.s32 s4, $0x2  }
0xc8: {  	s4 =	sadd.s32 $0x200, s4;
	s6 =	sadd.s32 $0xDC00, s5;
	s5 =	sadd.s32 $0x13100, s5  }
0xc9: {  	[spmem:s2] =	stream.indirect.scatter.add.f32 [tilespmem:s6], [sflag:$0x4], $0x1, s5, s20, $0xb8;
	[tilespmem:$0x17200] =	vst v63  }
0xca: {  	_ =	swait.ge [sflag:s1], $0x80  }
0xcb: {  	s4 =	simm.s32 $0x27;
	[sflag:s1] =	ssyncset.done $0x0  }
.LBB2_14:
0xcc: {  	p1 =	sne.s32 s4, $0x1;
	s4 =	sadd.s32 $0xFFFFFFFF, s4;
	[sflag:s1] =	ssyncadd.s32 $0xFFFFFF80  }
.Ltmp6:
0xcd: {  	(pc) =	sbr.rel @p1 .LBB2_14-.Ltmp6, $3  }
0xce: {  	_ =	sdelay $0x1  }
0xcf: {  	_ =	swait.ge [sflag:s1], $0x80  }
0xd0: {  	[sflag:s1] =	ssyncset.done $0x0  }
0xd1: {  	[sflag:s1] =	ssyncadd.s32 $0xFFFFFF80;
	s4 =	simm.s32 $0x0  }
0xd2: {  	[tilespmem:s28], [sflag:$0x2] =	stream.linear.gather [hbm4b:s14+s4], $0x1400, $0x38;
	[tilespmem:$0x17200] =	vst v63  }
0xd3: {  	_ = 	snop  }
0xd4: {  	[tilespmem:s29], [sflag:$0x2] =	stream.linear.gather [hbm4b:s15+s4], $0x1400, $0x38;
	[tilespmem:$0x17200] =	vst v63  }
0xd5: {  	_ =	swait.ge [sflag:s30], $0x1400  }
0xd6: {  	[sflag:s30] =	ssyncset.done $0x0  }
0xd7: {  	[sflag:s30] =	ssyncadd.s32 $0xFFFFEC00  }
0xd8: {  	_ =	swait.ge [sflag:s30], $0x1400  }
0xd9: {  	[sflag:s30] =	ssyncset.done $0x0  }
0xda: {  	s5 =	simm.s32 $0x0;
	[sflag:s30] =	ssyncadd.s32 $0xFFFFEC00  }
0xdb: {  	v1 =	vld [tilespmem:s5+$0x11D00];
	_ =	sdelay $0x5  }
0xdc: {  	v2 =	vld [tilespmem:s5+$0x11D10];
	_ =	sdelay $0x1  }
0xdd: {  	v1 =	vld.idx.msk [tilespmem:v1+s4+$0x0], $0xffff;
	_ =	sdelay $0x4  }
0xde: {  	v3 =	vld [tilespmem:s5+$0x11D20];
	[tilespmem:s5+$0xC800] =	vst v1  }
0xdf: {  	v1 =	vld.idx.msk [tilespmem:v2+s4+$0x0], $0xffff;
	_ =	sdelay $0x4  }
0xe0: {  	[tilespmem:s5+$0xC810] =	vst v1;
	v1 =	vld [tilespmem:s5+$0x11D30];
	_ =	sdelay $0x1  }
0xe1: {  	v2 =	vld.idx.msk [tilespmem:v3+s4+$0x0], $0xffff;
	_ =	sdelay $0x3  }
0xe2: {  	s7 =	simm.s32 $0x40;
	s6 =	simm.s32 $0x200  }
.LBB2_16:
0xe3: {  	p1 =	sne.s32 s6, $0x4F00;
	v3 =	vld [tilespmem:s7+$0x11D00];
	[tilespmem:s5+$0xC820] =	vst v2  }
0xe4: {  	v1 =	vld.idx.msk [tilespmem:v1+s4+$0x0], $0xffff;
	_ =	sdelay $0x5  }
0xe5: {  	v2 =	vld [tilespmem:s7+$0x11D10];
	[tilespmem:s5+$0xC830] =	vst v1;
	s5 =	smov.u32 s7  }
0xe6: {  	v1 =	vld.idx.msk [tilespmem:v3+s4+$0x0], $0xffff;
	_ =	sdelay $0x5  }
0xe7: {  	[tilespmem:s5+$0xC800] =	vst v1;
	v3 =	vld [tilespmem:s5+$0x11D20]  }
0xe8: {  	v1 =	vld.idx.msk [tilespmem:v2+s4+$0x0], $0xffff;
	_ =	sdelay $0x5  }
0xe9: {  	[tilespmem:s5+$0xC810] =	vst v1;
	v1 =	vld [tilespmem:s5+$0x11D30]  }
0xea: {  	v2 =	vld.idx.msk [tilespmem:v3+s4+$0x0], $0xffff  }
.Ltmp7:
0xeb: {  	(pc) =	sbr.rel @p1 .LBB2_16-.Ltmp7, $2  }
0xec: {  	_ =	sdelay $0x2  }
0xed: {  	s7 =	sshra.s32 s6, $0x2;
	s6 =	sadd.s32 $0x100, s6  }
0xee: {  	_ =	sdelay $0x1  }
0xef: {  	v3 =	vld [tilespmem:s7+$0x11D00]  }
0xf0: {  	[tilespmem:s5+$0xC820] =	vst v2  }
0xf1: {  	v1 =	vld.idx.msk [tilespmem:v1+s4+$0x0], $0xffff;
	_ =	sdelay $0x3  }
0xf2: {  	v2 =	vld [tilespmem:s7+$0x11D10]  }
0xf3: {  	[tilespmem:s5+$0xC830] =	vst v1  }
0xf4: {  	v1 =	vld.idx.msk [tilespmem:v3+s4+$0x0], $0xffff;
	_ =	sdelay $0x4  }
0xf5: {  	[tilespmem:s7+$0xC800] =	vst v1;
	v1 =	vld [tilespmem:s7+$0x11D20]  }
0xf6: {  	v2 =	vld.idx.msk [tilespmem:v2+s4+$0x0], $0xffff;
	_ =	sdelay $0x4  }
0xf7: {  	[tilespmem:s7+$0xC810] =	vst v2;
	v2 =	vld [tilespmem:s7+$0x11D30];
	_ =	sdelay $0x1  }
0xf8: {  	v1 =	vld.idx.msk [tilespmem:v1+s4+$0x0], $0xffff;
	_ =	sdelay $0x4  }
0xf9: {  	[tilespmem:s7+$0xC820] =	vst v1  }
0xfa: {  	v1 =	vld.idx.msk [tilespmem:v2+s4+$0x0], $0xffff;
	_ =	sdelay $0x4  }
0xfb: {  	[tilespmem:s7+$0xC830] =	vst v1  }
.LBB2_18:
0xfc: {  	p1 =	sne.s32 s4, $0x4E00  }
.Ltmp8:
0xfd: {  	_ = 	snop;
	(pc) =	sbr.rel @p1 .LBB2_18-.Ltmp8, $4  }
0xfe: {  	_ = 	snop  }
0xff: {  	s5 =	sshra.s32 s4, $0x2  }
0x100: {  	s4 =	sadd.s32 $0x200, s4;
	s6 =	sadd.s32 $0xC800, s5;
	s5 =	sadd.s32 $0x10900, s5  }
0x101: {  	[spmem:s2] =	stream.indirect.scatter.add.f32 [tilespmem:s6], [sflag:$0x3], $0x1, s5, s20, $0xb8;
	[tilespmem:$0x17200] =	vst v63  }
0x102: {  	_ =	swait.ge [sflag:s31], $0x80  }
0x103: {  	s4 =	simm.s32 $0x27;
	[sflag:s31] =	ssyncset.done $0x0  }
.LBB2_20:
0x104: {  	p1 =	sne.s32 s4, $0x1;
	s4 =	sadd.s32 $0xFFFFFFFF, s4;
	[sflag:s31] =	ssyncadd.s32 $0xFFFFFF80  }
.Ltmp9:
0x105: {  	(pc) =	sbr.rel @p1 .LBB2_20-.Ltmp9, $3  }
0x106: {  	_ =	sdelay $0x1  }
0x107: {  	_ =	swait.ge [sflag:s31], $0x80  }
0x108: {  	[sflag:s31] =	ssyncset.done $0x0  }
0x109: {  	[sflag:s31] =	ssyncadd.s32 $0xFFFFFF80;
	s4 =	simm.s32 $0x0  }
0x10a: {  	[tilespmem:s25], [sflag:$0x1] =	stream.linear.gather [hbm4b:s16+s4], $0x1400, $0x38;
	[tilespmem:$0x17200] =	vst v63  }
0x10b: {  	_ = 	snop  }
0x10c: {  	[tilespmem:s26], [sflag:$0x1] =	stream.linear.gather [hbm4b:s17+s4], $0x1400, $0x38;
	[tilespmem:$0x17200] =	vst v63  }
0x10d: {  	_ =	swait.ge [sflag:s0], $0x1400  }
0x10e: {  	[sflag:s0] =	ssyncset.done $0x0  }
0x10f: {  	[sflag:s0] =	ssyncadd.s32 $0xFFFFEC00  }
0x110: {  	_ =	swait.ge [sflag:s0], $0x1400  }
0x111: {  	[sflag:s0] =	ssyncset.done $0x0  }
0x112: {  	s5 =	simm.s32 $0x0;
	[sflag:s0] =	ssyncadd.s32 $0xFFFFEC00  }
0x113: {  	v1 =	vld [tilespmem:s5+$0x14500];
	_ =	sdelay $0x5  }
0x114: {  	v2 =	vld [tilespmem:s5+$0x14510];
	_ =	sdelay $0x1  }
0x115: {  	v1 =	vld.idx.msk [tilespmem:v1+s4+$0x0], $0xffff;
	_ =	sdelay $0x4  }
0x116: {  	v3 =	vld [tilespmem:s5+$0x14520];
	[tilespmem:s5+$0xDC00] =	vst v1  }
0x117: {  	v1 =	vld.idx.msk [tilespmem:v2+s4+$0x0], $0xffff;
	_ =	sdelay $0x4  }
0x118: {  	[tilespmem:s5+$0xDC10] =	vst v1;
	v1 =	vld [tilespmem:s5+$0x14530];
	_ =	sdelay $0x1  }
0x119: {  	v2 =	vld.idx.msk [tilespmem:v3+s4+$0x0], $0xffff;
	_ =	sdelay $0x3  }
0x11a: {  	s7 =	simm.s32 $0x40;
	s6 =	simm.s32 $0x200  }
.LBB2_22:
0x11b: {  	p1 =	sne.s32 s6, $0x4F00;
	v3 =	vld [tilespmem:s7+$0x14500];
	[tilespmem:s5+$0xDC20] =	vst v2  }
0x11c: {  	v1 =	vld.idx.msk [tilespmem:v1+s4+$0x0], $0xffff;
	_ =	sdelay $0x5  }
0x11d: {  	v2 =	vld [tilespmem:s7+$0x14510];
	[tilespmem:s5+$0xDC30] =	vst v1;
	s5 =	smov.u32 s7  }
0x11e: {  	v1 =	vld.idx.msk [tilespmem:v3+s4+$0x0], $0xffff;
	_ =	sdelay $0x5  }
0x11f: {  	[tilespmem:s5+$0xDC00] =	vst v1;
	v3 =	vld [tilespmem:s5+$0x14520]  }
0x120: {  	v1 =	vld.idx.msk [tilespmem:v2+s4+$0x0], $0xffff;
	_ =	sdelay $0x5  }
0x121: {  	[tilespmem:s5+$0xDC10] =	vst v1;
	v1 =	vld [tilespmem:s5+$0x14530]  }
0x122: {  	v2 =	vld.idx.msk [tilespmem:v3+s4+$0x0], $0xffff  }
.Ltmp10:
0x123: {  	(pc) =	sbr.rel @p1 .LBB2_22-.Ltmp10, $2  }
0x124: {  	_ =	sdelay $0x2  }
0x125: {  	s7 =	sshra.s32 s6, $0x2;
	s6 =	sadd.s32 $0x100, s6  }
0x126: {  	_ =	sdelay $0x1  }
0x127: {  	v3 =	vld [tilespmem:s7+$0x14500]  }
0x128: {  	[tilespmem:s5+$0xDC20] =	vst v2  }
0x129: {  	v1 =	vld.idx.msk [tilespmem:v1+s4+$0x0], $0xffff;
	_ =	sdelay $0x3  }
0x12a: {  	v2 =	vld [tilespmem:s7+$0x14510]  }
0x12b: {  	[tilespmem:s5+$0xDC30] =	vst v1  }
0x12c: {  	v1 =	vld.idx.msk [tilespmem:v3+s4+$0x0], $0xffff;
	_ =	sdelay $0x4  }
0x12d: {  	[tilespmem:s7+$0xDC00] =	vst v1;
	v1 =	vld [tilespmem:s7+$0x14520]  }
0x12e: {  	v2 =	vld.idx.msk [tilespmem:v2+s4+$0x0], $0xffff;
	_ =	sdelay $0x4  }
0x12f: {  	[tilespmem:s7+$0xDC10] =	vst v2;
	v2 =	vld [tilespmem:s7+$0x14530];
	_ =	sdelay $0x1  }
0x130: {  	v1 =	vld.idx.msk [tilespmem:v1+s4+$0x0], $0xffff;
	_ =	sdelay $0x4  }
0x131: {  	[tilespmem:s7+$0xDC20] =	vst v1  }
0x132: {  	v1 =	vld.idx.msk [tilespmem:v2+s4+$0x0], $0xffff;
	_ =	sdelay $0x4  }
0x133: {  	s6 =	simm.s32 $0x13100;
	s5 =	simm.s32 $0xDC00;
	s4 =	simm.s32 $0x200;
	[tilespmem:s7+$0xDC30] =	vst v1  }
.LBB2_24:
0x134: {  	[spmem:s2] =	stream.indirect.scatter.add.f32 [tilespmem:s5], [sflag:$0x4], $0x1, s6, s20, $0xb8;
	[tilespmem:$0x17200] =	vst v63  }
0x135: {  	s5 =	smov.u32 s4;
	p1 =	sne.s32 s4, $0x4E00  }
.Ltmp11:
0x136: {  	s4 =	sadd.s32 $0x200, s4;
	(pc) =	sbr.rel @p1 .LBB2_24-.Ltmp11, $3  }
0x137: {  	_ =	sdelay $0x1  }
0x138: {  	s6 =	sshra.s32 s5, $0x2  }
0x139: {  	s5 =	sadd.s32 $0xDC00, s6;
	s6 =	sadd.s32 $0x13100, s6  }
0x13a: {  	[spmem:s2] =	stream.indirect.scatter.add.f32 [tilespmem:s5], [sflag:$0x4], $0x1, s6, s20, $0xb8;
	[tilespmem:$0x17200] =	vst v63  }
0x13b: {  	_ =	swait.ge [sflag:s30], $0x1400  }
0x13c: {  	[sflag:s30] =	ssyncset.done $0x0  }
0x13d: {  	[sflag:s30] =	ssyncadd.s32 $0xFFFFEC00  }
0x13e: {  	_ =	swait.ge [sflag:s30], $0x1400  }
0x13f: {  	[sflag:s30] =	ssyncset.done $0x0  }
0x140: {  	s5 =	simm.s32 $0x0;
	[sflag:s30] =	ssyncadd.s32 $0xFFFFEC00  }
0x141: {  	v1 =	vld [tilespmem:s5+$0x11D00];
	_ =	sdelay $0x5  }
0x142: {  	v2 =	vld [tilespmem:s5+$0x11D10]  }
0x143: {  	s4 =	simm.s32 $0x0  }
0x144: {  	v1 =	vld.idx.msk [tilespmem:v1+s4+$0x0], $0xffff;
	_ =	sdelay $0x4  }
0x145: {  	v3 =	vld [tilespmem:s5+$0x11D20];
	[tilespmem:s5+$0xC800] =	vst v1  }
0x146: {  	v1 =	vld.idx.msk [tilespmem:v2+s4+$0x0], $0xffff;
	_ =	sdelay $0x4  }
0x147: {  	[tilespmem:s5+$0xC810] =	vst v1;
	v1 =	vld [tilespmem:s5+$0x11D30];
	_ =	sdelay $0x1  }
0x148: {  	v2 =	vld.idx.msk [tilespmem:v3+s4+$0x0], $0xffff;
	_ =	sdelay $0x3  }
0x149: {  	s7 =	simm.s32 $0x40;
	s6 =	simm.s32 $0x200  }
.LBB2_26:
0x14a: {  	p1 =	sne.s32 s6, $0x4F00;
	v3 =	vld [tilespmem:s7+$0x11D00];
	[tilespmem:s5+$0xC820] =	vst v2  }
0x14b: {  	v1 =	vld.idx.msk [tilespmem:v1+s4+$0x0], $0xffff;
	_ =	sdelay $0x5  }
0x14c: {  	v2 =	vld [tilespmem:s7+$0x11D10];
	[tilespmem:s5+$0xC830] =	vst v1;
	s5 =	smov.u32 s7  }
0x14d: {  	v1 =	vld.idx.msk [tilespmem:v3+s4+$0x0], $0xffff;
	_ =	sdelay $0x5  }
0x14e: {  	[tilespmem:s5+$0xC800] =	vst v1;
	v3 =	vld [tilespmem:s5+$0x11D20]  }
0x14f: {  	v1 =	vld.idx.msk [tilespmem:v2+s4+$0x0], $0xffff;
	_ =	sdelay $0x5  }
0x150: {  	[tilespmem:s5+$0xC810] =	vst v1;
	v1 =	vld [tilespmem:s5+$0x11D30]  }
0x151: {  	v2 =	vld.idx.msk [tilespmem:v3+s4+$0x0], $0xffff  }
.Ltmp12:
0x152: {  	(pc) =	sbr.rel @p1 .LBB2_26-.Ltmp12, $2  }
0x153: {  	_ =	sdelay $0x2  }
0x154: {  	s7 =	sshra.s32 s6, $0x2;
	s6 =	sadd.s32 $0x100, s6  }
0x155: {  	_ =	sdelay $0x1  }
0x156: {  	v3 =	vld [tilespmem:s7+$0x11D00]  }
0x157: {  	[tilespmem:s5+$0xC820] =	vst v2  }
0x158: {  	v1 =	vld.idx.msk [tilespmem:v1+s4+$0x0], $0xffff;
	_ =	sdelay $0x3  }
0x159: {  	v2 =	vld [tilespmem:s7+$0x11D10]  }
0x15a: {  	[tilespmem:s5+$0xC830] =	vst v1  }
0x15b: {  	v1 =	vld.idx.msk [tilespmem:v3+s4+$0x0], $0xffff;
	_ =	sdelay $0x4  }
0x15c: {  	[tilespmem:s7+$0xC800] =	vst v1;
	v1 =	vld [tilespmem:s7+$0x11D20]  }
0x15d: {  	v2 =	vld.idx.msk [tilespmem:v2+s4+$0x0], $0xffff;
	_ =	sdelay $0x4  }
0x15e: {  	[tilespmem:s7+$0xC810] =	vst v2;
	v2 =	vld [tilespmem:s7+$0x11D30];
	_ =	sdelay $0x1  }
0x15f: {  	v1 =	vld.idx.msk [tilespmem:v1+s4+$0x0], $0xffff;
	_ =	sdelay $0x4  }
0x160: {  	[tilespmem:s7+$0xC820] =	vst v1  }
0x161: {  	v1 =	vld.idx.msk [tilespmem:v2+s4+$0x0], $0xffff;
	_ =	sdelay $0x4  }
0x162: {  	s6 =	simm.s32 $0x10900;
	s5 =	simm.s32 $0xC800;
	s4 =	simm.s32 $0x200;
	[tilespmem:s7+$0xC830] =	vst v1  }
.LBB2_28:
0x163: {  	[spmem:s2] =	stream.indirect.scatter.add.f32 [tilespmem:s5], [sflag:$0x3], $0x1, s6, s20, $0xb8;
	[tilespmem:$0x17200] =	vst v63  }
0x164: {  	s5 =	smov.u32 s4;
	p1 =	sne.s32 s4, $0x4E00  }
.Ltmp13:
0x165: {  	s4 =	sadd.s32 $0x200, s4;
	(pc) =	sbr.rel @p1 .LBB2_28-.Ltmp13, $3  }
0x166: {  	_ =	sdelay $0x1  }
0x167: {  	s6 =	sshra.s32 s5, $0x2  }
0x168: {  	s5 =	sadd.s32 $0xC800, s6;
	s6 =	sadd.s32 $0x10900, s6  }
0x169: {  	[spmem:s2] =	stream.indirect.scatter.add.f32 [tilespmem:s5], [sflag:$0x3], $0x1, s6, s20, $0xb8;
	[tilespmem:$0x17200] =	vst v63  }
0x16a: {  	_ =	swait.ge [sflag:s1], $0x80  }
0x16b: {  	s4 =	simm.s32 $0x27;
	[sflag:s1] =	ssyncset.done $0x0  }
.LBB2_30:
0x16c: {  	p1 =	sne.s32 s4, $0x1;
	s4 =	sadd.s32 $0xFFFFFFFF, s4;
	[sflag:s1] =	ssyncadd.s32 $0xFFFFFF80  }
.Ltmp14:
0x16d: {  	(pc) =	sbr.rel @p1 .LBB2_30-.Ltmp14, $3  }
0x16e: {  	_ =	sdelay $0x1  }
0x16f: {  	_ =	swait.ge [sflag:s1], $0x80  }
0x170: {  	[sflag:s1] =	ssyncset.done $0x0  }
0x171: {  	[sflag:s1] =	ssyncadd.s32 $0xFFFFFF80  }
0x172: {  	_ =	swait.ge [sflag:s31], $0x80  }
0x173: {  	s4 =	simm.s32 $0x27;
	[sflag:s31] =	ssyncset.done $0x0  }
.LBB2_32:
0x174: {  	p1 =	sne.s32 s4, $0x1;
	s4 =	sadd.s32 $0xFFFFFFFF, s4;
	[sflag:s31] =	ssyncadd.s32 $0xFFFFFF80  }
.Ltmp15:
0x175: {  	(pc) =	sbr.rel @p1 .LBB2_32-.Ltmp15, $3  }
0x176: {  	_ =	sdelay $0x1  }
0x177: {  	_ =	swait.ge [sflag:s31], $0x80  }
0x178: {  	[sflag:s31] =	ssyncset.done $0x0  }
0x179: {  	[sflag:s31] =	ssyncadd.s32 $0xFFFFFF80;
	s4 =	sshrl.u32 @!p0 s2, $0x3;
	s5 =	simm.s32 @!p0 $0x1  }
0x17a: {  	s6 =	simm.s32 @!p0 $0x20;
	s7 =	simm.s32 @!p0 $0x10;
	s3 =	sadd.s32 $0x1, s3  }
0x17b: {  	s8 =	simm.s32 @!p0 $0x1C05;
	[bflag:$0x0] =	sbarrier.arrive $0xFFFF;
	p1 =	sne.s32 s3, s19  }
0x17c: {  	[hbm:s18@s6], [sflag:s8] =	dma.strided @!p0 [spmem:s4@s7], $0x1900, s5, $0x10   }
.Ltmp16:
0x17d: {  	_ = 	snop;
	(pc) =	sbr.rel @p1 .LBB2_1-.Ltmp16, $4  }
0x17e: {  	s4 =	simm.s32 @!p0 $0x5  }
0x17f: {  	_ =	swait.ge @!p0 [sflag:s4], $0x1900  }
0x180: {  	[sflag:s4] =	ssyncset.done @!p0 $0x0  }
0x181: {  	[sflag:s4] =	ssyncadd.s32 @!p0 $0xFFFFE700  }
0x182: {  	_ =	sfence.sel $0x180000  }
0x183: {  	[bflag:$0x0] =	sbarrier.arrive $0xFFFF  }
0x184: {  	_ =	strace $0x9000004A  }
0x185: {  	[bflag:$0x2] =	sbarrier.arrive $0xFFFF  }
0x186: {  	s0 =	rddreg [dreg:$0x3]  }
0x187: {  	s0 =	sadd.s32 @!p0 $0x100000, s0  }
0x188: {  	[sflag:s0] =	ssyncadd.tile.s32 @!p0 $0x1;
	_ =	shalt  }
.Lfunc_end2:
_tile_overlayer_lowered:
.L_overlay_start_2:
0x189: {  	(tag) =	ssettag $0x2  }
0x18a: {  	s0 =	rddreg [dreg:$0x0];
	s2 =	stileid.u32  }
0x18b: {  	s1 =	rddreg [dreg:$0x1];
	p0 =	sne.s32 s2, $0x0  }
0x18c: {  	s3 =	rddreg [dreg:$0x2];
	[bflag:$0x3] =	sbarrier.arrive $0xFFFF;
	s2 =	simm.s32 @!p0 $0x1C05  }
0x18d: {  	[timem:s3], [sflag:s2] =	dma.local @!p0 [hbm:s0], s1  }
0x18e: {  	s0 =	simm.s32 @!p0 $0x5  }
0x18f: {  	_ =	swait.ge @!p0 [sflag:s0], s1  }
0x190: {  	s1 =	ssub.s32 @!p0 $0x0, s1;
	[sflag:s0] =	ssyncset.done @!p0 $0x0  }
0x191: {  	[sflag:s0] =	ssyncadd.s32 @!p0 s1  }
0x192: {  	[bflag:$0x3] =	sbarrier.arrive $0xFFFF  }
0x193: {  	_ =	shalt  }

// kernel: kernel.13.cloned.1.call-start
scs
__scs_entry_jumppad:
0x0: {  	(pc) =	sbr.rel $0x88, $3  }
0x1: {  	(tag) =	ssettag $0x0;
	lr =	simm.s32 $0x1  }
0x2: {  	[smem:$0x3F97] =	sst lr;
	_ =	strace $0xD0000000  }
0x3: {  	_ = 	snop  }
0x4: {  	_ = 	snop  }
0x5: {  	_ = 	snop  }
0x6: {  	_ = 	snop  }
0x7: {  	_ = 	snop  }
__scs_overlays_trampoline_lowered:
0x8: {  	[smem:$0x3FA6] =	sst s0  }
0x9: {  	[smem:$0x3FA7] =	sst s1  }
0xa: {  	[smem:$0x3FA8] =	sst s2  }
0xb: {  	[smem:$0x3FA9] =	sst s3  }
0xc: {  	[smem:$0x3FAA] =	sst s4  }
0xd: {  	[smem:$0x3FAB] =	sst s5  }
0xe: {  	[smem:$0x3FAC] =	sst s6  }
0xf: {  	[smem:$0x3FAD] =	sst s7  }
0x10: {  	[smem:$0x3FAE] =	sst s8  }
0x11: {  	[smem:$0x3FAF] =	sst s9;
	s0 =	simm.s32 @!p0 $0x0  }
0x12: {  	s1 =	sld [smem:$0x3F95];
	s0 =	simm.s32 @p0 $0x1  }
0x13: {  	[smem:$0x3FB0] =	sst s0;
	s0 =	simm.s32 @!p1 $0x0  }
0x14: {  	s2 =	sld [smem:$0x3F94];
	s0 =	simm.s32 @p1 $0x1  }
0x15: {  	[smem:$0x3FB1] =	sst s0;
	s0 =	simm.s32 @!p2 $0x0  }
0x16: {  	s3 =	sld [smem:$0x3FDB];
	s0 =	simm.s32 @p2 $0x1  }
0x17: {  	s4 =	simm.s32 $0x1BF5;
	[smem:$0x3FB3] =	sst s0  }
0x18: {  	s0 =	sld [smem:$0x3F96];
	_ =	swait.ge [sflag:s4], $0x0  }
0x19: {  	s7 =	sld [smem:$0x3F97]  }
0x1a: {  	s8 =	sadd.s32 $0xFFFFE003, lr  }
0x1b: {  	s9 =	sadd.s32 $0xFFFFFEF7, lr;
	s5 =	simm.s32 $0xFFFFFFFF;
	p2 =	slt.u32 s8, $0xFFFFF086  }
0x1c: {  	p1 =	slt.u32 s9, $0xF7A;
	s5 =	simm.s32 @!p2 $0x0  }
0x1d: {  	s5 =	simm.s32 @p1 $0x1;
	p0 =	seq.s32 s7, s2  }
0x1e: {  	s7 =	smul.u32 @!p0 $0xF7A, s2;
	p2 =	seq.s32 @!p0 s5, $0x0  }
0x1f: {  	s9 =	smul.u32 $0xF7A, s1;
	s8 =	simm.s32 @!p0 $0x1BF5;
	p2 =	por !p2, p0  }
0x20: {  	[sflag:s8] =	ssyncset.s32 @!p0 $0xFFFFF086;
	s6 =	sadd.s32 @!p0 s3, s7;
	s7 =	simm.s32 @!p0 $0x108  }
0x21: {  	s3 =	sadd.s32 s3, s9;
	s6 =	sadd.s32 @!p0 $0x88, s6;
	s7 =	simm.s32 @p2 $0x1082  }
0x22: {  	[simem:s7], [sflag:s8] =	dma.local @!p0 [hbm:s6], $0xF7A  }
0x23: {  	s9 =	sor.u32 $0xD0000000, s2;
	s6 =	simm.s32 $0x108;
	_ =	swait.ge @!p0 [sflag:s8], $0x0  }
0x24: {  	s3 =	sadd.s32 $0x88, s3;
	s6 =	simm.s32 @!p1 $0x1082;
	[sflag:s4] =	ssyncset.s32 $0xFFFFF086  }
0x25: {  	[simem:s6], [sflag:s4] =	dma.local [hbm:s3], $0xF7A  }
0x26: {  	[smem:$0x3F97] =	sst s1;
	(tag) =	ssettag s2;
	_ =	strace s9  }
0x27: {  	s1 =	sld [smem:$0x3FA7]  }
0x28: {  	s2 =	sld [smem:$0x3FA8]  }
0x29: {  	s4 =	sld [smem:$0x3FAA]  }
0x2a: {  	p0 =	seq.s32 s5, $0x0;
	s5 =	sld [smem:$0x3FAB]  }
0x2b: {  	s6 =	sld [smem:$0x3FAC]  }
0x2c: {  	s7 =	sld [smem:$0x3FAD]  }
0x2d: {  	s3 =	simm.s32 $0x108;
	s8 =	sld [smem:$0x3FAE]  }
0x2e: {  	s3 =	simm.s32 @!p0 $0x1082;
	s9 =	sld [smem:$0x3FAF]  }
0x2f: {  	lr =	sadd.s32 s0, s3;
	s0 =	sld [smem:$0x3FA6]  }
0x30: {  	s3 =	sld [smem:$0x3FA9]  }
0x31: {  	[smem:$0x3FB2] =	sst s10  }
0x32: {  	s10 =	sld [smem:$0x3FB0];
	_ =	sdelay $0x3  }
0x33: {  	p0 =	seq.s32 s10, $0x1;
	s10 =	sld [smem:$0x3FB2];
	_ =	sdelay $0x3  }
0x34: {  	[smem:$0x3FB2] =	sst s10  }
0x35: {  	s10 =	sld [smem:$0x3FB1];
	_ =	sdelay $0x3  }
0x36: {  	p1 =	seq.s32 s10, $0x1;
	s10 =	sld [smem:$0x3FB2];
	_ =	sdelay $0x3  }
0x37: {  	[smem:$0x3FB2] =	sst s10  }
0x38: {  	s10 =	sld [smem:$0x3FB3]  }
0x39: {  	_ = 	snop;
	(pc) =	sbr.ind lr, $3  }
0x3a: {  	_ = 	snop  }
0x3b: {  	_ = 	snop  }
0x3c: {  	p2 =	seq.s32 s10, $0x1;
	s10 =	sld [smem:$0x3FB2]  }
0x3d: {  	_ =	shalt  }
0x3e: {  	_ =	shalt  }
0x3f: {  	_ =	shalt  }
0x40: {  	_ =	shalt  }
0x41: {  	_ =	shalt  }
0x42: {  	_ =	shalt  }
0x43: {  	_ =	shalt  }
0x44: {  	_ =	shalt  }
0x45: {  	_ =	shalt  }
0x46: {  	_ =	shalt  }
0x47: {  	_ =	shalt  }
0x48: {  	_ =	shalt  }
0x49: {  	_ =	shalt  }
0x4a: {  	_ =	shalt  }
0x4b: {  	_ =	shalt  }
0x4c: {  	_ =	shalt  }
0x4d: {  	_ =	shalt  }
0x4e: {  	_ =	shalt  }
0x4f: {  	_ =	shalt  }
0x50: {  	_ =	shalt  }
0x51: {  	_ =	shalt  }
0x52: {  	_ =	shalt  }
0x53: {  	_ =	shalt  }
0x54: {  	_ =	shalt  }
0x55: {  	_ =	shalt  }
0x56: {  	_ =	shalt  }
0x57: {  	_ =	shalt  }
0x58: {  	_ =	shalt  }
0x59: {  	_ =	shalt  }
0x5a: {  	_ =	shalt  }
0x5b: {  	_ =	shalt  }
0x5c: {  	_ =	shalt  }
0x5d: {  	_ =	shalt  }
0x5e: {  	_ =	shalt  }
0x5f: {  	_ =	shalt  }
0x60: {  	_ =	shalt  }
0x61: {  	_ =	shalt  }
0x62: {  	_ =	shalt  }
0x63: {  	_ =	shalt  }
0x64: {  	_ =	shalt  }
0x65: {  	_ =	shalt  }
0x66: {  	_ =	shalt  }
0x67: {  	_ =	shalt  }
0x68: {  	_ =	shalt  }
0x69: {  	_ =	shalt  }
0x6a: {  	_ =	shalt  }
0x6b: {  	_ =	shalt  }
0x6c: {  	_ =	shalt  }
0x6d: {  	_ =	shalt  }
0x6e: {  	_ =	shalt  }
0x6f: {  	_ =	shalt  }
0x70: {  	_ =	shalt  }
0x71: {  	_ =	shalt  }
0x72: {  	_ =	shalt  }
0x73: {  	_ =	shalt  }
0x74: {  	_ =	shalt  }
0x75: {  	_ =	shalt  }
0x76: {  	_ =	shalt  }
0x77: {  	_ =	shalt  }
0x78: {  	_ =	shalt  }
0x79: {  	_ =	shalt  }
0x7a: {  	_ =	shalt  }
0x7b: {  	_ =	shalt  }
0x7c: {  	_ =	shalt  }
0x7d: {  	_ =	shalt  }
0x7e: {  	_ =	shalt  }
0x7f: {  	_ =	shalt  }
0x80: {  	_ =	shalt  }
0x81: {  	_ =	shalt  }
0x82: {  	_ =	shalt  }
0x83: {  	_ =	shalt  }
0x84: {  	_ =	shalt  }
0x85: {  	_ =	shalt  }
0x86: {  	_ =	shalt  }
0x87: {  	_ =	shalt  }
.Lfunc_end0:
.L_simem_size_0:
called_computation.2_lowered:
.L_overlay_start_0:
0x88: {  	s2 =	sld [smem:$0x3FD9]  }
0x89: {  	s3 =	sld [smem:$0x3FFE];
	_ =	sdelay $0x1  }
0x8a: {  	s1 =	srdreg.scid  }
0x8b: {  	s0 =	sand.u32 $0x1, s1  }
0x8c: {  	s16 =	sshll.u32 s0, $0xA;
	s2 =	sadd.s32 s3, s2  }
0x8d: {  	s2 =	sadd.s32 s2, s16  }
0x8e: {  	[smem:$0x3FBE] =	sst s2  }
0x8f: {  	_ = 	snop  }
0x90: {  	(tm) =	ssettm $0x1  }
0x91: {  	s17 =	sld [smem:$0x3FFB];
	_ =	sdelay $0x3  }
0x92: {  	_ =	strace s17  }
0x93: {  	s2 =	sld [smem:$0x3FFC];
	_ =	sdelay $0x3  }
0x94: {  	_ =	strace s2  }
0x95: {  	s2 =	sld [smem:$0x3FFD];
	_ =	sdelay $0x3  }
0x96: {  	_ =	strace s2  }
0x97: {  	_ =	strace $0x8FFFFFFF  }
0x98: {  	s18 =	sld [smem:$0x3FDB];
	_ =	sdelay $0x1  }
0x99: {  	s19 =	simm.s32 $_scs_section_size  }
0x9a: {  	s4 =	simm.s32 $_size__tile_overlayer_lowered;
	s5 =	simm.s32 $_tile_overlayer_lowered  }
0x9b: {  	s22 =	simm.s32 $0x1BFF;
	s21 =	sshll.u32 s5, $0x1;
	s2 =	sadd.s32 s19, s18  }
0x9c: {  	s6 =	simm.s32 $0x0;
	s20 =	sshll.u32 s4, $0x1;
	s4 =	sadd.s32 s21, s2  }
0x9d: {  	[timem:s6], [sflag:s22] =	dma.local [hbm:s4], s20  }
0x9e: {  	_ =	swait.ge [sflag:s22], s20  }
0x9f: {  	s3 =	ssub.s32 $0x0, s20;
	[sflag:s22] =	ssyncset.done $0x0  }
0xa0: {  	[sflag:s22] =	ssyncadd.s32 s3;
	_ =	sdelay $0x1  }
0xa1: {  	s23 =	simm.s32 $0x1B8B  }
0xa2: {  	_ =	swait.ge [sflag:s23], $0x1  }
0xa3: {  	[sflag:s23] =	ssyncset.done $0x0  }
0xa4: {  	s25 =	simm.s32 $0x1B8E;
	s24 =	sld [smem:$0x3FFE];
	[sflag:s23] =	ssyncadd.s32 $0xFFFFFFFF  }
0xa5: {  	s26 =	simm.s32 $execute0_lowered;
	[smem:$0x3FD2] =	sst s25  }
0xa6: {  	s4 =	sshll.u32 s26, $0x1;
	_ =	strace $0x8000004C;
	[dreg:$0x1] =	wrdreg $0xFFFFFFFF  }
0xa7: {  	s28 =	simm.s32 $_size_execute0_lowered;
	s2 =	sadd.s32 s2, s4;
	[dreg:$0x0] =	wrdreg $0x0  }
0xa8: {  	s4 =	sshll.u32 s28, $0x1;
	[dreg:$0x2] =	wrdreg s2  }
0xa9: {  	[dreg:$0x3] =	wrdreg s4  }
0xaa: {  	[dreg:$0x4] =	wrdreg $0xC0  }
0xab: {  	_ =	task [dreg:s6], $0x5FFFF  }
0xac: {  	[dreg:$0x1] =	wrdreg $0xFFFFFFFF  }
0xad: {  	[dreg:$0x0] =	wrdreg $0x60  }
0xae: {  	[dreg:$0x2] =	wrdreg s24  }
0xaf: {  	[dreg:$0x3] =	wrdreg $0x18B000  }
0xb0: {  	[dreg:$0x4] =	wrdreg $0x197800  }
0xb1: {  	[dreg:$0x5] =	wrdreg $0x9  }
0xb2: {  	_ =	task.clear_ibuf [dreg:s6], $0x6FFFF;
	_ =	strace $0x9000004C  }
0xb3: {  	s29 =	simm.s32 $0x9;
	_ =	strace $0x8000004E  }
0xb4: {  	_ =	swait.ge [sflag:s29], $0x1  }
0xb5: {  	[sflag:s29] =	ssyncadd.s32 $0xFFFFFFFF  }
0xb6: {  	_ =	strace $0x9000004E  }
0xb7: {  	_ =	sfence  }
0xb8: {  	s30 =	sld [smem:$0x0];
	_ =	sdelay $0x2  }
0xb9: {  	s31 =	sshll.u32 s1, $0xD;
	s1 =	sshrl.u32 s1, $0x2  }
0xba: {  	s3 =	sand.u32 $0x4000, s31;
	s1 =	sadd.s32 s1, s30  }
0xbb: {  	s0 =	sor.u32 s3, s0;
	s1 =	sshll.u32 s1, $0x11  }
0xbc: {  	s0 =	sor.u32 s1, s0  }
0xbd: {  	s0 =	sadd.s32 $0x8F2B, s0  }
0xbe: {  	[sflag:s0] =	ssyncadd.remote.s32 $0x1  }
0xbf: {  	_ =	sfence.sel $0xFFFF  }
0xc0: {  	[dreg:$0x0] =	wrdreg $0xFFFFFFFF;
	(pc) =	sbr.abs _section_cstart, $3  }
0xc1: {  	[dreg:$0x1] =	wrdreg $0xFFFFFFFF  }
0xc2: {  	_ =	task.clear_ibuf [dreg:s6], $0x2FFFF;
	_ =	strace $0x9FFFFFFF  }
0xc3: {  	(tm) =	ssettm $0x7FFFFFFF  }
tec
execute0_lowered:
.L_overlay_start_1:
0x0: {  	(tag) =	ssettag $0x1  }
0x1: {  	s0 =	rddreg [dreg:$0x0]  }
0x2: {  	s22 =	rddreg [dreg:$0x1]  }
0x3: {  	s1 =	rddreg [dreg:$0x2];
	s2 =	simm.s32 $0x0  }
0x4: {  	s4 =	srdreg.scid;
	s6 =	stileid.u32;
	s28 =	simm.s32 $0x100  }
0x5: {  	s29 =	simm.s32 $0xF000;
	s30 =	simm.s32 $0x5;
	s31 =	simm.s32 $0xFC80  }
0x6: {  	[smem:$0x7FF] =	sst s2;
	s3 =	sadd.s32 $0x3E00, s0;
	s5 =	sadd.s32 $0x1CE00, s0  }
0x7: {  	s4 =	sand.u32 $0x1, s4;
	s7 =	sadd.s32 $0x35E00, s0;
	s9 =	smul.u32 $0xC80, s6  }
0x8: {  	s10 =	sadd.s32 $0x39000, s0;
	s11 =	sadd.s32 $0x3C200, s0;
	s15 =	smul.u32 $0x320, s6  }
0x9: {  	p0 =	sne.s32 s6, $0x0;
	s8 =	sshll.u32 s4, $0x4;
	s14 =	ssub.s32 $0x2, s4  }
0xa: {  	p1 =	sne.s32 s4, $0x0;
	s4 =	simm.s32 $0x17700;
	s12 =	sadd.s32 s8, s0  }
0xb: {  	s13 =	sshrl.u32 s9, $0x3;
	s24 =	sshrl.u32 s14, $0x1;
	s8 =	sor.u32 s6, s8  }
0xc: {  	s25 =	sor.u32 $0x10, s15;
	s16 =	sadd.s32 s10, s15;
	s26 =	sadd.s32 s7, s15  }
0xd: {  	s22 =	sadd.s32 s9, s22;
	s6 =	simm.s32 $0x3;
	[dreg:$0x4] =	wrdreg s16  }
0xe: {  	s0 =	sadd.s32 s13, s0;
	s10 =	sadd.s32 s10, s25;
	[dreg:$0x6] =	wrdreg s26  }
0xf: {  	s8 =	smul.u32 $0x6400, s8;
	s7 =	sadd.s32 s7, s25;
	[dreg:$0x5] =	wrdreg s10  }
0x10: {  	s14 =	ssub.s32 s14, s24;
	s16 =	sadd.s32 s11, s15;
	[dreg:$0x7] =	wrdreg s7  }
0x11: {  	s18 =	sadd.s32 s11, s25;
	[dreg:$0x8] =	wrdreg s16;
	s17 =	sshrl.u32 s8, $0x3  }
0x12: {  	[dreg:$0x9] =	wrdreg s18;
	s19 =	sadd.s32 s3, s17;
	s20 =	sadd.s32 $0x280, s17  }
0x13: {  	s21 =	sadd.s32 s5, s17;
	s24 =	sadd.s32 $0x500, s17;
	[dreg:$0xa] =	wrdreg s19  }
0x14: {  	s26 =	sadd.s32 $0x780, s17;
	s7 =	sadd.s32 $0xA00, s17;
	[dreg:$0xb] =	wrdreg s21  }
0x15: {  	s23 =	sadd.s32 s3, s20;
	s8 =	sadd.s32 s5, s20;
	s25 =	sadd.s32 s3, s24  }
0x16: {  	s15 =	sadd.s32 s5, s24;
	s16 =	sadd.s32 s3, s26;
	s17 =	sadd.s32 s5, s26  }
0x17: {  	s18 =	sadd.s32 s3, s7;
	s19 =	sadd.s32 s5, s7;
	s20 =	sadd.s32 $0x42600, s0  }
0x18: {  	s21 =	sadd.s32 $0x44000, s0;
	s24 =	sadd.s32 $0x3F400, s12;
	s26 =	simm.s32 $0x80  }
0x19: {  	s0 =	simm.s32 $0x14F00;
	s3 =	simm.s32 $0x16300;
	[dreg:$0xc] =	wrdreg s23  }
0x1a: {  	s5 =	simm.s32 $0x1;
	s7 =	simm.s32 $0x2;
	[dreg:$0xd] =	wrdreg s8  }
0x1b: {  	[dreg:$0xe] =	wrdreg s25;
	s23 =	sadd.s32 s9, s1;
	s25 =	smax.u32 s14, $0x1  }
0x1c: {  	v0 =	vimm.f32 $0.0e+00;
	s14 =	simm.s32 $0x13B00;
	s8 =	simm.s32 $0x4;
	_ =	strace $0x8000004D  }
.LBB2_1:
0x1d: {  	s9 =	rddreg [dreg:$0x4]  }
0x1e: {  	[tilespmem:s29], [sflag:$0x5] =	stream.strided.gather [hbm4b:s9+s26], $0xC80, s28, s26, $0x38;
	[tilespmem:$0x1A400] =	vst v63  }
0x1f: {  	_ =	swait.ge [sflag:s30], $0xC80  }
0x20: {  	[sflag:s30] =	ssyncset.done $0x0  }
0x21: {  	s10 =	rddreg [dreg:$0x5];
	[sflag:s30] =	ssyncadd.s32 $0xFFFFF380  }
0x22: {  	[tilespmem:s31], [sflag:$0x5] =	stream.strided.gather [hbm4b:s10+s26], $0xC80, s28, s26, $0x38;
	[tilespmem:$0x1A400] =	vst v63  }
0x23: {  	_ =	swait.ge [sflag:s30], $0xC80  }
0x24: {  	[sflag:s30] =	ssyncset.done $0x0  }
0x25: {  	s10 =	simm.s32 $0x10900;
	s11 =	rddreg [dreg:$0x6];
	[sflag:s30] =	ssyncadd.s32 $0xFFFFF380  }
0x26: {  	[tilespmem:s10], [sflag:$0x5] =	stream.strided.gather [hbm4b:s11+s26], $0xC80, s28, s26, $0x38;
	[tilespmem:$0x1A400] =	vst v63  }
0x27: {  	_ =	swait.ge [sflag:s30], $0xC80  }
0x28: {  	[sflag:s30] =	ssyncset.done $0x0  }
0x29: {  	s13 =	simm.s32 $0x11580;
	s12 =	rddreg [dreg:$0x7];
	[sflag:s30] =	ssyncadd.s32 $0xFFFFF380  }
0x2a: {  	[tilespmem:s13], [sflag:$0x5] =	stream.strided.gather [hbm4b:s12+s26], $0xC80, s28, s26, $0x38;
	[tilespmem:$0x1A400] =	vst v63  }
0x2b: {  	_ =	swait.ge [sflag:s30], $0xC80  }
0x2c: {  	[sflag:s30] =	ssyncset.done $0x0  }
0x2d: {  	s11 =	simm.s32 $0x12200;
	s10 =	rddreg [dreg:$0x8];
	[sflag:s30] =	ssyncadd.s32 $0xFFFFF380  }
0x2e: {  	[tilespmem:s11], [sflag:$0x5] =	stream.strided.gather [hbm4b:s10+s26], $0xC80, s28, s26, $0x38;
	[tilespmem:$0x1A400] =	vst v63  }
0x2f: {  	_ =	swait.ge [sflag:s30], $0xC80  }
0x30: {  	[sflag:s30] =	ssyncset.done $0x0  }
0x31: {  	s13 =	simm.s32 $0x12E80;
	s12 =	rddreg [dreg:$0x9];
	[sflag:s30] =	ssyncadd.s32 $0xFFFFF380  }
0x32: {  	[tilespmem:s13], [sflag:$0x5] =	stream.strided.gather [hbm4b:s12+s26], $0xC80, s28, s26, $0x38;
	[tilespmem:$0x1A400] =	vst v63  }
0x33: {  	_ =	swait.ge [sflag:s30], $0xC80  }
0x34: {  	[sflag:s30] =	ssyncset.done $0x0  }
0x35: {  	s9 =	simm.s32 $0x0;
	[sflag:s30] =	ssyncadd.s32 $0xFFFFF380  }
0x36: {  	v1 =	vld [tilespmem:s9+$0x10900]  }
0x37: {  	v2 =	vld [tilespmem:s9+$0x11580]  }
0x38: {  	v3 =	vld [tilespmem:s9+$0xFC80]  }
0x39: {  	v4 =	vld [tilespmem:s9+$0xF000];
	_ =	sdelay $0x2  }
0x3a: {  	v1 =	vadd.f32 v2, v1;
	_ =	sdelay $0x1  }
0x3b: {  	v2 =	vadd.f32 v3, v4;
	v1 =	vmax.f32 v1, $1.000000000e+00  }
0x3c: {  	v3 =	vshra.s32 v1, $0x1;
	v1 =	vmul.f32 $5.000000000e-01, v1  }
0x3d: {  	v2 =	vmax.f32 v2, $1.000000000e+00;
	v3 =	vsub.s32 $0x5F3759DF, v3  }
0x3e: {  	v61 =	vshra.s32 v2, $0x1;
	v2 =	vmul.f32 $5.000000000e-01, v2;
	v5 =	vmul.f32 v3, v1  }
0x3f: {  	v4 =	vsub.s32 $0x5F3759DF, v61  }
0x40: {  	v6 =	vmul.f32 v4, v2;
	v5 =	vmul.f32 v3, v5;
	_ =	sdelay $0x1  }
0x41: {  	v6 =	vmul.f32 v4, v6;
	v5 =	vsub.f32 $1.500000000e+00, v5;
	_ =	sdelay $0x1  }
0x42: {  	v6 =	vsub.f32 $1.500000000e+00, v6;
	v3 =	vmul.f32 v3, v5;
	_ =	sdelay $0x1  }
0x43: {  	v4 =	vmul.f32 v4, v6;
	v5 =	vmul.f32 v3, v1;
	_ =	sdelay $0x1  }
0x44: {  	v6 =	vmul.f32 v4, v2;
	v5 =	vmul.f32 v5, v3;
	_ =	sdelay $0x1  }
0x45: {  	v6 =	vmul.f32 v6, v4;
	v5 =	vsub.f32 $1.500000000e+00, v5;
	_ =	sdelay $0x1  }
0x46: {  	v6 =	vsub.f32 $1.500000000e+00, v6;
	v3 =	vmul.f32 v5, v3;
	_ =	sdelay $0x1  }
0x47: {  	v4 =	vmul.f32 v6, v4;
	v5 =	vmul.f32 v3, v1;
	_ =	sdelay $0x1  }
0x48: {  	v6 =	vmul.f32 v4, v2;
	v5 =	vmul.f32 v5, v3;
	_ =	sdelay $0x1  }
0x49: {  	v6 =	vmul.f32 v6, v4;
	v5 =	vsub.f32 $1.500000000e+00, v5;
	_ =	sdelay $0x1  }
0x4a: {  	v6 =	vsub.f32 $1.500000000e+00, v6;
	v3 =	vmul.f32 v5, v3;
	_ =	sdelay $0x1  }
0x4b: {  	v62 =	vld [tilespmem:s9+$0x12E80];
	v4 =	vmul.f32 v6, v4;
	v1 =	vmul.f32 v3, v1  }
0x4c: {  	v63 =	vld [tilespmem:s9+$0x12200]  }
0x4d: {  	v2 =	vmul.f32 v4, v2;
	v1 =	vmul.f32 v1, v3;
	_ =	sdelay $0x1  }
0x4e: {  	v2 =	vmul.f32 v2, v4;
	v1 =	vsub.f32 $1.500000000e+00, v1;
	_ =	sdelay $0x1  }
0x4f: {  	v5 =	vadd.f32 v62, v63;
	v2 =	vsub.f32 $1.500000000e+00, v2;
	v1 =	vmul.f32 v1, v3;
	_ =	sdelay $0x1  }
0x50: {  	[tilespmem:s9+$0xFC80] =	vst v0;
	v2 =	vmul.f32 v2, v4;
	v3 =	vmul.f32 v1, v5  }
0x51: {  	s12 =	simm.s32 $0x10;
	[tilespmem:s9+$0x10900] =	vst v1  }
0x52: {  	s10 =	simm.s32 $0x80;
	v1 =	vld [tilespmem:s12+$0x10900];
	[tilespmem:s9+$0x12200] =	vst v3;
	v2 =	vmul.f32 v3, v2  }
.LBB2_2:
0x53: {  	p2 =	sne.s32 s10, $0x31C0;
	v3 =	vld [tilespmem:s12+$0x11580];
	s11 =	smov.u32 s10;
	s10 =	sadd.s32 $0x40, s10  }
0x54: {  	v4 =	vld [tilespmem:s12+$0xFC80];
	[tilespmem:s9+$0xF000] =	vst v2;
	s9 =	smov.u32 s12  }
0x55: {  	v2 =	vld [tilespmem:s9+$0xF000];
	[tilespmem:s9+$0xFC80] =	vst v0;
	_ =	sdelay $0x2  }
0x56: {  	v1 =	vadd.f32 v3, v1;
	_ =	sdelay $0x1  }
0x57: {  	v2 =	vadd.f32 v4, v2;
	v1 =	vmax.f32 v1, $1.000000000e+00  }
0x58: {  	v3 =	vshra.s32 v1, $0x1;
	v1 =	vmul.f32 $5.000000000e-01, v1  }
0x59: {  	v2 =	vmax.f32 v2, $1.000000000e+00;
	v3 =	vsub.s32 $0x5F3759DF, v3  }
0x5a: {  	v4 =	vshra.s32 v2, $0x1;
	v2 =	vmul.f32 $5.000000000e-01, v2;
	v5 =	vmul.f32 v3, v1  }
0x5b: {  	v4 =	vsub.s32 $0x5F3759DF, v4  }
0x5c: {  	v6 =	vmul.f32 v4, v2;
	v5 =	vmul.f32 v3, v5;
	_ =	sdelay $0x1  }
0x5d: {  	v6 =	vmul.f32 v4, v6;
	v5 =	vsub.f32 $1.500000000e+00, v5;
	_ =	sdelay $0x1  }
0x5e: {  	v6 =	vsub.f32 $1.500000000e+00, v6;
	v3 =	vmul.f32 v3, v5;
	_ =	sdelay $0x1  }
0x5f: {  	v4 =	vmul.f32 v4, v6;
	v5 =	vmul.f32 v3, v1;
	_ =	sdelay $0x1  }
0x60: {  	v6 =	vmul.f32 v4, v2;
	v5 =	vmul.f32 v5, v3;
	_ =	sdelay $0x1  }
0x61: {  	v6 =	vmul.f32 v6, v4;
	v5 =	vsub.f32 $1.500000000e+00, v5;
	_ =	sdelay $0x1  }
0x62: {  	v6 =	vsub.f32 $1.500000000e+00, v6;
	v3 =	vmul.f32 v5, v3;
	_ =	sdelay $0x1  }
0x63: {  	v4 =	vmul.f32 v6, v4;
	v5 =	vmul.f32 v3, v1;
	_ =	sdelay $0x1  }
0x64: {  	v6 =	vmul.f32 v4, v2;
	v5 =	vmul.f32 v5, v3;
	_ =	sdelay $0x1  }
0x65: {  	v6 =	vmul.f32 v6, v4;
	v5 =	vsub.f32 $1.500000000e+00, v5;
	_ =	sdelay $0x1  }
0x66: {  	v6 =	vsub.f32 $1.500000000e+00, v6;
	v3 =	vmul.f32 v5, v3  }
0x67: {  	v5 =	vld [tilespmem:s9+$0x12E80]  }
0x68: {  	v4 =	vmul.f32 v6, v4;
	v1 =	vmul.f32 v3, v1;
	v6 =	vld [tilespmem:s9+$0x12200];
	_ =	sdelay $0x1  }
0x69: {  	v2 =	vmul.f32 v4, v2;
	v1 =	vmul.f32 v1, v3;
	_ =	sdelay $0x1  }
0x6a: {  	v2 =	vmul.f32 v2, v4;
	v1 =	vsub.f32 $1.500000000e+00, v1  }
0x6b: {  	v5 =	vadd.f32 v5, v6  }
.Ltmp0:
0x6c: {  	v2 =	vsub.f32 $1.500000000e+00, v2;
	v1 =	vmul.f32 v1, v3;
	(pc) =	sbr.rel @p2 .LBB2_2-.Ltmp0, $4  }
0x6d: {  	_ = 	snop  }
0x6e: {  	v2 =	vmul.f32 v2, v4;
	v3 =	vmul.f32 v1, v5;
	[tilespmem:s9+$0x10900] =	vst v1  }
0x6f: {  	s12 =	sshra.s32 s11, $0x2  }
0x70: {  	v1 =	vld [tilespmem:s12+$0x10900];
	[tilespmem:s9+$0x12200] =	vst v3;
	v2 =	vmul.f32 v3, v2  }
0x71: {  	v3 =	vld [tilespmem:s12+$0x11580]  }
0x72: {  	v4 =	vld [tilespmem:s12+$0xFC80];
	[tilespmem:s9+$0xF000] =	vst v2  }
0x73: {  	v2 =	vld [tilespmem:s12+$0xF000];
	_ =	sdelay $0x2  }
0x74: {  	v1 =	vadd.f32 v3, v1;
	_ =	sdelay $0x1  }
0x75: {  	v2 =	vadd.f32 v4, v2;
	v1 =	vmax.f32 v1, $1.000000000e+00  }
0x76: {  	v3 =	vshra.s32 v1, $0x1;
	v1 =	vmul.f32 $5.000000000e-01, v1  }
0x77: {  	v2 =	vmax.f32 v2, $1.000000000e+00;
	v3 =	vsub.s32 $0x5F3759DF, v3  }
0x78: {  	v61 =	vshra.s32 v2, $0x1;
	v2 =	vmul.f32 $5.000000000e-01, v2;
	v5 =	vmul.f32 v3, v1  }
0x79: {  	v4 =	vsub.s32 $0x5F3759DF, v61  }
0x7a: {  	v6 =	vmul.f32 v4, v2;
	v5 =	vmul.f32 v3, v5;
	_ =	sdelay $0x1  }
0x7b: {  	v6 =	vmul.f32 v4, v6;
	v5 =	vsub.f32 $1.500000000e+00, v5;
	_ =	sdelay $0x1  }
0x7c: {  	v6 =	vsub.f32 $1.500000000e+00, v6;
	v3 =	vmul.f32 v3, v5;
	_ =	sdelay $0x1  }
0x7d: {  	v4 =	vmul.f32 v4, v6;
	v5 =	vmul.f32 v3, v1;
	_ =	sdelay $0x1  }
0x7e: {  	v6 =	vmul.f32 v4, v2;
	v5 =	vmul.f32 v5, v3;
	_ =	sdelay $0x1  }
0x7f: {  	v6 =	vmul.f32 v6, v4;
	v5 =	vsub.f32 $1.500000000e+00, v5;
	_ =	sdelay $0x1  }
0x80: {  	v6 =	vsub.f32 $1.500000000e+00, v6;
	v3 =	vmul.f32 v5, v3;
	_ =	sdelay $0x1  }
0x81: {  	v4 =	vmul.f32 v6, v4;
	v5 =	vmul.f32 v3, v1;
	_ =	sdelay $0x1  }
0x82: {  	v6 =	vmul.f32 v4, v2;
	v5 =	vmul.f32 v5, v3;
	_ =	sdelay $0x1  }
0x83: {  	v6 =	vmul.f32 v6, v4;
	v5 =	vsub.f32 $1.500000000e+00, v5;
	_ =	sdelay $0x1  }
0x84: {  	v6 =	vsub.f32 $1.500000000e+00, v6;
	v3 =	vmul.f32 v5, v3;
	_ =	sdelay $0x1  }
0x85: {  	v62 =	vld [tilespmem:s12+$0x12E80];
	v4 =	vmul.f32 v6, v4;
	v1 =	vmul.f32 v3, v1  }
0x86: {  	v63 =	vld [tilespmem:s12+$0x12200]  }
0x87: {  	v2 =	vmul.f32 v4, v2;
	v1 =	vmul.f32 v1, v3;
	_ =	sdelay $0x1  }
0x88: {  	v2 =	vmul.f32 v2, v4;
	v1 =	vsub.f32 $1.500000000e+00, v1;
	_ =	sdelay $0x1  }
0x89: {  	v5 =	vadd.f32 v62, v63;
	v2 =	vsub.f32 $1.500000000e+00, v2;
	v1 =	vmul.f32 v1, v3;
	_ =	sdelay $0x1  }
0x8a: {  	v2 =	vmul.f32 v2, v4;
	v3 =	vmul.f32 v1, v5  }
0x8b: {  	[tilespmem:s12+$0xFC80] =	vst v0  }
0x8c: {  	[tilespmem:s12+$0x10900] =	vst v1;
	v1 =	vmul.f32 v3, v2  }
0x8d: {  	[tilespmem:s12+$0x12200] =	vst v3  }
0x8e: {  	s10 =	simm.s32 @!p1 $0x10900;
	s9 =	simm.s32 @!p1 $0x0;
	[tilespmem:s12+$0xF000] =	vst v1  }
0x8f: {  	[hbm4b:s20+s9] =	stream.linear.scatter @!p1 [tilespmem:s10], [sflag:$0x5], $0xC80, $0x38;
	[tilespmem:$0x1A400] =	vst v63  }
0x90: {  	s10 =	simm.s32 @!p1 $0x5  }
0x91: {  	_ =	swait.ge @!p1 [sflag:s10], $0xC80  }
0x92: {  	[sflag:s10] =	ssyncset.done @!p1 $0x0  }
0x93: {  	s11 =	simm.s32 @!p1 $0x12200;
	[sflag:s10] =	ssyncadd.s32 @!p1 $0xFFFFF380  }
0x94: {  	[hbm4b:s21+s9] =	stream.linear.scatter @!p1 [tilespmem:s11], [sflag:$0x5], $0xC80, $0x38;
	[tilespmem:$0x1A400] =	vst v63  }
0x95: {  	_ =	swait.ge @!p1 [sflag:s10], $0xC80  }
0x96: {  	[sflag:s10] =	ssyncset.done @!p1 $0x0  }
0x97: {  	[sflag:s10] =	ssyncadd.s32 @!p1 $0xFFFFF380  }
0x98: {  	[spmem:s22] =	stream.linear.scatter [tilespmem:s29], [sflag:$0x5], $0xC80, $0x38;
	[tilespmem:$0x1A400] =	vst v63  }
0x99: {  	_ =	swait.ge [sflag:s30], $0xC80  }
0x9a: {  	[sflag:s30] =	ssyncset.done $0x0  }
0x9b: {  	[sflag:s30] =	ssyncadd.s32 $0xFFFFF380  }
0x9c: {  	[spmem:s23] =	stream.linear.scatter [tilespmem:s31], [sflag:$0x5], $0xC80, $0x38;
	[tilespmem:$0x1A400] =	vst v63  }
0x9d: {  	_ =	swait.ge [sflag:s30], $0xC80  }
0x9e: {  	[sflag:s30] =	ssyncset.done $0x0  }
0x9f: {  	[sflag:s30] =	ssyncadd.s32 $0xFFFFF380  }
0xa0: {  	[bflag:$0x0] =	sbarrier.arrive $0xFFFF  }
0xa1: {  	s9 =	simm.s32 $0x0;
	s12 =	rddreg [dreg:$0x1]  }
0xa2: {  	[tilespmem:s9], [sflag:$0x5] =	stream.linear.gather [spmem:s12], $0xC800, $0x38;
	[tilespmem:$0x1A400] =	vst v63  }
0xa3: {  	_ =	swait.ge [sflag:s30], $0xC800  }
0xa4: {  	[sflag:s30] =	ssyncset.done $0x0  }
0xa5: {  	s13 =	rddreg [dreg:$0xa];
	[sflag:s30] =	ssyncadd.s32 $0xFFFF3800  }
0xa6: {  	[tilespmem:s14], [sflag:$0x1] =	stream.linear.gather [hbm4b:s13+s9], $0x1400, $0x38;
	[tilespmem:$0x1A400] =	vst v63  }
0xa7: {  	s11 =	rddreg [dreg:$0xb]  }
0xa8: {  	[tilespmem:s0], [sflag:$0x1] =	stream.linear.gather [hbm4b:s11+s9], $0x1400, $0x38;
	[tilespmem:$0x1A400] =	vst v63  }
0xa9: {  	s12 =	rddreg [dreg:$0xc]  }
0xaa: {  	[tilespmem:s3], [sflag:$0x2] =	stream.linear.gather [hbm4b:s12+s9], $0x1400, $0x38;
	[tilespmem:$0x1A400] =	vst v63  }
0xab: {  	s13 =	rddreg [dreg:$0xd]  }
0xac: {  	[tilespmem:s4], [sflag:$0x2] =	stream.linear.gather [hbm4b:s13+s9], $0x1400, $0x38;
	[tilespmem:$0x1A400] =	vst v63  }
0xad: {  	_ =	swait.ge [sflag:s5], $0x1400  }
0xae: {  	[sflag:s5] =	ssyncset.done $0x0  }
0xaf: {  	[sflag:s5] =	ssyncadd.s32 $0xFFFFEC00  }
0xb0: {  	_ =	swait.ge [sflag:s5], $0x1400  }
0xb1: {  	[sflag:s5] =	ssyncset.done $0x0  }
0xb2: {  	s10 =	simm.s32 $0x0;
	[sflag:s5] =	ssyncadd.s32 $0xFFFFEC00  }
0xb3: {  	v1 =	vld [tilespmem:s10+$0x14F00];
	_ =	sdelay $0x5  }
0xb4: {  	v2 =	vld [tilespmem:s10+$0x14F10];
	_ =	sdelay $0x1  }
0xb5: {  	v1 =	vld.idx.msk [tilespmem:v1+s9+$0x0], $0xffff;
	_ =	sdelay $0x4  }
0xb6: {  	v3 =	vld [tilespmem:s10+$0x14F20];
	[tilespmem:s10+$0xC800] =	vst v1  }
0xb7: {  	v1 =	vld.idx.msk [tilespmem:v2+s9+$0x0], $0xffff;
	_ =	sdelay $0x4  }
0xb8: {  	[tilespmem:s10+$0xC810] =	vst v1;
	v1 =	vld [tilespmem:s10+$0x14F30];
	_ =	sdelay $0x1  }
0xb9: {  	v2 =	vld.idx.msk [tilespmem:v3+s9+$0x0], $0xffff;
	_ =	sdelay $0x3  }
0xba: {  	s11 =	simm.s32 $0x200;
	s12 =	simm.s32 $0x40  }
.LBB2_4:
0xbb: {  	p2 =	sne.s32 s11, $0x4F00;
	v3 =	vld [tilespmem:s12+$0x14F00];
	[tilespmem:s10+$0xC820] =	vst v2  }
0xbc: {  	v1 =	vld.idx.msk [tilespmem:v1+s9+$0x0], $0xffff;
	_ =	sdelay $0x5  }
0xbd: {  	v2 =	vld [tilespmem:s12+$0x14F10];
	[tilespmem:s10+$0xC830] =	vst v1;
	s10 =	smov.u32 s12  }
0xbe: {  	v1 =	vld.idx.msk [tilespmem:v3+s9+$0x0], $0xffff;
	_ =	sdelay $0x5  }
0xbf: {  	[tilespmem:s10+$0xC800] =	vst v1;
	v3 =	vld [tilespmem:s10+$0x14F20]  }
0xc0: {  	v1 =	vld.idx.msk [tilespmem:v2+s9+$0x0], $0xffff;
	_ =	sdelay $0x5  }
0xc1: {  	[tilespmem:s10+$0xC810] =	vst v1;
	v1 =	vld [tilespmem:s10+$0x14F30]  }
0xc2: {  	v2 =	vld.idx.msk [tilespmem:v3+s9+$0x0], $0xffff  }
.Ltmp1:
0xc3: {  	(pc) =	sbr.rel @p2 .LBB2_4-.Ltmp1, $2  }
0xc4: {  	_ =	sdelay $0x2  }
0xc5: {  	s12 =	sshra.s32 s11, $0x2;
	s11 =	sadd.s32 $0x100, s11  }
0xc6: {  	_ =	sdelay $0x1  }
0xc7: {  	v3 =	vld [tilespmem:s12+$0x14F00]  }
0xc8: {  	[tilespmem:s10+$0xC820] =	vst v2  }
0xc9: {  	v1 =	vld.idx.msk [tilespmem:v1+s9+$0x0], $0xffff;
	_ =	sdelay $0x3  }
0xca: {  	v2 =	vld [tilespmem:s12+$0x14F10]  }
0xcb: {  	[tilespmem:s10+$0xC830] =	vst v1  }
0xcc: {  	v1 =	vld.idx.msk [tilespmem:v3+s9+$0x0], $0xffff;
	_ =	sdelay $0x4  }
0xcd: {  	[tilespmem:s12+$0xC800] =	vst v1;
	v1 =	vld [tilespmem:s12+$0x14F20]  }
0xce: {  	v2 =	vld.idx.msk [tilespmem:v2+s9+$0x0], $0xffff;
	_ =	sdelay $0x4  }
0xcf: {  	[tilespmem:s12+$0xC810] =	vst v2;
	v2 =	vld [tilespmem:s12+$0x14F30];
	_ =	sdelay $0x1  }
0xd0: {  	v1 =	vld.idx.msk [tilespmem:v1+s9+$0x0], $0xffff;
	_ =	sdelay $0x4  }
0xd1: {  	[tilespmem:s12+$0xC820] =	vst v1  }
0xd2: {  	v1 =	vld.idx.msk [tilespmem:v2+s9+$0x0], $0xffff;
	_ =	sdelay $0x4  }
0xd3: {  	[tilespmem:s12+$0xC830] =	vst v1  }
.LBB2_6:
0xd4: {  	p2 =	sne.s32 s9, $0x4E00  }
.Ltmp2:
0xd5: {  	_ = 	snop;
	(pc) =	sbr.rel @p2 .LBB2_6-.Ltmp2, $4  }
0xd6: {  	_ = 	snop  }
0xd7: {  	s10 =	sshra.s32 s9, $0x2  }
0xd8: {  	s9 =	sadd.s32 $0x200, s9;
	s11 =	sadd.s32 $0xC800, s10;
	s10 =	sadd.s32 $0x13B00, s10  }
0xd9: {  	[spmem:s1] =	stream.indirect.scatter.add.f32 [tilespmem:s11], [sflag:$0x3], $0x1, s10, s26, $0xb8;
	[tilespmem:$0x1A400] =	vst v63  }
0xda: {  	_ =	swait.ge [sflag:s6], $0x80  }
0xdb: {  	s9 =	simm.s32 $0x27;
	[sflag:s6] =	ssyncset.done $0x0  }
.LBB2_8:
0xdc: {  	p2 =	sne.s32 s9, $0x1;
	s9 =	sadd.s32 $0xFFFFFFFF, s9;
	[sflag:s6] =	ssyncadd.s32 $0xFFFFFF80  }
.Ltmp3:
0xdd: {  	(pc) =	sbr.rel @p2 .LBB2_8-.Ltmp3, $3  }
0xde: {  	_ =	sdelay $0x1  }
0xdf: {  	_ =	swait.ge [sflag:s6], $0x80  }
0xe0: {  	[sflag:s6] =	ssyncset.done $0x0  }
0xe1: {  	[sflag:s6] =	ssyncadd.s32 $0xFFFFFF80;
	s9 =	simm.s32 $0x0;
	s10 =	rddreg [dreg:$0xe]  }
0xe2: {  	[tilespmem:s14], [sflag:$0x1] =	stream.linear.gather [hbm4b:s10+s9], $0x1400, $0x38;
	[tilespmem:$0x1A400] =	vst v63  }
0xe3: {  	_ = 	snop  }
0xe4: {  	[tilespmem:s0], [sflag:$0x1] =	stream.linear.gather [hbm4b:s15+s9], $0x1400, $0x38;
	[tilespmem:$0x1A400] =	vst v63  }
0xe5: {  	_ =	swait.ge [sflag:s7], $0x1400  }
0xe6: {  	[sflag:s7] =	ssyncset.done $0x0  }
0xe7: {  	[sflag:s7] =	ssyncadd.s32 $0xFFFFEC00  }
0xe8: {  	_ =	swait.ge [sflag:s7], $0x1400  }
0xe9: {  	[sflag:s7] =	ssyncset.done $0x0  }
0xea: {  	s10 =	simm.s32 $0x0;
	[sflag:s7] =	ssyncadd.s32 $0xFFFFEC00  }
0xeb: {  	v1 =	vld [tilespmem:s10+$0x17700];
	_ =	sdelay $0x5  }
0xec: {  	v2 =	vld [tilespmem:s10+$0x17710];
	_ =	sdelay $0x1  }
0xed: {  	v1 =	vld.idx.msk [tilespmem:v1+s9+$0x0], $0xffff;
	_ =	sdelay $0x4  }
0xee: {  	v3 =	vld [tilespmem:s10+$0x17720];
	[tilespmem:s10+$0xDC00] =	vst v1  }
0xef: {  	v1 =	vld.idx.msk [tilespmem:v2+s9+$0x0], $0xffff;
	_ =	sdelay $0x4  }
0xf0: {  	[tilespmem:s10+$0xDC10] =	vst v1;
	v1 =	vld [tilespmem:s10+$0x17730];
	_ =	sdelay $0x1  }
0xf1: {  	v2 =	vld.idx.msk [tilespmem:v3+s9+$0x0], $0xffff;
	_ =	sdelay $0x3  }
0xf2: {  	s12 =	simm.s32 $0x40;
	s11 =	simm.s32 $0x200  }
.LBB2_10:
0xf3: {  	p2 =	sne.s32 s11, $0x4F00;
	v3 =	vld [tilespmem:s12+$0x17700];
	[tilespmem:s10+$0xDC20] =	vst v2  }
0xf4: {  	v1 =	vld.idx.msk [tilespmem:v1+s9+$0x0], $0xffff;
	_ =	sdelay $0x5  }
0xf5: {  	v2 =	vld [tilespmem:s12+$0x17710];
	[tilespmem:s10+$0xDC30] =	vst v1;
	s10 =	smov.u32 s12  }
0xf6: {  	v1 =	vld.idx.msk [tilespmem:v3+s9+$0x0], $0xffff;
	_ =	sdelay $0x5  }
0xf7: {  	[tilespmem:s10+$0xDC00] =	vst v1;
	v3 =	vld [tilespmem:s10+$0x17720]  }
0xf8: {  	v1 =	vld.idx.msk [tilespmem:v2+s9+$0x0], $0xffff;
	_ =	sdelay $0x5  }
0xf9: {  	[tilespmem:s10+$0xDC10] =	vst v1;
	v1 =	vld [tilespmem:s10+$0x17730]  }
0xfa: {  	v2 =	vld.idx.msk [tilespmem:v3+s9+$0x0], $0xffff  }
.Ltmp4:
0xfb: {  	(pc) =	sbr.rel @p2 .LBB2_10-.Ltmp4, $2  }
0xfc: {  	_ =	sdelay $0x2  }
0xfd: {  	s12 =	sshra.s32 s11, $0x2;
	s11 =	sadd.s32 $0x100, s11  }
0xfe: {  	_ =	sdelay $0x1  }
0xff: {  	v3 =	vld [tilespmem:s12+$0x17700]  }
0x100: {  	[tilespmem:s10+$0xDC20] =	vst v2  }
0x101: {  	v1 =	vld.idx.msk [tilespmem:v1+s9+$0x0], $0xffff;
	_ =	sdelay $0x3  }
0x102: {  	v2 =	vld [tilespmem:s12+$0x17710]  }
0x103: {  	[tilespmem:s10+$0xDC30] =	vst v1  }
0x104: {  	v1 =	vld.idx.msk [tilespmem:v3+s9+$0x0], $0xffff;
	_ =	sdelay $0x4  }
0x105: {  	[tilespmem:s12+$0xDC00] =	vst v1;
	v1 =	vld [tilespmem:s12+$0x17720]  }
0x106: {  	v2 =	vld.idx.msk [tilespmem:v2+s9+$0x0], $0xffff;
	_ =	sdelay $0x4  }
0x107: {  	[tilespmem:s12+$0xDC10] =	vst v2;
	v2 =	vld [tilespmem:s12+$0x17730];
	_ =	sdelay $0x1  }
0x108: {  	v1 =	vld.idx.msk [tilespmem:v1+s9+$0x0], $0xffff;
	_ =	sdelay $0x4  }
0x109: {  	[tilespmem:s12+$0xDC20] =	vst v1  }
0x10a: {  	v1 =	vld.idx.msk [tilespmem:v2+s9+$0x0], $0xffff;
	_ =	sdelay $0x4  }
0x10b: {  	[tilespmem:s12+$0xDC30] =	vst v1  }
.LBB2_12:
0x10c: {  	p2 =	sne.s32 s9, $0x4E00  }
.Ltmp5:
0x10d: {  	_ = 	snop;
	(pc) =	sbr.rel @p2 .LBB2_12-.Ltmp5, $4  }
0x10e: {  	_ = 	snop  }
0x10f: {  	s10 =	sshra.s32 s9, $0x2  }
0x110: {  	s9 =	sadd.s32 $0x200, s9;
	s11 =	sadd.s32 $0xDC00, s10;
	s10 =	sadd.s32 $0x16300, s10  }
0x111: {  	[spmem:s1] =	stream.indirect.scatter.add.f32 [tilespmem:s11], [sflag:$0x4], $0x1, s10, s26, $0xb8;
	[tilespmem:$0x1A400] =	vst v63  }
0x112: {  	_ =	swait.ge [sflag:s8], $0x80  }
0x113: {  	s9 =	simm.s32 $0x27;
	[sflag:s8] =	ssyncset.done $0x0  }
.LBB2_14:
0x114: {  	p2 =	sne.s32 s9, $0x1;
	s9 =	sadd.s32 $0xFFFFFFFF, s9;
	[sflag:s8] =	ssyncadd.s32 $0xFFFFFF80  }
.Ltmp6:
0x115: {  	(pc) =	sbr.rel @p2 .LBB2_14-.Ltmp6, $3  }
0x116: {  	_ =	sdelay $0x1  }
0x117: {  	_ =	swait.ge [sflag:s8], $0x80  }
0x118: {  	[sflag:s8] =	ssyncset.done $0x0  }
0x119: {  	[sflag:s8] =	ssyncadd.s32 $0xFFFFFF80;
	s9 =	simm.s32 $0x0  }
0x11a: {  	[tilespmem:s3], [sflag:$0x2] =	stream.linear.gather [hbm4b:s16+s9], $0x1400, $0x38;
	[tilespmem:$0x1A400] =	vst v63  }
0x11b: {  	_ = 	snop  }
0x11c: {  	[tilespmem:s4], [sflag:$0x2] =	stream.linear.gather [hbm4b:s17+s9], $0x1400, $0x38;
	[tilespmem:$0x1A400] =	vst v63  }
0x11d: {  	_ =	swait.ge [sflag:s5], $0x1400  }
0x11e: {  	[sflag:s5] =	ssyncset.done $0x0  }
0x11f: {  	[sflag:s5] =	ssyncadd.s32 $0xFFFFEC00  }
0x120: {  	_ =	swait.ge [sflag:s5], $0x1400  }
0x121: {  	[sflag:s5] =	ssyncset.done $0x0  }
0x122: {  	s10 =	simm.s32 $0x0;
	[sflag:s5] =	ssyncadd.s32 $0xFFFFEC00  }
0x123: {  	v1 =	vld [tilespmem:s10+$0x14F00];
	_ =	sdelay $0x5  }
0x124: {  	v2 =	vld [tilespmem:s10+$0x14F10];
	_ =	sdelay $0x1  }
0x125: {  	v1 =	vld.idx.msk [tilespmem:v1+s9+$0x0], $0xffff;
	_ =	sdelay $0x4  }
0x126: {  	v3 =	vld [tilespmem:s10+$0x14F20];
	[tilespmem:s10+$0xC800] =	vst v1  }
0x127: {  	v1 =	vld.idx.msk [tilespmem:v2+s9+$0x0], $0xffff;
	_ =	sdelay $0x4  }
0x128: {  	[tilespmem:s10+$0xC810] =	vst v1;
	v1 =	vld [tilespmem:s10+$0x14F30];
	_ =	sdelay $0x1  }
0x129: {  	v2 =	vld.idx.msk [tilespmem:v3+s9+$0x0], $0xffff;
	_ =	sdelay $0x3  }
0x12a: {  	s12 =	simm.s32 $0x40;
	s11 =	simm.s32 $0x200  }
.LBB2_16:
0x12b: {  	p2 =	sne.s32 s11, $0x4F00;
	v3 =	vld [tilespmem:s12+$0x14F00];
	[tilespmem:s10+$0xC820] =	vst v2  }
0x12c: {  	v1 =	vld.idx.msk [tilespmem:v1+s9+$0x0], $0xffff;
	_ =	sdelay $0x5  }
0x12d: {  	v2 =	vld [tilespmem:s12+$0x14F10];
	[tilespmem:s10+$0xC830] =	vst v1;
	s10 =	smov.u32 s12  }
0x12e: {  	v1 =	vld.idx.msk [tilespmem:v3+s9+$0x0], $0xffff;
	_ =	sdelay $0x5  }
0x12f: {  	[tilespmem:s10+$0xC800] =	vst v1;
	v3 =	vld [tilespmem:s10+$0x14F20]  }
0x130: {  	v1 =	vld.idx.msk [tilespmem:v2+s9+$0x0], $0xffff;
	_ =	sdelay $0x5  }
0x131: {  	[tilespmem:s10+$0xC810] =	vst v1;
	v1 =	vld [tilespmem:s10+$0x14F30]  }
0x132: {  	v2 =	vld.idx.msk [tilespmem:v3+s9+$0x0], $0xffff  }
.Ltmp7:
0x133: {  	(pc) =	sbr.rel @p2 .LBB2_16-.Ltmp7, $2  }
0x134: {  	_ =	sdelay $0x2  }
0x135: {  	s12 =	sshra.s32 s11, $0x2;
	s11 =	sadd.s32 $0x100, s11  }
0x136: {  	_ =	sdelay $0x1  }
0x137: {  	v3 =	vld [tilespmem:s12+$0x14F00]  }
0x138: {  	[tilespmem:s10+$0xC820] =	vst v2  }
0x139: {  	v1 =	vld.idx.msk [tilespmem:v1+s9+$0x0], $0xffff;
	_ =	sdelay $0x3  }
0x13a: {  	v2 =	vld [tilespmem:s12+$0x14F10]  }
0x13b: {  	[tilespmem:s10+$0xC830] =	vst v1  }
0x13c: {  	v1 =	vld.idx.msk [tilespmem:v3+s9+$0x0], $0xffff;
	_ =	sdelay $0x4  }
0x13d: {  	[tilespmem:s12+$0xC800] =	vst v1;
	v1 =	vld [tilespmem:s12+$0x14F20]  }
0x13e: {  	v2 =	vld.idx.msk [tilespmem:v2+s9+$0x0], $0xffff;
	_ =	sdelay $0x4  }
0x13f: {  	[tilespmem:s12+$0xC810] =	vst v2;
	v2 =	vld [tilespmem:s12+$0x14F30];
	_ =	sdelay $0x1  }
0x140: {  	v1 =	vld.idx.msk [tilespmem:v1+s9+$0x0], $0xffff;
	_ =	sdelay $0x4  }
0x141: {  	[tilespmem:s12+$0xC820] =	vst v1  }
0x142: {  	v1 =	vld.idx.msk [tilespmem:v2+s9+$0x0], $0xffff;
	_ =	sdelay $0x4  }
0x143: {  	[tilespmem:s12+$0xC830] =	vst v1  }
.LBB2_18:
0x144: {  	p2 =	sne.s32 s9, $0x4E00  }
.Ltmp8:
0x145: {  	_ = 	snop;
	(pc) =	sbr.rel @p2 .LBB2_18-.Ltmp8, $4  }
0x146: {  	_ = 	snop  }
0x147: {  	s10 =	sshra.s32 s9, $0x2  }
0x148: {  	s9 =	sadd.s32 $0x200, s9;
	s11 =	sadd.s32 $0xC800, s10;
	s10 =	sadd.s32 $0x13B00, s10  }
0x149: {  	[spmem:s1] =	stream.indirect.scatter.add.f32 [tilespmem:s11], [sflag:$0x3], $0x1, s10, s26, $0xb8;
	[tilespmem:$0x1A400] =	vst v63  }
0x14a: {  	_ =	swait.ge [sflag:s6], $0x80  }
0x14b: {  	s9 =	simm.s32 $0x27;
	[sflag:s6] =	ssyncset.done $0x0  }
.LBB2_20:
0x14c: {  	p2 =	sne.s32 s9, $0x1;
	s9 =	sadd.s32 $0xFFFFFFFF, s9;
	[sflag:s6] =	ssyncadd.s32 $0xFFFFFF80  }
.Ltmp9:
0x14d: {  	(pc) =	sbr.rel @p2 .LBB2_20-.Ltmp9, $3  }
0x14e: {  	_ =	sdelay $0x1  }
0x14f: {  	_ =	swait.ge [sflag:s6], $0x80  }
0x150: {  	[sflag:s6] =	ssyncset.done $0x0  }
0x151: {  	[sflag:s6] =	ssyncadd.s32 $0xFFFFFF80;
	s9 =	simm.s32 $0x0  }
0x152: {  	[tilespmem:s14], [sflag:$0x1] =	stream.linear.gather [hbm4b:s18+s9], $0x1400, $0x38;
	[tilespmem:$0x1A400] =	vst v63  }
0x153: {  	_ = 	snop  }
0x154: {  	[tilespmem:s0], [sflag:$0x1] =	stream.linear.gather [hbm4b:s19+s9], $0x1400, $0x38;
	[tilespmem:$0x1A400] =	vst v63  }
0x155: {  	_ =	swait.ge [sflag:s7], $0x1400  }
0x156: {  	[sflag:s7] =	ssyncset.done $0x0  }
0x157: {  	[sflag:s7] =	ssyncadd.s32 $0xFFFFEC00  }
0x158: {  	_ =	swait.ge [sflag:s7], $0x1400  }
0x159: {  	[sflag:s7] =	ssyncset.done $0x0  }
0x15a: {  	s10 =	simm.s32 $0x0;
	[sflag:s7] =	ssyncadd.s32 $0xFFFFEC00  }
0x15b: {  	v1 =	vld [tilespmem:s10+$0x17700];
	_ =	sdelay $0x5  }
0x15c: {  	v2 =	vld [tilespmem:s10+$0x17710];
	_ =	sdelay $0x1  }
0x15d: {  	v1 =	vld.idx.msk [tilespmem:v1+s9+$0x0], $0xffff;
	_ =	sdelay $0x4  }
0x15e: {  	v3 =	vld [tilespmem:s10+$0x17720];
	[tilespmem:s10+$0xDC00] =	vst v1  }
0x15f: {  	v1 =	vld.idx.msk [tilespmem:v2+s9+$0x0], $0xffff;
	_ =	sdelay $0x4  }
0x160: {  	[tilespmem:s10+$0xDC10] =	vst v1;
	v1 =	vld [tilespmem:s10+$0x17730];
	_ =	sdelay $0x1  }
0x161: {  	v2 =	vld.idx.msk [tilespmem:v3+s9+$0x0], $0xffff;
	_ =	sdelay $0x3  }
0x162: {  	s12 =	simm.s32 $0x40;
	s11 =	simm.s32 $0x200  }
.LBB2_22:
0x163: {  	p2 =	sne.s32 s11, $0x4F00;
	v3 =	vld [tilespmem:s12+$0x17700];
	[tilespmem:s10+$0xDC20] =	vst v2  }
0x164: {  	v1 =	vld.idx.msk [tilespmem:v1+s9+$0x0], $0xffff;
	_ =	sdelay $0x5  }
0x165: {  	v2 =	vld [tilespmem:s12+$0x17710];
	[tilespmem:s10+$0xDC30] =	vst v1;
	s10 =	smov.u32 s12  }
0x166: {  	v1 =	vld.idx.msk [tilespmem:v3+s9+$0x0], $0xffff;
	_ =	sdelay $0x5  }
0x167: {  	[tilespmem:s10+$0xDC00] =	vst v1;
	v3 =	vld [tilespmem:s10+$0x17720]  }
0x168: {  	v1 =	vld.idx.msk [tilespmem:v2+s9+$0x0], $0xffff;
	_ =	sdelay $0x5  }
0x169: {  	[tilespmem:s10+$0xDC10] =	vst v1;
	v1 =	vld [tilespmem:s10+$0x17730]  }
0x16a: {  	v2 =	vld.idx.msk [tilespmem:v3+s9+$0x0], $0xffff  }
.Ltmp10:
0x16b: {  	(pc) =	sbr.rel @p2 .LBB2_22-.Ltmp10, $2  }
0x16c: {  	_ =	sdelay $0x2  }
0x16d: {  	s12 =	sshra.s32 s11, $0x2;
	s11 =	sadd.s32 $0x100, s11  }
0x16e: {  	_ =	sdelay $0x1  }
0x16f: {  	v3 =	vld [tilespmem:s12+$0x17700]  }
0x170: {  	[tilespmem:s10+$0xDC20] =	vst v2  }
0x171: {  	v1 =	vld.idx.msk [tilespmem:v1+s9+$0x0], $0xffff;
	_ =	sdelay $0x3  }
0x172: {  	v2 =	vld [tilespmem:s12+$0x17710]  }
0x173: {  	[tilespmem:s10+$0xDC30] =	vst v1  }
0x174: {  	v1 =	vld.idx.msk [tilespmem:v3+s9+$0x0], $0xffff;
	_ =	sdelay $0x4  }
0x175: {  	[tilespmem:s12+$0xDC00] =	vst v1;
	v1 =	vld [tilespmem:s12+$0x17720]  }
0x176: {  	v2 =	vld.idx.msk [tilespmem:v2+s9+$0x0], $0xffff;
	_ =	sdelay $0x4  }
0x177: {  	[tilespmem:s12+$0xDC10] =	vst v2;
	v2 =	vld [tilespmem:s12+$0x17730];
	_ =	sdelay $0x1  }
0x178: {  	v1 =	vld.idx.msk [tilespmem:v1+s9+$0x0], $0xffff;
	_ =	sdelay $0x4  }
0x179: {  	[tilespmem:s12+$0xDC20] =	vst v1  }
0x17a: {  	v1 =	vld.idx.msk [tilespmem:v2+s9+$0x0], $0xffff;
	_ =	sdelay $0x4  }
0x17b: {  	s11 =	simm.s32 $0x16300;
	s10 =	simm.s32 $0xDC00;
	s9 =	simm.s32 $0x200;
	[tilespmem:s12+$0xDC30] =	vst v1  }
.LBB2_24:
0x17c: {  	[spmem:s1] =	stream.indirect.scatter.add.f32 [tilespmem:s10], [sflag:$0x4], $0x1, s11, s26, $0xb8;
	[tilespmem:$0x1A400] =	vst v63  }
0x17d: {  	s10 =	smov.u32 s9;
	p2 =	sne.s32 s9, $0x4E00  }
.Ltmp11:
0x17e: {  	s9 =	sadd.s32 $0x200, s9;
	(pc) =	sbr.rel @p2 .LBB2_24-.Ltmp11, $3  }
0x17f: {  	_ =	sdelay $0x1  }
0x180: {  	s11 =	sshra.s32 s10, $0x2  }
0x181: {  	s10 =	sadd.s32 $0xDC00, s11;
	s11 =	sadd.s32 $0x16300, s11  }
0x182: {  	[spmem:s1] =	stream.indirect.scatter.add.f32 [tilespmem:s10], [sflag:$0x4], $0x1, s11, s26, $0xb8;
	[tilespmem:$0x1A400] =	vst v63  }
0x183: {  	_ =	swait.ge [sflag:s5], $0x1400  }
0x184: {  	[sflag:s5] =	ssyncset.done $0x0  }
0x185: {  	[sflag:s5] =	ssyncadd.s32 $0xFFFFEC00  }
0x186: {  	_ =	swait.ge [sflag:s5], $0x1400  }
0x187: {  	[sflag:s5] =	ssyncset.done $0x0  }
0x188: {  	s10 =	simm.s32 $0x0;
	[sflag:s5] =	ssyncadd.s32 $0xFFFFEC00  }
0x189: {  	v1 =	vld [tilespmem:s10+$0x14F00];
	_ =	sdelay $0x5  }
0x18a: {  	v2 =	vld [tilespmem:s10+$0x14F10]  }
0x18b: {  	s9 =	simm.s32 $0x0  }
0x18c: {  	v1 =	vld.idx.msk [tilespmem:v1+s9+$0x0], $0xffff;
	_ =	sdelay $0x4  }
0x18d: {  	v3 =	vld [tilespmem:s10+$0x14F20];
	[tilespmem:s10+$0xC800] =	vst v1  }
0x18e: {  	v1 =	vld.idx.msk [tilespmem:v2+s9+$0x0], $0xffff;
	_ =	sdelay $0x4  }
0x18f: {  	[tilespmem:s10+$0xC810] =	vst v1;
	v1 =	vld [tilespmem:s10+$0x14F30];
	_ =	sdelay $0x1  }
0x190: {  	v2 =	vld.idx.msk [tilespmem:v3+s9+$0x0], $0xffff;
	_ =	sdelay $0x3  }
0x191: {  	s12 =	simm.s32 $0x40;
	s11 =	simm.s32 $0x200  }
.LBB2_26:
0x192: {  	p2 =	sne.s32 s11, $0x4F00;
	v3 =	vld [tilespmem:s12+$0x14F00];
	[tilespmem:s10+$0xC820] =	vst v2  }
0x193: {  	v1 =	vld.idx.msk [tilespmem:v1+s9+$0x0], $0xffff;
	_ =	sdelay $0x5  }
0x194: {  	v2 =	vld [tilespmem:s12+$0x14F10];
	[tilespmem:s10+$0xC830] =	vst v1;
	s10 =	smov.u32 s12  }
0x195: {  	v1 =	vld.idx.msk [tilespmem:v3+s9+$0x0], $0xffff;
	_ =	sdelay $0x5  }
0x196: {  	[tilespmem:s10+$0xC800] =	vst v1;
	v3 =	vld [tilespmem:s10+$0x14F20]  }
0x197: {  	v1 =	vld.idx.msk [tilespmem:v2+s9+$0x0], $0xffff;
	_ =	sdelay $0x5  }
0x198: {  	[tilespmem:s10+$0xC810] =	vst v1;
	v1 =	vld [tilespmem:s10+$0x14F30]  }
0x199: {  	v2 =	vld.idx.msk [tilespmem:v3+s9+$0x0], $0xffff  }
.Ltmp12:
0x19a: {  	(pc) =	sbr.rel @p2 .LBB2_26-.Ltmp12, $2  }
0x19b: {  	_ =	sdelay $0x2  }
0x19c: {  	s12 =	sshra.s32 s11, $0x2;
	s11 =	sadd.s32 $0x100, s11  }
0x19d: {  	_ =	sdelay $0x1  }
0x19e: {  	v3 =	vld [tilespmem:s12+$0x14F00]  }
0x19f: {  	[tilespmem:s10+$0xC820] =	vst v2  }
0x1a0: {  	v1 =	vld.idx.msk [tilespmem:v1+s9+$0x0], $0xffff;
	_ =	sdelay $0x3  }
0x1a1: {  	v2 =	vld [tilespmem:s12+$0x14F10]  }
0x1a2: {  	[tilespmem:s10+$0xC830] =	vst v1  }
0x1a3: {  	v1 =	vld.idx.msk [tilespmem:v3+s9+$0x0], $0xffff;
	_ =	sdelay $0x4  }
0x1a4: {  	[tilespmem:s12+$0xC800] =	vst v1;
	v1 =	vld [tilespmem:s12+$0x14F20]  }
0x1a5: {  	v2 =	vld.idx.msk [tilespmem:v2+s9+$0x0], $0xffff;
	_ =	sdelay $0x4  }
0x1a6: {  	[tilespmem:s12+$0xC810] =	vst v2;
	v2 =	vld [tilespmem:s12+$0x14F30];
	_ =	sdelay $0x1  }
0x1a7: {  	v1 =	vld.idx.msk [tilespmem:v1+s9+$0x0], $0xffff;
	_ =	sdelay $0x4  }
0x1a8: {  	[tilespmem:s12+$0xC820] =	vst v1  }
0x1a9: {  	v1 =	vld.idx.msk [tilespmem:v2+s9+$0x0], $0xffff;
	_ =	sdelay $0x4  }
0x1aa: {  	s11 =	simm.s32 $0x13B00;
	s10 =	simm.s32 $0xC800;
	s9 =	simm.s32 $0x200;
	[tilespmem:s12+$0xC830] =	vst v1  }
.LBB2_28:
0x1ab: {  	[spmem:s1] =	stream.indirect.scatter.add.f32 [tilespmem:s10], [sflag:$0x3], $0x1, s11, s26, $0xb8;
	[tilespmem:$0x1A400] =	vst v63  }
0x1ac: {  	s10 =	smov.u32 s9;
	p2 =	sne.s32 s9, $0x4E00  }
.Ltmp13:
0x1ad: {  	s9 =	sadd.s32 $0x200, s9;
	(pc) =	sbr.rel @p2 .LBB2_28-.Ltmp13, $3  }
0x1ae: {  	_ =	sdelay $0x1  }
0x1af: {  	s11 =	sshra.s32 s10, $0x2  }
0x1b0: {  	s10 =	sadd.s32 $0xC800, s11;
	s11 =	sadd.s32 $0x13B00, s11  }
0x1b1: {  	[spmem:s1] =	stream.indirect.scatter.add.f32 [tilespmem:s10], [sflag:$0x3], $0x1, s11, s26, $0xb8;
	[tilespmem:$0x1A400] =	vst v63  }
0x1b2: {  	_ =	swait.ge [sflag:s8], $0x80  }
0x1b3: {  	s9 =	simm.s32 $0x27;
	[sflag:s8] =	ssyncset.done $0x0  }
.LBB2_30:
0x1b4: {  	p2 =	sne.s32 s9, $0x1;
	s9 =	sadd.s32 $0xFFFFFFFF, s9;
	[sflag:s8] =	ssyncadd.s32 $0xFFFFFF80  }
.Ltmp14:
0x1b5: {  	(pc) =	sbr.rel @p2 .LBB2_30-.Ltmp14, $3  }
0x1b6: {  	_ =	sdelay $0x1  }
0x1b7: {  	_ =	swait.ge [sflag:s8], $0x80  }
0x1b8: {  	[sflag:s8] =	ssyncset.done $0x0  }
0x1b9: {  	[sflag:s8] =	ssyncadd.s32 $0xFFFFFF80  }
0x1ba: {  	_ =	swait.ge [sflag:s6], $0x80  }
0x1bb: {  	s9 =	simm.s32 $0x27;
	[sflag:s6] =	ssyncset.done $0x0  }
.LBB2_32:
0x1bc: {  	p2 =	sne.s32 s9, $0x1;
	s9 =	sadd.s32 $0xFFFFFFFF, s9;
	[sflag:s6] =	ssyncadd.s32 $0xFFFFFF80  }
.Ltmp15:
0x1bd: {  	(pc) =	sbr.rel @p2 .LBB2_32-.Ltmp15, $3  }
0x1be: {  	_ =	sdelay $0x1  }
0x1bf: {  	_ =	swait.ge [sflag:s6], $0x80  }
0x1c0: {  	[sflag:s6] =	ssyncset.done $0x0  }
0x1c1: {  	[sflag:s6] =	ssyncadd.s32 $0xFFFFFF80;
	s9 =	sshrl.u32 @!p0 s1, $0x3;
	s10 =	simm.s32 @!p0 $0x1  }
0x1c2: {  	s11 =	simm.s32 @!p0 $0x20;
	s12 =	simm.s32 @!p0 $0x10;
	s2 =	sadd.s32 $0x1, s2  }
0x1c3: {  	s13 =	simm.s32 @!p0 $0x1C05;
	[bflag:$0x0] =	sbarrier.arrive $0xFFFF;
	p2 =	sne.s32 s2, s25  }
0x1c4: {  	[hbm:s24@s11], [sflag:s13] =	dma.strided @!p0 [spmem:s9@s12], $0x1900, s10, $0x10   }
.Ltmp16:
0x1c5: {  	_ = 	snop;
	(pc) =	sbr.rel @p2 .LBB2_1-.Ltmp16, $4  }
0x1c6: {  	s9 =	simm.s32 @!p0 $0x5  }
0x1c7: {  	_ =	swait.ge @!p0 [sflag:s9], $0x1900  }
0x1c8: {  	[sflag:s9] =	ssyncset.done @!p0 $0x0  }
0x1c9: {  	[sflag:s9] =	ssyncadd.s32 @!p0 $0xFFFFE700  }
0x1ca: {  	_ =	sfence.sel $0x180000  }
0x1cb: {  	[bflag:$0x0] =	sbarrier.arrive $0xFFFF  }
0x1cc: {  	_ =	strace $0x9000004D  }
0x1cd: {  	[bflag:$0x2] =	sbarrier.arrive $0xFFFF  }
0x1ce: {  	s0 =	rddreg [dreg:$0x3]  }
0x1cf: {  	s0 =	sadd.s32 @!p0 $0x100000, s0  }
0x1d0: {  	[sflag:s0] =	ssyncadd.tile.s32 @!p0 $0x1;
	_ =	shalt  }
.Lfunc_end2:
_tile_overlayer_lowered:
.L_overlay_start_2:
0x1d1: {  	(tag) =	ssettag $0x2  }
0x1d2: {  	s0 =	rddreg [dreg:$0x0];
	s2 =	stileid.u32  }
0x1d3: {  	s1 =	rddreg [dreg:$0x1];
	p0 =	sne.s32 s2, $0x0  }
0x1d4: {  	s3 =	rddreg [dreg:$0x2];
	[bflag:$0x3] =	sbarrier.arrive $0xFFFF;
	s2 =	simm.s32 @!p0 $0x1C05  }
0x1d5: {  	[timem:s3], [sflag:s2] =	dma.local @!p0 [hbm:s0], s1  }
0x1d6: {  	s0 =	simm.s32 @!p0 $0x5  }
0x1d7: {  	_ =	swait.ge @!p0 [sflag:s0], s1  }
0x1d8: {  	s1 =	ssub.s32 @!p0 $0x0, s1;
	[sflag:s0] =	ssyncset.done @!p0 $0x0  }
0x1d9: {  	[sflag:s0] =	ssyncadd.s32 @!p0 s1  }
0x1da: {  	[bflag:$0x3] =	sbarrier.arrive $0xFFFF  }
0x1db: {  	_ =	shalt  }

// kernel: kernel.7.cloned.1.call-start
scs
__scs_entry_jumppad:
0x0: {  	(pc) =	sbr.rel $0x88, $3  }
0x1: {  	(tag) =	ssettag $0x0;
	lr =	simm.s32 $0x1  }
0x2: {  	[smem:$0x3F97] =	sst lr;
	_ =	strace $0xD0000000  }
0x3: {  	_ = 	snop  }
0x4: {  	_ = 	snop  }
0x5: {  	_ = 	snop  }
0x6: {  	_ = 	snop  }
0x7: {  	_ = 	snop  }
__scs_overlays_trampoline_lowered:
0x8: {  	[smem:$0x3FA6] =	sst s0  }
0x9: {  	[smem:$0x3FA7] =	sst s1  }
0xa: {  	[smem:$0x3FA8] =	sst s2  }
0xb: {  	[smem:$0x3FA9] =	sst s3  }
0xc: {  	[smem:$0x3FAA] =	sst s4  }
0xd: {  	[smem:$0x3FAB] =	sst s5  }
0xe: {  	[smem:$0x3FAC] =	sst s6  }
0xf: {  	[smem:$0x3FAD] =	sst s7  }
0x10: {  	[smem:$0x3FAE] =	sst s8  }
0x11: {  	[smem:$0x3FAF] =	sst s9;
	s0 =	simm.s32 @!p0 $0x0  }
0x12: {  	s1 =	sld [smem:$0x3F95];
	s0 =	simm.s32 @p0 $0x1  }
0x13: {  	[smem:$0x3FB0] =	sst s0;
	s0 =	simm.s32 @!p1 $0x0  }
0x14: {  	s2 =	sld [smem:$0x3F94];
	s0 =	simm.s32 @p1 $0x1  }
0x15: {  	[smem:$0x3FB1] =	sst s0;
	s0 =	simm.s32 @!p2 $0x0  }
0x16: {  	s3 =	sld [smem:$0x3FDB];
	s0 =	simm.s32 @p2 $0x1  }
0x17: {  	s4 =	simm.s32 $0x1BF5;
	[smem:$0x3FB3] =	sst s0  }
0x18: {  	s0 =	sld [smem:$0x3F96];
	_ =	swait.ge [sflag:s4], $0x0  }
0x19: {  	s7 =	sld [smem:$0x3F97]  }
0x1a: {  	s8 =	sadd.s32 $0xFFFFE003, lr  }
0x1b: {  	s9 =	sadd.s32 $0xFFFFFEF7, lr;
	s5 =	simm.s32 $0xFFFFFFFF;
	p2 =	slt.u32 s8, $0xFFFFF086  }
0x1c: {  	p1 =	slt.u32 s9, $0xF7A;
	s5 =	simm.s32 @!p2 $0x0  }
0x1d: {  	s5 =	simm.s32 @p1 $0x1;
	p0 =	seq.s32 s7, s2  }
0x1e: {  	s7 =	smul.u32 @!p0 $0xF7A, s2;
	p2 =	seq.s32 @!p0 s5, $0x0  }
0x1f: {  	s9 =	smul.u32 $0xF7A, s1;
	s8 =	simm.s32 @!p0 $0x1BF5;
	p2 =	por !p2, p0  }
0x20: {  	[sflag:s8] =	ssyncset.s32 @!p0 $0xFFFFF086;
	s6 =	sadd.s32 @!p0 s3, s7;
	s7 =	simm.s32 @!p0 $0x108  }
0x21: {  	s3 =	sadd.s32 s3, s9;
	s6 =	sadd.s32 @!p0 $0x88, s6;
	s7 =	simm.s32 @p2 $0x1082  }
0x22: {  	[simem:s7], [sflag:s8] =	dma.local @!p0 [hbm:s6], $0xF7A  }
0x23: {  	s9 =	sor.u32 $0xD0000000, s2;
	s6 =	simm.s32 $0x108;
	_ =	swait.ge @!p0 [sflag:s8], $0x0  }
0x24: {  	s3 =	sadd.s32 $0x88, s3;
	s6 =	simm.s32 @!p1 $0x1082;
	[sflag:s4] =	ssyncset.s32 $0xFFFFF086  }
0x25: {  	[simem:s6], [sflag:s4] =	dma.local [hbm:s3], $0xF7A  }
0x26: {  	[smem:$0x3F97] =	sst s1;
	(tag) =	ssettag s2;
	_ =	strace s9  }
0x27: {  	s1 =	sld [smem:$0x3FA7]  }
0x28: {  	s2 =	sld [smem:$0x3FA8]  }
0x29: {  	s4 =	sld [smem:$0x3FAA]  }
0x2a: {  	p0 =	seq.s32 s5, $0x0;
	s5 =	sld [smem:$0x3FAB]  }
0x2b: {  	s6 =	sld [smem:$0x3FAC]  }
0x2c: {  	s7 =	sld [smem:$0x3FAD]  }
0x2d: {  	s3 =	simm.s32 $0x108;
	s8 =	sld [smem:$0x3FAE]  }
0x2e: {  	s3 =	simm.s32 @!p0 $0x1082;
	s9 =	sld [smem:$0x3FAF]  }
0x2f: {  	lr =	sadd.s32 s0, s3;
	s0 =	sld [smem:$0x3FA6]  }
0x30: {  	s3 =	sld [smem:$0x3FA9]  }
0x31: {  	[smem:$0x3FB2] =	sst s10  }
0x32: {  	s10 =	sld [smem:$0x3FB0];
	_ =	sdelay $0x3  }
0x33: {  	p0 =	seq.s32 s10, $0x1;
	s10 =	sld [smem:$0x3FB2];
	_ =	sdelay $0x3  }
0x34: {  	[smem:$0x3FB2] =	sst s10  }
0x35: {  	s10 =	sld [smem:$0x3FB1];
	_ =	sdelay $0x3  }
0x36: {  	p1 =	seq.s32 s10, $0x1;
	s10 =	sld [smem:$0x3FB2];
	_ =	sdelay $0x3  }
0x37: {  	[smem:$0x3FB2] =	sst s10  }
0x38: {  	s10 =	sld [smem:$0x3FB3]  }
0x39: {  	_ = 	snop;
	(pc) =	sbr.ind lr, $3  }
0x3a: {  	_ = 	snop  }
0x3b: {  	_ = 	snop  }
0x3c: {  	p2 =	seq.s32 s10, $0x1;
	s10 =	sld [smem:$0x3FB2]  }
0x3d: {  	_ =	shalt  }
0x3e: {  	_ =	shalt  }
0x3f: {  	_ =	shalt  }
0x40: {  	_ =	shalt  }
0x41: {  	_ =	shalt  }
0x42: {  	_ =	shalt  }
0x43: {  	_ =	shalt  }
0x44: {  	_ =	shalt  }
0x45: {  	_ =	shalt  }
0x46: {  	_ =	shalt  }
0x47: {  	_ =	shalt  }
0x48: {  	_ =	shalt  }
0x49: {  	_ =	shalt  }
0x4a: {  	_ =	shalt  }
0x4b: {  	_ =	shalt  }
0x4c: {  	_ =	shalt  }
0x4d: {  	_ =	shalt  }
0x4e: {  	_ =	shalt  }
0x4f: {  	_ =	shalt  }
0x50: {  	_ =	shalt  }
0x51: {  	_ =	shalt  }
0x52: {  	_ =	shalt  }
0x53: {  	_ =	shalt  }
0x54: {  	_ =	shalt  }
0x55: {  	_ =	shalt  }
0x56: {  	_ =	shalt  }
0x57: {  	_ =	shalt  }
0x58: {  	_ =	shalt  }
0x59: {  	_ =	shalt  }
0x5a: {  	_ =	shalt  }
0x5b: {  	_ =	shalt  }
0x5c: {  	_ =	shalt  }
0x5d: {  	_ =	shalt  }
0x5e: {  	_ =	shalt  }
0x5f: {  	_ =	shalt  }
0x60: {  	_ =	shalt  }
0x61: {  	_ =	shalt  }
0x62: {  	_ =	shalt  }
0x63: {  	_ =	shalt  }
0x64: {  	_ =	shalt  }
0x65: {  	_ =	shalt  }
0x66: {  	_ =	shalt  }
0x67: {  	_ =	shalt  }
0x68: {  	_ =	shalt  }
0x69: {  	_ =	shalt  }
0x6a: {  	_ =	shalt  }
0x6b: {  	_ =	shalt  }
0x6c: {  	_ =	shalt  }
0x6d: {  	_ =	shalt  }
0x6e: {  	_ =	shalt  }
0x6f: {  	_ =	shalt  }
0x70: {  	_ =	shalt  }
0x71: {  	_ =	shalt  }
0x72: {  	_ =	shalt  }
0x73: {  	_ =	shalt  }
0x74: {  	_ =	shalt  }
0x75: {  	_ =	shalt  }
0x76: {  	_ =	shalt  }
0x77: {  	_ =	shalt  }
0x78: {  	_ =	shalt  }
0x79: {  	_ =	shalt  }
0x7a: {  	_ =	shalt  }
0x7b: {  	_ =	shalt  }
0x7c: {  	_ =	shalt  }
0x7d: {  	_ =	shalt  }
0x7e: {  	_ =	shalt  }
0x7f: {  	_ =	shalt  }
0x80: {  	_ =	shalt  }
0x81: {  	_ =	shalt  }
0x82: {  	_ =	shalt  }
0x83: {  	_ =	shalt  }
0x84: {  	_ =	shalt  }
0x85: {  	_ =	shalt  }
0x86: {  	_ =	shalt  }
0x87: {  	_ =	shalt  }
.Lfunc_end0:
.L_simem_size_0:
called_computation_lowered:
.L_overlay_start_0:
0x88: {  	s2 =	sld [smem:$0x3FD9]  }
0x89: {  	s3 =	sld [smem:$0x3FFE];
	_ =	sdelay $0x1  }
0x8a: {  	s1 =	srdreg.scid  }
0x8b: {  	s0 =	sand.u32 $0x1, s1  }
0x8c: {  	s16 =	sshll.u32 s0, $0xA;
	s2 =	sadd.s32 s3, s2  }
0x8d: {  	s2 =	sadd.s32 s2, s16  }
0x8e: {  	[smem:$0x3FBE] =	sst s2  }
0x8f: {  	_ = 	snop  }
0x90: {  	(tm) =	ssettm $0x1  }
0x91: {  	s17 =	sld [smem:$0x3FFB];
	_ =	sdelay $0x3  }
0x92: {  	_ =	strace s17  }
0x93: {  	s2 =	sld [smem:$0x3FFC];
	_ =	sdelay $0x3  }
0x94: {  	_ =	strace s2  }
0x95: {  	s2 =	sld [smem:$0x3FFD];
	_ =	sdelay $0x3  }
0x96: {  	_ =	strace s2  }
0x97: {  	_ =	strace $0x8FFFFFFF  }
0x98: {  	s18 =	sld [smem:$0x3FDB];
	_ =	sdelay $0x1  }
0x99: {  	s19 =	simm.s32 $_scs_section_size  }
0x9a: {  	s4 =	simm.s32 $_size__tile_overlayer_lowered;
	s5 =	simm.s32 $_tile_overlayer_lowered  }
0x9b: {  	s22 =	simm.s32 $0x1BFF;
	s21 =	sshll.u32 s5, $0x1;
	s2 =	sadd.s32 s19, s18  }
0x9c: {  	s6 =	simm.s32 $0x0;
	s20 =	sshll.u32 s4, $0x1;
	s4 =	sadd.s32 s21, s2  }
0x9d: {  	[timem:s6], [sflag:s22] =	dma.local [hbm:s4], s20  }
0x9e: {  	_ =	swait.ge [sflag:s22], s20  }
0x9f: {  	s3 =	ssub.s32 $0x0, s20;
	[sflag:s22] =	ssyncset.done $0x0  }
0xa0: {  	[sflag:s22] =	ssyncadd.s32 s3;
	_ =	sdelay $0x1  }
0xa1: {  	s23 =	simm.s32 $0x1B8B  }
0xa2: {  	_ =	swait.ge [sflag:s23], $0x1  }
0xa3: {  	[sflag:s23] =	ssyncset.done $0x0  }
0xa4: {  	s25 =	simm.s32 $0x1B8E;
	s24 =	sld [smem:$0x3FFE];
	[sflag:s23] =	ssyncadd.s32 $0xFFFFFFFF  }
0xa5: {  	s26 =	simm.s32 $execute0_lowered;
	[smem:$0x3FD2] =	sst s25  }
0xa6: {  	s4 =	sshll.u32 s26, $0x1;
	_ =	strace $0x80000046;
	[dreg:$0x1] =	wrdreg $0xFFFFFFFF  }
0xa7: {  	s28 =	simm.s32 $_size_execute0_lowered;
	s2 =	sadd.s32 s2, s4;
	[dreg:$0x0] =	wrdreg $0x0  }
0xa8: {  	s4 =	sshll.u32 s28, $0x1;
	[dreg:$0x2] =	wrdreg s2  }
0xa9: {  	[dreg:$0x3] =	wrdreg s4  }
0xaa: {  	[dreg:$0x4] =	wrdreg $0xC0  }
0xab: {  	_ =	task [dreg:s6], $0x5FFFF  }
0xac: {  	[dreg:$0x1] =	wrdreg $0xFFFFFFFF  }
0xad: {  	[dreg:$0x0] =	wrdreg $0x60  }
0xae: {  	[dreg:$0x2] =	wrdreg s24  }
0xaf: {  	[dreg:$0x3] =	wrdreg $0x5D000  }
0xb0: {  	[dreg:$0x4] =	wrdreg $0x69800  }
0xb1: {  	[dreg:$0x5] =	wrdreg $0x9  }
0xb2: {  	_ =	task.clear_ibuf [dreg:s6], $0x6FFFF;
	_ =	strace $0x90000046  }
0xb3: {  	s29 =	simm.s32 $0x9;
	_ =	strace $0x80000048  }
0xb4: {  	_ =	swait.ge [sflag:s29], $0x1  }
0xb5: {  	[sflag:s29] =	ssyncadd.s32 $0xFFFFFFFF  }
0xb6: {  	_ =	strace $0x90000048  }
0xb7: {  	_ =	sfence  }
0xb8: {  	s30 =	sld [smem:$0x0];
	_ =	sdelay $0x2  }
0xb9: {  	s31 =	sshll.u32 s1, $0xD;
	s1 =	sshrl.u32 s1, $0x2  }
0xba: {  	s3 =	sand.u32 $0x4000, s31;
	s1 =	sadd.s32 s1, s30  }
0xbb: {  	s0 =	sor.u32 s3, s0;
	s1 =	sshll.u32 s1, $0x11  }
0xbc: {  	s0 =	sor.u32 s1, s0  }
0xbd: {  	s0 =	sadd.s32 $0x8F2B, s0  }
0xbe: {  	[sflag:s0] =	ssyncadd.remote.s32 $0x1  }
0xbf: {  	_ =	sfence.sel $0xFFFF  }
0xc0: {  	[dreg:$0x0] =	wrdreg $0xFFFFFFFF;
	(pc) =	sbr.abs _section_cstart, $3  }
0xc1: {  	[dreg:$0x1] =	wrdreg $0xFFFFFFFF  }
0xc2: {  	_ =	task.clear_ibuf [dreg:s6], $0x2FFFF;
	_ =	strace $0x9FFFFFFF  }
0xc3: {  	(tm) =	ssettm $0x7FFFFFFF  }
tec
execute0_lowered:
.L_overlay_start_1:
0x0: {  	(tag) =	ssettag $0x1  }
0x1: {  	s0 =	rddreg [dreg:$0x0]  }
0x2: {  	s1 =	rddreg [dreg:$0x1]  }
0x3: {  	s2 =	rddreg [dreg:$0x2];
	s4 =	srdreg.scid  }
0x4: {  	s3 =	simm.s32 $0x0;
	s25 =	stileid.u32;
	s19 =	simm.s32 $0x80  }
0x5: {  	s20 =	simm.s32 $0x5;
	s21 =	simm.s32 $0xD00;
	s28 =	simm.s32 $0x2  }
0x6: {  	s29 =	simm.s32 $0x4;
	s30 =	simm.s32 $0x0;
	s4 =	sand.u32 $0x1, s4  }
0x7: {  	[smem:$0x7FF] =	sst s3;
	s7 =	smul.u32 $0xC80, s25;
	s14 =	sadd.s32 $0x3E00, s0  }
0x8: {  	s15 =	sadd.s32 $0x1CE00, s0;
	p0 =	sne.s32 s25, $0x0;
	s5 =	sshll.u32 s4, $0x4  }
0x9: {  	_ =	strace $0x80000047;
	s4 =	ssub.s32 $0x2, s4;
	s6 =	sor.u32 s25, s5  }
0xa: {  	s0 =	sadd.s32 s5, s0;
	s22 =	sshrl.u32 s4, $0x1;
	s23 =	sadd.s32 s7, s1  }
0xb: {  	s24 =	sadd.s32 s7, s2;
	s6 =	smul.u32 $0x6400, s6;
	[dreg:$0x4] =	wrdreg s23  }
0xc: {  	s25 =	simm.s32 $0x1;
	s18 =	ssub.s32 s4, s22;
	[dreg:$0x5] =	wrdreg s24  }
0xd: {  	s22 =	simm.s32 $0x2100;
	s23 =	simm.s32 $0x3500;
	s13 =	sshrl.u32 s6, $0x3  }
0xe: {  	s24 =	simm.s32 $0x4900;
	s18 =	smax.u32 s18, $0x1;
	s26 =	sadd.s32 s14, s13  }
0xf: {  	s9 =	sadd.s32 $0x280, s13;
	s31 =	sadd.s32 s15, s13;
	s11 =	sadd.s32 $0x500, s13  }
0x10: {  	s16 =	sadd.s32 $0x780, s13;
	s17 =	sadd.s32 $0xA00, s13;
	[dreg:$0x6] =	wrdreg s26  }
0x11: {  	[dreg:$0x7] =	wrdreg s31;
	s8 =	sadd.s32 s14, s9;
	s9 =	sadd.s32 s15, s9  }
0x12: {  	s10 =	sadd.s32 s14, s11;
	s11 =	sadd.s32 s15, s11;
	s12 =	sadd.s32 s14, s16  }
0x13: {  	s13 =	sadd.s32 s15, s16;
	s14 =	sadd.s32 s14, s17;
	s15 =	sadd.s32 s15, s17  }
0x14: {  	v0 =	vimm.f32 $1.000000000e+00;
	v1 =	vimm.f32 $0.0e+00;
	s16 =	sadd.s32 $0x35E00, s0;
	s17 =	sadd.s32 $0x39000, s0;
	s26 =	simm.s32 $0x3  }
.LBB2_1:
0x15: {  	[tilespmem:$0x0] =	vst v0  }
0x16: {  	[tilespmem:$0x10] =	vst v0  }
0x17: {  	[tilespmem:$0x20] =	vst v0  }
0x18: {  	[tilespmem:$0x30] =	vst v0  }
0x19: {  	[tilespmem:$0x40] =	vst v0  }
0x1a: {  	[tilespmem:$0x50] =	vst v0  }
0x1b: {  	[tilespmem:$0x60] =	vst v0  }
0x1c: {  	[tilespmem:$0x70] =	vst v0;
	s31 =	simm.s32 $0x40;
	s0 =	simm.s32 $0x0  }
.LBB2_2:
0x1d: {  	p1 =	sne.s32 s31, $0x31C0;
	[tilespmem:s0+$0x80] =	vst v1;
	s0 =	smov.u32 s31;
	s31 =	sadd.s32 $0x40, s31  }
.Ltmp0:
0x1e: {  	(pc) =	sbr.rel @p1 .LBB2_2-.Ltmp0, $2  }
0x1f: {  	_ =	sdelay $0x2  }
0x20: {  	s0 =	sshra.s32 s0, $0x2  }
0x21: {  	[tilespmem:s0+$0x80] =	vst v1;
	s7 =	rddreg [dreg:$0x4]  }
0x22: {  	[spmem:s7] =	stream.linear.scatter [tilespmem:s19], [sflag:$0x5], $0xC80, $0x38;
	[tilespmem:$0x7600] =	vst v63  }
0x23: {  	_ =	swait.ge [sflag:s20], $0xC80  }
0x24: {  	[sflag:s20] =	ssyncset.done $0x0  }
0x25: {  	s4 =	rddreg [dreg:$0x5];
	[sflag:s20] =	ssyncadd.s32 $0xFFFFF380  }
0x26: {  	[spmem:s4] =	stream.linear.scatter [tilespmem:s19], [sflag:$0x5], $0xC80, $0x38;
	[tilespmem:$0x7600] =	vst v63  }
0x27: {  	_ =	swait.ge [sflag:s20], $0xC80  }
0x28: {  	[sflag:s20] =	ssyncset.done $0x0  }
0x29: {  	[sflag:s20] =	ssyncadd.s32 $0xFFFFF380  }
0x2a: {  	[bflag:$0x0] =	sbarrier.arrive $0xFFFF  }
0x2b: {  	s5 =	simm.s32 $0x0;
	s4 =	rddreg [dreg:$0x6]  }
0x2c: {  	[tilespmem:s21], [sflag:$0x1] =	stream.linear.gather [hbm4b:s4+s5], $0x1400, $0x38;
	[tilespmem:$0x7600] =	vst v63  }
0x2d: {  	s6 =	rddreg [dreg:$0x7]  }
0x2e: {  	[tilespmem:s22], [sflag:$0x1] =	stream.linear.gather [hbm4b:s6+s5], $0x1400, $0x38;
	[tilespmem:$0x7600] =	vst v63  }
0x2f: {  	_ = 	snop  }
0x30: {  	[tilespmem:s23], [sflag:$0x2] =	stream.linear.gather [hbm4b:s8+s5], $0x1400, $0x38;
	[tilespmem:$0x7600] =	vst v63  }
0x31: {  	_ = 	snop  }
0x32: {  	[tilespmem:s24], [sflag:$0x2] =	stream.linear.gather [hbm4b:s9+s5], $0x1400, $0x38;
	[tilespmem:$0x7600] =	vst v63  }
0x33: {  	_ =	swait.ge [sflag:s25], $0x1400  }
0x34: {  	[sflag:s25] =	ssyncset.done $0x0  }
0x35: {  	[sflag:s25] =	ssyncadd.s32 $0xFFFFEC00  }
0x36: {  	_ =	swait.ge [sflag:s25], $0x1400  }
0x37: {  	s31 =	simm.s32 $0x200;
	[sflag:s25] =	ssyncset.done $0x0  }
0x38: {  	s0 =	simm.s32 $0x2100;
	s7 =	simm.s32 $0xD00;
	[sflag:s25] =	ssyncadd.s32 $0xFFFFEC00  }
0x39: {  	[spmem:s1] =	stream.indirect.scatter.add.f32 [tilespmem:s3], [sflag:$0x3], $0x1, s7, s19, $0xb8;
	[tilespmem:$0x7600] =	vst v63  }
.LBB2_4:
0x3a: {  	[spmem:s2] =	stream.indirect.scatter.add.f32 [tilespmem:s3], [sflag:$0x3], $0x1, s0, s19, $0xb8;
	[tilespmem:$0x7600] =	vst v63  }
0x3b: {  	s0 =	smov.u32 s31;
	p1 =	sne.s32 s31, $0x4E00  }
.Ltmp1:
0x3c: {  	s31 =	sadd.s32 $0x200, s31;
	(pc) =	sbr.rel @p1 .LBB2_4-.Ltmp1, $4  }
0x3d: {  	s0 =	sshra.s32 s0, $0x2  }
0x3e: {  	s4 =	sadd.s32 $0xD00, s0  }
0x3f: {  	[spmem:s1] =	stream.indirect.scatter.add.f32 [tilespmem:s3], [sflag:$0x3], $0x1, s4, s19, $0xb8;
	[tilespmem:$0x7600] =	vst v63  }
0x40: {  	s0 =	sadd.s32 $0x2100, s0  }
0x41: {  	[spmem:s2] =	stream.indirect.scatter.add.f32 [tilespmem:s3], [sflag:$0x3], $0x1, s0, s19, $0xb8;
	[tilespmem:$0x7600] =	vst v63  }
0x42: {  	_ =	swait.ge [sflag:s26], $0x80  }
0x43: {  	[sflag:s26] =	ssyncset.done $0x0  }
0x44: {  	[sflag:s26] =	ssyncadd.s32 $0xFFFFFF80  }
0x45: {  	_ =	swait.ge [sflag:s26], $0x80  }
0x46: {  	s31 =	simm.s32 $0x27;
	[sflag:s26] =	ssyncset.done $0x0  }
.LBB2_6:
0x47: {  	p1 =	sne.s32 s31, $0x1;
	s31 =	sadd.s32 $0xFFFFFFFF, s31;
	[sflag:s26] =	ssyncadd.s32 $0xFFFFFF80  }
.Ltmp2:
0x48: {  	_ =	swait.ge [sflag:s26], $0x80;
	(pc) =	sbr.rel @p1 .LBB2_6-.Ltmp2, $4  }
0x49: {  	[sflag:s26] =	ssyncset.done $0x0  }
0x4a: {  	[sflag:s26] =	ssyncadd.s32 $0xFFFFFF80  }
0x4b: {  	_ =	swait.ge [sflag:s26], $0x80  }
0x4c: {  	[sflag:s26] =	ssyncset.done $0x0  }
0x4d: {  	[sflag:s26] =	ssyncadd.s32 $0xFFFFFF80;
	s0 =	simm.s32 $0x0  }
0x4e: {  	[tilespmem:s21], [sflag:$0x1] =	stream.linear.gather [hbm4b:s10+s0], $0x1400, $0x38;
	[tilespmem:$0x7600] =	vst v63  }
0x4f: {  	_ = 	snop  }
0x50: {  	[tilespmem:s22], [sflag:$0x1] =	stream.linear.gather [hbm4b:s11+s0], $0x1400, $0x38;
	[tilespmem:$0x7600] =	vst v63  }
0x51: {  	_ =	swait.ge [sflag:s28], $0x1400  }
0x52: {  	[sflag:s28] =	ssyncset.done $0x0  }
0x53: {  	[sflag:s28] =	ssyncadd.s32 $0xFFFFEC00  }
0x54: {  	_ =	swait.ge [sflag:s28], $0x1400  }
0x55: {  	s7 =	simm.s32 $0x3500;
	[sflag:s28] =	ssyncset.done $0x0  }
0x56: {  	s31 =	simm.s32 $0x200;
	s0 =	simm.s32 $0x4900;
	[sflag:s28] =	ssyncadd.s32 $0xFFFFEC00  }
0x57: {  	[spmem:s1] =	stream.indirect.scatter.add.f32 [tilespmem:s3], [sflag:$0x4], $0x1, s7, s19, $0xb8;
	[tilespmem:$0x7600] =	vst v63  }
.LBB2_8:
0x58: {  	[spmem:s2] =	stream.indirect.scatter.add.f32 [tilespmem:s3], [sflag:$0x4], $0x1, s0, s19, $0xb8;
	[tilespmem:$0x7600] =	vst v63  }
0x59: {  	s0 =	smov.u32 s31;
	p1 =	sne.s32 s31, $0x4E00  }
.Ltmp3:
0x5a: {  	s31 =	sadd.s32 $0x200, s31;
	(pc) =	sbr.rel @p1 .LBB2_8-.Ltmp3, $4  }
0x5b: {  	s0 =	sshra.s32 s0, $0x2  }
0x5c: {  	s4 =	sadd.s32 $0x3500, s0  }
0x5d: {  	[spmem:s1] =	stream.indirect.scatter.add.f32 [tilespmem:s3], [sflag:$0x4], $0x1, s4, s19, $0xb8;
	[tilespmem:$0x7600] =	vst v63  }
0x5e: {  	s0 =	sadd.s32 $0x4900, s0  }
0x5f: {  	[spmem:s2] =	stream.indirect.scatter.add.f32 [tilespmem:s3], [sflag:$0x4], $0x1, s0, s19, $0xb8;
	[tilespmem:$0x7600] =	vst v63  }
0x60: {  	_ =	swait.ge [sflag:s29], $0x80  }
0x61: {  	[sflag:s29] =	ssyncset.done $0x0  }
0x62: {  	[sflag:s29] =	ssyncadd.s32 $0xFFFFFF80  }
0x63: {  	_ =	swait.ge [sflag:s29], $0x80  }
0x64: {  	s31 =	simm.s32 $0x27;
	[sflag:s29] =	ssyncset.done $0x0  }
.LBB2_10:
0x65: {  	p1 =	sne.s32 s31, $0x1;
	s31 =	sadd.s32 $0xFFFFFFFF, s31;
	[sflag:s29] =	ssyncadd.s32 $0xFFFFFF80  }
.Ltmp4:
0x66: {  	_ =	swait.ge [sflag:s29], $0x80;
	(pc) =	sbr.rel @p1 .LBB2_10-.Ltmp4, $4  }
0x67: {  	[sflag:s29] =	ssyncset.done $0x0  }
0x68: {  	[sflag:s29] =	ssyncadd.s32 $0xFFFFFF80  }
0x69: {  	_ =	swait.ge [sflag:s29], $0x80  }
0x6a: {  	[sflag:s29] =	ssyncset.done $0x0  }
0x6b: {  	[sflag:s29] =	ssyncadd.s32 $0xFFFFFF80;
	s0 =	simm.s32 $0x0  }
0x6c: {  	[tilespmem:s23], [sflag:$0x2] =	stream.linear.gather [hbm4b:s12+s0], $0x1400, $0x38;
	[tilespmem:$0x7600] =	vst v63  }
0x6d: {  	_ = 	snop  }
0x6e: {  	[tilespmem:s24], [sflag:$0x2] =	stream.linear.gather [hbm4b:s13+s0], $0x1400, $0x38;
	[tilespmem:$0x7600] =	vst v63  }
0x6f: {  	_ =	swait.ge [sflag:s25], $0x1400  }
0x70: {  	[sflag:s25] =	ssyncset.done $0x0  }
0x71: {  	[sflag:s25] =	ssyncadd.s32 $0xFFFFEC00  }
0x72: {  	_ =	swait.ge [sflag:s25], $0x1400  }
0x73: {  	s7 =	simm.s32 $0xD00;
	[sflag:s25] =	ssyncset.done $0x0  }
0x74: {  	s31 =	simm.s32 $0x200;
	s0 =	simm.s32 $0x2100;
	[sflag:s25] =	ssyncadd.s32 $0xFFFFEC00  }
0x75: {  	[spmem:s1] =	stream.indirect.scatter.add.f32 [tilespmem:s3], [sflag:$0x3], $0x1, s7, s19, $0xb8;
	[tilespmem:$0x7600] =	vst v63  }
.LBB2_12:
0x76: {  	[spmem:s2] =	stream.indirect.scatter.add.f32 [tilespmem:s3], [sflag:$0x3], $0x1, s0, s19, $0xb8;
	[tilespmem:$0x7600] =	vst v63  }
0x77: {  	s0 =	smov.u32 s31;
	p1 =	sne.s32 s31, $0x4E00  }
.Ltmp5:
0x78: {  	s31 =	sadd.s32 $0x200, s31;
	(pc) =	sbr.rel @p1 .LBB2_12-.Ltmp5, $4  }
0x79: {  	s0 =	sshra.s32 s0, $0x2  }
0x7a: {  	s4 =	sadd.s32 $0xD00, s0  }
0x7b: {  	[spmem:s1] =	stream.indirect.scatter.add.f32 [tilespmem:s3], [sflag:$0x3], $0x1, s4, s19, $0xb8;
	[tilespmem:$0x7600] =	vst v63  }
0x7c: {  	s0 =	sadd.s32 $0x2100, s0  }
0x7d: {  	[spmem:s2] =	stream.indirect.scatter.add.f32 [tilespmem:s3], [sflag:$0x3], $0x1, s0, s19, $0xb8;
	[tilespmem:$0x7600] =	vst v63  }
0x7e: {  	_ =	swait.ge [sflag:s26], $0x80  }
0x7f: {  	[sflag:s26] =	ssyncset.done $0x0  }
0x80: {  	[sflag:s26] =	ssyncadd.s32 $0xFFFFFF80  }
0x81: {  	_ =	swait.ge [sflag:s26], $0x80  }
0x82: {  	s31 =	simm.s32 $0x27;
	[sflag:s26] =	ssyncset.done $0x0  }
.LBB2_14:
0x83: {  	p1 =	sne.s32 s31, $0x1;
	s31 =	sadd.s32 $0xFFFFFFFF, s31;
	[sflag:s26] =	ssyncadd.s32 $0xFFFFFF80  }
.Ltmp6:
0x84: {  	_ =	swait.ge [sflag:s26], $0x80;
	(pc) =	sbr.rel @p1 .LBB2_14-.Ltmp6, $4  }
0x85: {  	[sflag:s26] =	ssyncset.done $0x0  }
0x86: {  	[sflag:s26] =	ssyncadd.s32 $0xFFFFFF80  }
0x87: {  	_ =	swait.ge [sflag:s26], $0x80  }
0x88: {  	[sflag:s26] =	ssyncset.done $0x0  }
0x89: {  	[sflag:s26] =	ssyncadd.s32 $0xFFFFFF80;
	s0 =	simm.s32 $0x0  }
0x8a: {  	[tilespmem:s21], [sflag:$0x1] =	stream.linear.gather [hbm4b:s14+s0], $0x1400, $0x38;
	[tilespmem:$0x7600] =	vst v63  }
0x8b: {  	_ = 	snop  }
0x8c: {  	[tilespmem:s22], [sflag:$0x1] =	stream.linear.gather [hbm4b:s15+s0], $0x1400, $0x38;
	[tilespmem:$0x7600] =	vst v63  }
0x8d: {  	_ =	swait.ge [sflag:s28], $0x1400  }
0x8e: {  	[sflag:s28] =	ssyncset.done $0x0  }
0x8f: {  	[sflag:s28] =	ssyncadd.s32 $0xFFFFEC00  }
0x90: {  	_ =	swait.ge [sflag:s28], $0x1400  }
0x91: {  	s7 =	simm.s32 $0x3500;
	[sflag:s28] =	ssyncset.done $0x0  }
0x92: {  	s31 =	simm.s32 $0x200;
	s0 =	simm.s32 $0x4900;
	[sflag:s28] =	ssyncadd.s32 $0xFFFFEC00  }
0x93: {  	[spmem:s1] =	stream.indirect.scatter.add.f32 [tilespmem:s3], [sflag:$0x4], $0x1, s7, s19, $0xb8;
	[tilespmem:$0x7600] =	vst v63  }
.LBB2_16:
0x94: {  	[spmem:s2] =	stream.indirect.scatter.add.f32 [tilespmem:s3], [sflag:$0x4], $0x1, s0, s19, $0xb8;
	[tilespmem:$0x7600] =	vst v63  }
0x95: {  	s0 =	smov.u32 s31;
	p1 =	sne.s32 s31, $0x4E00  }
.Ltmp7:
0x96: {  	s31 =	sadd.s32 $0x200, s31;
	(pc) =	sbr.rel @p1 .LBB2_16-.Ltmp7, $4  }
0x97: {  	s0 =	sshra.s32 s0, $0x2  }
0x98: {  	s4 =	sadd.s32 $0x3500, s0  }
0x99: {  	[spmem:s1] =	stream.indirect.scatter.add.f32 [tilespmem:s3], [sflag:$0x4], $0x1, s4, s19, $0xb8;
	[tilespmem:$0x7600] =	vst v63  }
0x9a: {  	s0 =	sadd.s32 $0x4900, s0  }
0x9b: {  	[spmem:s2] =	stream.indirect.scatter.add.f32 [tilespmem:s3], [sflag:$0x4], $0x1, s0, s19, $0xb8;
	[tilespmem:$0x7600] =	vst v63  }
0x9c: {  	_ =	swait.ge [sflag:s25], $0x1400  }
0x9d: {  	[sflag:s25] =	ssyncset.done $0x0  }
0x9e: {  	[sflag:s25] =	ssyncadd.s32 $0xFFFFEC00  }
0x9f: {  	_ =	swait.ge [sflag:s25], $0x1400  }
0xa0: {  	s7 =	simm.s32 $0xD00;
	[sflag:s25] =	ssyncset.done $0x0  }
0xa1: {  	s31 =	simm.s32 $0x200;
	s0 =	simm.s32 $0x2100;
	[sflag:s25] =	ssyncadd.s32 $0xFFFFEC00  }
0xa2: {  	[spmem:s1] =	stream.indirect.scatter.add.f32 [tilespmem:s3], [sflag:$0x3], $0x1, s7, s19, $0xb8;
	[tilespmem:$0x7600] =	vst v63  }
.LBB2_18:
0xa3: {  	[spmem:s2] =	stream.indirect.scatter.add.f32 [tilespmem:s3], [sflag:$0x3], $0x1, s0, s19, $0xb8;
	[tilespmem:$0x7600] =	vst v63  }
0xa4: {  	s0 =	smov.u32 s31;
	p1 =	sne.s32 s31, $0x4E00  }
.Ltmp8:
0xa5: {  	s31 =	sadd.s32 $0x200, s31;
	(pc) =	sbr.rel @p1 .LBB2_18-.Ltmp8, $4  }
0xa6: {  	s0 =	sshra.s32 s0, $0x2  }
0xa7: {  	s4 =	sadd.s32 $0xD00, s0  }
0xa8: {  	[spmem:s1] =	stream.indirect.scatter.add.f32 [tilespmem:s3], [sflag:$0x3], $0x1, s4, s19, $0xb8;
	[tilespmem:$0x7600] =	vst v63  }
0xa9: {  	s0 =	sadd.s32 $0x2100, s0  }
0xaa: {  	[spmem:s2] =	stream.indirect.scatter.add.f32 [tilespmem:s3], [sflag:$0x3], $0x1, s0, s19, $0xb8;
	[tilespmem:$0x7600] =	vst v63  }
0xab: {  	_ =	swait.ge [sflag:s29], $0x80  }
0xac: {  	[sflag:s29] =	ssyncset.done $0x0  }
0xad: {  	[sflag:s29] =	ssyncadd.s32 $0xFFFFFF80  }
0xae: {  	_ =	swait.ge [sflag:s29], $0x80  }
0xaf: {  	s31 =	simm.s32 $0x27;
	[sflag:s29] =	ssyncset.done $0x0  }
.LBB2_20:
0xb0: {  	p1 =	sne.s32 s31, $0x1;
	s31 =	sadd.s32 $0xFFFFFFFF, s31;
	[sflag:s29] =	ssyncadd.s32 $0xFFFFFF80  }
.Ltmp9:
0xb1: {  	_ =	swait.ge [sflag:s29], $0x80;
	(pc) =	sbr.rel @p1 .LBB2_20-.Ltmp9, $4  }
0xb2: {  	[sflag:s29] =	ssyncset.done $0x0  }
0xb3: {  	[sflag:s29] =	ssyncadd.s32 $0xFFFFFF80  }
0xb4: {  	_ =	swait.ge [sflag:s29], $0x80  }
0xb5: {  	[sflag:s29] =	ssyncset.done $0x0  }
0xb6: {  	[sflag:s29] =	ssyncadd.s32 $0xFFFFFF80  }
0xb7: {  	_ =	swait.ge [sflag:s26], $0x80  }
0xb8: {  	[sflag:s26] =	ssyncset.done $0x0  }
0xb9: {  	[sflag:s26] =	ssyncadd.s32 $0xFFFFFF80  }
0xba: {  	_ =	swait.ge [sflag:s26], $0x80  }
0xbb: {  	s31 =	simm.s32 $0x27;
	[sflag:s26] =	ssyncset.done $0x0  }
.LBB2_22:
0xbc: {  	p1 =	sne.s32 s31, $0x1;
	s31 =	sadd.s32 $0xFFFFFFFF, s31;
	[sflag:s26] =	ssyncadd.s32 $0xFFFFFF80  }
.Ltmp10:
0xbd: {  	_ =	swait.ge [sflag:s26], $0x80;
	(pc) =	sbr.rel @p1 .LBB2_22-.Ltmp10, $4  }
0xbe: {  	[sflag:s26] =	ssyncset.done $0x0  }
0xbf: {  	[sflag:s26] =	ssyncadd.s32 $0xFFFFFF80  }
0xc0: {  	_ =	swait.ge [sflag:s26], $0x80  }
0xc1: {  	[sflag:s26] =	ssyncset.done $0x0  }
0xc2: {  	[sflag:s26] =	ssyncadd.s32 $0xFFFFFF80  }
0xc3: {  	s0 =	sshrl.u32 @!p0 s1, $0x3;
	s4 =	simm.s32 @!p0 $0x1;
	s31 =	simm.s32 @!p0 $0x20  }
0xc4: {  	s5 =	simm.s32 @!p0 $0x10;
	s6 =	simm.s32 @!p0 $0x1C05;
	[bflag:$0x0] =	sbarrier.arrive $0xFFFF  }
0xc5: {  	[hbm:s16@s31], [sflag:s6] =	dma.strided @!p0 [spmem:s0@s5], $0x1900, s4, $0x10   }
0xc6: {  	s0 =	simm.s32 @!p0 $0x5  }
0xc7: {  	s30 =	sadd.s32 $0x1, s30;
	_ =	swait.ge @!p0 [sflag:s0], $0x1900  }
0xc8: {  	p1 =	sne.s32 s30, s18;
	[sflag:s0] =	ssyncset.done @!p0 $0x0  }
.Ltmp11:
0xc9: {  	s7 =	sshrl.u32 @!p0 s2, $0x3;
	[sflag:s0] =	ssyncadd.s32 @!p0 $0xFFFFE700;
	(pc) =	sbr.rel @p1 .LBB2_1-.Ltmp11, $4  }
0xca: {  	[hbm:s17@s31], [sflag:s6] =	dma.strided @!p0 [spmem:s7@s5], $0x1900, s4, $0x10   }
0xcb: {  	_ =	swait.ge @!p0 [sflag:s0], $0x1900  }
0xcc: {  	[sflag:s0] =	ssyncset.done @!p0 $0x0  }
0xcd: {  	[sflag:s0] =	ssyncadd.s32 @!p0 $0xFFFFE700  }
0xce: {  	_ =	sfence.sel $0x180000  }
0xcf: {  	[bflag:$0x0] =	sbarrier.arrive $0xFFFF  }
0xd0: {  	_ =	strace $0x90000047  }
0xd1: {  	[bflag:$0x2] =	sbarrier.arrive $0xFFFF  }
0xd2: {  	s0 =	rddreg [dreg:$0x3]  }
0xd3: {  	s0 =	sadd.s32 @!p0 $0x100000, s0  }
0xd4: {  	[sflag:s0] =	ssyncadd.tile.s32 @!p0 $0x1;
	_ =	shalt  }
.Lfunc_end2:
_tile_overlayer_lowered:
.L_overlay_start_2:
0xd5: {  	(tag) =	ssettag $0x2  }
0xd6: {  	s0 =	rddreg [dreg:$0x0];
	s2 =	stileid.u32  }
0xd7: {  	s1 =	rddreg [dreg:$0x1];
	p0 =	sne.s32 s2, $0x0  }
0xd8: {  	s3 =	rddreg [dreg:$0x2];
	[bflag:$0x3] =	sbarrier.arrive $0xFFFF;
	s2 =	simm.s32 @!p0 $0x1C05  }
0xd9: {  	[timem:s3], [sflag:s2] =	dma.local @!p0 [hbm:s0], s1  }
0xda: {  	s0 =	simm.s32 @!p0 $0x5  }
0xdb: {  	_ =	swait.ge @!p0 [sflag:s0], s1  }
0xdc: {  	s1 =	ssub.s32 @!p0 $0x0, s1;
	[sflag:s0] =	ssyncset.done @!p0 $0x0  }
0xdd: {  	[sflag:s0] =	ssyncadd.s32 @!p0 s1  }
0xde: {  	[bflag:$0x3] =	sbarrier.arrive $0xFFFF  }
0xdf: {  	_ =	shalt  }

</sc_bundles>
